<compile_context>
chip_gen: v7x
topology: tpu7x:2x2x1
jax: 0.10.2.dev20260603
libtpu: 0.0.44.dev20260713+nightly
codegen_flags: <defaults>
</compile_context>

<pallas_src>
import functools

import jax
import jax.numpy as jnp
from jax import lax
from jax.experimental import pallas as pl
from jax.experimental.pallas import tpu as pltpu
from jax.experimental.pallas import tpu_sc as plsc

N = 10000
D = 128
E = 320000
NC = 2
NS = 16
NW = NC * NS
EW = E // NW
CH = 100
NCHUNK = EW // CH
NHALF = 4
HALF = NCHUNK // NHALF
NBUF = 3
STRIPE = 624
TAIL = N - NS * STRIPE
PAR_PAD = 10240
PW = PAR_PAD // NW
PCH = 64
PSTEPS = PW // PCH


def _sc_parent_gather(items, parents):
    mesh = plsc.VectorSubcoreMesh(
        core_axis_name="c", subcore_axis_name="s",
        num_cores=NC, num_subcores=NS)

    @functools.partial(
        pl.kernel,
        out_type=jax.ShapeDtypeStruct((PAR_PAD, D), jnp.float32),
        mesh=mesh,
        scratch_types=[
            pltpu.VMEM((PW,), jnp.int32),
            pltpu.VMEM((PCH, D), jnp.float32),
            pltpu.SemaphoreType.DMA,
        ],
    )
    def pk(items_h, par_h, par_o, pidx, prow, sem):
        c = lax.axis_index("c")
        s = lax.axis_index("s")
        wid = s * NC + c
        pltpu.sync_copy(par_h.at[pl.ds(wid * PW, PW)], pidx)
        for t in range(PSTEPS):
            pltpu.async_copy(items_h.at[pidx.at[pl.ds(t * PCH, PCH)]],
                             prow, sem).wait()
            pltpu.sync_copy(prow,
                            par_o.at[pl.ds(wid * PW + t * PCH, PCH)])

    return pk(items, parents)


def _sc_sparse(items, operations, isrc, idst, osrc, odst, zrows):
    mesh = plsc.VectorSubcoreMesh(
        core_axis_name="c", subcore_axis_name="s",
        num_cores=NC, num_subcores=NS)

    @functools.partial(
        pl.kernel,
        out_type=(
            jax.ShapeDtypeStruct((NC, N, D), jnp.float32),
            jax.ShapeDtypeStruct((NC, N, D), jnp.float32),
        ),
        mesh=mesh,
        scratch_types=[
            pltpu.MemorySpace.VMEM_SHARED((N, D), jnp.float32),
            pltpu.VMEM((HALF, CH), jnp.int32),
            pltpu.VMEM((HALF, CH), jnp.int32),
            pltpu.VMEM((CH, D), jnp.float32),
            pltpu.VMEM((CH, D), jnp.float32),
            pltpu.VMEM((CH, D), jnp.float32),
            pltpu.SemaphoreType.DMA,
            pltpu.SemaphoreType.DMA,
            pltpu.SemaphoreType.DMA,
        ],
    )
    def k(items_h, ops_h, isrc_h, idst_h, osrc_h, odst_h, zrows_h,
          child_o, opsagg_o, acc, sidx, didx, rows, rows1, rows2,
          sem, sem1, sem2):
        c = lax.axis_index("c")
        s = lax.axis_index("s")
        wid = s * NC + c

        def stripe_copy(src_fn, dst_fn):
            pltpu.sync_copy(src_fn(0, STRIPE), dst_fn(0, STRIPE))

            @pl.when(s == NS - 1)
            def _():
                pltpu.sync_copy(src_fn(STRIPE, TAIL), dst_fn(STRIPE, TAIL))

        base = s * STRIPE

        def zero_stripe():
            stripe_copy(lambda o, n: zrows_h.at[pl.ds(o, n)],
                        lambda o, n: acc.at[pl.ds(base + o, n)])

        bufs = (rows, rows1, rows2)
        sems = (sem, sem1, sem2)

        def segsum(src_h, dst_h, table_h):
            def wait_gather(j, b):
                pltpu.make_async_copy(table_h.at[sidx.at[j]], bufs[b],
                                      sems[b]).wait()

            for g in range(NHALF):
                pltpu.sync_copy(src_h.at[wid, g], sidx)
                pltpu.sync_copy(dst_h.at[wid, g], didx)

                for j in range(NBUF):
                    pltpu.async_copy(table_h.at[sidx.at[j]], bufs[j],
                                     sems[j])

                def triple(i, _):
                    j0 = i * NBUF
                    for b in range(NBUF):
                        j = j0 + b
                        wait_gather(j, b)
                        pltpu.sync_copy(bufs[b], acc.at[didx.at[j]],
                                        add=True)

                        @pl.when(j + NBUF < HALF)
                        def _(jn=j + NBUF, bb=b):
                            pltpu.async_copy(table_h.at[sidx.at[jn]],
                                             bufs[bb], sems[bb])
                    return ()

                lax.fori_loop(0, HALF // NBUF, triple, ())
                jt = HALF - 1
                bt = jt % NBUF
                wait_gather(jt, bt)
                pltpu.sync_copy(bufs[bt], acc.at[didx.at[jt]], add=True)

        zero_stripe()
        plsc.subcore_barrier()
        segsum(isrc_h, idst_h, items_h)
        plsc.subcore_barrier()
        stripe_copy(lambda o, n: acc.at[pl.ds(base + o, n)],
                    lambda o, n: child_o.at[c, pl.ds(base + o, n)])
        zero_stripe()
        plsc.subcore_barrier()

        segsum(osrc_h, odst_h, ops_h)
        plsc.subcore_barrier()
        stripe_copy(lambda o, n: acc.at[pl.ds(base + o, n)],
                    lambda o, n: opsagg_o.at[c, pl.ds(base + o, n)])

    return k(items, operations, isrc, idst, osrc, odst, zrows)


def _elu(x):
    return jnp.where(x > 0, x, jnp.exp(x) - 1.0)


def _mlp(x, w1, b1, w2, b2, w3, b3):
    x = _elu(jnp.dot(x, w1, preferred_element_type=jnp.float32) + b1)
    x = _elu(jnp.dot(x, w2, preferred_element_type=jnp.float32) + b2)
    return jnp.dot(x, w3, preferred_element_type=jnp.float32) + b3


R = 2000


_ROW_SPEC = pl.BlockSpec((R, D), lambda i: (i, 0))
_PART_SPEC = pl.BlockSpec((NC, R, D), lambda i: (0, i, 0))


def _wspec(a):
    return pl.BlockSpec(a.shape, lambda i: (0,) * a.ndim)


def _tc_self_parent(items, par_rows, ws, wp):

    def body(items_b, par_b,
             ws1, bs1, ws2, bs2, ws3, bs3,
             wp1, bp1, wp2, bp2, wp3, bp3,
             es_b, ep_b):
        es_b[...] = _mlp(items_b[...], ws1[...], bs1[...], ws2[...],
                         bs2[...], ws3[...], bs3[...])
        ep_b[...] = _mlp(par_b[...], wp1[...], bp1[...], wp2[...],
                         bp2[...], wp3[...], bp3[...])

    return pl.pallas_call(
        body,
        grid=(N // R,),
        in_specs=[_ROW_SPEC, _ROW_SPEC] + [_wspec(a) for a in ws + wp],
        out_specs=(_ROW_SPEC, _ROW_SPEC),
        out_shape=(jax.ShapeDtypeStruct((N, D), jnp.float32),
                   jax.ShapeDtypeStruct((N, D), jnp.float32)),
        compiler_params=pltpu.CompilerParams(
            dimension_semantics=("arbitrary",)),
    )(items, par_rows, *ws, *wp)


def _tc_rest(es, ep, child_part, ops_part, wc, wo, wm):

    def body(es_b, ep_b, ch_b, op_b,
             wc1, bc1, wc2, bc2, wc3, bc3,
             wo1, bo1, wo2, bo2, wo3, bo3,
             wm1, bm1, wm2, bm2, wm3, bm3,
             out_b):
        ec = _mlp(ch_b[0] + ch_b[1], wc1[...], bc1[...], wc2[...], bc2[...],
                  wc3[...], bc3[...])
        eo = _mlp(op_b[0] + op_b[1], wo1[...], bo1[...], wo2[...], bo2[...],
                  wo3[...], bo3[...])
        x = jnp.concatenate([ep_b[...], ec, eo, es_b[...]], axis=1)
        out = _mlp(x, wm1[...], bm1[...], wm2[...], bm2[...], wm3[...],
                   bm3[...])
        rid = pl.program_id(0) * R + lax.broadcasted_iota(jnp.int32, (R, 1), 0)
        out_b[...] = jnp.where(rid == N - 1, 0.0, out)

    return pl.pallas_call(
        body,
        grid=(N // R,),
        in_specs=[_ROW_SPEC, _ROW_SPEC, _PART_SPEC, _PART_SPEC]
        + [_wspec(a) for a in wc + wo + wm],
        out_specs=_ROW_SPEC,
        out_shape=jax.ShapeDtypeStruct((N, D), jnp.float32),
        compiler_params=pltpu.CompilerParams(
            dimension_semantics=("arbitrary",)),
    )(es, ep, child_part, ops_part, *wc, *wo, *wm)


def kernel(items, parents, operations, item_edge_index, op_edge_index, params):
    eshape = (NW, NHALF, HALF, CH)
    isrc = item_edge_index[1].reshape(eshape).astype(jnp.int32)
    idst = item_edge_index[0].reshape(eshape).astype(jnp.int32)
    osrc = op_edge_index[1].reshape(eshape).astype(jnp.int32)
    odst = op_edge_index[0].reshape(eshape).astype(jnp.int32)
    par_pad = jnp.concatenate(
        [parents.astype(jnp.int32),
         jnp.zeros((PAR_PAD - N,), jnp.int32)])
    zrows = jnp.zeros((STRIPE + TAIL, D), jnp.float32)

    def wl(name):
        p = params[name]
        out = []
        for l in ("l1", "l2", "l3"):
            w, b = p[l]
            out.append(w)
            out.append(b.reshape(1, -1))
        return out

    par_rows = _sc_parent_gather(items, par_pad)
    child_part, ops_part = _sc_sparse(
        items, operations, isrc, idst, osrc, odst, zrows)

    es, ep = _tc_self_parent(items, par_rows, wl("mlp_self"),
                             wl("mlp_parent"))
    return _tc_rest(es, ep, child_part, ops_part, wl("mlp_children"),
                    wl("mlp_operations"), wl("mlp_combined"))

# --- scband reference (transcript-rebuilt; emitter-appended) ---
"""Pipeline reference for scband-item-embedding-layer-26517128085577 (READ-ONLY COPY).

The authoritative reference and input builder live on the scoring server;
editing this copy changes nothing except your own understanding.
"""

import jax, jax.numpy as jnp
import numpy as np

N_ITEMS = 10000
N_OPS = 20000
E = 320000
ITEM_D = 128
OP_D = 128
HID = 256
SEC = 128
OUT = 128


def _init_linear(key, din, dout):
    k1, k2 = jax.random.split(key)
    lim = 1.0 / np.sqrt(din)
    W = jax.random.uniform(k1, (din, dout), minval=-lim, maxval=lim, dtype=jnp.float32)
    b = jax.random.uniform(k2, (dout,), minval=-lim, maxval=lim, dtype=jnp.float32)
    return (W, b)


def _init_mlp(key, din):
    k1, k2, k3 = jax.random.split(key, 3)
    return {"l1": _init_linear(k1, din, HID), "l2": _init_linear(k2, HID, SEC), "l3": _init_linear(k3, SEC, OUT)}


def _mlp_apply(p, x):
    x = jax.nn.elu(x @ p["l1"][0] + p["l1"][1])
    x = jax.nn.elu(x @ p["l2"][0] + p["l2"][1])
    return x @ p["l3"][0] + p["l3"][1]


def setup_inputs(seed: int = 0) -> dict:
    key = jax.random.key(seed)
    ks = jax.random.split(key, 12)
    items = jax.random.normal(ks[0], (N_ITEMS, ITEM_D), dtype=jnp.float32)
    parents = jax.random.randint(ks[1], (N_ITEMS,), 0, N_ITEMS, dtype=jnp.int64) if jax.config.jax_enable_x64 else jax.random.randint(ks[1], (N_ITEMS,), 0, N_ITEMS).astype(jnp.int32)
    operations = jax.random.normal(ks[2], (N_OPS, OP_D), dtype=jnp.float32)
    item_edge_index = jax.random.randint(ks[3], (2, E), 0, N_ITEMS).astype(jnp.int32)
    op_edge_index = jax.random.randint(ks[4], (2, E), 0, N_ITEMS).astype(jnp.int32)
    params = {
        "mlp_self": _init_mlp(ks[5], ITEM_D),
        "mlp_parent": _init_mlp(ks[6], ITEM_D),
        "mlp_children": _init_mlp(ks[7], ITEM_D),
        "mlp_operations": _init_mlp(ks[8], OP_D),
        "mlp_combined": _init_mlp(ks[9], 4 * OUT),
    }
    return {"items": items, "parents": parents, "operations": operations,
            "item_edge_index": item_edge_index, "op_edge_index": op_edge_index,
            "params": params}


def reference(items, parents, operations, item_edge_index, op_edge_index, params):
    n = items.shape[0]
    self_embeddings = _mlp_apply(params["mlp_self"], items)
    parent_embeddings = _mlp_apply(params["mlp_parent"], items[parents])

    parent_idx_by_edge = item_edge_index[0]
    children_by_edge = items[item_edge_index[1]]
    agg_children = jax.ops.segment_sum(children_by_edge, parent_idx_by_edge, num_segments=n)
    agg_children_embeddings = _mlp_apply(params["mlp_children"], agg_children)

    item_idx_by_edges = op_edge_index[0]
    operations_by_edges = operations[op_edge_index[1]]
    agg_ops = jax.ops.segment_sum(operations_by_edges, item_idx_by_edges, num_segments=n)
    agg_ops_embeddings = _mlp_apply(params["mlp_operations"], agg_ops)

    combined = _mlp_apply(params["mlp_combined"], jnp.concatenate([
        parent_embeddings[:-1], agg_children_embeddings[:-1],
        agg_ops_embeddings[:-1], self_embeddings[:-1]], axis=-1))
    embedding = jnp.zeros((n, OUT), dtype=jnp.float32).at[:-1].set(combined)
    return embedding

if __name__ == "__main__":
    import jax
    _d = setup_inputs()
    print(jax.jit(kernel)(*tuple(_d.values())))

</pallas_src>

<mosaic_0001>
#map = affine_map<(d0, d1) -> (0, 0)>
#map1 = affine_map<(d0, d1) -> (0)>
module attributes {stable_mosaic.version = 14 : i64} {
  func.func @pk(%arg0: i32, %arg1: i32, %arg2: memref<10000x128xf32, #tpu.memory_space<hbm>>, %arg3: memref<10240xi32, #tpu.memory_space<hbm>>, %arg4: memref<10240x128xf32, #tpu.memory_space<hbm>>, %arg5: memref<320xi32, #tpu.memory_space<vmem>>, %arg6: memref<64x128xf32, #tpu.memory_space<vmem>>, %arg7: memref<!tpu.dma_semaphore, #tpu.memory_space<semaphore_mem>>) attributes {dimension_semantics = [#tpu.dimension_semantics<core_parallel>, #tpu.dimension_semantics<subcore_parallel>], iteration_bounds = array<i64: 2, 16>, scalar_prefetch = 0 : i64, scratch_operands = 3 : i64, tpu.core_type = #tpu.core_type<sc_vector_subcore>, window_params = [{transform_indices = #map}, {transform_indices = #map1}, {transform_indices = #map}]} {
    %mul3A = arith.constant 2 : i32
    %mul3A_0 = arith.muli %arg1, %mul3A : i32
    %add3A = arith.addi %mul3A_0, %arg0 : i32
    %mul3A_1 = arith.constant 320 : i32
    %mul3A_2 = arith.muli %add3A, %mul3A_1 : i32
    "tpu.region"() ({
      %run_scoped3A = tpu.sem_alloc : memref<!tpu.dma_semaphore, #tpu.memory_space<semaphore_mem>>
      %dma_start3A_71 = tpu.memref_slice %arg3[%mul3A_2] : memref<10240xi32, #tpu.memory_space<hbm>> -> memref<320xi32, #tpu.memory_space<hbm>>
      %dma_start3A_72 = tpu.memref_slice %arg3[%mul3A_2] : memref<10240xi32, #tpu.memory_space<hbm>> -> memref<320xi32, #tpu.memory_space<hbm>>
      tpu.enqueue_dma source(%dma_start3A_72 : memref<320xi32, #tpu.memory_space<hbm>>) target(%arg5 : memref<320xi32, #tpu.memory_space<vmem>>) target_semaphore(%run_scoped3A : memref<!tpu.dma_semaphore, #tpu.memory_space<semaphore_mem>>)
      %dma_wait3A_73 = tpu.memref_slice %arg3[%mul3A_2] : memref<10240xi32, #tpu.memory_space<hbm>> -> memref<320xi32, #tpu.memory_space<hbm>>
      %dma_wait3A_74 = tpu.memref_slice %arg3[%mul3A_2] : memref<10240xi32, #tpu.memory_space<hbm>> -> memref<320xi32, #tpu.memory_space<hbm>>
      tpu.wait_dma2 semaphore(%run_scoped3A : memref<!tpu.dma_semaphore, #tpu.memory_space<semaphore_mem>>) src(%dma_wait3A_74 : memref<320xi32, #tpu.memory_space<hbm>>) dst(%arg5 : memref<320xi32, #tpu.memory_space<vmem>>)
      tpu.yield
    }) : () -> ()
    %dma_start3A = arith.constant 0 : i32
    %dma_start3A_3 = tpu.memref_slice %arg5[%dma_start3A] : memref<320xi32, #tpu.memory_space<vmem>> -> memref<64xi32, #tpu.memory_space<vmem>>
    %dma_start3A_4 = arith.constant 0 : i32
    %dma_start3A_5 = arith.constant 0 : i32
    %dma_start3A_6 = tpu.memref_slice %arg2[%dma_start3A_4, %dma_start3A_5] : memref<10000x128xf32, #tpu.memory_space<hbm>> -> memref<10000x128xf32, #tpu.memory_space<hbm>>
    tpu.enqueue_indirect_dma source(%dma_start3A_6 : memref<10000x128xf32, #tpu.memory_space<hbm>>) target(%arg6 : memref<64x128xf32, #tpu.memory_space<vmem>>) offsets(%dma_start3A_3 : memref<64xi32, #tpu.memory_space<vmem>>) semaphore(%arg7 : memref<!tpu.dma_semaphore, #tpu.memory_space<semaphore_mem>>)
    %dma_wait3A = arith.constant 0 : i32
    %dma_wait3A_7 = tpu.memref_slice %arg5[%dma_wait3A] : memref<320xi32, #tpu.memory_space<vmem>> -> memref<64xi32, #tpu.memory_space<vmem>>
    %dma_wait3A_8 = arith.constant 0 : i32
    %dma_wait3A_9 = arith.constant 0 : i32
    %dma_wait3A_10 = tpu.memref_slice %arg2[%dma_wait3A_8, %dma_wait3A_9] : memref<10000x128xf32, #tpu.memory_space<hbm>> -> memref<10000x128xf32, #tpu.memory_space<hbm>>
    tpu.wait_indirect_dma semaphore(%arg7 : memref<!tpu.dma_semaphore, #tpu.memory_space<semaphore_mem>>) src(%dma_wait3A_10 : memref<10000x128xf32, #tpu.memory_space<hbm>>) dst(%arg6 : memref<64x128xf32, #tpu.memory_space<vmem>>)
    %mul3A_11 = arith.constant 320 : i32
    %mul3A_12 = arith.muli %add3A, %mul3A_11 : i32
    %add3A_13 = arith.constant 0 : i32
    %add3A_14 = arith.addi %mul3A_12, %add3A_13 : i32
    "tpu.region"() ({
      %run_scoped3A = tpu.sem_alloc : memref<!tpu.dma_semaphore, #tpu.memory_space<semaphore_mem>>
      %dma_start3A_71 = arith.constant 0 : i32
      %dma_start3A_72 = tpu.memref_slice %arg4[%add3A_14, %dma_start3A_71] : memref<10240x128xf32, #tpu.memory_space<hbm>> -> memref<64x128xf32, #tpu.memory_space<hbm>>
      %dma_start3A_73 = arith.constant 0 : i32
      %dma_start3A_74 = tpu.memref_slice %arg4[%add3A_14, %dma_start3A_73] : memref<10240x128xf32, #tpu.memory_space<hbm>> -> memref<64x128xf32, #tpu.memory_space<hbm>>
      tpu.enqueue_dma source(%arg6 : memref<64x128xf32, #tpu.memory_space<vmem>>) target(%dma_start3A_74 : memref<64x128xf32, #tpu.memory_space<hbm>>) target_semaphore(%run_scoped3A : memref<!tpu.dma_semaphore, #tpu.memory_space<semaphore_mem>>)
      %dma_wait3A_75 = arith.constant 0 : i32
      %dma_wait3A_76 = tpu.memref_slice %arg4[%add3A_14, %dma_wait3A_75] : memref<10240x128xf32, #tpu.memory_space<hbm>> -> memref<64x128xf32, #tpu.memory_space<hbm>>
      %dma_wait3A_77 = arith.constant 0 : i32
      %dma_wait3A_78 = tpu.memref_slice %arg4[%add3A_14, %dma_wait3A_77] : memref<10240x128xf32, #tpu.memory_space<hbm>> -> memref<64x128xf32, #tpu.memory_space<hbm>>
      tpu.wait_dma2 semaphore(%run_scoped3A : memref<!tpu.dma_semaphore, #tpu.memory_space<semaphore_mem>>) src(%arg6 : memref<64x128xf32, #tpu.memory_space<vmem>>) dst(%dma_wait3A_78 : memref<64x128xf32, #tpu.memory_space<hbm>>)
      tpu.yield
    }) : () -> ()
    %dma_start3A_15 = arith.constant 64 : i32
    %dma_start3A_16 = tpu.memref_slice %arg5[%dma_start3A_15] : memref<320xi32, #tpu.memory_space<vmem>> -> memref<64xi32, #tpu.memory_space<vmem>>
    %dma_start3A_17 = arith.constant 0 : i32
    %dma_start3A_18 = arith.constant 0 : i32
    %dma_start3A_19 = tpu.memref_slice %arg2[%dma_start3A_17, %dma_start3A_18] : memref<10000x128xf32, #tpu.memory_space<hbm>> -> memref<10000x128xf32, #tpu.memory_space<hbm>>
    tpu.enqueue_indirect_dma source(%dma_start3A_19 : memref<10000x128xf32, #tpu.memory_space<hbm>>) target(%arg6 : memref<64x128xf32, #tpu.memory_space<vmem>>) offsets(%dma_start3A_16 : memref<64xi32, #tpu.memory_space<vmem>>) semaphore(%arg7 : memref<!tpu.dma_semaphore, #tpu.memory_space<semaphore_mem>>)
    %dma_wait3A_20 = arith.constant 64 : i32
    %dma_wait3A_21 = tpu.memref_slice %arg5[%dma_wait3A_20] : memref<320xi32, #tpu.memory_space<vmem>> -> memref<64xi32, #tpu.memory_space<vmem>>
    %dma_wait3A_22 = arith.constant 0 : i32
    %dma_wait3A_23 = arith.constant 0 : i32
    %dma_wait3A_24 = tpu.memref_slice %arg2[%dma_wait3A_22, %dma_wait3A_23] : memref<10000x128xf32, #tpu.memory_space<hbm>> -> memref<10000x128xf32, #tpu.memory_space<hbm>>
    tpu.wait_indirect_dma semaphore(%arg7 : memref<!tpu.dma_semaphore, #tpu.memory_space<semaphore_mem>>) src(%dma_wait3A_24 : memref<10000x128xf32, #tpu.memory_space<hbm>>) dst(%arg6 : memref<64x128xf32, #tpu.memory_space<vmem>>)
    %mul3A_25 = arith.constant 320 : i32
    %mul3A_26 = arith.muli %add3A, %mul3A_25 : i32
    %add3A_27 = arith.constant 64 : i32
    %add3A_28 = arith.addi %mul3A_26, %add3A_27 : i32
    "tpu.region"() ({
      %run_scoped3A = tpu.sem_alloc : memref<!tpu.dma_semaphore, #tpu.memory_space<semaphore_mem>>
      %dma_start3A_71 = arith.constant 0 : i32
      %dma_start3A_72 = tpu.memref_slice %arg4[%add3A_28, %dma_start3A_71] : memref<10240x128xf32, #tpu.memory_space<hbm>> -> memref<64x128xf32, #tpu.memory_space<hbm>>
      %dma_start3A_73 = arith.constant 0 : i32
      %dma_start3A_74 = tpu.memref_slice %arg4[%add3A_28, %dma_start3A_73] : memref<10240x128xf32, #tpu.memory_space<hbm>> -> memref<64x128xf32, #tpu.memory_space<hbm>>
      tpu.enqueue_dma source(%arg6 : memref<64x128xf32, #tpu.memory_space<vmem>>) target(%dma_start3A_74 : memref<64x128xf32, #tpu.memory_space<hbm>>) target_semaphore(%run_scoped3A : memref<!tpu.dma_semaphore, #tpu.memory_space<semaphore_mem>>)
      %dma_wait3A_75 = arith.constant 0 : i32
      %dma_wait3A_76 = tpu.memref_slice %arg4[%add3A_28, %dma_wait3A_75] : memref<10240x128xf32, #tpu.memory_space<hbm>> -> memref<64x128xf32, #tpu.memory_space<hbm>>
      %dma_wait3A_77 = arith.constant 0 : i32
      %dma_wait3A_78 = tpu.memref_slice %arg4[%add3A_28, %dma_wait3A_77] : memref<10240x128xf32, #tpu.memory_space<hbm>> -> memref<64x128xf32, #tpu.memory_space<hbm>>
      tpu.wait_dma2 semaphore(%run_scoped3A : memref<!tpu.dma_semaphore, #tpu.memory_space<semaphore_mem>>) src(%arg6 : memref<64x128xf32, #tpu.memory_space<vmem>>) dst(%dma_wait3A_78 : memref<64x128xf32, #tpu.memory_space<hbm>>)
      tpu.yield
    }) : () -> ()
    %dma_start3A_29 = arith.constant 128 : i32
    %dma_start3A_30 = tpu.memref_slice %arg5[%dma_start3A_29] : memref<320xi32, #tpu.memory_space<vmem>> -> memref<64xi32, #tpu.memory_space<vmem>>
    %dma_start3A_31 = arith.constant 0 : i32
    %dma_start3A_32 = arith.constant 0 : i32
    %dma_start3A_33 = tpu.memref_slice %arg2[%dma_start3A_31, %dma_start3A_32] : memref<10000x128xf32, #tpu.memory_space<hbm>> -> memref<10000x128xf32, #tpu.memory_space<hbm>>
    tpu.enqueue_indirect_dma source(%dma_start3A_33 : memref<10000x128xf32, #tpu.memory_space<hbm>>) target(%arg6 : memref<64x128xf32, #tpu.memory_space<vmem>>) offsets(%dma_start3A_30 : memref<64xi32, #tpu.memory_space<vmem>>) semaphore(%arg7 : memref<!tpu.dma_semaphore, #tpu.memory_space<semaphore_mem>>)
    %dma_wait3A_34 = arith.constant 128 : i32
    %dma_wait3A_35 = tpu.memref_slice %arg5[%dma_wait3A_34] : memref<320xi32, #tpu.memory_space<vmem>> -> memref<64xi32, #tpu.memory_space<vmem>>
    %dma_wait3A_36 = arith.constant 0 : i32
    %dma_wait3A_37 = arith.constant 0 : i32
    %dma_wait3A_38 = tpu.memref_slice %arg2[%dma_wait3A_36, %dma_wait3A_37] : memref<10000x128xf32, #tpu.memory_space<hbm>> -> memref<10000x128xf32, #tpu.memory_space<hbm>>
    tpu.wait_indirect_dma semaphore(%arg7 : memref<!tpu.dma_semaphore, #tpu.memory_space<semaphore_mem>>) src(%dma_wait3A_38 : memref<10000x128xf32, #tpu.memory_space<hbm>>) dst(%arg6 : memref<64x128xf32, #tpu.memory_space<vmem>>)
    %mul3A_39 = arith.constant 320 : i32
    %mul3A_40 = arith.muli %add3A, %mul3A_39 : i32
    %add3A_41 = arith.constant 128 : i32
    %add3A_42 = arith.addi %mul3A_40, %add3A_41 : i32
    "tpu.region"() ({
      %run_scoped3A = tpu.sem_alloc : memref<!tpu.dma_semaphore, #tpu.memory_space<semaphore_mem>>
      %dma_start3A_71 = arith.constant 0 : i32
      %dma_start3A_72 = tpu.memref_slice %arg4[%add3A_42, %dma_start3A_71] : memref<10240x128xf32, #tpu.memory_space<hbm>> -> memref<64x128xf32, #tpu.memory_space<hbm>>
      %dma_start3A_73 = arith.constant 0 : i32
      %dma_start3A_74 = tpu.memref_slice %arg4[%add3A_42, %dma_start3A_73] : memref<10240x128xf32, #tpu.memory_space<hbm>> -> memref<64x128xf32, #tpu.memory_space<hbm>>
      tpu.enqueue_dma source(%arg6 : memref<64x128xf32, #tpu.memory_space<vmem>>) target(%dma_start3A_74 : memref<64x128xf32, #tpu.memory_space<hbm>>) target_semaphore(%run_scoped3A : memref<!tpu.dma_semaphore, #tpu.memory_space<semaphore_mem>>)
      %dma_wait3A_75 = arith.constant 0 : i32
      %dma_wait3A_76 = tpu.memref_slice %arg4[%add3A_42, %dma_wait3A_75] : memref<10240x128xf32, #tpu.memory_space<hbm>> -> memref<64x128xf32, #tpu.memory_space<hbm>>
      %dma_wait3A_77 = arith.constant 0 : i32
      %dma_wait3A_78 = tpu.memref_slice %arg4[%add3A_42, %dma_wait3A_77] : memref<10240x128xf32, #tpu.memory_space<hbm>> -> memref<64x128xf32, #tpu.memory_space<hbm>>
      tpu.wait_dma2 semaphore(%run_scoped3A : memref<!tpu.dma_semaphore, #tpu.memory_space<semaphore_mem>>) src(%arg6 : memref<64x128xf32, #tpu.memory_space<vmem>>) dst(%dma_wait3A_78 : memref<64x128xf32, #tpu.memory_space<hbm>>)
      tpu.yield
    }) : () -> ()
    %dma_start3A_43 = arith.constant 192 : i32
    %dma_start3A_44 = tpu.memref_slice %arg5[%dma_start3A_43] : memref<320xi32, #tpu.memory_space<vmem>> -> memref<64xi32, #tpu.memory_space<vmem>>
    %dma_start3A_45 = arith.constant 0 : i32
    %dma_start3A_46 = arith.constant 0 : i32
    %dma_start3A_47 = tpu.memref_slice %arg2[%dma_start3A_45, %dma_start3A_46] : memref<10000x128xf32, #tpu.memory_space<hbm>> -> memref<10000x128xf32, #tpu.memory_space<hbm>>
    tpu.enqueue_indirect_dma source(%dma_start3A_47 : memref<10000x128xf32, #tpu.memory_space<hbm>>) target(%arg6 : memref<64x128xf32, #tpu.memory_space<vmem>>) offsets(%dma_start3A_44 : memref<64xi32, #tpu.memory_space<vmem>>) semaphore(%arg7 : memref<!tpu.dma_semaphore, #tpu.memory_space<semaphore_mem>>)
    %dma_wait3A_48 = arith.constant 192 : i32
    %dma_wait3A_49 = tpu.memref_slice %arg5[%dma_wait3A_48] : memref<320xi32, #tpu.memory_space<vmem>> -> memref<64xi32, #tpu.memory_space<vmem>>
    %dma_wait3A_50 = arith.constant 0 : i32
    %dma_wait3A_51 = arith.constant 0 : i32
    %dma_wait3A_52 = tpu.memref_slice %arg2[%dma_wait3A_50, %dma_wait3A_51] : memref<10000x128xf32, #tpu.memory_space<hbm>> -> memref<10000x128xf32, #tpu.memory_space<hbm>>
    tpu.wait_indirect_dma semaphore(%arg7 : memref<!tpu.dma_semaphore, #tpu.memory_space<semaphore_mem>>) src(%dma_wait3A_52 : memref<10000x128xf32, #tpu.memory_space<hbm>>) dst(%arg6 : memref<64x128xf32, #tpu.memory_space<vmem>>)
    %mul3A_53 = arith.constant 320 : i32
    %mul3A_54 = arith.muli %add3A, %mul3A_53 : i32
    %add3A_55 = arith.constant 192 : i32
    %add3A_56 = arith.addi %mul3A_54, %add3A_55 : i32
    "tpu.region"() ({
      %run_scoped3A = tpu.sem_alloc : memref<!tpu.dma_semaphore, #tpu.memory_space<semaphore_mem>>
      %dma_start3A_71 = arith.constant 0 : i32
      %dma_start3A_72 = tpu.memref_slice %arg4[%add3A_56, %dma_start3A_71] : memref<10240x128xf32, #tpu.memory_space<hbm>> -> memref<64x128xf32, #tpu.memory_space<hbm>>
      %dma_start3A_73 = arith.constant 0 : i32
      %dma_start3A_74 = tpu.memref_slice %arg4[%add3A_56, %dma_start3A_73] : memref<10240x128xf32, #tpu.memory_space<hbm>> -> memref<64x128xf32, #tpu.memory_space<hbm>>
      tpu.enqueue_dma source(%arg6 : memref<64x128xf32, #tpu.memory_space<vmem>>) target(%dma_start3A_74 : memref<64x128xf32, #tpu.memory_space<hbm>>) target_semaphore(%run_scoped3A : memref<!tpu.dma_semaphore, #tpu.memory_space<semaphore_mem>>)
      %dma_wait3A_75 = arith.constant 0 : i32
      %dma_wait3A_76 = tpu.memref_slice %arg4[%add3A_56, %dma_wait3A_75] : memref<10240x128xf32, #tpu.memory_space<hbm>> -> memref<64x128xf32, #tpu.memory_space<hbm>>
      %dma_wait3A_77 = arith.constant 0 : i32
      %dma_wait3A_78 = tpu.memref_slice %arg4[%add3A_56, %dma_wait3A_77] : memref<10240x128xf32, #tpu.memory_space<hbm>> -> memref<64x128xf32, #tpu.memory_space<hbm>>
      tpu.wait_dma2 semaphore(%run_scoped3A : memref<!tpu.dma_semaphore, #tpu.memory_space<semaphore_mem>>) src(%arg6 : memref<64x128xf32, #tpu.memory_space<vmem>>) dst(%dma_wait3A_78 : memref<64x128xf32, #tpu.memory_space<hbm>>)
      tpu.yield
    }) : () -> ()
    %dma_start3A_57 = arith.constant 256 : i32
    %dma_start3A_58 = tpu.memref_slice %arg5[%dma_start3A_57] : memref<320xi32, #tpu.memory_space<vmem>> -> memref<64xi32, #tpu.memory_space<vmem>>
    %dma_start3A_59 = arith.constant 0 : i32
    %dma_start3A_60 = arith.constant 0 : i32
    %dma_start3A_61 = tpu.memref_slice %arg2[%dma_start3A_59, %dma_start3A_60] : memref<10000x128xf32, #tpu.memory_space<hbm>> -> memref<10000x128xf32, #tpu.memory_space<hbm>>
    tpu.enqueue_indirect_dma source(%dma_start3A_61 : memref<10000x128xf32, #tpu.memory_space<hbm>>) target(%arg6 : memref<64x128xf32, #tpu.memory_space<vmem>>) offsets(%dma_start3A_58 : memref<64xi32, #tpu.memory_space<vmem>>) semaphore(%arg7 : memref<!tpu.dma_semaphore, #tpu.memory_space<semaphore_mem>>)
    %dma_wait3A_62 = arith.constant 256 : i32
    %dma_wait3A_63 = tpu.memref_slice %arg5[%dma_wait3A_62] : memref<320xi32, #tpu.memory_space<vmem>> -> memref<64xi32, #tpu.memory_space<vmem>>
    %dma_wait3A_64 = arith.constant 0 : i32
    %dma_wait3A_65 = arith.constant 0 : i32
    %dma_wait3A_66 = tpu.memref_slice %arg2[%dma_wait3A_64, %dma_wait3A_65] : memref<10000x128xf32, #tpu.memory_space<hbm>> -> memref<10000x128xf32, #tpu.memory_space<hbm>>
    tpu.wait_indirect_dma semaphore(%arg7 : memref<!tpu.dma_semaphore, #tpu.memory_space<semaphore_mem>>) src(%dma_wait3A_66 : memref<10000x128xf32, #tpu.memory_space<hbm>>) dst(%arg6 : memref<64x128xf32, #tpu.memory_space<vmem>>)
    %mul3A_67 = arith.constant 320 : i32
    %mul3A_68 = arith.muli %add3A, %mul3A_67 : i32
    %add3A_69 = arith.constant 256 : i32
    %add3A_70 = arith.addi %mul3A_68, %add3A_69 : i32
    "tpu.region"() ({
      %run_scoped3A = tpu.sem_alloc : memref<!tpu.dma_semaphore, #tpu.memory_space<semaphore_mem>>
      %dma_start3A_71 = arith.constant 0 : i32
      %dma_start3A_72 = tpu.memref_slice %arg4[%add3A_70, %dma_start3A_71] : memref<10240x128xf32, #tpu.memory_space<hbm>> -> memref<64x128xf32, #tpu.memory_space<hbm>>
      %dma_start3A_73 = arith.constant 0 : i32
      %dma_start3A_74 = tpu.memref_slice %arg4[%add3A_70, %dma_start3A_73] : memref<10240x128xf32, #tpu.memory_space<hbm>> -> memref<64x128xf32, #tpu.memory_space<hbm>>
      tpu.enqueue_dma source(%arg6 : memref<64x128xf32, #tpu.memory_space<vmem>>) target(%dma_start3A_74 : memref<64x128xf32, #tpu.memory_space<hbm>>) target_semaphore(%run_scoped3A : memref<!tpu.dma_semaphore, #tpu.memory_space<semaphore_mem>>)
      %dma_wait3A_75 = arith.constant 0 : i32
      %dma_wait3A_76 = tpu.memref_slice %arg4[%add3A_70, %dma_wait3A_75] : memref<10240x128xf32, #tpu.memory_space<hbm>> -> memref<64x128xf32, #tpu.memory_space<hbm>>
      %dma_wait3A_77 = arith.constant 0 : i32
      %dma_wait3A_78 = tpu.memref_slice %arg4[%add3A_70, %dma_wait3A_77] : memref<10240x128xf32, #tpu.memory_space<hbm>> -> memref<64x128xf32, #tpu.memory_space<hbm>>
      tpu.wait_dma2 semaphore(%run_scoped3A : memref<!tpu.dma_semaphore, #tpu.memory_space<semaphore_mem>>) src(%arg6 : memref<64x128xf32, #tpu.memory_space<vmem>>) dst(%dma_wait3A_78 : memref<64x128xf32, #tpu.memory_space<hbm>>)
      tpu.yield
    }) : () -> ()
    return
  }
}

#map = affine_map<(d0, d1) -> (0, 0)>
#map1 = affine_map<(d0, d1) -> (0, 0, 0, 0)>
#map2 = affine_map<(d0, d1) -> (0, 0, 0)>
module attributes {stable_mosaic.version = 14 : i64} {
  func.func @k(%arg0: i32, %arg1: i32, %arg2: memref<10000x128xf32, #tpu.memory_space<hbm>>, %arg3: memref<20000x128xf32, #tpu.memory_space<hbm>>, %arg4: memref<32x4x25x100xi32, #tpu.memory_space<hbm>>, %arg5: memref<32x4x25x100xi32, #tpu.memory_space<hbm>>, %arg6: memref<32x4x25x100xi32, #tpu.memory_space<hbm>>, %arg7: memref<32x4x25x100xi32, #tpu.memory_space<hbm>>, %arg8: memref<640x128xf32, #tpu.memory_space<hbm>>, %arg9: memref<2x10000x128xf32, #tpu.memory_space<hbm>>, %arg10: memref<2x10000x128xf32, #tpu.memory_space<hbm>>, %arg11: memref<10000x128xf32, #tpu.memory_space<vmem_shared>>, %arg12: memref<25x100xi32, #tpu.memory_space<vmem>>, %arg13: memref<25x100xi32, #tpu.memory_space<vmem>>, %arg14: memref<100x128xf32, #tpu.memory_space<vmem>>, %arg15: memref<100x128xf32, #tpu.memory_space<vmem>>, %arg16: memref<100x128xf32, #tpu.memory_space<vmem>>, %arg17: memref<!tpu.dma_semaphore, #tpu.memory_space<semaphore_mem>>, %arg18: memref<!tpu.dma_semaphore, #tpu.memory_space<semaphore_mem>>, %arg19: memref<!tpu.dma_semaphore, #tpu.memory_space<semaphore_mem>>) attributes {dimension_semantics = [#tpu.dimension_semantics<core_parallel>, #tpu.dimension_semantics<subcore_parallel>], iteration_bounds = array<i64: 2, 16>, scalar_prefetch = 0 : i64, scratch_operands = 9 : i64, tpu.core_type = #tpu.core_type<sc_vector_subcore>, window_params = [{transform_indices = #map}, {transform_indices = #map}, {transform_indices = #map1}, {transform_indices = #map1}, {transform_indices = #map1}, {transform_indices = #map1}, {transform_indices = #map}, {transform_indices = #map2}, {transform_indices = #map2}]} {
    %mul3A = arith.constant 2 : i32
    %mul3A_0 = arith.muli %arg1, %mul3A : i32
    %add3A = arith.addi %mul3A_0, %arg0 : i32
    %mul3A_1 = arith.constant 624 : i32
    %mul3A_2 = arith.muli %arg1, %mul3A_1 : i32
    %add3A_3 = arith.constant 0 : i32
    %add3A_4 = arith.addi %mul3A_2, %add3A_3 : i32
    "tpu.region"() ({
      %run_scoped3A_319 = tpu.sem_alloc : memref<!tpu.dma_semaphore, #tpu.memory_space<semaphore_mem>>
      %dma_start3A_320 = arith.constant 0 : i32
      %dma_start3A_321 = tpu.memref_slice %arg11[%add3A_4, %dma_start3A_320] : memref<10000x128xf32, #tpu.memory_space<vmem_shared>> -> memref<624x128xf32, #tpu.memory_space<vmem_shared>>
      %dma_start3A_322 = arith.constant 0 : i32
      %dma_start3A_323 = arith.constant 0 : i32
      %dma_start3A_324 = tpu.memref_slice %arg8[%dma_start3A_322, %dma_start3A_323] : memref<640x128xf32, #tpu.memory_space<hbm>> -> memref<624x128xf32, #tpu.memory_space<hbm>>
      tpu.enqueue_dma source(%dma_start3A_324 : memref<624x128xf32, #tpu.memory_space<hbm>>) target(%dma_start3A_321 : memref<624x128xf32, #tpu.memory_space<vmem_shared>>) target_semaphore(%run_scoped3A_319 : memref<!tpu.dma_semaphore, #tpu.memory_space<semaphore_mem>>)
      %dma_wait3A_325 = arith.constant 0 : i32
      %dma_wait3A_326 = tpu.memref_slice %arg11[%add3A_4, %dma_wait3A_325] : memref<10000x128xf32, #tpu.memory_space<vmem_shared>> -> memref<624x128xf32, #tpu.memory_space<vmem_shared>>
      %dma_wait3A_327 = arith.constant 0 : i32
      %dma_wait3A_328 = arith.constant 0 : i32
      %dma_wait3A_329 = tpu.memref_slice %arg8[%dma_wait3A_327, %dma_wait3A_328] : memref<640x128xf32, #tpu.memory_space<hbm>> -> memref<624x128xf32, #tpu.memory_space<hbm>>
      tpu.wait_dma2 semaphore(%run_scoped3A_319 : memref<!tpu.dma_semaphore, #tpu.memory_space<semaphore_mem>>) src(%dma_wait3A_329 : memref<624x128xf32, #tpu.memory_space<hbm>>) dst(%dma_wait3A_326 : memref<624x128xf32, #tpu.memory_space<vmem_shared>>)
      tpu.yield
    }) : () -> ()
    %eq3A = arith.constant 15 : i32
    %eq3A_5 = arith.cmpi eq, %arg1, %eq3A : i32
    %convert_element_type3A = arith.extui %eq3A_5 : i1 to i32
    %cond3A = arith.constant 0 : i32
    %cond3A_6 = arith.cmpi ne, %convert_element_type3A, %cond3A : i32
    scf.if %cond3A_6 {
      %add3A_319 = arith.constant 624 : i32
      %add3A_320 = arith.addi %mul3A_2, %add3A_319 : i32
      "tpu.region"() ({
        %run_scoped3A_321 = tpu.sem_alloc : memref<!tpu.dma_semaphore, #tpu.memory_space<semaphore_mem>>
        %dma_start3A_322 = arith.constant 0 : i32
        %dma_start3A_323 = tpu.memref_slice %arg11[%add3A_320, %dma_start3A_322] : memref<10000x128xf32, #tpu.memory_space<vmem_shared>> -> memref<16x128xf32, #tpu.memory_space<vmem_shared>>
        %dma_start3A_324 = arith.constant 624 : i32
        %dma_start3A_325 = arith.constant 0 : i32
        %dma_start3A_326 = tpu.memref_slice %arg8[%dma_start3A_324, %dma_start3A_325] : memref<640x128xf32, #tpu.memory_space<hbm>> -> memref<16x128xf32, #tpu.memory_space<hbm>>
        tpu.enqueue_dma source(%dma_start3A_326 : memref<16x128xf32, #tpu.memory_space<hbm>>) target(%dma_start3A_323 : memref<16x128xf32, #tpu.memory_space<vmem_shared>>) target_semaphore(%run_scoped3A_321 : memref<!tpu.dma_semaphore, #tpu.memory_space<semaphore_mem>>)
        %dma_wait3A_327 = arith.constant 0 : i32
        %dma_wait3A_328 = tpu.memref_slice %arg11[%add3A_320, %dma_wait3A_327] : memref<10000x128xf32, #tpu.memory_space<vmem_shared>> -> memref<16x128xf32, #tpu.memory_space<vmem_shared>>
        %dma_wait3A_329 = arith.constant 624 : i32
        %dma_wait3A_330 = arith.constant 0 : i32
        %dma_wait3A_331 = tpu.memref_slice %arg8[%dma_wait3A_329, %dma_wait3A_330] : memref<640x128xf32, #tpu.memory_space<hbm>> -> memref<16x128xf32, #tpu.memory_space<hbm>>
        tpu.wait_dma2 semaphore(%run_scoped3A_321 : memref<!tpu.dma_semaphore, #tpu.memory_space<semaphore_mem>>) src(%dma_wait3A_331 : memref<16x128xf32, #tpu.memory_space<hbm>>) dst(%dma_wait3A_328 : memref<16x128xf32, #tpu.memory_space<vmem_shared>>)
        tpu.yield
      }) : () -> ()
    } else {
    }
    %barrier3A = arith.constant 0 : index
    tpu.barrier barrier_id(%barrier3A)
    %run_scoped3A = arith.constant 0 : i32
    "tpu.region"() ({
      %run_scoped3A_319 = tpu.sem_alloc : memref<!tpu.dma_semaphore, #tpu.memory_space<semaphore_mem>>
      %dma_start3A_320 = arith.constant 0 : i32
      %dma_start3A_321 = arith.constant 0 : i32
      %dma_start3A_322 = tpu.memref_slice %arg4[%add3A, %run_scoped3A, %dma_start3A_320, %dma_start3A_321] : memref<32x4x25x100xi32, #tpu.memory_space<hbm>> -> memref<1x1x25x100xi32, #tpu.memory_space<hbm>>
      %dma_start3A_323 = tpu.memref_squeeze %dma_start3A_322 : memref<1x1x25x100xi32, #tpu.memory_space<hbm>> -> memref<25x100xi32, #tpu.memory_space<hbm>>
      %dma_start3A_324 = arith.constant 0 : i32
      %dma_start3A_325 = arith.constant 0 : i32
      %dma_start3A_326 = tpu.memref_slice %arg4[%add3A, %run_scoped3A, %dma_start3A_324, %dma_start3A_325] : memref<32x4x25x100xi32, #tpu.memory_space<hbm>> -> memref<1x1x25x100xi32, #tpu.memory_space<hbm>>
      %dma_start3A_327 = tpu.memref_squeeze %dma_start3A_326 : memref<1x1x25x100xi32, #tpu.memory_space<hbm>> -> memref<25x100xi32, #tpu.memory_space<hbm>>
      tpu.enqueue_dma source(%dma_start3A_327 : memref<25x100xi32, #tpu.memory_space<hbm>>) target(%arg12 : memref<25x100xi32, #tpu.memory_space<vmem>>) target_semaphore(%run_scoped3A_319 : memref<!tpu.dma_semaphore, #tpu.memory_space<semaphore_mem>>)
      %dma_wait3A_328 = arith.constant 0 : i32
      %dma_wait3A_329 = arith.constant 0 : i32
      %dma_wait3A_330 = tpu.memref_slice %arg4[%add3A, %run_scoped3A, %dma_wait3A_328, %dma_wait3A_329] : memref<32x4x25x100xi32, #tpu.memory_space<hbm>> -> memref<1x1x25x100xi32, #tpu.memory_space<hbm>>
      %dma_wait3A_331 = tpu.memref_squeeze %dma_wait3A_330 : memref<1x1x25x100xi32, #tpu.memory_space<hbm>> -> memref<25x100xi32, #tpu.memory_space<hbm>>
      %dma_wait3A_332 = arith.constant 0 : i32
      %dma_wait3A_333 = arith.constant 0 : i32
      %dma_wait3A_334 = tpu.memref_slice %arg4[%add3A, %run_scoped3A, %dma_wait3A_332, %dma_wait3A_333] : memref<32x4x25x100xi32, #tpu.memory_space<hbm>> -> memref<1x1x25x100xi32, #tpu.memory_space<hbm>>
      %dma_wait3A_335 = tpu.memref_squeeze %dma_wait3A_334 : memref<1x1x25x100xi32, #tpu.memory_space<hbm>> -> memref<25x100xi32, #tpu.memory_space<hbm>>
      tpu.wait_dma2 semaphore(%run_scoped3A_319 : memref<!tpu.dma_semaphore, #tpu.memory_space<semaphore_mem>>) src(%dma_wait3A_335 : memref<25x100xi32, #tpu.memory_space<hbm>>) dst(%arg12 : memref<25x100xi32, #tpu.memory_space<vmem>>)
      tpu.yield
    }) : () -> ()
    %run_scoped3A_7 = arith.constant 0 : i32
    "tpu.region"() ({
      %run_scoped3A_319 = tpu.sem_alloc : memref<!tpu.dma_semaphore, #tpu.memory_space<semaphore_mem>>
      %dma_start3A_320 = arith.constant 0 : i32
      %dma_start3A_321 = arith.constant 0 : i32
      %dma_start3A_322 = tpu.memref_slice %arg5[%add3A, %run_scoped3A_7, %dma_start3A_320, %dma_start3A_321] : memref<32x4x25x100xi32, #tpu.memory_space<hbm>> -> memref<1x1x25x100xi32, #tpu.memory_space<hbm>>
      %dma_start3A_323 = tpu.memref_squeeze %dma_start3A_322 : memref<1x1x25x100xi32, #tpu.memory_space<hbm>> -> memref<25x100xi32, #tpu.memory_space<hbm>>
      %dma_start3A_324 = arith.constant 0 : i32
      %dma_start3A_325 = arith.constant 0 : i32
      %dma_start3A_326 = tpu.memref_slice %arg5[%add3A, %run_scoped3A_7, %dma_start3A_324, %dma_start3A_325] : memref<32x4x25x100xi32, #tpu.memory_space<hbm>> -> memref<1x1x25x100xi32, #tpu.memory_space<hbm>>
      %dma_start3A_327 = tpu.memref_squeeze %dma_start3A_326 : memref<1x1x25x100xi32, #tpu.memory_space<hbm>> -> memref<25x100xi32, #tpu.memory_space<hbm>>
      tpu.enqueue_dma source(%dma_start3A_327 : memref<25x100xi32, #tpu.memory_space<hbm>>) target(%arg13 : memref<25x100xi32, #tpu.memory_space<vmem>>) target_semaphore(%run_scoped3A_319 : memref<!tpu.dma_semaphore, #tpu.memory_space<semaphore_mem>>)
      %dma_wait3A_328 = arith.constant 0 : i32
      %dma_wait3A_329 = arith.constant 0 : i32
      %dma_wait3A_330 = tpu.memref_slice %arg5[%add3A, %run_scoped3A_7, %dma_wait3A_328, %dma_wait3A_329] : memref<32x4x25x100xi32, #tpu.memory_space<hbm>> -> memref<1x1x25x100xi32, #tpu.memory_space<hbm>>
      %dma_wait3A_331 = tpu.memref_squeeze %dma_wait3A_330 : memref<1x1x25x100xi32, #tpu.memory_space<hbm>> -> memref<25x100xi32, #tpu.memory_space<hbm>>
      %dma_wait3A_332 = arith.constant 0 : i32
      %dma_wait3A_333 = arith.constant 0 : i32
      %dma_wait3A_334 = tpu.memref_slice %arg5[%add3A, %run_scoped3A_7, %dma_wait3A_332, %dma_wait3A_333] : memref<32x4x25x100xi32, #tpu.memory_space<hbm>> -> memref<1x1x25x100xi32, #tpu.memory_space<hbm>>
      %dma_wait3A_335 = tpu.memref_squeeze %dma_wait3A_334 : memref<1x1x25x100xi32, #tpu.memory_space<hbm>> -> memref<25x100xi32, #tpu.memory_space<hbm>>
      tpu.wait_dma2 semaphore(%run_scoped3A_319 : memref<!tpu.dma_semaphore, #tpu.memory_space<semaphore_mem>>) src(%dma_wait3A_335 : memref<25x100xi32, #tpu.memory_space<hbm>>) dst(%arg13 : memref<25x100xi32, #tpu.memory_space<vmem>>)
      tpu.yield
    }) : () -> ()
    %dma_start3A = arith.constant 0 : i32
    %dma_start3A_8 = arith.constant 0 : i32
    %dma_start3A_9 = tpu.memref_slice %arg12[%dma_start3A, %dma_start3A_8] : memref<25x100xi32, #tpu.memory_space<vmem>> -> memref<1x100xi32, #tpu.memory_space<vmem>>
    %dma_start3A_10 = tpu.memref_squeeze %dma_start3A_9 : memref<1x100xi32, #tpu.memory_space<vmem>> -> memref<100xi32, #tpu.memory_space<vmem>>
    %dma_start3A_11 = arith.constant 0 : i32
    %dma_start3A_12 = arith.constant 0 : i32
    %dma_start3A_13 = tpu.memref_slice %arg2[%dma_start3A_11, %dma_start3A_12] : memref<10000x128xf32, #tpu.memory_space<hbm>> -> memref<10000x128xf32, #tpu.memory_space<hbm>>
    tpu.enqueue_indirect_dma source(%dma_start3A_13 : memref<10000x128xf32, #tpu.memory_space<hbm>>) target(%arg14 : memref<100x128xf32, #tpu.memory_space<vmem>>) offsets(%dma_start3A_10 : memref<100xi32, #tpu.memory_space<vmem>>) semaphore(%arg17 : memref<!tpu.dma_semaphore, #tpu.memory_space<semaphore_mem>>)
    %dma_start3A_14 = arith.constant 1 : i32
    %dma_start3A_15 = arith.constant 0 : i32
    %dma_start3A_16 = tpu.memref_slice %arg12[%dma_start3A_14, %dma_start3A_15] : memref<25x100xi32, #tpu.memory_space<vmem>> -> memref<1x100xi32, #tpu.memory_space<vmem>>
    %dma_start3A_17 = tpu.memref_squeeze %dma_start3A_16 : memref<1x100xi32, #tpu.memory_space<vmem>> -> memref<100xi32, #tpu.memory_space<vmem>>
    %dma_start3A_18 = arith.constant 0 : i32
    %dma_start3A_19 = arith.constant 0 : i32
    %dma_start3A_20 = tpu.memref_slice %arg2[%dma_start3A_18, %dma_start3A_19] : memref<10000x128xf32, #tpu.memory_space<hbm>> -> memref<10000x128xf32, #tpu.memory_space<hbm>>
    tpu.enqueue_indirect_dma source(%dma_start3A_20 : memref<10000x128xf32, #tpu.memory_space<hbm>>) target(%arg15 : memref<100x128xf32, #tpu.memory_space<vmem>>) offsets(%dma_start3A_17 : memref<100xi32, #tpu.memory_space<vmem>>) semaphore(%arg18 : memref<!tpu.dma_semaphore, #tpu.memory_space<semaphore_mem>>)
    %dma_start3A_21 = arith.constant 2 : i32
    %dma_start3A_22 = arith.constant 0 : i32
    %dma_start3A_23 = tpu.memref_slice %arg12[%dma_start3A_21, %dma_start3A_22] : memref<25x100xi32, #tpu.memory_space<vmem>> -> memref<1x100xi32, #tpu.memory_space<vmem>>
    %dma_start3A_24 = tpu.memref_squeeze %dma_start3A_23 : memref<1x100xi32, #tpu.memory_space<vmem>> -> memref<100xi32, #tpu.memory_space<vmem>>
    %dma_start3A_25 = arith.constant 0 : i32
    %dma_start3A_26 = arith.constant 0 : i32
    %dma_start3A_27 = tpu.memref_slice %arg2[%dma_start3A_25, %dma_start3A_26] : memref<10000x128xf32, #tpu.memory_space<hbm>> -> memref<10000x128xf32, #tpu.memory_space<hbm>>
    tpu.enqueue_indirect_dma source(%dma_start3A_27 : memref<10000x128xf32, #tpu.memory_space<hbm>>) target(%arg16 : memref<100x128xf32, #tpu.memory_space<vmem>>) offsets(%dma_start3A_24 : memref<100xi32, #tpu.memory_space<vmem>>) semaphore(%arg19 : memref<!tpu.dma_semaphore, #tpu.memory_space<semaphore_mem>>)
    %scan3A = arith.constant 0 : i32
    %scan3A_28 = arith.constant 8 : i32
    %scan3A_29 = arith.addi %scan3A, %scan3A_28 : i32
    %scan3A_30 = arith.constant 1 : i32
    scf.for %scan3A_319 = %scan3A to %scan3A_29 step %scan3A_30  : i32 {
      %mul3A_320 = arith.constant 3 : i32
      %mul3A_321 = arith.muli %scan3A_319, %mul3A_320 : i32
      %add3A_322 = arith.constant 0 : i32
      %add3A_323 = arith.addi %mul3A_321, %add3A_322 : i32
      %dma_wait3A_324 = arith.constant 0 : i32
      %dma_wait3A_325 = tpu.memref_slice %arg12[%add3A_323, %dma_wait3A_324] : memref<25x100xi32, #tpu.memory_space<vmem>> -> memref<1x100xi32, #tpu.memory_space<vmem>>
      %dma_wait3A_326 = tpu.memref_squeeze %dma_wait3A_325 : memref<1x100xi32, #tpu.memory_space<vmem>> -> memref<100xi32, #tpu.memory_space<vmem>>
      %dma_wait3A_327 = arith.constant 0 : i32
      %dma_wait3A_328 = arith.constant 0 : i32
      %dma_wait3A_329 = tpu.memref_slice %arg2[%dma_wait3A_327, %dma_wait3A_328] : memref<10000x128xf32, #tpu.memory_space<hbm>> -> memref<10000x128xf32, #tpu.memory_space<hbm>>
      tpu.wait_indirect_dma semaphore(%arg17 : memref<!tpu.dma_semaphore, #tpu.memory_space<semaphore_mem>>) src(%dma_wait3A_329 : memref<10000x128xf32, #tpu.memory_space<hbm>>) dst(%arg14 : memref<100x128xf32, #tpu.memory_space<vmem>>)
      "tpu.region"() ({
        %run_scoped3A_372 = tpu.sem_alloc : memref<!tpu.dma_semaphore, #tpu.memory_space<semaphore_mem>>
        %dma_start3A_373 = arith.constant 0 : i32
        %dma_start3A_374 = tpu.memref_slice %arg13[%add3A_323, %dma_start3A_373] : memref<25x100xi32, #tpu.memory_space<vmem>> -> memref<1x100xi32, #tpu.memory_space<vmem>>
        %dma_start3A_375 = tpu.memref_squeeze %dma_start3A_374 : memref<1x100xi32, #tpu.memory_space<vmem>> -> memref<100xi32, #tpu.memory_space<vmem>>
        %dma_start3A_376 = arith.constant 0 : i32
        %dma_start3A_377 = arith.constant 0 : i32
        %dma_start3A_378 = tpu.memref_slice %arg11[%dma_start3A_376, %dma_start3A_377] : memref<10000x128xf32, #tpu.memory_space<vmem_shared>> -> memref<10000x128xf32, #tpu.memory_space<vmem_shared>>
        tpu.enqueue_indirect_dma source(%arg14 : memref<100x128xf32, #tpu.memory_space<vmem>>) target(%dma_start3A_378 : memref<10000x128xf32, #tpu.memory_space<vmem_shared>>) offsets(%dma_start3A_375 : memref<100xi32, #tpu.memory_space<vmem>>) semaphore(%run_scoped3A_372 : memref<!tpu.dma_semaphore, #tpu.memory_space<semaphore_mem>>) {add = true}
        %dma_wait3A_379 = arith.constant 0 : i32
        %dma_wait3A_380 = tpu.memref_slice %arg13[%add3A_323, %dma_wait3A_379] : memref<25x100xi32, #tpu.memory_space<vmem>> -> memref<1x100xi32, #tpu.memory_space<vmem>>
        %dma_wait3A_381 = tpu.memref_squeeze %dma_wait3A_380 : memref<1x100xi32, #tpu.memory_space<vmem>> -> memref<100xi32, #tpu.memory_space<vmem>>
        %dma_wait3A_382 = arith.constant 0 : i32
        %dma_wait3A_383 = arith.constant 0 : i32
        %dma_wait3A_384 = tpu.memref_slice %arg11[%dma_wait3A_382, %dma_wait3A_383] : memref<10000x128xf32, #tpu.memory_space<vmem_shared>> -> memref<10000x128xf32, #tpu.memory_space<vmem_shared>>
        tpu.wait_indirect_dma semaphore(%run_scoped3A_372 : memref<!tpu.dma_semaphore, #tpu.memory_space<semaphore_mem>>) src(%arg14 : memref<100x128xf32, #tpu.memory_space<vmem>>) dst(%dma_wait3A_384 : memref<10000x128xf32, #tpu.memory_space<vmem_shared>>)
        tpu.yield
      }) : () -> ()
      %add3A_330 = arith.constant 3 : i32
      %add3A_331 = arith.addi %add3A_323, %add3A_330 : i32
      %lt3A = arith.constant 25 : i32
      %lt3A_332 = arith.cmpi slt, %add3A_331, %lt3A : i32
      %add3A_333 = arith.constant 3 : i32
      %add3A_334 = arith.addi %add3A_323, %add3A_333 : i32
      %convert_element_type3A_335 = arith.extui %lt3A_332 : i1 to i32
      %cond3A_336 = arith.constant 0 : i32
      %cond3A_337 = arith.cmpi ne, %convert_element_type3A_335, %cond3A_336 : i32
      scf.if %cond3A_337 {
        %dma_start3A_372 = arith.constant 0 : i32
        %dma_start3A_373 = tpu.memref_slice %arg12[%add3A_334, %dma_start3A_372] : memref<25x100xi32, #tpu.memory_space<vmem>> -> memref<1x100xi32, #tpu.memory_space<vmem>>
        %dma_start3A_374 = tpu.memref_squeeze %dma_start3A_373 : memref<1x100xi32, #tpu.memory_space<vmem>> -> memref<100xi32, #tpu.memory_space<vmem>>
        %dma_start3A_375 = arith.constant 0 : i32
        %dma_start3A_376 = arith.constant 0 : i32
        %dma_start3A_377 = tpu.memref_slice %arg2[%dma_start3A_375, %dma_start3A_376] : memref<10000x128xf32, #tpu.memory_space<hbm>> -> memref<10000x128xf32, #tpu.memory_space<hbm>>
        tpu.enqueue_indirect_dma source(%dma_start3A_377 : memref<10000x128xf32, #tpu.memory_space<hbm>>) target(%arg14 : memref<100x128xf32, #tpu.memory_space<vmem>>) offsets(%dma_start3A_374 : memref<100xi32, #tpu.memory_space<vmem>>) semaphore(%arg17 : memref<!tpu.dma_semaphore, #tpu.memory_space<semaphore_mem>>)
      } else {
      }
      %add3A_338 = arith.constant 1 : i32
      %add3A_339 = arith.addi %mul3A_321, %add3A_338 : i32
      %dma_wait3A_340 = arith.constant 0 : i32
      %dma_wait3A_341 = tpu.memref_slice %arg12[%add3A_339, %dma_wait3A_340] : memref<25x100xi32, #tpu.memory_space<vmem>> -> memref<1x100xi32, #tpu.memory_space<vmem>>
      %dma_wait3A_342 = tpu.memref_squeeze %dma_wait3A_341 : memref<1x100xi32, #tpu.memory_space<vmem>> -> memref<100xi32, #tpu.memory_space<vmem>>
      %dma_wait3A_343 = arith.constant 0 : i32
      %dma_wait3A_344 = arith.constant 0 : i32
      %dma_wait3A_345 = tpu.memref_slice %arg2[%dma_wait3A_343, %dma_wait3A_344] : memref<10000x128xf32, #tpu.memory_space<hbm>> -> memref<10000x128xf32, #tpu.memory_space<hbm>>
      tpu.wait_indirect_dma semaphore(%arg18 : memref<!tpu.dma_semaphore, #tpu.memory_space<semaphore_mem>>) src(%dma_wait3A_345 : memref<10000x128xf32, #tpu.memory_space<hbm>>) dst(%arg15 : memref<100x128xf32, #tpu.memory_space<vmem>>)
      "tpu.region"() ({
        %run_scoped3A_372 = tpu.sem_alloc : memref<!tpu.dma_semaphore, #tpu.memory_space<semaphore_mem>>
        %dma_start3A_373 = arith.constant 0 : i32
        %dma_start3A_374 = tpu.memref_slice %arg13[%add3A_339, %dma_start3A_373] : memref<25x100xi32, #tpu.memory_space<vmem>> -> memref<1x100xi32, #tpu.memory_space<vmem>>
        %dma_start3A_375 = tpu.memref_squeeze %dma_start3A_374 : memref<1x100xi32, #tpu.memory_space<vmem>> -> memref<100xi32, #tpu.memory_space<vmem>>
        %dma_start3A_376 = arith.constant 0 : i32
        %dma_start3A_377 = arith.constant 0 : i32
        %dma_start3A_378 = tpu.memref_slice %arg11[%dma_start3A_376, %dma_start3A_377] : memref<10000x128xf32, #tpu.memory_space<vmem_shared>> -> memref<10000x128xf32, #tpu.memory_space<vmem_shared>>
        tpu.enqueue_indirect_dma source(%arg15 : memref<100x128xf32, #tpu.memory_space<vmem>>) target(%dma_start3A_378 : memref<10000x128xf32, #tpu.memory_space<vmem_shared>>) offsets(%dma_start3A_375 : memref<100xi32, #tpu.memory_space<vmem>>) semaphore(%run_scoped3A_372 : memref<!tpu.dma_semaphore, #tpu.memory_space<semaphore_mem>>) {add = true}
        %dma_wait3A_379 = arith.constant 0 : i32
        %dma_wait3A_380 = tpu.memref_slice %arg13[%add3A_339, %dma_wait3A_379] : memref<25x100xi32, #tpu.memory_space<vmem>> -> memref<1x100xi32, #tpu.memory_space<vmem>>
        %dma_wait3A_381 = tpu.memref_squeeze %dma_wait3A_380 : memref<1x100xi32, #tpu.memory_space<vmem>> -> memref<100xi32, #tpu.memory_space<vmem>>
        %dma_wait3A_382 = arith.constant 0 : i32
        %dma_wait3A_383 = arith.constant 0 : i32
        %dma_wait3A_384 = tpu.memref_slice %arg11[%dma_wait3A_382, %dma_wait3A_383] : memref<10000x128xf32, #tpu.memory_space<vmem_shared>> -> memref<10000x128xf32, #tpu.memory_space<vmem_shared>>
        tpu.wait_indirect_dma semaphore(%run_scoped3A_372 : memref<!tpu.dma_semaphore, #tpu.memory_space<semaphore_mem>>) src(%arg15 : memref<100x128xf32, #tpu.memory_space<vmem>>) dst(%dma_wait3A_384 : memref<10000x128xf32, #tpu.memory_space<vmem_shared>>)
        tpu.yield
      }) : () -> ()
      %add3A_346 = arith.constant 3 : i32
      %add3A_347 = arith.addi %add3A_339, %add3A_346 : i32
      %lt3A_348 = arith.constant 25 : i32
      %lt3A_349 = arith.cmpi slt, %add3A_347, %lt3A_348 : i32
      %add3A_350 = arith.constant 3 : i32
      %add3A_351 = arith.addi %add3A_339, %add3A_350 : i32
      %convert_element_type3A_352 = arith.extui %lt3A_349 : i1 to i32
      %cond3A_353 = arith.constant 0 : i32
      %cond3A_354 = arith.cmpi ne, %convert_element_type3A_352, %cond3A_353 : i32
      scf.if %cond3A_354 {
        %dma_start3A_372 = arith.constant 0 : i32
        %dma_start3A_373 = tpu.memref_slice %arg12[%add3A_351, %dma_start3A_372] : memref<25x100xi32, #tpu.memory_space<vmem>> -> memref<1x100xi32, #tpu.memory_space<vmem>>
        %dma_start3A_374 = tpu.memref_squeeze %dma_start3A_373 : memref<1x100xi32, #tpu.memory_space<vmem>> -> memref<100xi32, #tpu.memory_space<vmem>>
        %dma_start3A_375 = arith.constant 0 : i32
        %dma_start3A_376 = arith.constant 0 : i32
        %dma_start3A_377 = tpu.memref_slice %arg2[%dma_start3A_375, %dma_start3A_376] : memref<10000x128xf32, #tpu.memory_space<hbm>> -> memref<10000x128xf32, #tpu.memory_space<hbm>>
        tpu.enqueue_indirect_dma source(%dma_start3A_377 : memref<10000x128xf32, #tpu.memory_space<hbm>>) target(%arg15 : memref<100x128xf32, #tpu.memory_space<vmem>>) offsets(%dma_start3A_374 : memref<100xi32, #tpu.memory_space<vmem>>) semaphore(%arg18 : memref<!tpu.dma_semaphore, #tpu.memory_space<semaphore_mem>>)
      } else {
      }
      %add3A_355 = arith.constant 2 : i32
      %add3A_356 = arith.addi %mul3A_321, %add3A_355 : i32
      %dma_wait3A_357 = arith.constant 0 : i32
      %dma_wait3A_358 = tpu.memref_slice %arg12[%add3A_356, %dma_wait3A_357] : memref<25x100xi32, #tpu.memory_space<vmem>> -> memref<1x100xi32, #tpu.memory_space<vmem>>
      %dma_wait3A_359 = tpu.memref_squeeze %dma_wait3A_358 : memref<1x100xi32, #tpu.memory_space<vmem>> -> memref<100xi32, #tpu.memory_space<vmem>>
      %dma_wait3A_360 = arith.constant 0 : i32
      %dma_wait3A_361 = arith.constant 0 : i32
      %dma_wait3A_362 = tpu.memref_slice %arg2[%dma_wait3A_360, %dma_wait3A_361] : memref<10000x128xf32, #tpu.memory_space<hbm>> -> memref<10000x128xf32, #tpu.memory_space<hbm>>
      tpu.wait_indirect_dma semaphore(%arg19 : memref<!tpu.dma_semaphore, #tpu.memory_space<semaphore_mem>>) src(%dma_wait3A_362 : memref<10000x128xf32, #tpu.memory_space<hbm>>) dst(%arg16 : memref<100x128xf32, #tpu.memory_space<vmem>>)
      "tpu.region"() ({
        %run_scoped3A_372 = tpu.sem_alloc : memref<!tpu.dma_semaphore, #tpu.memory_space<semaphore_mem>>
        %dma_start3A_373 = arith.constant 0 : i32
        %dma_start3A_374 = tpu.memref_slice %arg13[%add3A_356, %dma_start3A_373] : memref<25x100xi32, #tpu.memory_space<vmem>> -> memref<1x100xi32, #tpu.memory_space<vmem>>
        %dma_start3A_375 = tpu.memref_squeeze %dma_start3A_374 : memref<1x100xi32, #tpu.memory_space<vmem>> -> memref<100xi32, #tpu.memory_space<vmem>>
        %dma_start3A_376 = arith.constant 0 : i32
        %dma_start3A_377 = arith.constant 0 : i32
        %dma_start3A_378 = tpu.memref_slice %arg11[%dma_start3A_376, %dma_start3A_377] : memref<10000x128xf32, #tpu.memory_space<vmem_shared>> -> memref<10000x128xf32, #tpu.memory_space<vmem_shared>>
        tpu.enqueue_indirect_dma source(%arg16 : memref<100x128xf32, #tpu.memory_space<vmem>>) target(%dma_start3A_378 : memref<10000x128xf32, #tpu.memory_space<vmem_shared>>) offsets(%dma_start3A_375 : memref<100xi32, #tpu.memory_space<vmem>>) semaphore(%run_scoped3A_372 : memref<!tpu.dma_semaphore, #tpu.memory_space<semaphore_mem>>) {add = true}
        %dma_wait3A_379 = arith.constant 0 : i32
        %dma_wait3A_380 = tpu.memref_slice %arg13[%add3A_356, %dma_wait3A_379] : memref<25x100xi32, #tpu.memory_space<vmem>> -> memref<1x100xi32, #tpu.memory_space<vmem>>
        %dma_wait3A_381 = tpu.memref_squeeze %dma_wait3A_380 : memref<1x100xi32, #tpu.memory_space<vmem>> -> memref<100xi32, #tpu.memory_space<vmem>>
        %dma_wait3A_382 = arith.constant 0 : i32
        %dma_wait3A_383 = arith.constant 0 : i32
        %dma_wait3A_384 = tpu.memref_slice %arg11[%dma_wait3A_382, %dma_wait3A_383] : memref<10000x128xf32, #tpu.memory_space<vmem_shared>> -> memref<10000x128xf32, #tpu.memory_space<vmem_shared>>
        tpu.wait_indirect_dma semaphore(%run_scoped3A_372 : memref<!tpu.dma_semaphore, #tpu.memory_space<semaphore_mem>>) src(%arg16 : memref<100x128xf32, #tpu.memory_space<vmem>>) dst(%dma_wait3A_384 : memref<10000x128xf32, #tpu.memory_space<vmem_shared>>)
        tpu.yield
      }) : () -> ()
      %add3A_363 = arith.constant 3 : i32
      %add3A_364 = arith.addi %add3A_356, %add3A_363 : i32
      %lt3A_365 = arith.constant 25 : i32
      %lt3A_366 = arith.cmpi slt, %add3A_364, %lt3A_365 : i32
      %add3A_367 = arith.constant 3 : i32
      %add3A_368 = arith.addi %add3A_356, %add3A_367 : i32
      %convert_element_type3A_369 = arith.extui %lt3A_366 : i1 to i32
      %cond3A_370 = arith.constant 0 : i32
      %cond3A_371 = arith.cmpi ne, %convert_element_type3A_369, %cond3A_370 : i32
      scf.if %cond3A_371 {
        %dma_start3A_372 = arith.constant 0 : i32
        %dma_start3A_373 = tpu.memref_slice %arg12[%add3A_368, %dma_start3A_372] : memref<25x100xi32, #tpu.memory_space<vmem>> -> memref<1x100xi32, #tpu.memory_space<vmem>>
        %dma_start3A_374 = tpu.memref_squeeze %dma_start3A_373 : memref<1x100xi32, #tpu.memory_space<vmem>> -> memref<100xi32, #tpu.memory_space<vmem>>
        %dma_start3A_375 = arith.constant 0 : i32
        %dma_start3A_376 = arith.constant 0 : i32
        %dma_start3A_377 = tpu.memref_slice %arg2[%dma_start3A_375, %dma_start3A_376] : memref<10000x128xf32, #tpu.memory_space<hbm>> -> memref<10000x128xf32, #tpu.memory_space<hbm>>
        tpu.enqueue_indirect_dma source(%dma_start3A_377 : memref<10000x128xf32, #tpu.memory_space<hbm>>) target(%arg16 : memref<100x128xf32, #tpu.memory_space<vmem>>) offsets(%dma_start3A_374 : memref<100xi32, #tpu.memory_space<vmem>>) semaphore(%arg19 : memref<!tpu.dma_semaphore, #tpu.memory_space<semaphore_mem>>)
      } else {
      }
    }
    %scan3A_31 = arith.constant 8 : i32
    %dma_wait3A = arith.constant 24 : i32
    %dma_wait3A_32 = arith.constant 0 : i32
    %dma_wait3A_33 = tpu.memref_slice %arg12[%dma_wait3A, %dma_wait3A_32] : memref<25x100xi32, #tpu.memory_space<vmem>> -> memref<1x100xi32, #tpu.memory_space<vmem>>
    %dma_wait3A_34 = tpu.memref_squeeze %dma_wait3A_33 : memref<1x100xi32, #tpu.memory_space<vmem>> -> memref<100xi32, #tpu.memory_space<vmem>>
    %dma_wait3A_35 = arith.constant 0 : i32
    %dma_wait3A_36 = arith.constant 0 : i32
    %dma_wait3A_37 = tpu.memref_slice %arg2[%dma_wait3A_35, %dma_wait3A_36] : memref<10000x128xf32, #tpu.memory_space<hbm>> -> memref<10000x128xf32, #tpu.memory_space<hbm>>
    tpu.wait_indirect_dma semaphore(%arg17 : memref<!tpu.dma_semaphore, #tpu.memory_space<semaphore_mem>>) src(%dma_wait3A_37 : memref<10000x128xf32, #tpu.memory_space<hbm>>) dst(%arg14 : memref<100x128xf32, #tpu.memory_space<vmem>>)
    %run_scoped3A_38 = arith.constant 24 : i32
    "tpu.region"() ({
      %run_scoped3A_319 = tpu.sem_alloc : memref<!tpu.dma_semaphore, #tpu.memory_space<semaphore_mem>>
      %dma_start3A_320 = arith.constant 0 : i32
      %dma_start3A_321 = tpu.memref_slice %arg13[%run_scoped3A_38, %dma_start3A_320] : memref<25x100xi32, #tpu.memory_space<vmem>> -> memref<1x100xi32, #tpu.memory_space<vmem>>
      %dma_start3A_322 = tpu.memref_squeeze %dma_start3A_321 : memref<1x100xi32, #tpu.memory_space<vmem>> -> memref<100xi32, #tpu.memory_space<vmem>>
      %dma_start3A_323 = arith.constant 0 : i32
      %dma_start3A_324 = arith.constant 0 : i32
      %dma_start3A_325 = tpu.memref_slice %arg11[%dma_start3A_323, %dma_start3A_324] : memref<10000x128xf32, #tpu.memory_space<vmem_shared>> -> memref<10000x128xf32, #tpu.memory_space<vmem_shared>>
      tpu.enqueue_indirect_dma source(%arg14 : memref<100x128xf32, #tpu.memory_space<vmem>>) target(%dma_start3A_325 : memref<10000x128xf32, #tpu.memory_space<vmem_shared>>) offsets(%dma_start3A_322 : memref<100xi32, #tpu.memory_space<vmem>>) semaphore(%run_scoped3A_319 : memref<!tpu.dma_semaphore, #tpu.memory_space<semaphore_mem>>) {add = true}
      %dma_wait3A_326 = arith.constant 0 : i32
      %dma_wait3A_327 = tpu.memref_slice %arg13[%run_scoped3A_38, %dma_wait3A_326] : memref<25x100xi32, #tpu.memory_space<vmem>> -> memref<1x100xi32, #tpu.memory_space<vmem>>
      %dma_wait3A_328 = tpu.memref_squeeze %dma_wait3A_327 : memref<1x100xi32, #tpu.memory_space<vmem>> -> memref<100xi32, #tpu.memory_space<vmem>>
      %dma_wait3A_329 = arith.constant 0 : i32
      %dma_wait3A_330 = arith.constant 0 : i32
      %dma_wait3A_331 = tpu.memref_slice %arg11[%dma_wait3A_329, %dma_wait3A_330] : memref<10000x128xf32, #tpu.memory_space<vmem_shared>> -> memref<10000x128xf32, #tpu.memory_space<vmem_shared>>
      tpu.wait_indirect_dma semaphore(%run_scoped3A_319 : memref<!tpu.dma_semaphore, #tpu.memory_space<semaphore_mem>>) src(%arg14 : memref<100x128xf32, #tpu.memory_space<vmem>>) dst(%dma_wait3A_331 : memref<10000x128xf32, #tpu.memory_space<vmem_shared>>)
      tpu.yield
    }) : () -> ()
    %run_scoped3A_39 = arith.constant 1 : i32
    "tpu.region"() ({
      %run_scoped3A_319 = tpu.sem_alloc : memref<!tpu.dma_semaphore, #tpu.memory_space<semaphore_mem>>
      %dma_start3A_320 = arith.constant 0 : i32
      %dma_start3A_321 = arith.constant 0 : i32
      %dma_start3A_322 = tpu.memref_slice %arg4[%add3A, %run_scoped3A_39, %dma_start3A_320, %dma_start3A_321] : memref<32x4x25x100xi32, #tpu.memory_space<hbm>> -> memref<1x1x25x100xi32, #tpu.memory_space<hbm>>
      %dma_start3A_323 = tpu.memref_squeeze %dma_start3A_322 : memref<1x1x25x100xi32, #tpu.memory_space<hbm>> -> memref<25x100xi32, #tpu.memory_space<hbm>>
      %dma_start3A_324 = arith.constant 0 : i32
      %dma_start3A_325 = arith.constant 0 : i32
      %dma_start3A_326 = tpu.memref_slice %arg4[%add3A, %run_scoped3A_39, %dma_start3A_324, %dma_start3A_325] : memref<32x4x25x100xi32, #tpu.memory_space<hbm>> -> memref<1x1x25x100xi32, #tpu.memory_space<hbm>>
      %dma_start3A_327 = tpu.memref_squeeze %dma_start3A_326 : memref<1x1x25x100xi32, #tpu.memory_space<hbm>> -> memref<25x100xi32, #tpu.memory_space<hbm>>
      tpu.enqueue_dma source(%dma_start3A_327 : memref<25x100xi32, #tpu.memory_space<hbm>>) target(%arg12 : memref<25x100xi32, #tpu.memory_space<vmem>>) target_semaphore(%run_scoped3A_319 : memref<!tpu.dma_semaphore, #tpu.memory_space<semaphore_mem>>)
      %dma_wait3A_328 = arith.constant 0 : i32
      %dma_wait3A_329 = arith.constant 0 : i32
      %dma_wait3A_330 = tpu.memref_slice %arg4[%add3A, %run_scoped3A_39, %dma_wait3A_328, %dma_wait3A_329] : memref<32x4x25x100xi32, #tpu.memory_space<hbm>> -> memref<1x1x25x100xi32, #tpu.memory_space<hbm>>
      %dma_wait3A_331 = tpu.memref_squeeze %dma_wait3A_330 : memref<1x1x25x100xi32, #tpu.memory_space<hbm>> -> memref<25x100xi32, #tpu.memory_space<hbm>>
      %dma_wait3A_332 = arith.constant 0 : i32
      %dma_wait3A_333 = arith.constant 0 : i32
      %dma_wait3A_334 = tpu.memref_slice %arg4[%add3A, %run_scoped3A_39, %dma_wait3A_332, %dma_wait3A_333] : memref<32x4x25x100xi32, #tpu.memory_space<hbm>> -> memref<1x1x25x100xi32, #tpu.memory_space<hbm>>
      %dma_wait3A_335 = tpu.memref_squeeze %dma_wait3A_334 : memref<1x1x25x100xi32, #tpu.memory_space<hbm>> -> memref<25x100xi32, #tpu.memory_space<hbm>>
      tpu.wait_dma2 semaphore(%run_scoped3A_319 : memref<!tpu.dma_semaphore, #tpu.memory_space<semaphore_mem>>) src(%dma_wait3A_335 : memref<25x100xi32, #tpu.memory_space<hbm>>) dst(%arg12 : memref<25x100xi32, #tpu.memory_space<vmem>>)
      tpu.yield
    }) : () -> ()
    %run_scoped3A_40 = arith.constant 1 : i32
    "tpu.region"() ({
      %run_scoped3A_319 = tpu.sem_alloc : memref<!tpu.dma_semaphore, #tpu.memory_space<semaphore_mem>>
      %dma_start3A_320 = arith.constant 0 : i32
      %dma_start3A_321 = arith.constant 0 : i32
      %dma_start3A_322 = tpu.memref_slice %arg5[%add3A, %run_scoped3A_40, %dma_start3A_320, %dma_start3A_321] : memref<32x4x25x100xi32, #tpu.memory_space<hbm>> -> memref<1x1x25x100xi32, #tpu.memory_space<hbm>>
      %dma_start3A_323 = tpu.memref_squeeze %dma_start3A_322 : memref<1x1x25x100xi32, #tpu.memory_space<hbm>> -> memref<25x100xi32, #tpu.memory_space<hbm>>
      %dma_start3A_324 = arith.constant 0 : i32
      %dma_start3A_325 = arith.constant 0 : i32
      %dma_start3A_326 = tpu.memref_slice %arg5[%add3A, %run_scoped3A_40, %dma_start3A_324, %dma_start3A_325] : memref<32x4x25x100xi32, #tpu.memory_space<hbm>> -> memref<1x1x25x100xi32, #tpu.memory_space<hbm>>
      %dma_start3A_327 = tpu.memref_squeeze %dma_start3A_326 : memref<1x1x25x100xi32, #tpu.memory_space<hbm>> -> memref<25x100xi32, #tpu.memory_space<hbm>>
      tpu.enqueue_dma source(%dma_start3A_327 : memref<25x100xi32, #tpu.memory_space<hbm>>) target(%arg13 : memref<25x100xi32, #tpu.memory_space<vmem>>) target_semaphore(%run_scoped3A_319 : memref<!tpu.dma_semaphore, #tpu.memory_space<semaphore_mem>>)
      %dma_wait3A_328 = arith.constant 0 : i32
      %dma_wait3A_329 = arith.constant 0 : i32
      %dma_wait3A_330 = tpu.memref_slice %arg5[%add3A, %run_scoped3A_40, %dma_wait3A_328, %dma_wait3A_329] : memref<32x4x25x100xi32, #tpu.memory_space<hbm>> -> memref<1x1x25x100xi32, #tpu.memory_space<hbm>>
      %dma_wait3A_331 = tpu.memref_squeeze %dma_wait3A_330 : memref<1x1x25x100xi32, #tpu.memory_space<hbm>> -> memref<25x100xi32, #tpu.memory_space<hbm>>
      %dma_wait3A_332 = arith.constant 0 : i32
      %dma_wait3A_333 = arith.constant 0 : i32
      %dma_wait3A_334 = tpu.memref_slice %arg5[%add3A, %run_scoped3A_40, %dma_wait3A_332, %dma_wait3A_333] : memref<32x4x25x100xi32, #tpu.memory_space<hbm>> -> memref<1x1x25x100xi32, #tpu.memory_space<hbm>>
      %dma_wait3A_335 = tpu.memref_squeeze %dma_wait3A_334 : memref<1x1x25x100xi32, #tpu.memory_space<hbm>> -> memref<25x100xi32, #tpu.memory_space<hbm>>
      tpu.wait_dma2 semaphore(%run_scoped3A_319 : memref<!tpu.dma_semaphore, #tpu.memory_space<semaphore_mem>>) src(%dma_wait3A_335 : memref<25x100xi32, #tpu.memory_space<hbm>>) dst(%arg13 : memref<25x100xi32, #tpu.memory_space<vmem>>)
      tpu.yield
    }) : () -> ()
    %dma_start3A_41 = arith.constant 0 : i32
    %dma_start3A_42 = arith.constant 0 : i32
    %dma_start3A_43 = tpu.memref_slice %arg12[%dma_start3A_41, %dma_start3A_42] : memref<25x100xi32, #tpu.memory_space<vmem>> -> memref<1x100xi32, #tpu.memory_space<vmem>>
    %dma_start3A_44 = tpu.memref_squeeze %dma_start3A_43 : memref<1x100xi32, #tpu.memory_space<vmem>> -> memref<100xi32, #tpu.memory_space<vmem>>
    %dma_start3A_45 = arith.constant 0 : i32
    %dma_start3A_46 = arith.constant 0 : i32
    %dma_start3A_47 = tpu.memref_slice %arg2[%dma_start3A_45, %dma_start3A_46] : memref<10000x128xf32, #tpu.memory_space<hbm>> -> memref<10000x128xf32, #tpu.memory_space<hbm>>
    tpu.enqueue_indirect_dma source(%dma_start3A_47 : memref<10000x128xf32, #tpu.memory_space<hbm>>) target(%arg14 : memref<100x128xf32, #tpu.memory_space<vmem>>) offsets(%dma_start3A_44 : memref<100xi32, #tpu.memory_space<vmem>>) semaphore(%arg17 : memref<!tpu.dma_semaphore, #tpu.memory_space<semaphore_mem>>)
    %dma_start3A_48 = arith.constant 1 : i32
    %dma_start3A_49 = arith.constant 0 : i32
    %dma_start3A_50 = tpu.memref_slice %arg12[%dma_start3A_48, %dma_start3A_49] : memref<25x100xi32, #tpu.memory_space<vmem>> -> memref<1x100xi32, #tpu.memory_space<vmem>>
    %dma_start3A_51 = tpu.memref_squeeze %dma_start3A_50 : memref<1x100xi32, #tpu.memory_space<vmem>> -> memref<100xi32, #tpu.memory_space<vmem>>
    %dma_start3A_52 = arith.constant 0 : i32
    %dma_start3A_53 = arith.constant 0 : i32
    %dma_start3A_54 = tpu.memref_slice %arg2[%dma_start3A_52, %dma_start3A_53] : memref<10000x128xf32, #tpu.memory_space<hbm>> -> memref<10000x128xf32, #tpu.memory_space<hbm>>
    tpu.enqueue_indirect_dma source(%dma_start3A_54 : memref<10000x128xf32, #tpu.memory_space<hbm>>) target(%arg15 : memref<100x128xf32, #tpu.memory_space<vmem>>) offsets(%dma_start3A_51 : memref<100xi32, #tpu.memory_space<vmem>>) semaphore(%arg18 : memref<!tpu.dma_semaphore, #tpu.memory_space<semaphore_mem>>)
    %dma_start3A_55 = arith.constant 2 : i32
    %dma_start3A_56 = arith.constant 0 : i32
    %dma_start3A_57 = tpu.memref_slice %arg12[%dma_start3A_55, %dma_start3A_56] : memref<25x100xi32, #tpu.memory_space<vmem>> -> memref<1x100xi32, #tpu.memory_space<vmem>>
    %dma_start3A_58 = tpu.memref_squeeze %dma_start3A_57 : memref<1x100xi32, #tpu.memory_space<vmem>> -> memref<100xi32, #tpu.memory_space<vmem>>
    %dma_start3A_59 = arith.constant 0 : i32
    %dma_start3A_60 = arith.constant 0 : i32
    %dma_start3A_61 = tpu.memref_slice %arg2[%dma_start3A_59, %dma_start3A_60] : memref<10000x128xf32, #tpu.memory_space<hbm>> -> memref<10000x128xf32, #tpu.memory_space<hbm>>
    tpu.enqueue_indirect_dma source(%dma_start3A_61 : memref<10000x128xf32, #tpu.memory_space<hbm>>) target(%arg16 : memref<100x128xf32, #tpu.memory_space<vmem>>) offsets(%dma_start3A_58 : memref<100xi32, #tpu.memory_space<vmem>>) semaphore(%arg19 : memref<!tpu.dma_semaphore, #tpu.memory_space<semaphore_mem>>)
    %scan3A_62 = arith.constant 0 : i32
    %scan3A_63 = arith.constant 8 : i32
    %scan3A_64 = arith.addi %scan3A_62, %scan3A_63 : i32
    %scan3A_65 = arith.constant 1 : i32
    scf.for %scan3A_319 = %scan3A_62 to %scan3A_64 step %scan3A_65  : i32 {
      %mul3A_320 = arith.constant 3 : i32
      %mul3A_321 = arith.muli %scan3A_319, %mul3A_320 : i32
      %add3A_322 = arith.constant 0 : i32
      %add3A_323 = arith.addi %mul3A_321, %add3A_322 : i32
      %dma_wait3A_324 = arith.constant 0 : i32
      %dma_wait3A_325 = tpu.memref_slice %arg12[%add3A_323, %dma_wait3A_324] : memref<25x100xi32, #tpu.memory_space<vmem>> -> memref<1x100xi32, #tpu.memory_space<vmem>>
      %dma_wait3A_326 = tpu.memref_squeeze %dma_wait3A_325 : memref<1x100xi32, #tpu.memory_space<vmem>> -> memref<100xi32, #tpu.memory_space<vmem>>
      %dma_wait3A_327 = arith.constant 0 : i32
      %dma_wait3A_328 = arith.constant 0 : i32
      %dma_wait3A_329 = tpu.memref_slice %arg2[%dma_wait3A_327, %dma_wait3A_328] : memref<10000x128xf32, #tpu.memory_space<hbm>> -> memref<10000x128xf32, #tpu.memory_space<hbm>>
      tpu.wait_indirect_dma semaphore(%arg17 : memref<!tpu.dma_semaphore, #tpu.memory_space<semaphore_mem>>) src(%dma_wait3A_329 : memref<10000x128xf32, #tpu.memory_space<hbm>>) dst(%arg14 : memref<100x128xf32, #tpu.memory_space<vmem>>)
      "tpu.region"() ({
        %run_scoped3A_372 = tpu.sem_alloc : memref<!tpu.dma_semaphore, #tpu.memory_space<semaphore_mem>>
        %dma_start3A_373 = arith.constant 0 : i32
        %dma_start3A_374 = tpu.memref_slice %arg13[%add3A_323, %dma_start3A_373] : memref<25x100xi32, #tpu.memory_space<vmem>> -> memref<1x100xi32, #tpu.memory_space<vmem>>
        %dma_start3A_375 = tpu.memref_squeeze %dma_start3A_374 : memref<1x100xi32, #tpu.memory_space<vmem>> -> memref<100xi32, #tpu.memory_space<vmem>>
        %dma_start3A_376 = arith.constant 0 : i32
        %dma_start3A_377 = arith.constant 0 : i32
        %dma_start3A_378 = tpu.memref_slice %arg11[%dma_start3A_376, %dma_start3A_377] : memref<10000x128xf32, #tpu.memory_space<vmem_shared>> -> memref<10000x128xf32, #tpu.memory_space<vmem_shared>>
        tpu.enqueue_indirect_dma source(%arg14 : memref<100x128xf32, #tpu.memory_space<vmem>>) target(%dma_start3A_378 : memref<10000x128xf32, #tpu.memory_space<vmem_shared>>) offsets(%dma_start3A_375 : memref<100xi32, #tpu.memory_space<vmem>>) semaphore(%run_scoped3A_372 : memref<!tpu.dma_semaphore, #tpu.memory_space<semaphore_mem>>) {add = true}
        %dma_wait3A_379 = arith.constant 0 : i32
        %dma_wait3A_380 = tpu.memref_slice %arg13[%add3A_323, %dma_wait3A_379] : memref<25x100xi32, #tpu.memory_space<vmem>> -> memref<1x100xi32, #tpu.memory_space<vmem>>
        %dma_wait3A_381 = tpu.memref_squeeze %dma_wait3A_380 : memref<1x100xi32, #tpu.memory_space<vmem>> -> memref<100xi32, #tpu.memory_space<vmem>>
        %dma_wait3A_382 = arith.constant 0 : i32
        %dma_wait3A_383 = arith.constant 0 : i32
        %dma_wait3A_384 = tpu.memref_slice %arg11[%dma_wait3A_382, %dma_wait3A_383] : memref<10000x128xf32, #tpu.memory_space<vmem_shared>> -> memref<10000x128xf32, #tpu.memory_space<vmem_shared>>
        tpu.wait_indirect_dma semaphore(%run_scoped3A_372 : memref<!tpu.dma_semaphore, #tpu.memory_space<semaphore_mem>>) src(%arg14 : memref<100x128xf32, #tpu.memory_space<vmem>>) dst(%dma_wait3A_384 : memref<10000x128xf32, #tpu.memory_space<vmem_shared>>)
        tpu.yield
      }) : () -> ()
      %add3A_330 = arith.constant 3 : i32
      %add3A_331 = arith.addi %add3A_323, %add3A_330 : i32
      %lt3A = arith.constant 25 : i32
      %lt3A_332 = arith.cmpi slt, %add3A_331, %lt3A : i32
      %add3A_333 = arith.constant 3 : i32
      %add3A_334 = arith.addi %add3A_323, %add3A_333 : i32
      %convert_element_type3A_335 = arith.extui %lt3A_332 : i1 to i32
      %cond3A_336 = arith.constant 0 : i32
      %cond3A_337 = arith.cmpi ne, %convert_element_type3A_335, %cond3A_336 : i32
      scf.if %cond3A_337 {
        %dma_start3A_372 = arith.constant 0 : i32
        %dma_start3A_373 = tpu.memref_slice %arg12[%add3A_334, %dma_start3A_372] : memref<25x100xi32, #tpu.memory_space<vmem>> -> memref<1x100xi32, #tpu.memory_space<vmem>>
        %dma_start3A_374 = tpu.memref_squeeze %dma_start3A_373 : memref<1x100xi32, #tpu.memory_space<vmem>> -> memref<100xi32, #tpu.memory_space<vmem>>
        %dma_start3A_375 = arith.constant 0 : i32
        %dma_start3A_376 = arith.constant 0 : i32
        %dma_start3A_377 = tpu.memref_slice %arg2[%dma_start3A_375, %dma_start3A_376] : memref<10000x128xf32, #tpu.memory_space<hbm>> -> memref<10000x128xf32, #tpu.memory_space<hbm>>
        tpu.enqueue_indirect_dma source(%dma_start3A_377 : memref<10000x128xf32, #tpu.memory_space<hbm>>) target(%arg14 : memref<100x128xf32, #tpu.memory_space<vmem>>) offsets(%dma_start3A_374 : memref<100xi32, #tpu.memory_space<vmem>>) semaphore(%arg17 : memref<!tpu.dma_semaphore, #tpu.memory_space<semaphore_mem>>)
      } else {
      }
      %add3A_338 = arith.constant 1 : i32
      %add3A_339 = arith.addi %mul3A_321, %add3A_338 : i32
      %dma_wait3A_340 = arith.constant 0 : i32
      %dma_wait3A_341 = tpu.memref_slice %arg12[%add3A_339, %dma_wait3A_340] : memref<25x100xi32, #tpu.memory_space<vmem>> -> memref<1x100xi32, #tpu.memory_space<vmem>>
      %dma_wait3A_342 = tpu.memref_squeeze %dma_wait3A_341 : memref<1x100xi32, #tpu.memory_space<vmem>> -> memref<100xi32, #tpu.memory_space<vmem>>
      %dma_wait3A_343 = arith.constant 0 : i32
      %dma_wait3A_344 = arith.constant 0 : i32
      %dma_wait3A_345 = tpu.memref_slice %arg2[%dma_wait3A_343, %dma_wait3A_344] : memref<10000x128xf32, #tpu.memory_space<hbm>> -> memref<10000x128xf32, #tpu.memory_space<hbm>>
      tpu.wait_indirect_dma semaphore(%arg18 : memref<!tpu.dma_semaphore, #tpu.memory_space<semaphore_mem>>) src(%dma_wait3A_345 : memref<10000x128xf32, #tpu.memory_space<hbm>>) dst(%arg15 : memref<100x128xf32, #tpu.memory_space<vmem>>)
      "tpu.region"() ({
        %run_scoped3A_372 = tpu.sem_alloc : memref<!tpu.dma_semaphore, #tpu.memory_space<semaphore_mem>>
        %dma_start3A_373 = arith.constant 0 : i32
        %dma_start3A_374 = tpu.memref_slice %arg13[%add3A_339, %dma_start3A_373] : memref<25x100xi32, #tpu.memory_space<vmem>> -> memref<1x100xi32, #tpu.memory_space<vmem>>
        %dma_start3A_375 = tpu.memref_squeeze %dma_start3A_374 : memref<1x100xi32, #tpu.memory_space<vmem>> -> memref<100xi32, #tpu.memory_space<vmem>>
        %dma_start3A_376 = arith.constant 0 : i32
        %dma_start3A_377 = arith.constant 0 : i32
        %dma_start3A_378 = tpu.memref_slice %arg11[%dma_start3A_376, %dma_start3A_377] : memref<10000x128xf32, #tpu.memory_space<vmem_shared>> -> memref<10000x128xf32, #tpu.memory_space<vmem_shared>>
        tpu.enqueue_indirect_dma source(%arg15 : memref<100x128xf32, #tpu.memory_space<vmem>>) target(%dma_start3A_378 : memref<10000x128xf32, #tpu.memory_space<vmem_shared>>) offsets(%dma_start3A_375 : memref<100xi32, #tpu.memory_space<vmem>>) semaphore(%run_scoped3A_372 : memref<!tpu.dma_semaphore, #tpu.memory_space<semaphore_mem>>) {add = true}
        %dma_wait3A_379 = arith.constant 0 : i32
        %dma_wait3A_380 = tpu.memref_slice %arg13[%add3A_339, %dma_wait3A_379] : memref<25x100xi32, #tpu.memory_space<vmem>> -> memref<1x100xi32, #tpu.memory_space<vmem>>
        %dma_wait3A_381 = tpu.memref_squeeze %dma_wait3A_380 : memref<1x100xi32, #tpu.memory_space<vmem>> -> memref<100xi32, #tpu.memory_space<vmem>>
        %dma_wait3A_382 = arith.constant 0 : i32
        %dma_wait3A_383 = arith.constant 0 : i32
        %dma_wait3A_384 = tpu.memref_slice %arg11[%dma_wait3A_382, %dma_wait3A_383] : memref<10000x128xf32, #tpu.memory_space<vmem_shared>> -> memref<10000x128xf32, #tpu.memory_space<vmem_shared>>
        tpu.wait_indirect_dma semaphore(%run_scoped3A_372 : memref<!tpu.dma_semaphore, #tpu.memory_space<semaphore_mem>>) src(%arg15 : memref<100x128xf32, #tpu.memory_space<vmem>>) dst(%dma_wait3A_384 : memref<10000x128xf32, #tpu.memory_space<vmem_shared>>)
        tpu.yield
      }) : () -> ()
      %add3A_346 = arith.constant 3 : i32
      %add3A_347 = arith.addi %add3A_339, %add3A_346 : i32
      %lt3A_348 = arith.constant 25 : i32
      %lt3A_349 = arith.cmpi slt, %add3A_347, %lt3A_348 : i32
      %add3A_350 = arith.constant 3 : i32
      %add3A_351 = arith.addi %add3A_339, %add3A_350 : i32
      %convert_element_type3A_352 = arith.extui %lt3A_349 : i1 to i32
      %cond3A_353 = arith.constant 0 : i32
      %cond3A_354 = arith.cmpi ne, %convert_element_type3A_352, %cond3A_353 : i32
      scf.if %cond3A_354 {
        %dma_start3A_372 = arith.constant 0 : i32
        %dma_start3A_373 = tpu.memref_slice %arg12[%add3A_351, %dma_start3A_372] : memref<25x100xi32, #tpu.memory_space<vmem>> -> memref<1x100xi32, #tpu.memory_space<vmem>>
        %dma_start3A_374 = tpu.memref_squeeze %dma_start3A_373 : memref<1x100xi32, #tpu.memory_space<vmem>> -> memref<100xi32, #tpu.memory_space<vmem>>
        %dma_start3A_375 = arith.constant 0 : i32
        %dma_start3A_376 = arith.constant 0 : i32
        %dma_start3A_377 = tpu.memref_slice %arg2[%dma_start3A_375, %dma_start3A_376] : memref<10000x128xf32, #tpu.memory_space<hbm>> -> memref<10000x128xf32, #tpu.memory_space<hbm>>
        tpu.enqueue_indirect_dma source(%dma_start3A_377 : memref<10000x128xf32, #tpu.memory_space<hbm>>) target(%arg15 : memref<100x128xf32, #tpu.memory_space<vmem>>) offsets(%dma_start3A_374 : memref<100xi32, #tpu.memory_space<vmem>>) semaphore(%arg18 : memref<!tpu.dma_semaphore, #tpu.memory_space<semaphore_mem>>)
      } else {
      }
      %add3A_355 = arith.constant 2 : i32
      %add3A_356 = arith.addi %mul3A_321, %add3A_355 : i32
      %dma_wait3A_357 = arith.constant 0 : i32
      %dma_wait3A_358 = tpu.memref_slice %arg12[%add3A_356, %dma_wait3A_357] : memref<25x100xi32, #tpu.memory_space<vmem>> -> memref<1x100xi32, #tpu.memory_space<vmem>>
      %dma_wait3A_359 = tpu.memref_squeeze %dma_wait3A_358 : memref<1x100xi32, #tpu.memory_space<vmem>> -> memref<100xi32, #tpu.memory_space<vmem>>
      %dma_wait3A_360 = arith.constant 0 : i32
      %dma_wait3A_361 = arith.constant 0 : i32
      %dma_wait3A_362 = tpu.memref_slice %arg2[%dma_wait3A_360, %dma_wait3A_361] : memref<10000x128xf32, #tpu.memory_space<hbm>> -> memref<10000x128xf32, #tpu.memory_space<hbm>>
      tpu.wait_indirect_dma semaphore(%arg19 : memref<!tpu.dma_semaphore, #tpu.memory_space<semaphore_mem>>) src(%dma_wait3A_362 : memref<10000x128xf32, #tpu.memory_space<hbm>>) dst(%arg16 : memref<100x128xf32, #tpu.memory_space<vmem>>)
      "tpu.region"() ({
        %run_scoped3A_372 = tpu.sem_alloc : memref<!tpu.dma_semaphore, #tpu.memory_space<semaphore_mem>>
        %dma_start3A_373 = arith.constant 0 : i32
        %dma_start3A_374 = tpu.memref_slice %arg13[%add3A_356, %dma_start3A_373] : memref<25x100xi32, #tpu.memory_space<vmem>> -> memref<1x100xi32, #tpu.memory_space<vmem>>
        %dma_start3A_375 = tpu.memref_squeeze %dma_start3A_374 : memref<1x100xi32, #tpu.memory_space<vmem>> -> memref<100xi32, #tpu.memory_space<vmem>>
        %dma_start3A_376 = arith.constant 0 : i32
        %dma_start3A_377 = arith.constant 0 : i32
        %dma_start3A_378 = tpu.memref_slice %arg11[%dma_start3A_376, %dma_start3A_377] : memref<10000x128xf32, #tpu.memory_space<vmem_shared>> -> memref<10000x128xf32, #tpu.memory_space<vmem_shared>>
        tpu.enqueue_indirect_dma source(%arg16 : memref<100x128xf32, #tpu.memory_space<vmem>>) target(%dma_start3A_378 : memref<10000x128xf32, #tpu.memory_space<vmem_shared>>) offsets(%dma_start3A_375 : memref<100xi32, #tpu.memory_space<vmem>>) semaphore(%run_scoped3A_372 : memref<!tpu.dma_semaphore, #tpu.memory_space<semaphore_mem>>) {add = true}
        %dma_wait3A_379 = arith.constant 0 : i32
        %dma_wait3A_380 = tpu.memref_slice %arg13[%add3A_356, %dma_wait3A_379] : memref<25x100xi32, #tpu.memory_space<vmem>> -> memref<1x100xi32, #tpu.memory_space<vmem>>
        %dma_wait3A_381 = tpu.memref_squeeze %dma_wait3A_380 : memref<1x100xi32, #tpu.memory_space<vmem>> -> memref<100xi32, #tpu.memory_space<vmem>>
        %dma_wait3A_382 = arith.constant 0 : i32
        %dma_wait3A_383 = arith.constant 0 : i32
        %dma_wait3A_384 = tpu.memref_slice %arg11[%dma_wait3A_382, %dma_wait3A_383] : memref<10000x128xf32, #tpu.memory_space<vmem_shared>> -> memref<10000x128xf32, #tpu.memory_space<vmem_shared>>
        tpu.wait_indirect_dma semaphore(%run_scoped3A_372 : memref<!tpu.dma_semaphore, #tpu.memory_space<semaphore_mem>>) src(%arg16 : memref<100x128xf32, #tpu.memory_space<vmem>>) dst(%dma_wait3A_384 : memref<10000x128xf32, #tpu.memory_space<vmem_shared>>)
        tpu.yield
      }) : () -> ()
      %add3A_363 = arith.constant 3 : i32
      %add3A_364 = arith.addi %add3A_356, %add3A_363 : i32
      %lt3A_365 = arith.constant 25 : i32
      %lt3A_366 = arith.cmpi slt, %add3A_364, %lt3A_365 : i32
      %add3A_367 = arith.constant 3 : i32
      %add3A_368 = arith.addi %add3A_356, %add3A_367 : i32
      %convert_element_type3A_369 = arith.extui %lt3A_366 : i1 to i32
      %cond3A_370 = arith.constant 0 : i32
      %cond3A_371 = arith.cmpi ne, %convert_element_type3A_369, %cond3A_370 : i32
      scf.if %cond3A_371 {
        %dma_start3A_372 = arith.constant 0 : i32
        %dma_start3A_373 = tpu.memref_slice %arg12[%add3A_368, %dma_start3A_372] : memref<25x100xi32, #tpu.memory_space<vmem>> -> memref<1x100xi32, #tpu.memory_space<vmem>>
        %dma_start3A_374 = tpu.memref_squeeze %dma_start3A_373 : memref<1x100xi32, #tpu.memory_space<vmem>> -> memref<100xi32, #tpu.memory_space<vmem>>
        %dma_start3A_375 = arith.constant 0 : i32
        %dma_start3A_376 = arith.constant 0 : i32
        %dma_start3A_377 = tpu.memref_slice %arg2[%dma_start3A_375, %dma_start3A_376] : memref<10000x128xf32, #tpu.memory_space<hbm>> -> memref<10000x128xf32, #tpu.memory_space<hbm>>
        tpu.enqueue_indirect_dma source(%dma_start3A_377 : memref<10000x128xf32, #tpu.memory_space<hbm>>) target(%arg16 : memref<100x128xf32, #tpu.memory_space<vmem>>) offsets(%dma_start3A_374 : memref<100xi32, #tpu.memory_space<vmem>>) semaphore(%arg19 : memref<!tpu.dma_semaphore, #tpu.memory_space<semaphore_mem>>)
      } else {
      }
    }
    %scan3A_66 = arith.constant 8 : i32
    %dma_wait3A_67 = arith.constant 24 : i32
    %dma_wait3A_68 = arith.constant 0 : i32
    %dma_wait3A_69 = tpu.memref_slice %arg12[%dma_wait3A_67, %dma_wait3A_68] : memref<25x100xi32, #tpu.memory_space<vmem>> -> memref<1x100xi32, #tpu.memory_space<vmem>>
    %dma_wait3A_70 = tpu.memref_squeeze %dma_wait3A_69 : memref<1x100xi32, #tpu.memory_space<vmem>> -> memref<100xi32, #tpu.memory_space<vmem>>
    %dma_wait3A_71 = arith.constant 0 : i32
    %dma_wait3A_72 = arith.constant 0 : i32
    %dma_wait3A_73 = tpu.memref_slice %arg2[%dma_wait3A_71, %dma_wait3A_72] : memref<10000x128xf32, #tpu.memory_space<hbm>> -> memref<10000x128xf32, #tpu.memory_space<hbm>>
    tpu.wait_indirect_dma semaphore(%arg17 : memref<!tpu.dma_semaphore, #tpu.memory_space<semaphore_mem>>) src(%dma_wait3A_73 : memref<10000x128xf32, #tpu.memory_space<hbm>>) dst(%arg14 : memref<100x128xf32, #tpu.memory_space<vmem>>)
    %run_scoped3A_74 = arith.constant 24 : i32
    "tpu.region"() ({
      %run_scoped3A_319 = tpu.sem_alloc : memref<!tpu.dma_semaphore, #tpu.memory_space<semaphore_mem>>
      %dma_start3A_320 = arith.constant 0 : i32
      %dma_start3A_321 = tpu.memref_slice %arg13[%run_scoped3A_74, %dma_start3A_320] : memref<25x100xi32, #tpu.memory_space<vmem>> -> memref<1x100xi32, #tpu.memory_space<vmem>>
      %dma_start3A_322 = tpu.memref_squeeze %dma_start3A_321 : memref<1x100xi32, #tpu.memory_space<vmem>> -> memref<100xi32, #tpu.memory_space<vmem>>
      %dma_start3A_323 = arith.constant 0 : i32
      %dma_start3A_324 = arith.constant 0 : i32
      %dma_start3A_325 = tpu.memref_slice %arg11[%dma_start3A_323, %dma_start3A_324] : memref<10000x128xf32, #tpu.memory_space<vmem_shared>> -> memref<10000x128xf32, #tpu.memory_space<vmem_shared>>
      tpu.enqueue_indirect_dma source(%arg14 : memref<100x128xf32, #tpu.memory_space<vmem>>) target(%dma_start3A_325 : memref<10000x128xf32, #tpu.memory_space<vmem_shared>>) offsets(%dma_start3A_322 : memref<100xi32, #tpu.memory_space<vmem>>) semaphore(%run_scoped3A_319 : memref<!tpu.dma_semaphore, #tpu.memory_space<semaphore_mem>>) {add = true}
      %dma_wait3A_326 = arith.constant 0 : i32
      %dma_wait3A_327 = tpu.memref_slice %arg13[%run_scoped3A_74, %dma_wait3A_326] : memref<25x100xi32, #tpu.memory_space<vmem>> -> memref<1x100xi32, #tpu.memory_space<vmem>>
      %dma_wait3A_328 = tpu.memref_squeeze %dma_wait3A_327 : memref<1x100xi32, #tpu.memory_space<vmem>> -> memref<100xi32, #tpu.memory_space<vmem>>
      %dma_wait3A_329 = arith.constant 0 : i32
      %dma_wait3A_330 = arith.constant 0 : i32
      %dma_wait3A_331 = tpu.memref_slice %arg11[%dma_wait3A_329, %dma_wait3A_330] : memref<10000x128xf32, #tpu.memory_space<vmem_shared>> -> memref<10000x128xf32, #tpu.memory_space<vmem_shared>>
      tpu.wait_indirect_dma semaphore(%run_scoped3A_319 : memref<!tpu.dma_semaphore, #tpu.memory_space<semaphore_mem>>) src(%arg14 : memref<100x128xf32, #tpu.memory_space<vmem>>) dst(%dma_wait3A_331 : memref<10000x128xf32, #tpu.memory_space<vmem_shared>>)
      tpu.yield
    }) : () -> ()
    %run_scoped3A_75 = arith.constant 2 : i32
    "tpu.region"() ({
      %run_scoped3A_319 = tpu.sem_alloc : memref<!tpu.dma_semaphore, #tpu.memory_space<semaphore_mem>>
      %dma_start3A_320 = arith.constant 0 : i32
      %dma_start3A_321 = arith.constant 0 : i32
      %dma_start3A_322 = tpu.memref_slice %arg4[%add3A, %run_scoped3A_75, %dma_start3A_320, %dma_start3A_321] : memref<32x4x25x100xi32, #tpu.memory_space<hbm>> -> memref<1x1x25x100xi32, #tpu.memory_space<hbm>>
      %dma_start3A_323 = tpu.memref_squeeze %dma_start3A_322 : memref<1x1x25x100xi32, #tpu.memory_space<hbm>> -> memref<25x100xi32, #tpu.memory_space<hbm>>
      %dma_start3A_324 = arith.constant 0 : i32
      %dma_start3A_325 = arith.constant 0 : i32
      %dma_start3A_326 = tpu.memref_slice %arg4[%add3A, %run_scoped3A_75, %dma_start3A_324, %dma_start3A_325] : memref<32x4x25x100xi32, #tpu.memory_space<hbm>> -> memref<1x1x25x100xi32, #tpu.memory_space<hbm>>
      %dma_start3A_327 = tpu.memref_squeeze %dma_start3A_326 : memref<1x1x25x100xi32, #tpu.memory_space<hbm>> -> memref<25x100xi32, #tpu.memory_space<hbm>>
      tpu.enqueue_dma source(%dma_start3A_327 : memref<25x100xi32, #tpu.memory_space<hbm>>) target(%arg12 : memref<25x100xi32, #tpu.memory_space<vmem>>) target_semaphore(%run_scoped3A_319 : memref<!tpu.dma_semaphore, #tpu.memory_space<semaphore_mem>>)
      %dma_wait3A_328 = arith.constant 0 : i32
      %dma_wait3A_329 = arith.constant 0 : i32
      %dma_wait3A_330 = tpu.memref_slice %arg4[%add3A, %run_scoped3A_75, %dma_wait3A_328, %dma_wait3A_329] : memref<32x4x25x100xi32, #tpu.memory_space<hbm>> -> memref<1x1x25x100xi32, #tpu.memory_space<hbm>>
      %dma_wait3A_331 = tpu.memref_squeeze %dma_wait3A_330 : memref<1x1x25x100xi32, #tpu.memory_space<hbm>> -> memref<25x100xi32, #tpu.memory_space<hbm>>
      %dma_wait3A_332 = arith.constant 0 : i32
      %dma_wait3A_333 = arith.constant 0 : i32
      %dma_wait3A_334 = tpu.memref_slice %arg4[%add3A, %run_scoped3A_75, %dma_wait3A_332, %dma_wait3A_333] : memref<32x4x25x100xi32, #tpu.memory_space<hbm>> -> memref<1x1x25x100xi32, #tpu.memory_space<hbm>>
      %dma_wait3A_335 = tpu.memref_squeeze %dma_wait3A_334 : memref<1x1x25x100xi32, #tpu.memory_space<hbm>> -> memref<25x100xi32, #tpu.memory_space<hbm>>
      tpu.wait_dma2 semaphore(%run_scoped3A_319 : memref<!tpu.dma_semaphore, #tpu.memory_space<semaphore_mem>>) src(%dma_wait3A_335 : memref<25x100xi32, #tpu.memory_space<hbm>>) dst(%arg12 : memref<25x100xi32, #tpu.memory_space<vmem>>)
      tpu.yield
    }) : () -> ()
    %run_scoped3A_76 = arith.constant 2 : i32
    "tpu.region"() ({
      %run_scoped3A_319 = tpu.sem_alloc : memref<!tpu.dma_semaphore, #tpu.memory_space<semaphore_mem>>
      %dma_start3A_320 = arith.constant 0 : i32
      %dma_start3A_321 = arith.constant 0 : i32
      %dma_start3A_322 = tpu.memref_slice %arg5[%add3A, %run_scoped3A_76, %dma_start3A_320, %dma_start3A_321] : memref<32x4x25x100xi32, #tpu.memory_space<hbm>> -> memref<1x1x25x100xi32, #tpu.memory_space<hbm>>
      %dma_start3A_323 = tpu.memref_squeeze %dma_start3A_322 : memref<1x1x25x100xi32, #tpu.memory_space<hbm>> -> memref<25x100xi32, #tpu.memory_space<hbm>>
      %dma_start3A_324 = arith.constant 0 : i32
      %dma_start3A_325 = arith.constant 0 : i32
      %dma_start3A_326 = tpu.memref_slice %arg5[%add3A, %run_scoped3A_76, %dma_start3A_324, %dma_start3A_325] : memref<32x4x25x100xi32, #tpu.memory_space<hbm>> -> memref<1x1x25x100xi32, #tpu.memory_space<hbm>>
      %dma_start3A_327 = tpu.memref_squeeze %dma_start3A_326 : memref<1x1x25x100xi32, #tpu.memory_space<hbm>> -> memref<25x100xi32, #tpu.memory_space<hbm>>
      tpu.enqueue_dma source(%dma_start3A_327 : memref<25x100xi32, #tpu.memory_space<hbm>>) target(%arg13 : memref<25x100xi32, #tpu.memory_space<vmem>>) target_semaphore(%run_scoped3A_319 : memref<!tpu.dma_semaphore, #tpu.memory_space<semaphore_mem>>)
      %dma_wait3A_328 = arith.constant 0 : i32
      %dma_wait3A_329 = arith.constant 0 : i32
      %dma_wait3A_330 = tpu.memref_slice %arg5[%add3A, %run_scoped3A_76, %dma_wait3A_328, %dma_wait3A_329] : memref<32x4x25x100xi32, #tpu.memory_space<hbm>> -> memref<1x1x25x100xi32, #tpu.memory_space<hbm>>
      %dma_wait3A_331 = tpu.memref_squeeze %dma_wait3A_330 : memref<1x1x25x100xi32, #tpu.memory_space<hbm>> -> memref<25x100xi32, #tpu.memory_space<hbm>>
      %dma_wait3A_332 = arith.constant 0 : i32
      %dma_wait3A_333 = arith.constant 0 : i32
      %dma_wait3A_334 = tpu.memref_slice %arg5[%add3A, %run_scoped3A_76, %dma_wait3A_332, %dma_wait3A_333] : memref<32x4x25x100xi32, #tpu.memory_space<hbm>> -> memref<1x1x25x100xi32, #tpu.memory_space<hbm>>
      %dma_wait3A_335 = tpu.memref_squeeze %dma_wait3A_334 : memref<1x1x25x100xi32, #tpu.memory_space<hbm>> -> memref<25x100xi32, #tpu.memory_space<hbm>>
      tpu.wait_dma2 semaphore(%run_scoped3A_319 : memref<!tpu.dma_semaphore, #tpu.memory_space<semaphore_mem>>) src(%dma_wait3A_335 : memref<25x100xi32, #tpu.memory_space<hbm>>) dst(%arg13 : memref<25x100xi32, #tpu.memory_space<vmem>>)
      tpu.yield
    }) : () -> ()
    %dma_start3A_77 = arith.constant 0 : i32
    %dma_start3A_78 = arith.constant 0 : i32
    %dma_start3A_79 = tpu.memref_slice %arg12[%dma_start3A_77, %dma_start3A_78] : memref<25x100xi32, #tpu.memory_space<vmem>> -> memref<1x100xi32, #tpu.memory_space<vmem>>
    %dma_start3A_80 = tpu.memref_squeeze %dma_start3A_79 : memref<1x100xi32, #tpu.memory_space<vmem>> -> memref<100xi32, #tpu.memory_space<vmem>>
    %dma_start3A_81 = arith.constant 0 : i32
    %dma_start3A_82 = arith.constant 0 : i32
    %dma_start3A_83 = tpu.memref_slice %arg2[%dma_start3A_81, %dma_start3A_82] : memref<10000x128xf32, #tpu.memory_space<hbm>> -> memref<10000x128xf32, #tpu.memory_space<hbm>>
    tpu.enqueue_indirect_dma source(%dma_start3A_83 : memref<10000x128xf32, #tpu.memory_space<hbm>>) target(%arg14 : memref<100x128xf32, #tpu.memory_space<vmem>>) offsets(%dma_start3A_80 : memref<100xi32, #tpu.memory_space<vmem>>) semaphore(%arg17 : memref<!tpu.dma_semaphore, #tpu.memory_space<semaphore_mem>>)
    %dma_start3A_84 = arith.constant 1 : i32
    %dma_start3A_85 = arith.constant 0 : i32
    %dma_start3A_86 = tpu.memref_slice %arg12[%dma_start3A_84, %dma_start3A_85] : memref<25x100xi32, #tpu.memory_space<vmem>> -> memref<1x100xi32, #tpu.memory_space<vmem>>
    %dma_start3A_87 = tpu.memref_squeeze %dma_start3A_86 : memref<1x100xi32, #tpu.memory_space<vmem>> -> memref<100xi32, #tpu.memory_space<vmem>>
    %dma_start3A_88 = arith.constant 0 : i32
    %dma_start3A_89 = arith.constant 0 : i32
    %dma_start3A_90 = tpu.memref_slice %arg2[%dma_start3A_88, %dma_start3A_89] : memref<10000x128xf32, #tpu.memory_space<hbm>> -> memref<10000x128xf32, #tpu.memory_space<hbm>>
    tpu.enqueue_indirect_dma source(%dma_start3A_90 : memref<10000x128xf32, #tpu.memory_space<hbm>>) target(%arg15 : memref<100x128xf32, #tpu.memory_space<vmem>>) offsets(%dma_start3A_87 : memref<100xi32, #tpu.memory_space<vmem>>) semaphore(%arg18 : memref<!tpu.dma_semaphore, #tpu.memory_space<semaphore_mem>>)
    %dma_start3A_91 = arith.constant 2 : i32
    %dma_start3A_92 = arith.constant 0 : i32
    %dma_start3A_93 = tpu.memref_slice %arg12[%dma_start3A_91, %dma_start3A_92] : memref<25x100xi32, #tpu.memory_space<vmem>> -> memref<1x100xi32, #tpu.memory_space<vmem>>
    %dma_start3A_94 = tpu.memref_squeeze %dma_start3A_93 : memref<1x100xi32, #tpu.memory_space<vmem>> -> memref<100xi32, #tpu.memory_space<vmem>>
    %dma_start3A_95 = arith.constant 0 : i32
    %dma_start3A_96 = arith.constant 0 : i32
    %dma_start3A_97 = tpu.memref_slice %arg2[%dma_start3A_95, %dma_start3A_96] : memref<10000x128xf32, #tpu.memory_space<hbm>> -> memref<10000x128xf32, #tpu.memory_space<hbm>>
    tpu.enqueue_indirect_dma source(%dma_start3A_97 : memref<10000x128xf32, #tpu.memory_space<hbm>>) target(%arg16 : memref<100x128xf32, #tpu.memory_space<vmem>>) offsets(%dma_start3A_94 : memref<100xi32, #tpu.memory_space<vmem>>) semaphore(%arg19 : memref<!tpu.dma_semaphore, #tpu.memory_space<semaphore_mem>>)
    %scan3A_98 = arith.constant 0 : i32
    %scan3A_99 = arith.constant 8 : i32
    %scan3A_100 = arith.addi %scan3A_98, %scan3A_99 : i32
    %scan3A_101 = arith.constant 1 : i32
    scf.for %scan3A_319 = %scan3A_98 to %scan3A_100 step %scan3A_101  : i32 {
      %mul3A_320 = arith.constant 3 : i32
      %mul3A_321 = arith.muli %scan3A_319, %mul3A_320 : i32
      %add3A_322 = arith.constant 0 : i32
      %add3A_323 = arith.addi %mul3A_321, %add3A_322 : i32
      %dma_wait3A_324 = arith.constant 0 : i32
      %dma_wait3A_325 = tpu.memref_slice %arg12[%add3A_323, %dma_wait3A_324] : memref<25x100xi32, #tpu.memory_space<vmem>> -> memref<1x100xi32, #tpu.memory_space<vmem>>
      %dma_wait3A_326 = tpu.memref_squeeze %dma_wait3A_325 : memref<1x100xi32, #tpu.memory_space<vmem>> -> memref<100xi32, #tpu.memory_space<vmem>>
      %dma_wait3A_327 = arith.constant 0 : i32
      %dma_wait3A_328 = arith.constant 0 : i32
      %dma_wait3A_329 = tpu.memref_slice %arg2[%dma_wait3A_327, %dma_wait3A_328] : memref<10000x128xf32, #tpu.memory_space<hbm>> -> memref<10000x128xf32, #tpu.memory_space<hbm>>
      tpu.wait_indirect_dma semaphore(%arg17 : memref<!tpu.dma_semaphore, #tpu.memory_space<semaphore_mem>>) src(%dma_wait3A_329 : memref<10000x128xf32, #tpu.memory_space<hbm>>) dst(%arg14 : memref<100x128xf32, #tpu.memory_space<vmem>>)
      "tpu.region"() ({
        %run_scoped3A_372 = tpu.sem_alloc : memref<!tpu.dma_semaphore, #tpu.memory_space<semaphore_mem>>
        %dma_start3A_373 = arith.constant 0 : i32
        %dma_start3A_374 = tpu.memref_slice %arg13[%add3A_323, %dma_start3A_373] : memref<25x100xi32, #tpu.memory_space<vmem>> -> memref<1x100xi32, #tpu.memory_space<vmem>>
        %dma_start3A_375 = tpu.memref_squeeze %dma_start3A_374 : memref<1x100xi32, #tpu.memory_space<vmem>> -> memref<100xi32, #tpu.memory_space<vmem>>
        %dma_start3A_376 = arith.constant 0 : i32
        %dma_start3A_377 = arith.constant 0 : i32
        %dma_start3A_378 = tpu.memref_slice %arg11[%dma_start3A_376, %dma_start3A_377] : memref<10000x128xf32, #tpu.memory_space<vmem_shared>> -> memref<10000x128xf32, #tpu.memory_space<vmem_shared>>
        tpu.enqueue_indirect_dma source(%arg14 : memref<100x128xf32, #tpu.memory_space<vmem>>) target(%dma_start3A_378 : memref<10000x128xf32, #tpu.memory_space<vmem_shared>>) offsets(%dma_start3A_375 : memref<100xi32, #tpu.memory_space<vmem>>) semaphore(%run_scoped3A_372 : memref<!tpu.dma_semaphore, #tpu.memory_space<semaphore_mem>>) {add = true}
        %dma_wait3A_379 = arith.constant 0 : i32
        %dma_wait3A_380 = tpu.memref_slice %arg13[%add3A_323, %dma_wait3A_379] : memref<25x100xi32, #tpu.memory_space<vmem>> -> memref<1x100xi32, #tpu.memory_space<vmem>>
        %dma_wait3A_381 = tpu.memref_squeeze %dma_wait3A_380 : memref<1x100xi32, #tpu.memory_space<vmem>> -> memref<100xi32, #tpu.memory_space<vmem>>
        %dma_wait3A_382 = arith.constant 0 : i32
        %dma_wait3A_383 = arith.constant 0 : i32
        %dma_wait3A_384 = tpu.memref_slice %arg11[%dma_wait3A_382, %dma_wait3A_383] : memref<10000x128xf32, #tpu.memory_space<vmem_shared>> -> memref<10000x128xf32, #tpu.memory_space<vmem_shared>>
        tpu.wait_indirect_dma semaphore(%run_scoped3A_372 : memref<!tpu.dma_semaphore, #tpu.memory_space<semaphore_mem>>) src(%arg14 : memref<100x128xf32, #tpu.memory_space<vmem>>) dst(%dma_wait3A_384 : memref<10000x128xf32, #tpu.memory_space<vmem_shared>>)
        tpu.yield
      }) : () -> ()
      %add3A_330 = arith.constant 3 : i32
      %add3A_331 = arith.addi %add3A_323, %add3A_330 : i32
      %lt3A = arith.constant 25 : i32
      %lt3A_332 = arith.cmpi slt, %add3A_331, %lt3A : i32
      %add3A_333 = arith.constant 3 : i32
      %add3A_334 = arith.addi %add3A_323, %add3A_333 : i32
      %convert_element_type3A_335 = arith.extui %lt3A_332 : i1 to i32
      %cond3A_336 = arith.constant 0 : i32
      %cond3A_337 = arith.cmpi ne, %convert_element_type3A_335, %cond3A_336 : i32
      scf.if %cond3A_337 {
        %dma_start3A_372 = arith.constant 0 : i32
        %dma_start3A_373 = tpu.memref_slice %arg12[%add3A_334, %dma_start3A_372] : memref<25x100xi32, #tpu.memory_space<vmem>> -> memref<1x100xi32, #tpu.memory_space<vmem>>
        %dma_start3A_374 = tpu.memref_squeeze %dma_start3A_373 : memref<1x100xi32, #tpu.memory_space<vmem>> -> memref<100xi32, #tpu.memory_space<vmem>>
        %dma_start3A_375 = arith.constant 0 : i32
        %dma_start3A_376 = arith.constant 0 : i32
        %dma_start3A_377 = tpu.memref_slice %arg2[%dma_start3A_375, %dma_start3A_376] : memref<10000x128xf32, #tpu.memory_space<hbm>> -> memref<10000x128xf32, #tpu.memory_space<hbm>>
        tpu.enqueue_indirect_dma source(%dma_start3A_377 : memref<10000x128xf32, #tpu.memory_space<hbm>>) target(%arg14 : memref<100x128xf32, #tpu.memory_space<vmem>>) offsets(%dma_start3A_374 : memref<100xi32, #tpu.memory_space<vmem>>) semaphore(%arg17 : memref<!tpu.dma_semaphore, #tpu.memory_space<semaphore_mem>>)
      } else {
      }
      %add3A_338 = arith.constant 1 : i32
      %add3A_339 = arith.addi %mul3A_321, %add3A_338 : i32
      %dma_wait3A_340 = arith.constant 0 : i32
      %dma_wait3A_341 = tpu.memref_slice %arg12[%add3A_339, %dma_wait3A_340] : memref<25x100xi32, #tpu.memory_space<vmem>> -> memref<1x100xi32, #tpu.memory_space<vmem>>
      %dma_wait3A_342 = tpu.memref_squeeze %dma_wait3A_341 : memref<1x100xi32, #tpu.memory_space<vmem>> -> memref<100xi32, #tpu.memory_space<vmem>>
      %dma_wait3A_343 = arith.constant 0 : i32
      %dma_wait3A_344 = arith.constant 0 : i32
      %dma_wait3A_345 = tpu.memref_slice %arg2[%dma_wait3A_343, %dma_wait3A_344] : memref<10000x128xf32, #tpu.memory_space<hbm>> -> memref<10000x128xf32, #tpu.memory_space<hbm>>
      tpu.wait_indirect_dma semaphore(%arg18 : memref<!tpu.dma_semaphore, #tpu.memory_space<semaphore_mem>>) src(%dma_wait3A_345 : memref<10000x128xf32, #tpu.memory_space<hbm>>) dst(%arg15 : memref<100x128xf32, #tpu.memory_space<vmem>>)
      "tpu.region"() ({
        %run_scoped3A_372 = tpu.sem_alloc : memref<!tpu.dma_semaphore, #tpu.memory_space<semaphore_mem>>
        %dma_start3A_373 = arith.constant 0 : i32
        %dma_start3A_374 = tpu.memref_slice %arg13[%add3A_339, %dma_start3A_373] : memref<25x100xi32, #tpu.memory_space<vmem>> -> memref<1x100xi32, #tpu.memory_space<vmem>>
        %dma_start3A_375 = tpu.memref_squeeze %dma_start3A_374 : memref<1x100xi32, #tpu.memory_space<vmem>> -> memref<100xi32, #tpu.memory_space<vmem>>
        %dma_start3A_376 = arith.constant 0 : i32
        %dma_start3A_377 = arith.constant 0 : i32
        %dma_start3A_378 = tpu.memref_slice %arg11[%dma_start3A_376, %dma_start3A_377] : memref<10000x128xf32, #tpu.memory_space<vmem_shared>> -> memref<10000x128xf32, #tpu.memory_space<vmem_shared>>
        tpu.enqueue_indirect_dma source(%arg15 : memref<100x128xf32, #tpu.memory_space<vmem>>) target(%dma_start3A_378 : memref<10000x128xf32, #tpu.memory_space<vmem_shared>>) offsets(%dma_start3A_375 : memref<100xi32, #tpu.memory_space<vmem>>) semaphore(%run_scoped3A_372 : memref<!tpu.dma_semaphore, #tpu.memory_space<semaphore_mem>>) {add = true}
        %dma_wait3A_379 = arith.constant 0 : i32
        %dma_wait3A_380 = tpu.memref_slice %arg13[%add3A_339, %dma_wait3A_379] : memref<25x100xi32, #tpu.memory_space<vmem>> -> memref<1x100xi32, #tpu.memory_space<vmem>>
        %dma_wait3A_381 = tpu.memref_squeeze %dma_wait3A_380 : memref<1x100xi32, #tpu.memory_space<vmem>> -> memref<100xi32, #tpu.memory_space<vmem>>
        %dma_wait3A_382 = arith.constant 0 : i32
        %dma_wait3A_383 = arith.constant 0 : i32
        %dma_wait3A_384 = tpu.memref_slice %arg11[%dma_wait3A_382, %dma_wait3A_383] : memref<10000x128xf32, #tpu.memory_space<vmem_shared>> -> memref<10000x128xf32, #tpu.memory_space<vmem_shared>>
        tpu.wait_indirect_dma semaphore(%run_scoped3A_372 : memref<!tpu.dma_semaphore, #tpu.memory_space<semaphore_mem>>) src(%arg15 : memref<100x128xf32, #tpu.memory_space<vmem>>) dst(%dma_wait3A_384 : memref<10000x128xf32, #tpu.memory_space<vmem_shared>>)
        tpu.yield
      }) : () -> ()
      %add3A_346 = arith.constant 3 : i32
      %add3A_347 = arith.addi %add3A_339, %add3A_346 : i32
      %lt3A_348 = arith.constant 25 : i32
      %lt3A_349 = arith.cmpi slt, %add3A_347, %lt3A_348 : i32
      %add3A_350 = arith.constant 3 : i32
      %add3A_351 = arith.addi %add3A_339, %add3A_350 : i32
      %convert_element_type3A_352 = arith.extui %lt3A_349 : i1 to i32
      %cond3A_353 = arith.constant 0 : i32
      %cond3A_354 = arith.cmpi ne, %convert_element_type3A_352, %cond3A_353 : i32
      scf.if %cond3A_354 {
        %dma_start3A_372 = arith.constant 0 : i32
        %dma_start3A_373 = tpu.memref_slice %arg12[%add3A_351, %dma_start3A_372] : memref<25x100xi32, #tpu.memory_space<vmem>> -> memref<1x100xi32, #tpu.memory_space<vmem>>
        %dma_start3A_374 = tpu.memref_squeeze %dma_start3A_373 : memref<1x100xi32, #tpu.memory_space<vmem>> -> memref<100xi32, #tpu.memory_space<vmem>>
        %dma_start3A_375 = arith.constant 0 : i32
        %dma_start3A_376 = arith.constant 0 : i32
        %dma_start3A_377 = tpu.memref_slice %arg2[%dma_start3A_375, %dma_start3A_376] : memref<10000x128xf32, #tpu.memory_space<hbm>> -> memref<10000x128xf32, #tpu.memory_space<hbm>>
        tpu.enqueue_indirect_dma source(%dma_start3A_377 : memref<10000x128xf32, #tpu.memory_space<hbm>>) target(%arg15 : memref<100x128xf32, #tpu.memory_space<vmem>>) offsets(%dma_start3A_374 : memref<100xi32, #tpu.memory_space<vmem>>) semaphore(%arg18 : memref<!tpu.dma_semaphore, #tpu.memory_space<semaphore_mem>>)
      } else {
      }
      %add3A_355 = arith.constant 2 : i32
      %add3A_356 = arith.addi %mul3A_321, %add3A_355 : i32
      %dma_wait3A_357 = arith.constant 0 : i32
      %dma_wait3A_358 = tpu.memref_slice %arg12[%add3A_356, %dma_wait3A_357] : memref<25x100xi32, #tpu.memory_space<vmem>> -> memref<1x100xi32, #tpu.memory_space<vmem>>
      %dma_wait3A_359 = tpu.memref_squeeze %dma_wait3A_358 : memref<1x100xi32, #tpu.memory_space<vmem>> -> memref<100xi32, #tpu.memory_space<vmem>>
      %dma_wait3A_360 = arith.constant 0 : i32
      %dma_wait3A_361 = arith.constant 0 : i32
      %dma_wait3A_362 = tpu.memref_slice %arg2[%dma_wait3A_360, %dma_wait3A_361] : memref<10000x128xf32, #tpu.memory_space<hbm>> -> memref<10000x128xf32, #tpu.memory_space<hbm>>
      tpu.wait_indirect_dma semaphore(%arg19 : memref<!tpu.dma_semaphore, #tpu.memory_space<semaphore_mem>>) src(%dma_wait3A_362 : memref<10000x128xf32, #tpu.memory_space<hbm>>) dst(%arg16 : memref<100x128xf32, #tpu.memory_space<vmem>>)
      "tpu.region"() ({
        %run_scoped3A_372 = tpu.sem_alloc : memref<!tpu.dma_semaphore, #tpu.memory_space<semaphore_mem>>
        %dma_start3A_373 = arith.constant 0 : i32
        %dma_start3A_374 = tpu.memref_slice %arg13[%add3A_356, %dma_start3A_373] : memref<25x100xi32, #tpu.memory_space<vmem>> -> memref<1x100xi32, #tpu.memory_space<vmem>>
        %dma_start3A_375 = tpu.memref_squeeze %dma_start3A_374 : memref<1x100xi32, #tpu.memory_space<vmem>> -> memref<100xi32, #tpu.memory_space<vmem>>
        %dma_start3A_376 = arith.constant 0 : i32
        %dma_start3A_377 = arith.constant 0 : i32
        %dma_start3A_378 = tpu.memref_slice %arg11[%dma_start3A_376, %dma_start3A_377] : memref<10000x128xf32, #tpu.memory_space<vmem_shared>> -> memref<10000x128xf32, #tpu.memory_space<vmem_shared>>
        tpu.enqueue_indirect_dma source(%arg16 : memref<100x128xf32, #tpu.memory_space<vmem>>) target(%dma_start3A_378 : memref<10000x128xf32, #tpu.memory_space<vmem_shared>>) offsets(%dma_start3A_375 : memref<100xi32, #tpu.memory_space<vmem>>) semaphore(%run_scoped3A_372 : memref<!tpu.dma_semaphore, #tpu.memory_space<semaphore_mem>>) {add = true}
        %dma_wait3A_379 = arith.constant 0 : i32
        %dma_wait3A_380 = tpu.memref_slice %arg13[%add3A_356, %dma_wait3A_379] : memref<25x100xi32, #tpu.memory_space<vmem>> -> memref<1x100xi32, #tpu.memory_space<vmem>>
        %dma_wait3A_381 = tpu.memref_squeeze %dma_wait3A_380 : memref<1x100xi32, #tpu.memory_space<vmem>> -> memref<100xi32, #tpu.memory_space<vmem>>
        %dma_wait3A_382 = arith.constant 0 : i32
        %dma_wait3A_383 = arith.constant 0 : i32
        %dma_wait3A_384 = tpu.memref_slice %arg11[%dma_wait3A_382, %dma_wait3A_383] : memref<10000x128xf32, #tpu.memory_space<vmem_shared>> -> memref<10000x128xf32, #tpu.memory_space<vmem_shared>>
        tpu.wait_indirect_dma semaphore(%run_scoped3A_372 : memref<!tpu.dma_semaphore, #tpu.memory_space<semaphore_mem>>) src(%arg16 : memref<100x128xf32, #tpu.memory_space<vmem>>) dst(%dma_wait3A_384 : memref<10000x128xf32, #tpu.memory_space<vmem_shared>>)
        tpu.yield
      }) : () -> ()
      %add3A_363 = arith.constant 3 : i32
      %add3A_364 = arith.addi %add3A_356, %add3A_363 : i32
      %lt3A_365 = arith.constant 25 : i32
      %lt3A_366 = arith.cmpi slt, %add3A_364, %lt3A_365 : i32
      %add3A_367 = arith.constant 3 : i32
      %add3A_368 = arith.addi %add3A_356, %add3A_367 : i32
      %convert_element_type3A_369 = arith.extui %lt3A_366 : i1 to i32
      %cond3A_370 = arith.constant 0 : i32
      %cond3A_371 = arith.cmpi ne, %convert_element_type3A_369, %cond3A_370 : i32
      scf.if %cond3A_371 {
        %dma_start3A_372 = arith.constant 0 : i32
        %dma_start3A_373 = tpu.memref_slice %arg12[%add3A_368, %dma_start3A_372] : memref<25x100xi32, #tpu.memory_space<vmem>> -> memref<1x100xi32, #tpu.memory_space<vmem>>
        %dma_start3A_374 = tpu.memref_squeeze %dma_start3A_373 : memref<1x100xi32, #tpu.memory_space<vmem>> -> memref<100xi32, #tpu.memory_space<vmem>>
        %dma_start3A_375 = arith.constant 0 : i32
        %dma_start3A_376 = arith.constant 0 : i32
        %dma_start3A_377 = tpu.memref_slice %arg2[%dma_start3A_375, %dma_start3A_376] : memref<10000x128xf32, #tpu.memory_space<hbm>> -> memref<10000x128xf32, #tpu.memory_space<hbm>>
        tpu.enqueue_indirect_dma source(%dma_start3A_377 : memref<10000x128xf32, #tpu.memory_space<hbm>>) target(%arg16 : memref<100x128xf32, #tpu.memory_space<vmem>>) offsets(%dma_start3A_374 : memref<100xi32, #tpu.memory_space<vmem>>) semaphore(%arg19 : memref<!tpu.dma_semaphore, #tpu.memory_space<semaphore_mem>>)
      } else {
      }
    }
    %scan3A_102 = arith.constant 8 : i32
    %dma_wait3A_103 = arith.constant 24 : i32
    %dma_wait3A_104 = arith.constant 0 : i32
    %dma_wait3A_105 = tpu.memref_slice %arg12[%dma_wait3A_103, %dma_wait3A_104] : memref<25x100xi32, #tpu.memory_space<vmem>> -> memref<1x100xi32, #tpu.memory_space<vmem>>
    %dma_wait3A_106 = tpu.memref_squeeze %dma_wait3A_105 : memref<1x100xi32, #tpu.memory_space<vmem>> -> memref<100xi32, #tpu.memory_space<vmem>>
    %dma_wait3A_107 = arith.constant 0 : i32
    %dma_wait3A_108 = arith.constant 0 : i32
    %dma_wait3A_109 = tpu.memref_slice %arg2[%dma_wait3A_107, %dma_wait3A_108] : memref<10000x128xf32, #tpu.memory_space<hbm>> -> memref<10000x128xf32, #tpu.memory_space<hbm>>
    tpu.wait_indirect_dma semaphore(%arg17 : memref<!tpu.dma_semaphore, #tpu.memory_space<semaphore_mem>>) src(%dma_wait3A_109 : memref<10000x128xf32, #tpu.memory_space<hbm>>) dst(%arg14 : memref<100x128xf32, #tpu.memory_space<vmem>>)
    %run_scoped3A_110 = arith.constant 24 : i32
    "tpu.region"() ({
      %run_scoped3A_319 = tpu.sem_alloc : memref<!tpu.dma_semaphore, #tpu.memory_space<semaphore_mem>>
      %dma_start3A_320 = arith.constant 0 : i32
      %dma_start3A_321 = tpu.memref_slice %arg13[%run_scoped3A_110, %dma_start3A_320] : memref<25x100xi32, #tpu.memory_space<vmem>> -> memref<1x100xi32, #tpu.memory_space<vmem>>
      %dma_start3A_322 = tpu.memref_squeeze %dma_start3A_321 : memref<1x100xi32, #tpu.memory_space<vmem>> -> memref<100xi32, #tpu.memory_space<vmem>>
      %dma_start3A_323 = arith.constant 0 : i32
      %dma_start3A_324 = arith.constant 0 : i32
      %dma_start3A_325 = tpu.memref_slice %arg11[%dma_start3A_323, %dma_start3A_324] : memref<10000x128xf32, #tpu.memory_space<vmem_shared>> -> memref<10000x128xf32, #tpu.memory_space<vmem_shared>>
      tpu.enqueue_indirect_dma source(%arg14 : memref<100x128xf32, #tpu.memory_space<vmem>>) target(%dma_start3A_325 : memref<10000x128xf32, #tpu.memory_space<vmem_shared>>) offsets(%dma_start3A_322 : memref<100xi32, #tpu.memory_space<vmem>>) semaphore(%run_scoped3A_319 : memref<!tpu.dma_semaphore, #tpu.memory_space<semaphore_mem>>) {add = true}
      %dma_wait3A_326 = arith.constant 0 : i32
      %dma_wait3A_327 = tpu.memref_slice %arg13[%run_scoped3A_110, %dma_wait3A_326] : memref<25x100xi32, #tpu.memory_space<vmem>> -> memref<1x100xi32, #tpu.memory_space<vmem>>
      %dma_wait3A_328 = tpu.memref_squeeze %dma_wait3A_327 : memref<1x100xi32, #tpu.memory_space<vmem>> -> memref<100xi32, #tpu.memory_space<vmem>>
      %dma_wait3A_329 = arith.constant 0 : i32
      %dma_wait3A_330 = arith.constant 0 : i32
      %dma_wait3A_331 = tpu.memref_slice %arg11[%dma_wait3A_329, %dma_wait3A_330] : memref<10000x128xf32, #tpu.memory_space<vmem_shared>> -> memref<10000x128xf32, #tpu.memory_space<vmem_shared>>
      tpu.wait_indirect_dma semaphore(%run_scoped3A_319 : memref<!tpu.dma_semaphore, #tpu.memory_space<semaphore_mem>>) src(%arg14 : memref<100x128xf32, #tpu.memory_space<vmem>>) dst(%dma_wait3A_331 : memref<10000x128xf32, #tpu.memory_space<vmem_shared>>)
      tpu.yield
    }) : () -> ()
    %run_scoped3A_111 = arith.constant 3 : i32
    "tpu.region"() ({
      %run_scoped3A_319 = tpu.sem_alloc : memref<!tpu.dma_semaphore, #tpu.memory_space<semaphore_mem>>
      %dma_start3A_320 = arith.constant 0 : i32
      %dma_start3A_321 = arith.constant 0 : i32
      %dma_start3A_322 = tpu.memref_slice %arg4[%add3A, %run_scoped3A_111, %dma_start3A_320, %dma_start3A_321] : memref<32x4x25x100xi32, #tpu.memory_space<hbm>> -> memref<1x1x25x100xi32, #tpu.memory_space<hbm>>
      %dma_start3A_323 = tpu.memref_squeeze %dma_start3A_322 : memref<1x1x25x100xi32, #tpu.memory_space<hbm>> -> memref<25x100xi32, #tpu.memory_space<hbm>>
      %dma_start3A_324 = arith.constant 0 : i32
      %dma_start3A_325 = arith.constant 0 : i32
      %dma_start3A_326 = tpu.memref_slice %arg4[%add3A, %run_scoped3A_111, %dma_start3A_324, %dma_start3A_325] : memref<32x4x25x100xi32, #tpu.memory_space<hbm>> -> memref<1x1x25x100xi32, #tpu.memory_space<hbm>>
      %dma_start3A_327 = tpu.memref_squeeze %dma_start3A_326 : memref<1x1x25x100xi32, #tpu.memory_space<hbm>> -> memref<25x100xi32, #tpu.memory_space<hbm>>
      tpu.enqueue_dma source(%dma_start3A_327 : memref<25x100xi32, #tpu.memory_space<hbm>>) target(%arg12 : memref<25x100xi32, #tpu.memory_space<vmem>>) target_semaphore(%run_scoped3A_319 : memref<!tpu.dma_semaphore, #tpu.memory_space<semaphore_mem>>)
      %dma_wait3A_328 = arith.constant 0 : i32
      %dma_wait3A_329 = arith.constant 0 : i32
      %dma_wait3A_330 = tpu.memref_slice %arg4[%add3A, %run_scoped3A_111, %dma_wait3A_328, %dma_wait3A_329] : memref<32x4x25x100xi32, #tpu.memory_space<hbm>> -> memref<1x1x25x100xi32, #tpu.memory_space<hbm>>
      %dma_wait3A_331 = tpu.memref_squeeze %dma_wait3A_330 : memref<1x1x25x100xi32, #tpu.memory_space<hbm>> -> memref<25x100xi32, #tpu.memory_space<hbm>>
      %dma_wait3A_332 = arith.constant 0 : i32
      %dma_wait3A_333 = arith.constant 0 : i32
      %dma_wait3A_334 = tpu.memref_slice %arg4[%add3A, %run_scoped3A_111, %dma_wait3A_332, %dma_wait3A_333] : memref<32x4x25x100xi32, #tpu.memory_space<hbm>> -> memref<1x1x25x100xi32, #tpu.memory_space<hbm>>
      %dma_wait3A_335 = tpu.memref_squeeze %dma_wait3A_334 : memref<1x1x25x100xi32, #tpu.memory_space<hbm>> -> memref<25x100xi32, #tpu.memory_space<hbm>>
      tpu.wait_dma2 semaphore(%run_scoped3A_319 : memref<!tpu.dma_semaphore, #tpu.memory_space<semaphore_mem>>) src(%dma_wait3A_335 : memref<25x100xi32, #tpu.memory_space<hbm>>) dst(%arg12 : memref<25x100xi32, #tpu.memory_space<vmem>>)
      tpu.yield
    }) : () -> ()
    %run_scoped3A_112 = arith.constant 3 : i32
    "tpu.region"() ({
      %run_scoped3A_319 = tpu.sem_alloc : memref<!tpu.dma_semaphore, #tpu.memory_space<semaphore_mem>>
      %dma_start3A_320 = arith.constant 0 : i32
      %dma_start3A_321 = arith.constant 0 : i32
      %dma_start3A_322 = tpu.memref_slice %arg5[%add3A, %run_scoped3A_112, %dma_start3A_320, %dma_start3A_321] : memref<32x4x25x100xi32, #tpu.memory_space<hbm>> -> memref<1x1x25x100xi32, #tpu.memory_space<hbm>>
      %dma_start3A_323 = tpu.memref_squeeze %dma_start3A_322 : memref<1x1x25x100xi32, #tpu.memory_space<hbm>> -> memref<25x100xi32, #tpu.memory_space<hbm>>
      %dma_start3A_324 = arith.constant 0 : i32
      %dma_start3A_325 = arith.constant 0 : i32
      %dma_start3A_326 = tpu.memref_slice %arg5[%add3A, %run_scoped3A_112, %dma_start3A_324, %dma_start3A_325] : memref<32x4x25x100xi32, #tpu.memory_space<hbm>> -> memref<1x1x25x100xi32, #tpu.memory_space<hbm>>
      %dma_start3A_327 = tpu.memref_squeeze %dma_start3A_326 : memref<1x1x25x100xi32, #tpu.memory_space<hbm>> -> memref<25x100xi32, #tpu.memory_space<hbm>>
      tpu.enqueue_dma source(%dma_start3A_327 : memref<25x100xi32, #tpu.memory_space<hbm>>) target(%arg13 : memref<25x100xi32, #tpu.memory_space<vmem>>) target_semaphore(%run_scoped3A_319 : memref<!tpu.dma_semaphore, #tpu.memory_space<semaphore_mem>>)
      %dma_wait3A_328 = arith.constant 0 : i32
      %dma_wait3A_329 = arith.constant 0 : i32
      %dma_wait3A_330 = tpu.memref_slice %arg5[%add3A, %run_scoped3A_112, %dma_wait3A_328, %dma_wait3A_329] : memref<32x4x25x100xi32, #tpu.memory_space<hbm>> -> memref<1x1x25x100xi32, #tpu.memory_space<hbm>>
      %dma_wait3A_331 = tpu.memref_squeeze %dma_wait3A_330 : memref<1x1x25x100xi32, #tpu.memory_space<hbm>> -> memref<25x100xi32, #tpu.memory_space<hbm>>
      %dma_wait3A_332 = arith.constant 0 : i32
      %dma_wait3A_333 = arith.constant 0 : i32
      %dma_wait3A_334 = tpu.memref_slice %arg5[%add3A, %run_scoped3A_112, %dma_wait3A_332, %dma_wait3A_333] : memref<32x4x25x100xi32, #tpu.memory_space<hbm>> -> memref<1x1x25x100xi32, #tpu.memory_space<hbm>>
      %dma_wait3A_335 = tpu.memref_squeeze %dma_wait3A_334 : memref<1x1x25x100xi32, #tpu.memory_space<hbm>> -> memref<25x100xi32, #tpu.memory_space<hbm>>
      tpu.wait_dma2 semaphore(%run_scoped3A_319 : memref<!tpu.dma_semaphore, #tpu.memory_space<semaphore_mem>>) src(%dma_wait3A_335 : memref<25x100xi32, #tpu.memory_space<hbm>>) dst(%arg13 : memref<25x100xi32, #tpu.memory_space<vmem>>)
      tpu.yield
    }) : () -> ()
    %dma_start3A_113 = arith.constant 0 : i32
    %dma_start3A_114 = arith.constant 0 : i32
    %dma_start3A_115 = tpu.memref_slice %arg12[%dma_start3A_113, %dma_start3A_114] : memref<25x100xi32, #tpu.memory_space<vmem>> -> memref<1x100xi32, #tpu.memory_space<vmem>>
    %dma_start3A_116 = tpu.memref_squeeze %dma_start3A_115 : memref<1x100xi32, #tpu.memory_space<vmem>> -> memref<100xi32, #tpu.memory_space<vmem>>
    %dma_start3A_117 = arith.constant 0 : i32
    %dma_start3A_118 = arith.constant 0 : i32
    %dma_start3A_119 = tpu.memref_slice %arg2[%dma_start3A_117, %dma_start3A_118] : memref<10000x128xf32, #tpu.memory_space<hbm>> -> memref<10000x128xf32, #tpu.memory_space<hbm>>
    tpu.enqueue_indirect_dma source(%dma_start3A_119 : memref<10000x128xf32, #tpu.memory_space<hbm>>) target(%arg14 : memref<100x128xf32, #tpu.memory_space<vmem>>) offsets(%dma_start3A_116 : memref<100xi32, #tpu.memory_space<vmem>>) semaphore(%arg17 : memref<!tpu.dma_semaphore, #tpu.memory_space<semaphore_mem>>)
    %dma_start3A_120 = arith.constant 1 : i32
    %dma_start3A_121 = arith.constant 0 : i32
    %dma_start3A_122 = tpu.memref_slice %arg12[%dma_start3A_120, %dma_start3A_121] : memref<25x100xi32, #tpu.memory_space<vmem>> -> memref<1x100xi32, #tpu.memory_space<vmem>>
    %dma_start3A_123 = tpu.memref_squeeze %dma_start3A_122 : memref<1x100xi32, #tpu.memory_space<vmem>> -> memref<100xi32, #tpu.memory_space<vmem>>
    %dma_start3A_124 = arith.constant 0 : i32
    %dma_start3A_125 = arith.constant 0 : i32
    %dma_start3A_126 = tpu.memref_slice %arg2[%dma_start3A_124, %dma_start3A_125] : memref<10000x128xf32, #tpu.memory_space<hbm>> -> memref<10000x128xf32, #tpu.memory_space<hbm>>
    tpu.enqueue_indirect_dma source(%dma_start3A_126 : memref<10000x128xf32, #tpu.memory_space<hbm>>) target(%arg15 : memref<100x128xf32, #tpu.memory_space<vmem>>) offsets(%dma_start3A_123 : memref<100xi32, #tpu.memory_space<vmem>>) semaphore(%arg18 : memref<!tpu.dma_semaphore, #tpu.memory_space<semaphore_mem>>)
    %dma_start3A_127 = arith.constant 2 : i32
    %dma_start3A_128 = arith.constant 0 : i32
    %dma_start3A_129 = tpu.memref_slice %arg12[%dma_start3A_127, %dma_start3A_128] : memref<25x100xi32, #tpu.memory_space<vmem>> -> memref<1x100xi32, #tpu.memory_space<vmem>>
    %dma_start3A_130 = tpu.memref_squeeze %dma_start3A_129 : memref<1x100xi32, #tpu.memory_space<vmem>> -> memref<100xi32, #tpu.memory_space<vmem>>
    %dma_start3A_131 = arith.constant 0 : i32
    %dma_start3A_132 = arith.constant 0 : i32
    %dma_start3A_133 = tpu.memref_slice %arg2[%dma_start3A_131, %dma_start3A_132] : memref<10000x128xf32, #tpu.memory_space<hbm>> -> memref<10000x128xf32, #tpu.memory_space<hbm>>
    tpu.enqueue_indirect_dma source(%dma_start3A_133 : memref<10000x128xf32, #tpu.memory_space<hbm>>) target(%arg16 : memref<100x128xf32, #tpu.memory_space<vmem>>) offsets(%dma_start3A_130 : memref<100xi32, #tpu.memory_space<vmem>>) semaphore(%arg19 : memref<!tpu.dma_semaphore, #tpu.memory_space<semaphore_mem>>)
    %scan3A_134 = arith.constant 0 : i32
    %scan3A_135 = arith.constant 8 : i32
    %scan3A_136 = arith.addi %scan3A_134, %scan3A_135 : i32
    %scan3A_137 = arith.constant 1 : i32
    scf.for %scan3A_319 = %scan3A_134 to %scan3A_136 step %scan3A_137  : i32 {
      %mul3A_320 = arith.constant 3 : i32
      %mul3A_321 = arith.muli %scan3A_319, %mul3A_320 : i32
      %add3A_322 = arith.constant 0 : i32
      %add3A_323 = arith.addi %mul3A_321, %add3A_322 : i32
      %dma_wait3A_324 = arith.constant 0 : i32
      %dma_wait3A_325 = tpu.memref_slice %arg12[%add3A_323, %dma_wait3A_324] : memref<25x100xi32, #tpu.memory_space<vmem>> -> memref<1x100xi32, #tpu.memory_space<vmem>>
      %dma_wait3A_326 = tpu.memref_squeeze %dma_wait3A_325 : memref<1x100xi32, #tpu.memory_space<vmem>> -> memref<100xi32, #tpu.memory_space<vmem>>
      %dma_wait3A_327 = arith.constant 0 : i32
      %dma_wait3A_328 = arith.constant 0 : i32
      %dma_wait3A_329 = tpu.memref_slice %arg2[%dma_wait3A_327, %dma_wait3A_328] : memref<10000x128xf32, #tpu.memory_space<hbm>> -> memref<10000x128xf32, #tpu.memory_space<hbm>>
      tpu.wait_indirect_dma semaphore(%arg17 : memref<!tpu.dma_semaphore, #tpu.memory_space<semaphore_mem>>) src(%dma_wait3A_329 : memref<10000x128xf32, #tpu.memory_space<hbm>>) dst(%arg14 : memref<100x128xf32, #tpu.memory_space<vmem>>)
      "tpu.region"() ({
        %run_scoped3A_372 = tpu.sem_alloc : memref<!tpu.dma_semaphore, #tpu.memory_space<semaphore_mem>>
        %dma_start3A_373 = arith.constant 0 : i32
        %dma_start3A_374 = tpu.memref_slice %arg13[%add3A_323, %dma_start3A_373] : memref<25x100xi32, #tpu.memory_space<vmem>> -> memref<1x100xi32, #tpu.memory_space<vmem>>
        %dma_start3A_375 = tpu.memref_squeeze %dma_start3A_374 : memref<1x100xi32, #tpu.memory_space<vmem>> -> memref<100xi32, #tpu.memory_space<vmem>>
        %dma_start3A_376 = arith.constant 0 : i32
        %dma_start3A_377 = arith.constant 0 : i32
        %dma_start3A_378 = tpu.memref_slice %arg11[%dma_start3A_376, %dma_start3A_377] : memref<10000x128xf32, #tpu.memory_space<vmem_shared>> -> memref<10000x128xf32, #tpu.memory_space<vmem_shared>>
        tpu.enqueue_indirect_dma source(%arg14 : memref<100x128xf32, #tpu.memory_space<vmem>>) target(%dma_start3A_378 : memref<10000x128xf32, #tpu.memory_space<vmem_shared>>) offsets(%dma_start3A_375 : memref<100xi32, #tpu.memory_space<vmem>>) semaphore(%run_scoped3A_372 : memref<!tpu.dma_semaphore, #tpu.memory_space<semaphore_mem>>) {add = true}
        %dma_wait3A_379 = arith.constant 0 : i32
        %dma_wait3A_380 = tpu.memref_slice %arg13[%add3A_323, %dma_wait3A_379] : memref<25x100xi32, #tpu.memory_space<vmem>> -> memref<1x100xi32, #tpu.memory_space<vmem>>
        %dma_wait3A_381 = tpu.memref_squeeze %dma_wait3A_380 : memref<1x100xi32, #tpu.memory_space<vmem>> -> memref<100xi32, #tpu.memory_space<vmem>>
        %dma_wait3A_382 = arith.constant 0 : i32
        %dma_wait3A_383 = arith.constant 0 : i32
        %dma_wait3A_384 = tpu.memref_slice %arg11[%dma_wait3A_382, %dma_wait3A_383] : memref<10000x128xf32, #tpu.memory_space<vmem_shared>> -> memref<10000x128xf32, #tpu.memory_space<vmem_shared>>
        tpu.wait_indirect_dma semaphore(%run_scoped3A_372 : memref<!tpu.dma_semaphore, #tpu.memory_space<semaphore_mem>>) src(%arg14 : memref<100x128xf32, #tpu.memory_space<vmem>>) dst(%dma_wait3A_384 : memref<10000x128xf32, #tpu.memory_space<vmem_shared>>)
        tpu.yield
      }) : () -> ()
      %add3A_330 = arith.constant 3 : i32
      %add3A_331 = arith.addi %add3A_323, %add3A_330 : i32
      %lt3A = arith.constant 25 : i32
      %lt3A_332 = arith.cmpi slt, %add3A_331, %lt3A : i32
      %add3A_333 = arith.constant 3 : i32
      %add3A_334 = arith.addi %add3A_323, %add3A_333 : i32
      %convert_element_type3A_335 = arith.extui %lt3A_332 : i1 to i32
      %cond3A_336 = arith.constant 0 : i32
      %cond3A_337 = arith.cmpi ne, %convert_element_type3A_335, %cond3A_336 : i32
      scf.if %cond3A_337 {
        %dma_start3A_372 = arith.constant 0 : i32
        %dma_start3A_373 = tpu.memref_slice %arg12[%add3A_334, %dma_start3A_372] : memref<25x100xi32, #tpu.memory_space<vmem>> -> memref<1x100xi32, #tpu.memory_space<vmem>>
        %dma_start3A_374 = tpu.memref_squeeze %dma_start3A_373 : memref<1x100xi32, #tpu.memory_space<vmem>> -> memref<100xi32, #tpu.memory_space<vmem>>
        %dma_start3A_375 = arith.constant 0 : i32
        %dma_start3A_376 = arith.constant 0 : i32
        %dma_start3A_377 = tpu.memref_slice %arg2[%dma_start3A_375, %dma_start3A_376] : memref<10000x128xf32, #tpu.memory_space<hbm>> -> memref<10000x128xf32, #tpu.memory_space<hbm>>
        tpu.enqueue_indirect_dma source(%dma_start3A_377 : memref<10000x128xf32, #tpu.memory_space<hbm>>) target(%arg14 : memref<100x128xf32, #tpu.memory_space<vmem>>) offsets(%dma_start3A_374 : memref<100xi32, #tpu.memory_space<vmem>>) semaphore(%arg17 : memref<!tpu.dma_semaphore, #tpu.memory_space<semaphore_mem>>)
      } else {
      }
      %add3A_338 = arith.constant 1 : i32
      %add3A_339 = arith.addi %mul3A_321, %add3A_338 : i32
      %dma_wait3A_340 = arith.constant 0 : i32
      %dma_wait3A_341 = tpu.memref_slice %arg12[%add3A_339, %dma_wait3A_340] : memref<25x100xi32, #tpu.memory_space<vmem>> -> memref<1x100xi32, #tpu.memory_space<vmem>>
      %dma_wait3A_342 = tpu.memref_squeeze %dma_wait3A_341 : memref<1x100xi32, #tpu.memory_space<vmem>> -> memref<100xi32, #tpu.memory_space<vmem>>
      %dma_wait3A_343 = arith.constant 0 : i32
      %dma_wait3A_344 = arith.constant 0 : i32
      %dma_wait3A_345 = tpu.memref_slice %arg2[%dma_wait3A_343, %dma_wait3A_344] : memref<10000x128xf32, #tpu.memory_space<hbm>> -> memref<10000x128xf32, #tpu.memory_space<hbm>>
      tpu.wait_indirect_dma semaphore(%arg18 : memref<!tpu.dma_semaphore, #tpu.memory_space<semaphore_mem>>) src(%dma_wait3A_345 : memref<10000x128xf32, #tpu.memory_space<hbm>>) dst(%arg15 : memref<100x128xf32, #tpu.memory_space<vmem>>)
      "tpu.region"() ({
        %run_scoped3A_372 = tpu.sem_alloc : memref<!tpu.dma_semaphore, #tpu.memory_space<semaphore_mem>>
        %dma_start3A_373 = arith.constant 0 : i32
        %dma_start3A_374 = tpu.memref_slice %arg13[%add3A_339, %dma_start3A_373] : memref<25x100xi32, #tpu.memory_space<vmem>> -> memref<1x100xi32, #tpu.memory_space<vmem>>
        %dma_start3A_375 = tpu.memref_squeeze %dma_start3A_374 : memref<1x100xi32, #tpu.memory_space<vmem>> -> memref<100xi32, #tpu.memory_space<vmem>>
        %dma_start3A_376 = arith.constant 0 : i32
        %dma_start3A_377 = arith.constant 0 : i32
        %dma_start3A_378 = tpu.memref_slice %arg11[%dma_start3A_376, %dma_start3A_377] : memref<10000x128xf32, #tpu.memory_space<vmem_shared>> -> memref<10000x128xf32, #tpu.memory_space<vmem_shared>>
        tpu.enqueue_indirect_dma source(%arg15 : memref<100x128xf32, #tpu.memory_space<vmem>>) target(%dma_start3A_378 : memref<10000x128xf32, #tpu.memory_space<vmem_shared>>) offsets(%dma_start3A_375 : memref<100xi32, #tpu.memory_space<vmem>>) semaphore(%run_scoped3A_372 : memref<!tpu.dma_semaphore, #tpu.memory_space<semaphore_mem>>) {add = true}
        %dma_wait3A_379 = arith.constant 0 : i32
        %dma_wait3A_380 = tpu.memref_slice %arg13[%add3A_339, %dma_wait3A_379] : memref<25x100xi32, #tpu.memory_space<vmem>> -> memref<1x100xi32, #tpu.memory_space<vmem>>
        %dma_wait3A_381 = tpu.memref_squeeze %dma_wait3A_380 : memref<1x100xi32, #tpu.memory_space<vmem>> -> memref<100xi32, #tpu.memory_space<vmem>>
        %dma_wait3A_382 = arith.constant 0 : i32
        %dma_wait3A_383 = arith.constant 0 : i32
        %dma_wait3A_384 = tpu.memref_slice %arg11[%dma_wait3A_382, %dma_wait3A_383] : memref<10000x128xf32, #tpu.memory_space<vmem_shared>> -> memref<10000x128xf32, #tpu.memory_space<vmem_shared>>
        tpu.wait_indirect_dma semaphore(%run_scoped3A_372 : memref<!tpu.dma_semaphore, #tpu.memory_space<semaphore_mem>>) src(%arg15 : memref<100x128xf32, #tpu.memory_space<vmem>>) dst(%dma_wait3A_384 : memref<10000x128xf32, #tpu.memory_space<vmem_shared>>)
        tpu.yield
      }) : () -> ()
      %add3A_346 = arith.constant 3 : i32
      %add3A_347 = arith.addi %add3A_339, %add3A_346 : i32
      %lt3A_348 = arith.constant 25 : i32
      %lt3A_349 = arith.cmpi slt, %add3A_347, %lt3A_348 : i32
      %add3A_350 = arith.constant 3 : i32
      %add3A_351 = arith.addi %add3A_339, %add3A_350 : i32
      %convert_element_type3A_352 = arith.extui %lt3A_349 : i1 to i32
      %cond3A_353 = arith.constant 0 : i32
      %cond3A_354 = arith.cmpi ne, %convert_element_type3A_352, %cond3A_353 : i32
      scf.if %cond3A_354 {
        %dma_start3A_372 = arith.constant 0 : i32
        %dma_start3A_373 = tpu.memref_slice %arg12[%add3A_351, %dma_start3A_372] : memref<25x100xi32, #tpu.memory_space<vmem>> -> memref<1x100xi32, #tpu.memory_space<vmem>>
        %dma_start3A_374 = tpu.memref_squeeze %dma_start3A_373 : memref<1x100xi32, #tpu.memory_space<vmem>> -> memref<100xi32, #tpu.memory_space<vmem>>
        %dma_start3A_375 = arith.constant 0 : i32
        %dma_start3A_376 = arith.constant 0 : i32
        %dma_start3A_377 = tpu.memref_slice %arg2[%dma_start3A_375, %dma_start3A_376] : memref<10000x128xf32, #tpu.memory_space<hbm>> -> memref<10000x128xf32, #tpu.memory_space<hbm>>
        tpu.enqueue_indirect_dma source(%dma_start3A_377 : memref<10000x128xf32, #tpu.memory_space<hbm>>) target(%arg15 : memref<100x128xf32, #tpu.memory_space<vmem>>) offsets(%dma_start3A_374 : memref<100xi32, #tpu.memory_space<vmem>>) semaphore(%arg18 : memref<!tpu.dma_semaphore, #tpu.memory_space<semaphore_mem>>)
      } else {
      }
      %add3A_355 = arith.constant 2 : i32
      %add3A_356 = arith.addi %mul3A_321, %add3A_355 : i32
      %dma_wait3A_357 = arith.constant 0 : i32
      %dma_wait3A_358 = tpu.memref_slice %arg12[%add3A_356, %dma_wait3A_357] : memref<25x100xi32, #tpu.memory_space<vmem>> -> memref<1x100xi32, #tpu.memory_space<vmem>>
      %dma_wait3A_359 = tpu.memref_squeeze %dma_wait3A_358 : memref<1x100xi32, #tpu.memory_space<vmem>> -> memref<100xi32, #tpu.memory_space<vmem>>
      %dma_wait3A_360 = arith.constant 0 : i32
      %dma_wait3A_361 = arith.constant 0 : i32
      %dma_wait3A_362 = tpu.memref_slice %arg2[%dma_wait3A_360, %dma_wait3A_361] : memref<10000x128xf32, #tpu.memory_space<hbm>> -> memref<10000x128xf32, #tpu.memory_space<hbm>>
      tpu.wait_indirect_dma semaphore(%arg19 : memref<!tpu.dma_semaphore, #tpu.memory_space<semaphore_mem>>) src(%dma_wait3A_362 : memref<10000x128xf32, #tpu.memory_space<hbm>>) dst(%arg16 : memref<100x128xf32, #tpu.memory_space<vmem>>)
      "tpu.region"() ({
        %run_scoped3A_372 = tpu.sem_alloc : memref<!tpu.dma_semaphore, #tpu.memory_space<semaphore_mem>>
        %dma_start3A_373 = arith.constant 0 : i32
        %dma_start3A_374 = tpu.memref_slice %arg13[%add3A_356, %dma_start3A_373] : memref<25x100xi32, #tpu.memory_space<vmem>> -> memref<1x100xi32, #tpu.memory_space<vmem>>
        %dma_start3A_375 = tpu.memref_squeeze %dma_start3A_374 : memref<1x100xi32, #tpu.memory_space<vmem>> -> memref<100xi32, #tpu.memory_space<vmem>>
        %dma_start3A_376 = arith.constant 0 : i32
        %dma_start3A_377 = arith.constant 0 : i32
        %dma_start3A_378 = tpu.memref_slice %arg11[%dma_start3A_376, %dma_start3A_377] : memref<10000x128xf32, #tpu.memory_space<vmem_shared>> -> memref<10000x128xf32, #tpu.memory_space<vmem_shared>>
        tpu.enqueue_indirect_dma source(%arg16 : memref<100x128xf32, #tpu.memory_space<vmem>>) target(%dma_start3A_378 : memref<10000x128xf32, #tpu.memory_space<vmem_shared>>) offsets(%dma_start3A_375 : memref<100xi32, #tpu.memory_space<vmem>>) semaphore(%run_scoped3A_372 : memref<!tpu.dma_semaphore, #tpu.memory_space<semaphore_mem>>) {add = true}
        %dma_wait3A_379 = arith.constant 0 : i32
        %dma_wait3A_380 = tpu.memref_slice %arg13[%add3A_356, %dma_wait3A_379] : memref<25x100xi32, #tpu.memory_space<vmem>> -> memref<1x100xi32, #tpu.memory_space<vmem>>
        %dma_wait3A_381 = tpu.memref_squeeze %dma_wait3A_380 : memref<1x100xi32, #tpu.memory_space<vmem>> -> memref<100xi32, #tpu.memory_space<vmem>>
        %dma_wait3A_382 = arith.constant 0 : i32
        %dma_wait3A_383 = arith.constant 0 : i32
        %dma_wait3A_384 = tpu.memref_slice %arg11[%dma_wait3A_382, %dma_wait3A_383] : memref<10000x128xf32, #tpu.memory_space<vmem_shared>> -> memref<10000x128xf32, #tpu.memory_space<vmem_shared>>
        tpu.wait_indirect_dma semaphore(%run_scoped3A_372 : memref<!tpu.dma_semaphore, #tpu.memory_space<semaphore_mem>>) src(%arg16 : memref<100x128xf32, #tpu.memory_space<vmem>>) dst(%dma_wait3A_384 : memref<10000x128xf32, #tpu.memory_space<vmem_shared>>)
        tpu.yield
      }) : () -> ()
      %add3A_363 = arith.constant 3 : i32
      %add3A_364 = arith.addi %add3A_356, %add3A_363 : i32
      %lt3A_365 = arith.constant 25 : i32
      %lt3A_366 = arith.cmpi slt, %add3A_364, %lt3A_365 : i32
      %add3A_367 = arith.constant 3 : i32
      %add3A_368 = arith.addi %add3A_356, %add3A_367 : i32
      %convert_element_type3A_369 = arith.extui %lt3A_366 : i1 to i32
      %cond3A_370 = arith.constant 0 : i32
      %cond3A_371 = arith.cmpi ne, %convert_element_type3A_369, %cond3A_370 : i32
      scf.if %cond3A_371 {
        %dma_start3A_372 = arith.constant 0 : i32
        %dma_start3A_373 = tpu.memref_slice %arg12[%add3A_368, %dma_start3A_372] : memref<25x100xi32, #tpu.memory_space<vmem>> -> memref<1x100xi32, #tpu.memory_space<vmem>>
        %dma_start3A_374 = tpu.memref_squeeze %dma_start3A_373 : memref<1x100xi32, #tpu.memory_space<vmem>> -> memref<100xi32, #tpu.memory_space<vmem>>
        %dma_start3A_375 = arith.constant 0 : i32
        %dma_start3A_376 = arith.constant 0 : i32
        %dma_start3A_377 = tpu.memref_slice %arg2[%dma_start3A_375, %dma_start3A_376] : memref<10000x128xf32, #tpu.memory_space<hbm>> -> memref<10000x128xf32, #tpu.memory_space<hbm>>
        tpu.enqueue_indirect_dma source(%dma_start3A_377 : memref<10000x128xf32, #tpu.memory_space<hbm>>) target(%arg16 : memref<100x128xf32, #tpu.memory_space<vmem>>) offsets(%dma_start3A_374 : memref<100xi32, #tpu.memory_space<vmem>>) semaphore(%arg19 : memref<!tpu.dma_semaphore, #tpu.memory_space<semaphore_mem>>)
      } else {
      }
    }
    %scan3A_138 = arith.constant 8 : i32
    %dma_wait3A_139 = arith.constant 24 : i32
    %dma_wait3A_140 = arith.constant 0 : i32
    %dma_wait3A_141 = tpu.memref_slice %arg12[%dma_wait3A_139, %dma_wait3A_140] : memref<25x100xi32, #tpu.memory_space<vmem>> -> memref<1x100xi32, #tpu.memory_space<vmem>>
    %dma_wait3A_142 = tpu.memref_squeeze %dma_wait3A_141 : memref<1x100xi32, #tpu.memory_space<vmem>> -> memref<100xi32, #tpu.memory_space<vmem>>
    %dma_wait3A_143 = arith.constant 0 : i32
    %dma_wait3A_144 = arith.constant 0 : i32
    %dma_wait3A_145 = tpu.memref_slice %arg2[%dma_wait3A_143, %dma_wait3A_144] : memref<10000x128xf32, #tpu.memory_space<hbm>> -> memref<10000x128xf32, #tpu.memory_space<hbm>>
    tpu.wait_indirect_dma semaphore(%arg17 : memref<!tpu.dma_semaphore, #tpu.memory_space<semaphore_mem>>) src(%dma_wait3A_145 : memref<10000x128xf32, #tpu.memory_space<hbm>>) dst(%arg14 : memref<100x128xf32, #tpu.memory_space<vmem>>)
    %run_scoped3A_146 = arith.constant 24 : i32
    "tpu.region"() ({
      %run_scoped3A_319 = tpu.sem_alloc : memref<!tpu.dma_semaphore, #tpu.memory_space<semaphore_mem>>
      %dma_start3A_320 = arith.constant 0 : i32
      %dma_start3A_321 = tpu.memref_slice %arg13[%run_scoped3A_146, %dma_start3A_320] : memref<25x100xi32, #tpu.memory_space<vmem>> -> memref<1x100xi32, #tpu.memory_space<vmem>>
      %dma_start3A_322 = tpu.memref_squeeze %dma_start3A_321 : memref<1x100xi32, #tpu.memory_space<vmem>> -> memref<100xi32, #tpu.memory_space<vmem>>
      %dma_start3A_323 = arith.constant 0 : i32
      %dma_start3A_324 = arith.constant 0 : i32
      %dma_start3A_325 = tpu.memref_slice %arg11[%dma_start3A_323, %dma_start3A_324] : memref<10000x128xf32, #tpu.memory_space<vmem_shared>> -> memref<10000x128xf32, #tpu.memory_space<vmem_shared>>
      tpu.enqueue_indirect_dma source(%arg14 : memref<100x128xf32, #tpu.memory_space<vmem>>) target(%dma_start3A_325 : memref<10000x128xf32, #tpu.memory_space<vmem_shared>>) offsets(%dma_start3A_322 : memref<100xi32, #tpu.memory_space<vmem>>) semaphore(%run_scoped3A_319 : memref<!tpu.dma_semaphore, #tpu.memory_space<semaphore_mem>>) {add = true}
      %dma_wait3A_326 = arith.constant 0 : i32
      %dma_wait3A_327 = tpu.memref_slice %arg13[%run_scoped3A_146, %dma_wait3A_326] : memref<25x100xi32, #tpu.memory_space<vmem>> -> memref<1x100xi32, #tpu.memory_space<vmem>>
      %dma_wait3A_328 = tpu.memref_squeeze %dma_wait3A_327 : memref<1x100xi32, #tpu.memory_space<vmem>> -> memref<100xi32, #tpu.memory_space<vmem>>
      %dma_wait3A_329 = arith.constant 0 : i32
      %dma_wait3A_330 = arith.constant 0 : i32
      %dma_wait3A_331 = tpu.memref_slice %arg11[%dma_wait3A_329, %dma_wait3A_330] : memref<10000x128xf32, #tpu.memory_space<vmem_shared>> -> memref<10000x128xf32, #tpu.memory_space<vmem_shared>>
      tpu.wait_indirect_dma semaphore(%run_scoped3A_319 : memref<!tpu.dma_semaphore, #tpu.memory_space<semaphore_mem>>) src(%arg14 : memref<100x128xf32, #tpu.memory_space<vmem>>) dst(%dma_wait3A_331 : memref<10000x128xf32, #tpu.memory_space<vmem_shared>>)
      tpu.yield
    }) : () -> ()
    %barrier3A_147 = arith.constant 0 : index
    tpu.barrier barrier_id(%barrier3A_147)
    %add3A_148 = arith.constant 0 : i32
    %add3A_149 = arith.addi %mul3A_2, %add3A_148 : i32
    %add3A_150 = arith.constant 0 : i32
    %add3A_151 = arith.addi %mul3A_2, %add3A_150 : i32
    "tpu.region"() ({
      %run_scoped3A_319 = tpu.sem_alloc : memref<!tpu.dma_semaphore, #tpu.memory_space<semaphore_mem>>
      %dma_start3A_320 = arith.constant 0 : i32
      %dma_start3A_321 = tpu.memref_slice %arg9[%arg0, %add3A_151, %dma_start3A_320] : memref<2x10000x128xf32, #tpu.memory_space<hbm>> -> memref<1x624x128xf32, #tpu.memory_space<hbm>>
      %dma_start3A_322 = tpu.memref_squeeze %dma_start3A_321 : memref<1x624x128xf32, #tpu.memory_space<hbm>> -> memref<624x128xf32, #tpu.memory_space<hbm>>
      %dma_start3A_323 = arith.constant 0 : i32
      %dma_start3A_324 = tpu.memref_slice %arg11[%add3A_149, %dma_start3A_323] : memref<10000x128xf32, #tpu.memory_space<vmem_shared>> -> memref<624x128xf32, #tpu.memory_space<vmem_shared>>
      tpu.enqueue_dma source(%dma_start3A_324 : memref<624x128xf32, #tpu.memory_space<vmem_shared>>) target(%dma_start3A_322 : memref<624x128xf32, #tpu.memory_space<hbm>>) target_semaphore(%run_scoped3A_319 : memref<!tpu.dma_semaphore, #tpu.memory_space<semaphore_mem>>)
      %dma_wait3A_325 = arith.constant 0 : i32
      %dma_wait3A_326 = tpu.memref_slice %arg9[%arg0, %add3A_151, %dma_wait3A_325] : memref<2x10000x128xf32, #tpu.memory_space<hbm>> -> memref<1x624x128xf32, #tpu.memory_space<hbm>>
      %dma_wait3A_327 = tpu.memref_squeeze %dma_wait3A_326 : memref<1x624x128xf32, #tpu.memory_space<hbm>> -> memref<624x128xf32, #tpu.memory_space<hbm>>
      %dma_wait3A_328 = arith.constant 0 : i32
      %dma_wait3A_329 = tpu.memref_slice %arg11[%add3A_149, %dma_wait3A_328] : memref<10000x128xf32, #tpu.memory_space<vmem_shared>> -> memref<624x128xf32, #tpu.memory_space<vmem_shared>>
      tpu.wait_dma2 semaphore(%run_scoped3A_319 : memref<!tpu.dma_semaphore, #tpu.memory_space<semaphore_mem>>) src(%dma_wait3A_329 : memref<624x128xf32, #tpu.memory_space<vmem_shared>>) dst(%dma_wait3A_327 : memref<624x128xf32, #tpu.memory_space<hbm>>)
      tpu.yield
    }) : () -> ()
    %eq3A_152 = arith.constant 15 : i32
    %eq3A_153 = arith.cmpi eq, %arg1, %eq3A_152 : i32
    %convert_element_type3A_154 = arith.extui %eq3A_153 : i1 to i32
    %cond3A_155 = arith.constant 0 : i32
    %cond3A_156 = arith.cmpi ne, %convert_element_type3A_154, %cond3A_155 : i32
    scf.if %cond3A_156 {
      %add3A_319 = arith.constant 624 : i32
      %add3A_320 = arith.addi %mul3A_2, %add3A_319 : i32
      %add3A_321 = arith.constant 624 : i32
      %add3A_322 = arith.addi %mul3A_2, %add3A_321 : i32
      "tpu.region"() ({
        %run_scoped3A_323 = tpu.sem_alloc : memref<!tpu.dma_semaphore, #tpu.memory_space<semaphore_mem>>
        %dma_start3A_324 = arith.constant 0 : i32
        %dma_start3A_325 = tpu.memref_slice %arg9[%arg0, %add3A_322, %dma_start3A_324] : memref<2x10000x128xf32, #tpu.memory_space<hbm>> -> memref<1x16x128xf32, #tpu.memory_space<hbm>>
        %dma_start3A_326 = tpu.memref_squeeze %dma_start3A_325 : memref<1x16x128xf32, #tpu.memory_space<hbm>> -> memref<16x128xf32, #tpu.memory_space<hbm>>
        %dma_start3A_327 = arith.constant 0 : i32
        %dma_start3A_328 = tpu.memref_slice %arg11[%add3A_320, %dma_start3A_327] : memref<10000x128xf32, #tpu.memory_space<vmem_shared>> -> memref<16x128xf32, #tpu.memory_space<vmem_shared>>
        tpu.enqueue_dma source(%dma_start3A_328 : memref<16x128xf32, #tpu.memory_space<vmem_shared>>) target(%dma_start3A_326 : memref<16x128xf32, #tpu.memory_space<hbm>>) target_semaphore(%run_scoped3A_323 : memref<!tpu.dma_semaphore, #tpu.memory_space<semaphore_mem>>)
        %dma_wait3A_329 = arith.constant 0 : i32
        %dma_wait3A_330 = tpu.memref_slice %arg9[%arg0, %add3A_322, %dma_wait3A_329] : memref<2x10000x128xf32, #tpu.memory_space<hbm>> -> memref<1x16x128xf32, #tpu.memory_space<hbm>>
        %dma_wait3A_331 = tpu.memref_squeeze %dma_wait3A_330 : memref<1x16x128xf32, #tpu.memory_space<hbm>> -> memref<16x128xf32, #tpu.memory_space<hbm>>
        %dma_wait3A_332 = arith.constant 0 : i32
        %dma_wait3A_333 = tpu.memref_slice %arg11[%add3A_320, %dma_wait3A_332] : memref<10000x128xf32, #tpu.memory_space<vmem_shared>> -> memref<16x128xf32, #tpu.memory_space<vmem_shared>>
        tpu.wait_dma2 semaphore(%run_scoped3A_323 : memref<!tpu.dma_semaphore, #tpu.memory_space<semaphore_mem>>) src(%dma_wait3A_333 : memref<16x128xf32, #tpu.memory_space<vmem_shared>>) dst(%dma_wait3A_331 : memref<16x128xf32, #tpu.memory_space<hbm>>)
        tpu.yield
      }) : () -> ()
    } else {
    }
    %add3A_157 = arith.constant 0 : i32
    %add3A_158 = arith.addi %mul3A_2, %add3A_157 : i32
    "tpu.region"() ({
      %run_scoped3A_319 = tpu.sem_alloc : memref<!tpu.dma_semaphore, #tpu.memory_space<semaphore_mem>>
      %dma_start3A_320 = arith.constant 0 : i32
      %dma_start3A_321 = tpu.memref_slice %arg11[%add3A_158, %dma_start3A_320] : memref<10000x128xf32, #tpu.memory_space<vmem_shared>> -> memref<624x128xf32, #tpu.memory_space<vmem_shared>>
      %dma_start3A_322 = arith.constant 0 : i32
      %dma_start3A_323 = arith.constant 0 : i32
      %dma_start3A_324 = tpu.memref_slice %arg8[%dma_start3A_322, %dma_start3A_323] : memref<640x128xf32, #tpu.memory_space<hbm>> -> memref<624x128xf32, #tpu.memory_space<hbm>>
      tpu.enqueue_dma source(%dma_start3A_324 : memref<624x128xf32, #tpu.memory_space<hbm>>) target(%dma_start3A_321 : memref<624x128xf32, #tpu.memory_space<vmem_shared>>) target_semaphore(%run_scoped3A_319 : memref<!tpu.dma_semaphore, #tpu.memory_space<semaphore_mem>>)
      %dma_wait3A_325 = arith.constant 0 : i32
      %dma_wait3A_326 = tpu.memref_slice %arg11[%add3A_158, %dma_wait3A_325] : memref<10000x128xf32, #tpu.memory_space<vmem_shared>> -> memref<624x128xf32, #tpu.memory_space<vmem_shared>>
      %dma_wait3A_327 = arith.constant 0 : i32
      %dma_wait3A_328 = arith.constant 0 : i32
      %dma_wait3A_329 = tpu.memref_slice %arg8[%dma_wait3A_327, %dma_wait3A_328] : memref<640x128xf32, #tpu.memory_space<hbm>> -> memref<624x128xf32, #tpu.memory_space<hbm>>
      tpu.wait_dma2 semaphore(%run_scoped3A_319 : memref<!tpu.dma_semaphore, #tpu.memory_space<semaphore_mem>>) src(%dma_wait3A_329 : memref<624x128xf32, #tpu.memory_space<hbm>>) dst(%dma_wait3A_326 : memref<624x128xf32, #tpu.memory_space<vmem_shared>>)
      tpu.yield
    }) : () -> ()
    %eq3A_159 = arith.constant 15 : i32
    %eq3A_160 = arith.cmpi eq, %arg1, %eq3A_159 : i32
    %convert_element_type3A_161 = arith.extui %eq3A_160 : i1 to i32
    %cond3A_162 = arith.constant 0 : i32
    %cond3A_163 = arith.cmpi ne, %convert_element_type3A_161, %cond3A_162 : i32
    scf.if %cond3A_163 {
      %add3A_319 = arith.constant 624 : i32
      %add3A_320 = arith.addi %mul3A_2, %add3A_319 : i32
      "tpu.region"() ({
        %run_scoped3A_321 = tpu.sem_alloc : memref<!tpu.dma_semaphore, #tpu.memory_space<semaphore_mem>>
        %dma_start3A_322 = arith.constant 0 : i32
        %dma_start3A_323 = tpu.memref_slice %arg11[%add3A_320, %dma_start3A_322] : memref<10000x128xf32, #tpu.memory_space<vmem_shared>> -> memref<16x128xf32, #tpu.memory_space<vmem_shared>>
        %dma_start3A_324 = arith.constant 624 : i32
        %dma_start3A_325 = arith.constant 0 : i32
        %dma_start3A_326 = tpu.memref_slice %arg8[%dma_start3A_324, %dma_start3A_325] : memref<640x128xf32, #tpu.memory_space<hbm>> -> memref<16x128xf32, #tpu.memory_space<hbm>>
        tpu.enqueue_dma source(%dma_start3A_326 : memref<16x128xf32, #tpu.memory_space<hbm>>) target(%dma_start3A_323 : memref<16x128xf32, #tpu.memory_space<vmem_shared>>) target_semaphore(%run_scoped3A_321 : memref<!tpu.dma_semaphore, #tpu.memory_space<semaphore_mem>>)
        %dma_wait3A_327 = arith.constant 0 : i32
        %dma_wait3A_328 = tpu.memref_slice %arg11[%add3A_320, %dma_wait3A_327] : memref<10000x128xf32, #tpu.memory_space<vmem_shared>> -> memref<16x128xf32, #tpu.memory_space<vmem_shared>>
        %dma_wait3A_329 = arith.constant 624 : i32
        %dma_wait3A_330 = arith.constant 0 : i32
        %dma_wait3A_331 = tpu.memref_slice %arg8[%dma_wait3A_329, %dma_wait3A_330] : memref<640x128xf32, #tpu.memory_space<hbm>> -> memref<16x128xf32, #tpu.memory_space<hbm>>
        tpu.wait_dma2 semaphore(%run_scoped3A_321 : memref<!tpu.dma_semaphore, #tpu.memory_space<semaphore_mem>>) src(%dma_wait3A_331 : memref<16x128xf32, #tpu.memory_space<hbm>>) dst(%dma_wait3A_328 : memref<16x128xf32, #tpu.memory_space<vmem_shared>>)
        tpu.yield
      }) : () -> ()
    } else {
    }
    %barrier3A_164 = arith.constant 0 : index
    tpu.barrier barrier_id(%barrier3A_164)
    %run_scoped3A_165 = arith.constant 0 : i32
    "tpu.region"() ({
      %run_scoped3A_319 = tpu.sem_alloc : memref<!tpu.dma_semaphore, #tpu.memory_space<semaphore_mem>>
      %dma_start3A_320 = arith.constant 0 : i32
      %dma_start3A_321 = arith.constant 0 : i32
      %dma_start3A_322 = tpu.memref_slice %arg6[%add3A, %run_scoped3A_165, %dma_start3A_320, %dma_start3A_321] : memref<32x4x25x100xi32, #tpu.memory_space<hbm>> -> memref<1x1x25x100xi32, #tpu.memory_space<hbm>>
      %dma_start3A_323 = tpu.memref_squeeze %dma_start3A_322 : memref<1x1x25x100xi32, #tpu.memory_space<hbm>> -> memref<25x100xi32, #tpu.memory_space<hbm>>
      %dma_start3A_324 = arith.constant 0 : i32
      %dma_start3A_325 = arith.constant 0 : i32
      %dma_start3A_326 = tpu.memref_slice %arg6[%add3A, %run_scoped3A_165, %dma_start3A_324, %dma_start3A_325] : memref<32x4x25x100xi32, #tpu.memory_space<hbm>> -> memref<1x1x25x100xi32, #tpu.memory_space<hbm>>
      %dma_start3A_327 = tpu.memref_squeeze %dma_start3A_326 : memref<1x1x25x100xi32, #tpu.memory_space<hbm>> -> memref<25x100xi32, #tpu.memory_space<hbm>>
      tpu.enqueue_dma source(%dma_start3A_327 : memref<25x100xi32, #tpu.memory_space<hbm>>) target(%arg12 : memref<25x100xi32, #tpu.memory_space<vmem>>) target_semaphore(%run_scoped3A_319 : memref<!tpu.dma_semaphore, #tpu.memory_space<semaphore_mem>>)
      %dma_wait3A_328 = arith.constant 0 : i32
      %dma_wait3A_329 = arith.constant 0 : i32
      %dma_wait3A_330 = tpu.memref_slice %arg6[%add3A, %run_scoped3A_165, %dma_wait3A_328, %dma_wait3A_329] : memref<32x4x25x100xi32, #tpu.memory_space<hbm>> -> memref<1x1x25x100xi32, #tpu.memory_space<hbm>>
      %dma_wait3A_331 = tpu.memref_squeeze %dma_wait3A_330 : memref<1x1x25x100xi32, #tpu.memory_space<hbm>> -> memref<25x100xi32, #tpu.memory_space<hbm>>
      %dma_wait3A_332 = arith.constant 0 : i32
      %dma_wait3A_333 = arith.constant 0 : i32
      %dma_wait3A_334 = tpu.memref_slice %arg6[%add3A, %run_scoped3A_165, %dma_wait3A_332, %dma_wait3A_333] : memref<32x4x25x100xi32, #tpu.memory_space<hbm>> -> memref<1x1x25x100xi32, #tpu.memory_space<hbm>>
      %dma_wait3A_335 = tpu.memref_squeeze %dma_wait3A_334 : memref<1x1x25x100xi32, #tpu.memory_space<hbm>> -> memref<25x100xi32, #tpu.memory_space<hbm>>
      tpu.wait_dma2 semaphore(%run_scoped3A_319 : memref<!tpu.dma_semaphore, #tpu.memory_space<semaphore_mem>>) src(%dma_wait3A_335 : memref<25x100xi32, #tpu.memory_space<hbm>>) dst(%arg12 : memref<25x100xi32, #tpu.memory_space<vmem>>)
      tpu.yield
    }) : () -> ()
    %run_scoped3A_166 = arith.constant 0 : i32
    "tpu.region"() ({
      %run_scoped3A_319 = tpu.sem_alloc : memref<!tpu.dma_semaphore, #tpu.memory_space<semaphore_mem>>
      %dma_start3A_320 = arith.constant 0 : i32
      %dma_start3A_321 = arith.constant 0 : i32
      %dma_start3A_322 = tpu.memref_slice %arg7[%add3A, %run_scoped3A_166, %dma_start3A_320, %dma_start3A_321] : memref<32x4x25x100xi32, #tpu.memory_space<hbm>> -> memref<1x1x25x100xi32, #tpu.memory_space<hbm>>
      %dma_start3A_323 = tpu.memref_squeeze %dma_start3A_322 : memref<1x1x25x100xi32, #tpu.memory_space<hbm>> -> memref<25x100xi32, #tpu.memory_space<hbm>>
      %dma_start3A_324 = arith.constant 0 : i32
      %dma_start3A_325 = arith.constant 0 : i32
      %dma_start3A_326 = tpu.memref_slice %arg7[%add3A, %run_scoped3A_166, %dma_start3A_324, %dma_start3A_325] : memref<32x4x25x100xi32, #tpu.memory_space<hbm>> -> memref<1x1x25x100xi32, #tpu.memory_space<hbm>>
      %dma_start3A_327 = tpu.memref_squeeze %dma_start3A_326 : memref<1x1x25x100xi32, #tpu.memory_space<hbm>> -> memref<25x100xi32, #tpu.memory_space<hbm>>
      tpu.enqueue_dma source(%dma_start3A_327 : memref<25x100xi32, #tpu.memory_space<hbm>>) target(%arg13 : memref<25x100xi32, #tpu.memory_space<vmem>>) target_semaphore(%run_scoped3A_319 : memref<!tpu.dma_semaphore, #tpu.memory_space<semaphore_mem>>)
      %dma_wait3A_328 = arith.constant 0 : i32
      %dma_wait3A_329 = arith.constant 0 : i32
      %dma_wait3A_330 = tpu.memref_slice %arg7[%add3A, %run_scoped3A_166, %dma_wait3A_328, %dma_wait3A_329] : memref<32x4x25x100xi32, #tpu.memory_space<hbm>> -> memref<1x1x25x100xi32, #tpu.memory_space<hbm>>
      %dma_wait3A_331 = tpu.memref_squeeze %dma_wait3A_330 : memref<1x1x25x100xi32, #tpu.memory_space<hbm>> -> memref<25x100xi32, #tpu.memory_space<hbm>>
      %dma_wait3A_332 = arith.constant 0 : i32
      %dma_wait3A_333 = arith.constant 0 : i32
      %dma_wait3A_334 = tpu.memref_slice %arg7[%add3A, %run_scoped3A_166, %dma_wait3A_332, %dma_wait3A_333] : memref<32x4x25x100xi32, #tpu.memory_space<hbm>> -> memref<1x1x25x100xi32, #tpu.memory_space<hbm>>
      %dma_wait3A_335 = tpu.memref_squeeze %dma_wait3A_334 : memref<1x1x25x100xi32, #tpu.memory_space<hbm>> -> memref<25x100xi32, #tpu.memory_space<hbm>>
      tpu.wait_dma2 semaphore(%run_scoped3A_319 : memref<!tpu.dma_semaphore, #tpu.memory_space<semaphore_mem>>) src(%dma_wait3A_335 : memref<25x100xi32, #tpu.memory_space<hbm>>) dst(%arg13 : memref<25x100xi32, #tpu.memory_space<vmem>>)
      tpu.yield
    }) : () -> ()
    %dma_start3A_167 = arith.constant 0 : i32
    %dma_start3A_168 = arith.constant 0 : i32
    %dma_start3A_169 = tpu.memref_slice %arg12[%dma_start3A_167, %dma_start3A_168] : memref<25x100xi32, #tpu.memory_space<vmem>> -> memref<1x100xi32, #tpu.memory_space<vmem>>
    %dma_start3A_170 = tpu.memref_squeeze %dma_start3A_169 : memref<1x100xi32, #tpu.memory_space<vmem>> -> memref<100xi32, #tpu.memory_space<vmem>>
    %dma_start3A_171 = arith.constant 0 : i32
    %dma_start3A_172 = arith.constant 0 : i32
    %dma_start3A_173 = tpu.memref_slice %arg3[%dma_start3A_171, %dma_start3A_172] : memref<20000x128xf32, #tpu.memory_space<hbm>> -> memref<20000x128xf32, #tpu.memory_space<hbm>>
    tpu.enqueue_indirect_dma source(%dma_start3A_173 : memref<20000x128xf32, #tpu.memory_space<hbm>>) target(%arg14 : memref<100x128xf32, #tpu.memory_space<vmem>>) offsets(%dma_start3A_170 : memref<100xi32, #tpu.memory_space<vmem>>) semaphore(%arg17 : memref<!tpu.dma_semaphore, #tpu.memory_space<semaphore_mem>>)
    %dma_start3A_174 = arith.constant 1 : i32
    %dma_start3A_175 = arith.constant 0 : i32
    %dma_start3A_176 = tpu.memref_slice %arg12[%dma_start3A_174, %dma_start3A_175] : memref<25x100xi32, #tpu.memory_space<vmem>> -> memref<1x100xi32, #tpu.memory_space<vmem>>
    %dma_start3A_177 = tpu.memref_squeeze %dma_start3A_176 : memref<1x100xi32, #tpu.memory_space<vmem>> -> memref<100xi32, #tpu.memory_space<vmem>>
    %dma_start3A_178 = arith.constant 0 : i32
    %dma_start3A_179 = arith.constant 0 : i32
    %dma_start3A_180 = tpu.memref_slice %arg3[%dma_start3A_178, %dma_start3A_179] : memref<20000x128xf32, #tpu.memory_space<hbm>> -> memref<20000x128xf32, #tpu.memory_space<hbm>>
    tpu.enqueue_indirect_dma source(%dma_start3A_180 : memref<20000x128xf32, #tpu.memory_space<hbm>>) target(%arg15 : memref<100x128xf32, #tpu.memory_space<vmem>>) offsets(%dma_start3A_177 : memref<100xi32, #tpu.memory_space<vmem>>) semaphore(%arg18 : memref<!tpu.dma_semaphore, #tpu.memory_space<semaphore_mem>>)
    %dma_start3A_181 = arith.constant 2 : i32
    %dma_start3A_182 = arith.constant 0 : i32
    %dma_start3A_183 = tpu.memref_slice %arg12[%dma_start3A_181, %dma_start3A_182] : memref<25x100xi32, #tpu.memory_space<vmem>> -> memref<1x100xi32, #tpu.memory_space<vmem>>
    %dma_start3A_184 = tpu.memref_squeeze %dma_start3A_183 : memref<1x100xi32, #tpu.memory_space<vmem>> -> memref<100xi32, #tpu.memory_space<vmem>>
    %dma_start3A_185 = arith.constant 0 : i32
    %dma_start3A_186 = arith.constant 0 : i32
    %dma_start3A_187 = tpu.memref_slice %arg3[%dma_start3A_185, %dma_start3A_186] : memref<20000x128xf32, #tpu.memory_space<hbm>> -> memref<20000x128xf32, #tpu.memory_space<hbm>>
    tpu.enqueue_indirect_dma source(%dma_start3A_187 : memref<20000x128xf32, #tpu.memory_space<hbm>>) target(%arg16 : memref<100x128xf32, #tpu.memory_space<vmem>>) offsets(%dma_start3A_184 : memref<100xi32, #tpu.memory_space<vmem>>) semaphore(%arg19 : memref<!tpu.dma_semaphore, #tpu.memory_space<semaphore_mem>>)
    %scan3A_188 = arith.constant 0 : i32
    %scan3A_189 = arith.constant 8 : i32
    %scan3A_190 = arith.addi %scan3A_188, %scan3A_189 : i32
    %scan3A_191 = arith.constant 1 : i32
    scf.for %scan3A_319 = %scan3A_188 to %scan3A_190 step %scan3A_191  : i32 {
      %mul3A_320 = arith.constant 3 : i32
      %mul3A_321 = arith.muli %scan3A_319, %mul3A_320 : i32
      %add3A_322 = arith.constant 0 : i32
      %add3A_323 = arith.addi %mul3A_321, %add3A_322 : i32
      %dma_wait3A_324 = arith.constant 0 : i32
      %dma_wait3A_325 = tpu.memref_slice %arg12[%add3A_323, %dma_wait3A_324] : memref<25x100xi32, #tpu.memory_space<vmem>> -> memref<1x100xi32, #tpu.memory_space<vmem>>
      %dma_wait3A_326 = tpu.memref_squeeze %dma_wait3A_325 : memref<1x100xi32, #tpu.memory_space<vmem>> -> memref<100xi32, #tpu.memory_space<vmem>>
      %dma_wait3A_327 = arith.constant 0 : i32
      %dma_wait3A_328 = arith.constant 0 : i32
      %dma_wait3A_329 = tpu.memref_slice %arg3[%dma_wait3A_327, %dma_wait3A_328] : memref<20000x128xf32, #tpu.memory_space<hbm>> -> memref<20000x128xf32, #tpu.memory_space<hbm>>
      tpu.wait_indirect_dma semaphore(%arg17 : memref<!tpu.dma_semaphore, #tpu.memory_space<semaphore_mem>>) src(%dma_wait3A_329 : memref<20000x128xf32, #tpu.memory_space<hbm>>) dst(%arg14 : memref<100x128xf32, #tpu.memory_space<vmem>>)
      "tpu.region"() ({
        %run_scoped3A_372 = tpu.sem_alloc : memref<!tpu.dma_semaphore, #tpu.memory_space<semaphore_mem>>
        %dma_start3A_373 = arith.constant 0 : i32
        %dma_start3A_374 = tpu.memref_slice %arg13[%add3A_323, %dma_start3A_373] : memref<25x100xi32, #tpu.memory_space<vmem>> -> memref<1x100xi32, #tpu.memory_space<vmem>>
        %dma_start3A_375 = tpu.memref_squeeze %dma_start3A_374 : memref<1x100xi32, #tpu.memory_space<vmem>> -> memref<100xi32, #tpu.memory_space<vmem>>
        %dma_start3A_376 = arith.constant 0 : i32
        %dma_start3A_377 = arith.constant 0 : i32
        %dma_start3A_378 = tpu.memref_slice %arg11[%dma_start3A_376, %dma_start3A_377] : memref<10000x128xf32, #tpu.memory_space<vmem_shared>> -> memref<10000x128xf32, #tpu.memory_space<vmem_shared>>
        tpu.enqueue_indirect_dma source(%arg14 : memref<100x128xf32, #tpu.memory_space<vmem>>) target(%dma_start3A_378 : memref<10000x128xf32, #tpu.memory_space<vmem_shared>>) offsets(%dma_start3A_375 : memref<100xi32, #tpu.memory_space<vmem>>) semaphore(%run_scoped3A_372 : memref<!tpu.dma_semaphore, #tpu.memory_space<semaphore_mem>>) {add = true}
        %dma_wait3A_379 = arith.constant 0 : i32
        %dma_wait3A_380 = tpu.memref_slice %arg13[%add3A_323, %dma_wait3A_379] : memref<25x100xi32, #tpu.memory_space<vmem>> -> memref<1x100xi32, #tpu.memory_space<vmem>>
        %dma_wait3A_381 = tpu.memref_squeeze %dma_wait3A_380 : memref<1x100xi32, #tpu.memory_space<vmem>> -> memref<100xi32, #tpu.memory_space<vmem>>
        %dma_wait3A_382 = arith.constant 0 : i32
        %dma_wait3A_383 = arith.constant 0 : i32
        %dma_wait3A_384 = tpu.memref_slice %arg11[%dma_wait3A_382, %dma_wait3A_383] : memref<10000x128xf32, #tpu.memory_space<vmem_shared>> -> memref<10000x128xf32, #tpu.memory_space<vmem_shared>>
        tpu.wait_indirect_dma semaphore(%run_scoped3A_372 : memref<!tpu.dma_semaphore, #tpu.memory_space<semaphore_mem>>) src(%arg14 : memref<100x128xf32, #tpu.memory_space<vmem>>) dst(%dma_wait3A_384 : memref<10000x128xf32, #tpu.memory_space<vmem_shared>>)
        tpu.yield
      }) : () -> ()
      %add3A_330 = arith.constant 3 : i32
      %add3A_331 = arith.addi %add3A_323, %add3A_330 : i32
      %lt3A = arith.constant 25 : i32
      %lt3A_332 = arith.cmpi slt, %add3A_331, %lt3A : i32
      %add3A_333 = arith.constant 3 : i32
      %add3A_334 = arith.addi %add3A_323, %add3A_333 : i32
      %convert_element_type3A_335 = arith.extui %lt3A_332 : i1 to i32
      %cond3A_336 = arith.constant 0 : i32
      %cond3A_337 = arith.cmpi ne, %convert_element_type3A_335, %cond3A_336 : i32
      scf.if %cond3A_337 {
        %dma_start3A_372 = arith.constant 0 : i32
        %dma_start3A_373 = tpu.memref_slice %arg12[%add3A_334, %dma_start3A_372] : memref<25x100xi32, #tpu.memory_space<vmem>> -> memref<1x100xi32, #tpu.memory_space<vmem>>
        %dma_start3A_374 = tpu.memref_squeeze %dma_start3A_373 : memref<1x100xi32, #tpu.memory_space<vmem>> -> memref<100xi32, #tpu.memory_space<vmem>>
        %dma_start3A_375 = arith.constant 0 : i32
        %dma_start3A_376 = arith.constant 0 : i32
        %dma_start3A_377 = tpu.memref_slice %arg3[%dma_start3A_375, %dma_start3A_376] : memref<20000x128xf32, #tpu.memory_space<hbm>> -> memref<20000x128xf32, #tpu.memory_space<hbm>>
        tpu.enqueue_indirect_dma source(%dma_start3A_377 : memref<20000x128xf32, #tpu.memory_space<hbm>>) target(%arg14 : memref<100x128xf32, #tpu.memory_space<vmem>>) offsets(%dma_start3A_374 : memref<100xi32, #tpu.memory_space<vmem>>) semaphore(%arg17 : memref<!tpu.dma_semaphore, #tpu.memory_space<semaphore_mem>>)
      } else {
      }
      %add3A_338 = arith.constant 1 : i32
      %add3A_339 = arith.addi %mul3A_321, %add3A_338 : i32
      %dma_wait3A_340 = arith.constant 0 : i32
      %dma_wait3A_341 = tpu.memref_slice %arg12[%add3A_339, %dma_wait3A_340] : memref<25x100xi32, #tpu.memory_space<vmem>> -> memref<1x100xi32, #tpu.memory_space<vmem>>
      %dma_wait3A_342 = tpu.memref_squeeze %dma_wait3A_341 : memref<1x100xi32, #tpu.memory_space<vmem>> -> memref<100xi32, #tpu.memory_space<vmem>>
      %dma_wait3A_343 = arith.constant 0 : i32
      %dma_wait3A_344 = arith.constant 0 : i32
      %dma_wait3A_345 = tpu.memref_slice %arg3[%dma_wait3A_343, %dma_wait3A_344] : memref<20000x128xf32, #tpu.memory_space<hbm>> -> memref<20000x128xf32, #tpu.memory_space<hbm>>
      tpu.wait_indirect_dma semaphore(%arg18 : memref<!tpu.dma_semaphore, #tpu.memory_space<semaphore_mem>>) src(%dma_wait3A_345 : memref<20000x128xf32, #tpu.memory_space<hbm>>) dst(%arg15 : memref<100x128xf32, #tpu.memory_space<vmem>>)
      "tpu.region"() ({
        %run_scoped3A_372 = tpu.sem_alloc : memref<!tpu.dma_semaphore, #tpu.memory_space<semaphore_mem>>
        %dma_start3A_373 = arith.constant 0 : i32
        %dma_start3A_374 = tpu.memref_slice %arg13[%add3A_339, %dma_start3A_373] : memref<25x100xi32, #tpu.memory_space<vmem>> -> memref<1x100xi32, #tpu.memory_space<vmem>>
        %dma_start3A_375 = tpu.memref_squeeze %dma_start3A_374 : memref<1x100xi32, #tpu.memory_space<vmem>> -> memref<100xi32, #tpu.memory_space<vmem>>
        %dma_start3A_376 = arith.constant 0 : i32
        %dma_start3A_377 = arith.constant 0 : i32
        %dma_start3A_378 = tpu.memref_slice %arg11[%dma_start3A_376, %dma_start3A_377] : memref<10000x128xf32, #tpu.memory_space<vmem_shared>> -> memref<10000x128xf32, #tpu.memory_space<vmem_shared>>
        tpu.enqueue_indirect_dma source(%arg15 : memref<100x128xf32, #tpu.memory_space<vmem>>) target(%dma_start3A_378 : memref<10000x128xf32, #tpu.memory_space<vmem_shared>>) offsets(%dma_start3A_375 : memref<100xi32, #tpu.memory_space<vmem>>) semaphore(%run_scoped3A_372 : memref<!tpu.dma_semaphore, #tpu.memory_space<semaphore_mem>>) {add = true}
        %dma_wait3A_379 = arith.constant 0 : i32
        %dma_wait3A_380 = tpu.memref_slice %arg13[%add3A_339, %dma_wait3A_379] : memref<25x100xi32, #tpu.memory_space<vmem>> -> memref<1x100xi32, #tpu.memory_space<vmem>>
        %dma_wait3A_381 = tpu.memref_squeeze %dma_wait3A_380 : memref<1x100xi32, #tpu.memory_space<vmem>> -> memref<100xi32, #tpu.memory_space<vmem>>
        %dma_wait3A_382 = arith.constant 0 : i32
        %dma_wait3A_383 = arith.constant 0 : i32
        %dma_wait3A_384 = tpu.memref_slice %arg11[%dma_wait3A_382, %dma_wait3A_383] : memref<10000x128xf32, #tpu.memory_space<vmem_shared>> -> memref<10000x128xf32, #tpu.memory_space<vmem_shared>>
        tpu.wait_indirect_dma semaphore(%run_scoped3A_372 : memref<!tpu.dma_semaphore, #tpu.memory_space<semaphore_mem>>) src(%arg15 : memref<100x128xf32, #tpu.memory_space<vmem>>) dst(%dma_wait3A_384 : memref<10000x128xf32, #tpu.memory_space<vmem_shared>>)
        tpu.yield
      }) : () -> ()
      %add3A_346 = arith.constant 3 : i32
      %add3A_347 = arith.addi %add3A_339, %add3A_346 : i32
      %lt3A_348 = arith.constant 25 : i32
      %lt3A_349 = arith.cmpi slt, %add3A_347, %lt3A_348 : i32
      %add3A_350 = arith.constant 3 : i32
      %add3A_351 = arith.addi %add3A_339, %add3A_350 : i32
      %convert_element_type3A_352 = arith.extui %lt3A_349 : i1 to i32
      %cond3A_353 = arith.constant 0 : i32
      %cond3A_354 = arith.cmpi ne, %convert_element_type3A_352, %cond3A_353 : i32
      scf.if %cond3A_354 {
        %dma_start3A_372 = arith.constant 0 : i32
        %dma_start3A_373 = tpu.memref_slice %arg12[%add3A_351, %dma_start3A_372] : memref<25x100xi32, #tpu.memory_space<vmem>> -> memref<1x100xi32, #tpu.memory_space<vmem>>
        %dma_start3A_374 = tpu.memref_squeeze %dma_start3A_373 : memref<1x100xi32, #tpu.memory_space<vmem>> -> memref<100xi32, #tpu.memory_space<vmem>>
        %dma_start3A_375 = arith.constant 0 : i32
        %dma_start3A_376 = arith.constant 0 : i32
        %dma_start3A_377 = tpu.memref_slice %arg3[%dma_start3A_375, %dma_start3A_376] : memref<20000x128xf32, #tpu.memory_space<hbm>> -> memref<20000x128xf32, #tpu.memory_space<hbm>>
        tpu.enqueue_indirect_dma source(%dma_start3A_377 : memref<20000x128xf32, #tpu.memory_space<hbm>>) target(%arg15 : memref<100x128xf32, #tpu.memory_space<vmem>>) offsets(%dma_start3A_374 : memref<100xi32, #tpu.memory_space<vmem>>) semaphore(%arg18 : memref<!tpu.dma_semaphore, #tpu.memory_space<semaphore_mem>>)
      } else {
      }
      %add3A_355 = arith.constant 2 : i32
      %add3A_356 = arith.addi %mul3A_321, %add3A_355 : i32
      %dma_wait3A_357 = arith.constant 0 : i32
      %dma_wait3A_358 = tpu.memref_slice %arg12[%add3A_356, %dma_wait3A_357] : memref<25x100xi32, #tpu.memory_space<vmem>> -> memref<1x100xi32, #tpu.memory_space<vmem>>
      %dma_wait3A_359 = tpu.memref_squeeze %dma_wait3A_358 : memref<1x100xi32, #tpu.memory_space<vmem>> -> memref<100xi32, #tpu.memory_space<vmem>>
      %dma_wait3A_360 = arith.constant 0 : i32
      %dma_wait3A_361 = arith.constant 0 : i32
      %dma_wait3A_362 = tpu.memref_slice %arg3[%dma_wait3A_360, %dma_wait3A_361] : memref<20000x128xf32, #tpu.memory_space<hbm>> -> memref<20000x128xf32, #tpu.memory_space<hbm>>
      tpu.wait_indirect_dma semaphore(%arg19 : memref<!tpu.dma_semaphore, #tpu.memory_space<semaphore_mem>>) src(%dma_wait3A_362 : memref<20000x128xf32, #tpu.memory_space<hbm>>) dst(%arg16 : memref<100x128xf32, #tpu.memory_space<vmem>>)
      "tpu.region"() ({
        %run_scoped3A_372 = tpu.sem_alloc : memref<!tpu.dma_semaphore, #tpu.memory_space<semaphore_mem>>
        %dma_start3A_373 = arith.constant 0 : i32
        %dma_start3A_374 = tpu.memref_slice %arg13[%add3A_356, %dma_start3A_373] : memref<25x100xi32, #tpu.memory_space<vmem>> -> memref<1x100xi32, #tpu.memory_space<vmem>>
        %dma_start3A_375 = tpu.memref_squeeze %dma_start3A_374 : memref<1x100xi32, #tpu.memory_space<vmem>> -> memref<100xi32, #tpu.memory_space<vmem>>
        %dma_start3A_376 = arith.constant 0 : i32
        %dma_start3A_377 = arith.constant 0 : i32
        %dma_start3A_378 = tpu.memref_slice %arg11[%dma_start3A_376, %dma_start3A_377] : memref<10000x128xf32, #tpu.memory_space<vmem_shared>> -> memref<10000x128xf32, #tpu.memory_space<vmem_shared>>
        tpu.enqueue_indirect_dma source(%arg16 : memref<100x128xf32, #tpu.memory_space<vmem>>) target(%dma_start3A_378 : memref<10000x128xf32, #tpu.memory_space<vmem_shared>>) offsets(%dma_start3A_375 : memref<100xi32, #tpu.memory_space<vmem>>) semaphore(%run_scoped3A_372 : memref<!tpu.dma_semaphore, #tpu.memory_space<semaphore_mem>>) {add = true}
        %dma_wait3A_379 = arith.constant 0 : i32
        %dma_wait3A_380 = tpu.memref_slice %arg13[%add3A_356, %dma_wait3A_379] : memref<25x100xi32, #tpu.memory_space<vmem>> -> memref<1x100xi32, #tpu.memory_space<vmem>>
        %dma_wait3A_381 = tpu.memref_squeeze %dma_wait3A_380 : memref<1x100xi32, #tpu.memory_space<vmem>> -> memref<100xi32, #tpu.memory_space<vmem>>
        %dma_wait3A_382 = arith.constant 0 : i32
        %dma_wait3A_383 = arith.constant 0 : i32
        %dma_wait3A_384 = tpu.memref_slice %arg11[%dma_wait3A_382, %dma_wait3A_383] : memref<10000x128xf32, #tpu.memory_space<vmem_shared>> -> memref<10000x128xf32, #tpu.memory_space<vmem_shared>>
        tpu.wait_indirect_dma semaphore(%run_scoped3A_372 : memref<!tpu.dma_semaphore, #tpu.memory_space<semaphore_mem>>) src(%arg16 : memref<100x128xf32, #tpu.memory_space<vmem>>) dst(%dma_wait3A_384 : memref<10000x128xf32, #tpu.memory_space<vmem_shared>>)
        tpu.yield
      }) : () -> ()
      %add3A_363 = arith.constant 3 : i32
      %add3A_364 = arith.addi %add3A_356, %add3A_363 : i32
      %lt3A_365 = arith.constant 25 : i32
      %lt3A_366 = arith.cmpi slt, %add3A_364, %lt3A_365 : i32
      %add3A_367 = arith.constant 3 : i32
      %add3A_368 = arith.addi %add3A_356, %add3A_367 : i32
      %convert_element_type3A_369 = arith.extui %lt3A_366 : i1 to i32
      %cond3A_370 = arith.constant 0 : i32
      %cond3A_371 = arith.cmpi ne, %convert_element_type3A_369, %cond3A_370 : i32
      scf.if %cond3A_371 {
        %dma_start3A_372 = arith.constant 0 : i32
        %dma_start3A_373 = tpu.memref_slice %arg12[%add3A_368, %dma_start3A_372] : memref<25x100xi32, #tpu.memory_space<vmem>> -> memref<1x100xi32, #tpu.memory_space<vmem>>
        %dma_start3A_374 = tpu.memref_squeeze %dma_start3A_373 : memref<1x100xi32, #tpu.memory_space<vmem>> -> memref<100xi32, #tpu.memory_space<vmem>>
        %dma_start3A_375 = arith.constant 0 : i32
        %dma_start3A_376 = arith.constant 0 : i32
        %dma_start3A_377 = tpu.memref_slice %arg3[%dma_start3A_375, %dma_start3A_376] : memref<20000x128xf32, #tpu.memory_space<hbm>> -> memref<20000x128xf32, #tpu.memory_space<hbm>>
        tpu.enqueue_indirect_dma source(%dma_start3A_377 : memref<20000x128xf32, #tpu.memory_space<hbm>>) target(%arg16 : memref<100x128xf32, #tpu.memory_space<vmem>>) offsets(%dma_start3A_374 : memref<100xi32, #tpu.memory_space<vmem>>) semaphore(%arg19 : memref<!tpu.dma_semaphore, #tpu.memory_space<semaphore_mem>>)
      } else {
      }
    }
    %scan3A_192 = arith.constant 8 : i32
    %dma_wait3A_193 = arith.constant 24 : i32
    %dma_wait3A_194 = arith.constant 0 : i32
    %dma_wait3A_195 = tpu.memref_slice %arg12[%dma_wait3A_193, %dma_wait3A_194] : memref<25x100xi32, #tpu.memory_space<vmem>> -> memref<1x100xi32, #tpu.memory_space<vmem>>
    %dma_wait3A_196 = tpu.memref_squeeze %dma_wait3A_195 : memref<1x100xi32, #tpu.memory_space<vmem>> -> memref<100xi32, #tpu.memory_space<vmem>>
    %dma_wait3A_197 = arith.constant 0 : i32
    %dma_wait3A_198 = arith.constant 0 : i32
    %dma_wait3A_199 = tpu.memref_slice %arg3[%dma_wait3A_197, %dma_wait3A_198] : memref<20000x128xf32, #tpu.memory_space<hbm>> -> memref<20000x128xf32, #tpu.memory_space<hbm>>
    tpu.wait_indirect_dma semaphore(%arg17 : memref<!tpu.dma_semaphore, #tpu.memory_space<semaphore_mem>>) src(%dma_wait3A_199 : memref<20000x128xf32, #tpu.memory_space<hbm>>) dst(%arg14 : memref<100x128xf32, #tpu.memory_space<vmem>>)
    %run_scoped3A_200 = arith.constant 24 : i32
    "tpu.region"() ({
      %run_scoped3A_319 = tpu.sem_alloc : memref<!tpu.dma_semaphore, #tpu.memory_space<semaphore_mem>>
      %dma_start3A_320 = arith.constant 0 : i32
      %dma_start3A_321 = tpu.memref_slice %arg13[%run_scoped3A_200, %dma_start3A_320] : memref<25x100xi32, #tpu.memory_space<vmem>> -> memref<1x100xi32, #tpu.memory_space<vmem>>
      %dma_start3A_322 = tpu.memref_squeeze %dma_start3A_321 : memref<1x100xi32, #tpu.memory_space<vmem>> -> memref<100xi32, #tpu.memory_space<vmem>>
      %dma_start3A_323 = arith.constant 0 : i32
      %dma_start3A_324 = arith.constant 0 : i32
      %dma_start3A_325 = tpu.memref_slice %arg11[%dma_start3A_323, %dma_start3A_324] : memref<10000x128xf32, #tpu.memory_space<vmem_shared>> -> memref<10000x128xf32, #tpu.memory_space<vmem_shared>>
      tpu.enqueue_indirect_dma source(%arg14 : memref<100x128xf32, #tpu.memory_space<vmem>>) target(%dma_start3A_325 : memref<10000x128xf32, #tpu.memory_space<vmem_shared>>) offsets(%dma_start3A_322 : memref<100xi32, #tpu.memory_space<vmem>>) semaphore(%run_scoped3A_319 : memref<!tpu.dma_semaphore, #tpu.memory_space<semaphore_mem>>) {add = true}
      %dma_wait3A_326 = arith.constant 0 : i32
      %dma_wait3A_327 = tpu.memref_slice %arg13[%run_scoped3A_200, %dma_wait3A_326] : memref<25x100xi32, #tpu.memory_space<vmem>> -> memref<1x100xi32, #tpu.memory_space<vmem>>
      %dma_wait3A_328 = tpu.memref_squeeze %dma_wait3A_327 : memref<1x100xi32, #tpu.memory_space<vmem>> -> memref<100xi32, #tpu.memory_space<vmem>>
      %dma_wait3A_329 = arith.constant 0 : i32
      %dma_wait3A_330 = arith.constant 0 : i32
      %dma_wait3A_331 = tpu.memref_slice %arg11[%dma_wait3A_329, %dma_wait3A_330] : memref<10000x128xf32, #tpu.memory_space<vmem_shared>> -> memref<10000x128xf32, #tpu.memory_space<vmem_shared>>
      tpu.wait_indirect_dma semaphore(%run_scoped3A_319 : memref<!tpu.dma_semaphore, #tpu.memory_space<semaphore_mem>>) src(%arg14 : memref<100x128xf32, #tpu.memory_space<vmem>>) dst(%dma_wait3A_331 : memref<10000x128xf32, #tpu.memory_space<vmem_shared>>)
      tpu.yield
    }) : () -> ()
    %run_scoped3A_201 = arith.constant 1 : i32
    "tpu.region"() ({
      %run_scoped3A_319 = tpu.sem_alloc : memref<!tpu.dma_semaphore, #tpu.memory_space<semaphore_mem>>
      %dma_start3A_320 = arith.constant 0 : i32
      %dma_start3A_321 = arith.constant 0 : i32
      %dma_start3A_322 = tpu.memref_slice %arg6[%add3A, %run_scoped3A_201, %dma_start3A_320, %dma_start3A_321] : memref<32x4x25x100xi32, #tpu.memory_space<hbm>> -> memref<1x1x25x100xi32, #tpu.memory_space<hbm>>
      %dma_start3A_323 = tpu.memref_squeeze %dma_start3A_322 : memref<1x1x25x100xi32, #tpu.memory_space<hbm>> -> memref<25x100xi32, #tpu.memory_space<hbm>>
      %dma_start3A_324 = arith.constant 0 : i32
      %dma_start3A_325 = arith.constant 0 : i32
      %dma_start3A_326 = tpu.memref_slice %arg6[%add3A, %run_scoped3A_201, %dma_start3A_324, %dma_start3A_325] : memref<32x4x25x100xi32, #tpu.memory_space<hbm>> -> memref<1x1x25x100xi32, #tpu.memory_space<hbm>>
      %dma_start3A_327 = tpu.memref_squeeze %dma_start3A_326 : memref<1x1x25x100xi32, #tpu.memory_space<hbm>> -> memref<25x100xi32, #tpu.memory_space<hbm>>
      tpu.enqueue_dma source(%dma_start3A_327 : memref<25x100xi32, #tpu.memory_space<hbm>>) target(%arg12 : memref<25x100xi32, #tpu.memory_space<vmem>>) target_semaphore(%run_scoped3A_319 : memref<!tpu.dma_semaphore, #tpu.memory_space<semaphore_mem>>)
      %dma_wait3A_328 = arith.constant 0 : i32
      %dma_wait3A_329 = arith.constant 0 : i32
      %dma_wait3A_330 = tpu.memref_slice %arg6[%add3A, %run_scoped3A_201, %dma_wait3A_328, %dma_wait3A_329] : memref<32x4x25x100xi32, #tpu.memory_space<hbm>> -> memref<1x1x25x100xi32, #tpu.memory_space<hbm>>
      %dma_wait3A_331 = tpu.memref_squeeze %dma_wait3A_330 : memref<1x1x25x100xi32, #tpu.memory_space<hbm>> -> memref<25x100xi32, #tpu.memory_space<hbm>>
      %dma_wait3A_332 = arith.constant 0 : i32
      %dma_wait3A_333 = arith.constant 0 : i32
      %dma_wait3A_334 = tpu.memref_slice %arg6[%add3A, %run_scoped3A_201, %dma_wait3A_332, %dma_wait3A_333] : memref<32x4x25x100xi32, #tpu.memory_space<hbm>> -> memref<1x1x25x100xi32, #tpu.memory_space<hbm>>
      %dma_wait3A_335 = tpu.memref_squeeze %dma_wait3A_334 : memref<1x1x25x100xi32, #tpu.memory_space<hbm>> -> memref<25x100xi32, #tpu.memory_space<hbm>>
      tpu.wait_dma2 semaphore(%run_scoped3A_319 : memref<!tpu.dma_semaphore, #tpu.memory_space<semaphore_mem>>) src(%dma_wait3A_335 : memref<25x100xi32, #tpu.memory_space<hbm>>) dst(%arg12 : memref<25x100xi32, #tpu.memory_space<vmem>>)
      tpu.yield
    }) : () -> ()
    %run_scoped3A_202 = arith.constant 1 : i32
    "tpu.region"() ({
      %run_scoped3A_319 = tpu.sem_alloc : memref<!tpu.dma_semaphore, #tpu.memory_space<semaphore_mem>>
      %dma_start3A_320 = arith.constant 0 : i32
      %dma_start3A_321 = arith.constant 0 : i32
      %dma_start3A_322 = tpu.memref_slice %arg7[%add3A, %run_scoped3A_202, %dma_start3A_320, %dma_start3A_321] : memref<32x4x25x100xi32, #tpu.memory_space<hbm>> -> memref<1x1x25x100xi32, #tpu.memory_space<hbm>>
      %dma_start3A_323 = tpu.memref_squeeze %dma_start3A_322 : memref<1x1x25x100xi32, #tpu.memory_space<hbm>> -> memref<25x100xi32, #tpu.memory_space<hbm>>
      %dma_start3A_324 = arith.constant 0 : i32
      %dma_start3A_325 = arith.constant 0 : i32
      %dma_start3A_326 = tpu.memref_slice %arg7[%add3A, %run_scoped3A_202, %dma_start3A_324, %dma_start3A_325] : memref<32x4x25x100xi32, #tpu.memory_space<hbm>> -> memref<1x1x25x100xi32, #tpu.memory_space<hbm>>
      %dma_start3A_327 = tpu.memref_squeeze %dma_start3A_326 : memref<1x1x25x100xi32, #tpu.memory_space<hbm>> -> memref<25x100xi32, #tpu.memory_space<hbm>>
      tpu.enqueue_dma source(%dma_start3A_327 : memref<25x100xi32, #tpu.memory_space<hbm>>) target(%arg13 : memref<25x100xi32, #tpu.memory_space<vmem>>) target_semaphore(%run_scoped3A_319 : memref<!tpu.dma_semaphore, #tpu.memory_space<semaphore_mem>>)
      %dma_wait3A_328 = arith.constant 0 : i32
      %dma_wait3A_329 = arith.constant 0 : i32
      %dma_wait3A_330 = tpu.memref_slice %arg7[%add3A, %run_scoped3A_202, %dma_wait3A_328, %dma_wait3A_329] : memref<32x4x25x100xi32, #tpu.memory_space<hbm>> -> memref<1x1x25x100xi32, #tpu.memory_space<hbm>>
      %dma_wait3A_331 = tpu.memref_squeeze %dma_wait3A_330 : memref<1x1x25x100xi32, #tpu.memory_space<hbm>> -> memref<25x100xi32, #tpu.memory_space<hbm>>
      %dma_wait3A_332 = arith.constant 0 : i32
      %dma_wait3A_333 = arith.constant 0 : i32
      %dma_wait3A_334 = tpu.memref_slice %arg7[%add3A, %run_scoped3A_202, %dma_wait3A_332, %dma_wait3A_333] : memref<32x4x25x100xi32, #tpu.memory_space<hbm>> -> memref<1x1x25x100xi32, #tpu.memory_space<hbm>>
      %dma_wait3A_335 = tpu.memref_squeeze %dma_wait3A_334 : memref<1x1x25x100xi32, #tpu.memory_space<hbm>> -> memref<25x100xi32, #tpu.memory_space<hbm>>
      tpu.wait_dma2 semaphore(%run_scoped3A_319 : memref<!tpu.dma_semaphore, #tpu.memory_space<semaphore_mem>>) src(%dma_wait3A_335 : memref<25x100xi32, #tpu.memory_space<hbm>>) dst(%arg13 : memref<25x100xi32, #tpu.memory_space<vmem>>)
      tpu.yield
    }) : () -> ()
    %dma_start3A_203 = arith.constant 0 : i32
    %dma_start3A_204 = arith.constant 0 : i32
    %dma_start3A_205 = tpu.memref_slice %arg12[%dma_start3A_203, %dma_start3A_204] : memref<25x100xi32, #tpu.memory_space<vmem>> -> memref<1x100xi32, #tpu.memory_space<vmem>>
    %dma_start3A_206 = tpu.memref_squeeze %dma_start3A_205 : memref<1x100xi32, #tpu.memory_space<vmem>> -> memref<100xi32, #tpu.memory_space<vmem>>
    %dma_start3A_207 = arith.constant 0 : i32
    %dma_start3A_208 = arith.constant 0 : i32
    %dma_start3A_209 = tpu.memref_slice %arg3[%dma_start3A_207, %dma_start3A_208] : memref<20000x128xf32, #tpu.memory_space<hbm>> -> memref<20000x128xf32, #tpu.memory_space<hbm>>
    tpu.enqueue_indirect_dma source(%dma_start3A_209 : memref<20000x128xf32, #tpu.memory_space<hbm>>) target(%arg14 : memref<100x128xf32, #tpu.memory_space<vmem>>) offsets(%dma_start3A_206 : memref<100xi32, #tpu.memory_space<vmem>>) semaphore(%arg17 : memref<!tpu.dma_semaphore, #tpu.memory_space<semaphore_mem>>)
    %dma_start3A_210 = arith.constant 1 : i32
    %dma_start3A_211 = arith.constant 0 : i32
    %dma_start3A_212 = tpu.memref_slice %arg12[%dma_start3A_210, %dma_start3A_211] : memref<25x100xi32, #tpu.memory_space<vmem>> -> memref<1x100xi32, #tpu.memory_space<vmem>>
    %dma_start3A_213 = tpu.memref_squeeze %dma_start3A_212 : memref<1x100xi32, #tpu.memory_space<vmem>> -> memref<100xi32, #tpu.memory_space<vmem>>
    %dma_start3A_214 = arith.constant 0 : i32
    %dma_start3A_215 = arith.constant 0 : i32
    %dma_start3A_216 = tpu.memref_slice %arg3[%dma_start3A_214, %dma_start3A_215] : memref<20000x128xf32, #tpu.memory_space<hbm>> -> memref<20000x128xf32, #tpu.memory_space<hbm>>
    tpu.enqueue_indirect_dma source(%dma_start3A_216 : memref<20000x128xf32, #tpu.memory_space<hbm>>) target(%arg15 : memref<100x128xf32, #tpu.memory_space<vmem>>) offsets(%dma_start3A_213 : memref<100xi32, #tpu.memory_space<vmem>>) semaphore(%arg18 : memref<!tpu.dma_semaphore, #tpu.memory_space<semaphore_mem>>)
    %dma_start3A_217 = arith.constant 2 : i32
    %dma_start3A_218 = arith.constant 0 : i32
    %dma_start3A_219 = tpu.memref_slice %arg12[%dma_start3A_217, %dma_start3A_218] : memref<25x100xi32, #tpu.memory_space<vmem>> -> memref<1x100xi32, #tpu.memory_space<vmem>>
    %dma_start3A_220 = tpu.memref_squeeze %dma_start3A_219 : memref<1x100xi32, #tpu.memory_space<vmem>> -> memref<100xi32, #tpu.memory_space<vmem>>
    %dma_start3A_221 = arith.constant 0 : i32
    %dma_start3A_222 = arith.constant 0 : i32
    %dma_start3A_223 = tpu.memref_slice %arg3[%dma_start3A_221, %dma_start3A_222] : memref<20000x128xf32, #tpu.memory_space<hbm>> -> memref<20000x128xf32, #tpu.memory_space<hbm>>
    tpu.enqueue_indirect_dma source(%dma_start3A_223 : memref<20000x128xf32, #tpu.memory_space<hbm>>) target(%arg16 : memref<100x128xf32, #tpu.memory_space<vmem>>) offsets(%dma_start3A_220 : memref<100xi32, #tpu.memory_space<vmem>>) semaphore(%arg19 : memref<!tpu.dma_semaphore, #tpu.memory_space<semaphore_mem>>)
    %scan3A_224 = arith.constant 0 : i32
    %scan3A_225 = arith.constant 8 : i32
    %scan3A_226 = arith.addi %scan3A_224, %scan3A_225 : i32
    %scan3A_227 = arith.constant 1 : i32
    scf.for %scan3A_319 = %scan3A_224 to %scan3A_226 step %scan3A_227  : i32 {
      %mul3A_320 = arith.constant 3 : i32
      %mul3A_321 = arith.muli %scan3A_319, %mul3A_320 : i32
      %add3A_322 = arith.constant 0 : i32
      %add3A_323 = arith.addi %mul3A_321, %add3A_322 : i32
      %dma_wait3A_324 = arith.constant 0 : i32
      %dma_wait3A_325 = tpu.memref_slice %arg12[%add3A_323, %dma_wait3A_324] : memref<25x100xi32, #tpu.memory_space<vmem>> -> memref<1x100xi32, #tpu.memory_space<vmem>>
      %dma_wait3A_326 = tpu.memref_squeeze %dma_wait3A_325 : memref<1x100xi32, #tpu.memory_space<vmem>> -> memref<100xi32, #tpu.memory_space<vmem>>
      %dma_wait3A_327 = arith.constant 0 : i32
      %dma_wait3A_328 = arith.constant 0 : i32
      %dma_wait3A_329 = tpu.memref_slice %arg3[%dma_wait3A_327, %dma_wait3A_328] : memref<20000x128xf32, #tpu.memory_space<hbm>> -> memref<20000x128xf32, #tpu.memory_space<hbm>>
      tpu.wait_indirect_dma semaphore(%arg17 : memref<!tpu.dma_semaphore, #tpu.memory_space<semaphore_mem>>) src(%dma_wait3A_329 : memref<20000x128xf32, #tpu.memory_space<hbm>>) dst(%arg14 : memref<100x128xf32, #tpu.memory_space<vmem>>)
      "tpu.region"() ({
        %run_scoped3A_372 = tpu.sem_alloc : memref<!tpu.dma_semaphore, #tpu.memory_space<semaphore_mem>>
        %dma_start3A_373 = arith.constant 0 : i32
        %dma_start3A_374 = tpu.memref_slice %arg13[%add3A_323, %dma_start3A_373] : memref<25x100xi32, #tpu.memory_space<vmem>> -> memref<1x100xi32, #tpu.memory_space<vmem>>
        %dma_start3A_375 = tpu.memref_squeeze %dma_start3A_374 : memref<1x100xi32, #tpu.memory_space<vmem>> -> memref<100xi32, #tpu.memory_space<vmem>>
        %dma_start3A_376 = arith.constant 0 : i32
        %dma_start3A_377 = arith.constant 0 : i32
        %dma_start3A_378 = tpu.memref_slice %arg11[%dma_start3A_376, %dma_start3A_377] : memref<10000x128xf32, #tpu.memory_space<vmem_shared>> -> memref<10000x128xf32, #tpu.memory_space<vmem_shared>>
        tpu.enqueue_indirect_dma source(%arg14 : memref<100x128xf32, #tpu.memory_space<vmem>>) target(%dma_start3A_378 : memref<10000x128xf32, #tpu.memory_space<vmem_shared>>) offsets(%dma_start3A_375 : memref<100xi32, #tpu.memory_space<vmem>>) semaphore(%run_scoped3A_372 : memref<!tpu.dma_semaphore, #tpu.memory_space<semaphore_mem>>) {add = true}
        %dma_wait3A_379 = arith.constant 0 : i32
        %dma_wait3A_380 = tpu.memref_slice %arg13[%add3A_323, %dma_wait3A_379] : memref<25x100xi32, #tpu.memory_space<vmem>> -> memref<1x100xi32, #tpu.memory_space<vmem>>
        %dma_wait3A_381 = tpu.memref_squeeze %dma_wait3A_380 : memref<1x100xi32, #tpu.memory_space<vmem>> -> memref<100xi32, #tpu.memory_space<vmem>>
        %dma_wait3A_382 = arith.constant 0 : i32
        %dma_wait3A_383 = arith.constant 0 : i32
        %dma_wait3A_384 = tpu.memref_slice %arg11[%dma_wait3A_382, %dma_wait3A_383] : memref<10000x128xf32, #tpu.memory_space<vmem_shared>> -> memref<10000x128xf32, #tpu.memory_space<vmem_shared>>
        tpu.wait_indirect_dma semaphore(%run_scoped3A_372 : memref<!tpu.dma_semaphore, #tpu.memory_space<semaphore_mem>>) src(%arg14 : memref<100x128xf32, #tpu.memory_space<vmem>>) dst(%dma_wait3A_384 : memref<10000x128xf32, #tpu.memory_space<vmem_shared>>)
        tpu.yield
      }) : () -> ()
      %add3A_330 = arith.constant 3 : i32
      %add3A_331 = arith.addi %add3A_323, %add3A_330 : i32
      %lt3A = arith.constant 25 : i32
      %lt3A_332 = arith.cmpi slt, %add3A_331, %lt3A : i32
      %add3A_333 = arith.constant 3 : i32
      %add3A_334 = arith.addi %add3A_323, %add3A_333 : i32
      %convert_element_type3A_335 = arith.extui %lt3A_332 : i1 to i32
      %cond3A_336 = arith.constant 0 : i32
      %cond3A_337 = arith.cmpi ne, %convert_element_type3A_335, %cond3A_336 : i32
      scf.if %cond3A_337 {
        %dma_start3A_372 = arith.constant 0 : i32
        %dma_start3A_373 = tpu.memref_slice %arg12[%add3A_334, %dma_start3A_372] : memref<25x100xi32, #tpu.memory_space<vmem>> -> memref<1x100xi32, #tpu.memory_space<vmem>>
        %dma_start3A_374 = tpu.memref_squeeze %dma_start3A_373 : memref<1x100xi32, #tpu.memory_space<vmem>> -> memref<100xi32, #tpu.memory_space<vmem>>
        %dma_start3A_375 = arith.constant 0 : i32
        %dma_start3A_376 = arith.constant 0 : i32
        %dma_start3A_377 = tpu.memref_slice %arg3[%dma_start3A_375, %dma_start3A_376] : memref<20000x128xf32, #tpu.memory_space<hbm>> -> memref<20000x128xf32, #tpu.memory_space<hbm>>
        tpu.enqueue_indirect_dma source(%dma_start3A_377 : memref<20000x128xf32, #tpu.memory_space<hbm>>) target(%arg14 : memref<100x128xf32, #tpu.memory_space<vmem>>) offsets(%dma_start3A_374 : memref<100xi32, #tpu.memory_space<vmem>>) semaphore(%arg17 : memref<!tpu.dma_semaphore, #tpu.memory_space<semaphore_mem>>)
      } else {
      }
      %add3A_338 = arith.constant 1 : i32
      %add3A_339 = arith.addi %mul3A_321, %add3A_338 : i32
      %dma_wait3A_340 = arith.constant 0 : i32
      %dma_wait3A_341 = tpu.memref_slice %arg12[%add3A_339, %dma_wait3A_340] : memref<25x100xi32, #tpu.memory_space<vmem>> -> memref<1x100xi32, #tpu.memory_space<vmem>>
      %dma_wait3A_342 = tpu.memref_squeeze %dma_wait3A_341 : memref<1x100xi32, #tpu.memory_space<vmem>> -> memref<100xi32, #tpu.memory_space<vmem>>
      %dma_wait3A_343 = arith.constant 0 : i32
      %dma_wait3A_344 = arith.constant 0 : i32
      %dma_wait3A_345 = tpu.memref_slice %arg3[%dma_wait3A_343, %dma_wait3A_344] : memref<20000x128xf32, #tpu.memory_space<hbm>> -> memref<20000x128xf32, #tpu.memory_space<hbm>>
      tpu.wait_indirect_dma semaphore(%arg18 : memref<!tpu.dma_semaphore, #tpu.memory_space<semaphore_mem>>) src(%dma_wait3A_345 : memref<20000x128xf32, #tpu.memory_space<hbm>>) dst(%arg15 : memref<100x128xf32, #tpu.memory_space<vmem>>)
      "tpu.region"() ({
        %run_scoped3A_372 = tpu.sem_alloc : memref<!tpu.dma_semaphore, #tpu.memory_space<semaphore_mem>>
        %dma_start3A_373 = arith.constant 0 : i32
        %dma_start3A_374 = tpu.memref_slice %arg13[%add3A_339, %dma_start3A_373] : memref<25x100xi32, #tpu.memory_space<vmem>> -> memref<1x100xi32, #tpu.memory_space<vmem>>
        %dma_start3A_375 = tpu.memref_squeeze %dma_start3A_374 : memref<1x100xi32, #tpu.memory_space<vmem>> -> memref<100xi32, #tpu.memory_space<vmem>>
        %dma_start3A_376 = arith.constant 0 : i32
        %dma_start3A_377 = arith.constant 0 : i32
        %dma_start3A_378 = tpu.memref_slice %arg11[%dma_start3A_376, %dma_start3A_377] : memref<10000x128xf32, #tpu.memory_space<vmem_shared>> -> memref<10000x128xf32, #tpu.memory_space<vmem_shared>>
        tpu.enqueue_indirect_dma source(%arg15 : memref<100x128xf32, #tpu.memory_space<vmem>>) target(%dma_start3A_378 : memref<10000x128xf32, #tpu.memory_space<vmem_shared>>) offsets(%dma_start3A_375 : memref<100xi32, #tpu.memory_space<vmem>>) semaphore(%run_scoped3A_372 : memref<!tpu.dma_semaphore, #tpu.memory_space<semaphore_mem>>) {add = true}
        %dma_wait3A_379 = arith.constant 0 : i32
        %dma_wait3A_380 = tpu.memref_slice %arg13[%add3A_339, %dma_wait3A_379] : memref<25x100xi32, #tpu.memory_space<vmem>> -> memref<1x100xi32, #tpu.memory_space<vmem>>
        %dma_wait3A_381 = tpu.memref_squeeze %dma_wait3A_380 : memref<1x100xi32, #tpu.memory_space<vmem>> -> memref<100xi32, #tpu.memory_space<vmem>>
        %dma_wait3A_382 = arith.constant 0 : i32
        %dma_wait3A_383 = arith.constant 0 : i32
        %dma_wait3A_384 = tpu.memref_slice %arg11[%dma_wait3A_382, %dma_wait3A_383] : memref<10000x128xf32, #tpu.memory_space<vmem_shared>> -> memref<10000x128xf32, #tpu.memory_space<vmem_shared>>
        tpu.wait_indirect_dma semaphore(%run_scoped3A_372 : memref<!tpu.dma_semaphore, #tpu.memory_space<semaphore_mem>>) src(%arg15 : memref<100x128xf32, #tpu.memory_space<vmem>>) dst(%dma_wait3A_384 : memref<10000x128xf32, #tpu.memory_space<vmem_shared>>)
        tpu.yield
      }) : () -> ()
      %add3A_346 = arith.constant 3 : i32
      %add3A_347 = arith.addi %add3A_339, %add3A_346 : i32
      %lt3A_348 = arith.constant 25 : i32
      %lt3A_349 = arith.cmpi slt, %add3A_347, %lt3A_348 : i32
      %add3A_350 = arith.constant 3 : i32
      %add3A_351 = arith.addi %add3A_339, %add3A_350 : i32
      %convert_element_type3A_352 = arith.extui %lt3A_349 : i1 to i32
      %cond3A_353 = arith.constant 0 : i32
      %cond3A_354 = arith.cmpi ne, %convert_element_type3A_352, %cond3A_353 : i32
      scf.if %cond3A_354 {
        %dma_start3A_372 = arith.constant 0 : i32
        %dma_start3A_373 = tpu.memref_slice %arg12[%add3A_351, %dma_start3A_372] : memref<25x100xi32, #tpu.memory_space<vmem>> -> memref<1x100xi32, #tpu.memory_space<vmem>>
        %dma_start3A_374 = tpu.memref_squeeze %dma_start3A_373 : memref<1x100xi32, #tpu.memory_space<vmem>> -> memref<100xi32, #tpu.memory_space<vmem>>
        %dma_start3A_375 = arith.constant 0 : i32
        %dma_start3A_376 = arith.constant 0 : i32
        %dma_start3A_377 = tpu.memref_slice %arg3[%dma_start3A_375, %dma_start3A_376] : memref<20000x128xf32, #tpu.memory_space<hbm>> -> memref<20000x128xf32, #tpu.memory_space<hbm>>
        tpu.enqueue_indirect_dma source(%dma_start3A_377 : memref<20000x128xf32, #tpu.memory_space<hbm>>) target(%arg15 : memref<100x128xf32, #tpu.memory_space<vmem>>) offsets(%dma_start3A_374 : memref<100xi32, #tpu.memory_space<vmem>>) semaphore(%arg18 : memref<!tpu.dma_semaphore, #tpu.memory_space<semaphore_mem>>)
      } else {
      }
      %add3A_355 = arith.constant 2 : i32
      %add3A_356 = arith.addi %mul3A_321, %add3A_355 : i32
      %dma_wait3A_357 = arith.constant 0 : i32
      %dma_wait3A_358 = tpu.memref_slice %arg12[%add3A_356, %dma_wait3A_357] : memref<25x100xi32, #tpu.memory_space<vmem>> -> memref<1x100xi32, #tpu.memory_space<vmem>>
      %dma_wait3A_359 = tpu.memref_squeeze %dma_wait3A_358 : memref<1x100xi32, #tpu.memory_space<vmem>> -> memref<100xi32, #tpu.memory_space<vmem>>
      %dma_wait3A_360 = arith.constant 0 : i32
      %dma_wait3A_361 = arith.constant 0 : i32
      %dma_wait3A_362 = tpu.memref_slice %arg3[%dma_wait3A_360, %dma_wait3A_361] : memref<20000x128xf32, #tpu.memory_space<hbm>> -> memref<20000x128xf32, #tpu.memory_space<hbm>>
      tpu.wait_indirect_dma semaphore(%arg19 : memref<!tpu.dma_semaphore, #tpu.memory_space<semaphore_mem>>) src(%dma_wait3A_362 : memref<20000x128xf32, #tpu.memory_space<hbm>>) dst(%arg16 : memref<100x128xf32, #tpu.memory_space<vmem>>)
      "tpu.region"() ({
        %run_scoped3A_372 = tpu.sem_alloc : memref<!tpu.dma_semaphore, #tpu.memory_space<semaphore_mem>>
        %dma_start3A_373 = arith.constant 0 : i32
        %dma_start3A_374 = tpu.memref_slice %arg13[%add3A_356, %dma_start3A_373] : memref<25x100xi32, #tpu.memory_space<vmem>> -> memref<1x100xi32, #tpu.memory_space<vmem>>
        %dma_start3A_375 = tpu.memref_squeeze %dma_start3A_374 : memref<1x100xi32, #tpu.memory_space<vmem>> -> memref<100xi32, #tpu.memory_space<vmem>>
        %dma_start3A_376 = arith.constant 0 : i32
        %dma_start3A_377 = arith.constant 0 : i32
        %dma_start3A_378 = tpu.memref_slice %arg11[%dma_start3A_376, %dma_start3A_377] : memref<10000x128xf32, #tpu.memory_space<vmem_shared>> -> memref<10000x128xf32, #tpu.memory_space<vmem_shared>>
        tpu.enqueue_indirect_dma source(%arg16 : memref<100x128xf32, #tpu.memory_space<vmem>>) target(%dma_start3A_378 : memref<10000x128xf32, #tpu.memory_space<vmem_shared>>) offsets(%dma_start3A_375 : memref<100xi32, #tpu.memory_space<vmem>>) semaphore(%run_scoped3A_372 : memref<!tpu.dma_semaphore, #tpu.memory_space<semaphore_mem>>) {add = true}
        %dma_wait3A_379 = arith.constant 0 : i32
        %dma_wait3A_380 = tpu.memref_slice %arg13[%add3A_356, %dma_wait3A_379] : memref<25x100xi32, #tpu.memory_space<vmem>> -> memref<1x100xi32, #tpu.memory_space<vmem>>
        %dma_wait3A_381 = tpu.memref_squeeze %dma_wait3A_380 : memref<1x100xi32, #tpu.memory_space<vmem>> -> memref<100xi32, #tpu.memory_space<vmem>>
        %dma_wait3A_382 = arith.constant 0 : i32
        %dma_wait3A_383 = arith.constant 0 : i32
        %dma_wait3A_384 = tpu.memref_slice %arg11[%dma_wait3A_382, %dma_wait3A_383] : memref<10000x128xf32, #tpu.memory_space<vmem_shared>> -> memref<10000x128xf32, #tpu.memory_space<vmem_shared>>
        tpu.wait_indirect_dma semaphore(%run_scoped3A_372 : memref<!tpu.dma_semaphore, #tpu.memory_space<semaphore_mem>>) src(%arg16 : memref<100x128xf32, #tpu.memory_space<vmem>>) dst(%dma_wait3A_384 : memref<10000x128xf32, #tpu.memory_space<vmem_shared>>)
        tpu.yield
      }) : () -> ()
      %add3A_363 = arith.constant 3 : i32
      %add3A_364 = arith.addi %add3A_356, %add3A_363 : i32
      %lt3A_365 = arith.constant 25 : i32
      %lt3A_366 = arith.cmpi slt, %add3A_364, %lt3A_365 : i32
      %add3A_367 = arith.constant 3 : i32
      %add3A_368 = arith.addi %add3A_356, %add3A_367 : i32
      %convert_element_type3A_369 = arith.extui %lt3A_366 : i1 to i32
      %cond3A_370 = arith.constant 0 : i32
      %cond3A_371 = arith.cmpi ne, %convert_element_type3A_369, %cond3A_370 : i32
      scf.if %cond3A_371 {
        %dma_start3A_372 = arith.constant 0 : i32
        %dma_start3A_373 = tpu.memref_slice %arg12[%add3A_368, %dma_start3A_372] : memref<25x100xi32, #tpu.memory_space<vmem>> -> memref<1x100xi32, #tpu.memory_space<vmem>>
        %dma_start3A_374 = tpu.memref_squeeze %dma_start3A_373 : memref<1x100xi32, #tpu.memory_space<vmem>> -> memref<100xi32, #tpu.memory_space<vmem>>
        %dma_start3A_375 = arith.constant 0 : i32
        %dma_start3A_376 = arith.constant 0 : i32
        %dma_start3A_377 = tpu.memref_slice %arg3[%dma_start3A_375, %dma_start3A_376] : memref<20000x128xf32, #tpu.memory_space<hbm>> -> memref<20000x128xf32, #tpu.memory_space<hbm>>
        tpu.enqueue_indirect_dma source(%dma_start3A_377 : memref<20000x128xf32, #tpu.memory_space<hbm>>) target(%arg16 : memref<100x128xf32, #tpu.memory_space<vmem>>) offsets(%dma_start3A_374 : memref<100xi32, #tpu.memory_space<vmem>>) semaphore(%arg19 : memref<!tpu.dma_semaphore, #tpu.memory_space<semaphore_mem>>)
      } else {
      }
    }
    %scan3A_228 = arith.constant 8 : i32
    %dma_wait3A_229 = arith.constant 24 : i32
    %dma_wait3A_230 = arith.constant 0 : i32
    %dma_wait3A_231 = tpu.memref_slice %arg12[%dma_wait3A_229, %dma_wait3A_230] : memref<25x100xi32, #tpu.memory_space<vmem>> -> memref<1x100xi32, #tpu.memory_space<vmem>>
    %dma_wait3A_232 = tpu.memref_squeeze %dma_wait3A_231 : memref<1x100xi32, #tpu.memory_space<vmem>> -> memref<100xi32, #tpu.memory_space<vmem>>
    %dma_wait3A_233 = arith.constant 0 : i32
    %dma_wait3A_234 = arith.constant 0 : i32
    %dma_wait3A_235 = tpu.memref_slice %arg3[%dma_wait3A_233, %dma_wait3A_234] : memref<20000x128xf32, #tpu.memory_space<hbm>> -> memref<20000x128xf32, #tpu.memory_space<hbm>>
    tpu.wait_indirect_dma semaphore(%arg17 : memref<!tpu.dma_semaphore, #tpu.memory_space<semaphore_mem>>) src(%dma_wait3A_235 : memref<20000x128xf32, #tpu.memory_space<hbm>>) dst(%arg14 : memref<100x128xf32, #tpu.memory_space<vmem>>)
    %run_scoped3A_236 = arith.constant 24 : i32
    "tpu.region"() ({
      %run_scoped3A_319 = tpu.sem_alloc : memref<!tpu.dma_semaphore, #tpu.memory_space<semaphore_mem>>
      %dma_start3A_320 = arith.constant 0 : i32
      %dma_start3A_321 = tpu.memref_slice %arg13[%run_scoped3A_236, %dma_start3A_320] : memref<25x100xi32, #tpu.memory_space<vmem>> -> memref<1x100xi32, #tpu.memory_space<vmem>>
      %dma_start3A_322 = tpu.memref_squeeze %dma_start3A_321 : memref<1x100xi32, #tpu.memory_space<vmem>> -> memref<100xi32, #tpu.memory_space<vmem>>
      %dma_start3A_323 = arith.constant 0 : i32
      %dma_start3A_324 = arith.constant 0 : i32
      %dma_start3A_325 = tpu.memref_slice %arg11[%dma_start3A_323, %dma_start3A_324] : memref<10000x128xf32, #tpu.memory_space<vmem_shared>> -> memref<10000x128xf32, #tpu.memory_space<vmem_shared>>
      tpu.enqueue_indirect_dma source(%arg14 : memref<100x128xf32, #tpu.memory_space<vmem>>) target(%dma_start3A_325 : memref<10000x128xf32, #tpu.memory_space<vmem_shared>>) offsets(%dma_start3A_322 : memref<100xi32, #tpu.memory_space<vmem>>) semaphore(%run_scoped3A_319 : memref<!tpu.dma_semaphore, #tpu.memory_space<semaphore_mem>>) {add = true}
      %dma_wait3A_326 = arith.constant 0 : i32
      %dma_wait3A_327 = tpu.memref_slice %arg13[%run_scoped3A_236, %dma_wait3A_326] : memref<25x100xi32, #tpu.memory_space<vmem>> -> memref<1x100xi32, #tpu.memory_space<vmem>>
      %dma_wait3A_328 = tpu.memref_squeeze %dma_wait3A_327 : memref<1x100xi32, #tpu.memory_space<vmem>> -> memref<100xi32, #tpu.memory_space<vmem>>
      %dma_wait3A_329 = arith.constant 0 : i32
      %dma_wait3A_330 = arith.constant 0 : i32
      %dma_wait3A_331 = tpu.memref_slice %arg11[%dma_wait3A_329, %dma_wait3A_330] : memref<10000x128xf32, #tpu.memory_space<vmem_shared>> -> memref<10000x128xf32, #tpu.memory_space<vmem_shared>>
      tpu.wait_indirect_dma semaphore(%run_scoped3A_319 : memref<!tpu.dma_semaphore, #tpu.memory_space<semaphore_mem>>) src(%arg14 : memref<100x128xf32, #tpu.memory_space<vmem>>) dst(%dma_wait3A_331 : memref<10000x128xf32, #tpu.memory_space<vmem_shared>>)
      tpu.yield
    }) : () -> ()
    %run_scoped3A_237 = arith.constant 2 : i32
    "tpu.region"() ({
      %run_scoped3A_319 = tpu.sem_alloc : memref<!tpu.dma_semaphore, #tpu.memory_space<semaphore_mem>>
      %dma_start3A_320 = arith.constant 0 : i32
      %dma_start3A_321 = arith.constant 0 : i32
      %dma_start3A_322 = tpu.memref_slice %arg6[%add3A, %run_scoped3A_237, %dma_start3A_320, %dma_start3A_321] : memref<32x4x25x100xi32, #tpu.memory_space<hbm>> -> memref<1x1x25x100xi32, #tpu.memory_space<hbm>>
      %dma_start3A_323 = tpu.memref_squeeze %dma_start3A_322 : memref<1x1x25x100xi32, #tpu.memory_space<hbm>> -> memref<25x100xi32, #tpu.memory_space<hbm>>
      %dma_start3A_324 = arith.constant 0 : i32
      %dma_start3A_325 = arith.constant 0 : i32
      %dma_start3A_326 = tpu.memref_slice %arg6[%add3A, %run_scoped3A_237, %dma_start3A_324, %dma_start3A_325] : memref<32x4x25x100xi32, #tpu.memory_space<hbm>> -> memref<1x1x25x100xi32, #tpu.memory_space<hbm>>
      %dma_start3A_327 = tpu.memref_squeeze %dma_start3A_326 : memref<1x1x25x100xi32, #tpu.memory_space<hbm>> -> memref<25x100xi32, #tpu.memory_space<hbm>>
      tpu.enqueue_dma source(%dma_start3A_327 : memref<25x100xi32, #tpu.memory_space<hbm>>) target(%arg12 : memref<25x100xi32, #tpu.memory_space<vmem>>) target_semaphore(%run_scoped3A_319 : memref<!tpu.dma_semaphore, #tpu.memory_space<semaphore_mem>>)
      %dma_wait3A_328 = arith.constant 0 : i32
      %dma_wait3A_329 = arith.constant 0 : i32
      %dma_wait3A_330 = tpu.memref_slice %arg6[%add3A, %run_scoped3A_237, %dma_wait3A_328, %dma_wait3A_329] : memref<32x4x25x100xi32, #tpu.memory_space<hbm>> -> memref<1x1x25x100xi32, #tpu.memory_space<hbm>>
      %dma_wait3A_331 = tpu.memref_squeeze %dma_wait3A_330 : memref<1x1x25x100xi32, #tpu.memory_space<hbm>> -> memref<25x100xi32, #tpu.memory_space<hbm>>
      %dma_wait3A_332 = arith.constant 0 : i32
      %dma_wait3A_333 = arith.constant 0 : i32
      %dma_wait3A_334 = tpu.memref_slice %arg6[%add3A, %run_scoped3A_237, %dma_wait3A_332, %dma_wait3A_333] : memref<32x4x25x100xi32, #tpu.memory_space<hbm>> -> memref<1x1x25x100xi32, #tpu.memory_space<hbm>>
      %dma_wait3A_335 = tpu.memref_squeeze %dma_wait3A_334 : memref<1x1x25x100xi32, #tpu.memory_space<hbm>> -> memref<25x100xi32, #tpu.memory_space<hbm>>
      tpu.wait_dma2 semaphore(%run_scoped3A_319 : memref<!tpu.dma_semaphore, #tpu.memory_space<semaphore_mem>>) src(%dma_wait3A_335 : memref<25x100xi32, #tpu.memory_space<hbm>>) dst(%arg12 : memref<25x100xi32, #tpu.memory_space<vmem>>)
      tpu.yield
    }) : () -> ()
    %run_scoped3A_238 = arith.constant 2 : i32
    "tpu.region"() ({
      %run_scoped3A_319 = tpu.sem_alloc : memref<!tpu.dma_semaphore, #tpu.memory_space<semaphore_mem>>
      %dma_start3A_320 = arith.constant 0 : i32
      %dma_start3A_321 = arith.constant 0 : i32
      %dma_start3A_322 = tpu.memref_slice %arg7[%add3A, %run_scoped3A_238, %dma_start3A_320, %dma_start3A_321] : memref<32x4x25x100xi32, #tpu.memory_space<hbm>> -> memref<1x1x25x100xi32, #tpu.memory_space<hbm>>
      %dma_start3A_323 = tpu.memref_squeeze %dma_start3A_322 : memref<1x1x25x100xi32, #tpu.memory_space<hbm>> -> memref<25x100xi32, #tpu.memory_space<hbm>>
      %dma_start3A_324 = arith.constant 0 : i32
      %dma_start3A_325 = arith.constant 0 : i32
      %dma_start3A_326 = tpu.memref_slice %arg7[%add3A, %run_scoped3A_238, %dma_start3A_324, %dma_start3A_325] : memref<32x4x25x100xi32, #tpu.memory_space<hbm>> -> memref<1x1x25x100xi32, #tpu.memory_space<hbm>>
      %dma_start3A_327 = tpu.memref_squeeze %dma_start3A_326 : memref<1x1x25x100xi32, #tpu.memory_space<hbm>> -> memref<25x100xi32, #tpu.memory_space<hbm>>
      tpu.enqueue_dma source(%dma_start3A_327 : memref<25x100xi32, #tpu.memory_space<hbm>>) target(%arg13 : memref<25x100xi32, #tpu.memory_space<vmem>>) target_semaphore(%run_scoped3A_319 : memref<!tpu.dma_semaphore, #tpu.memory_space<semaphore_mem>>)
      %dma_wait3A_328 = arith.constant 0 : i32
      %dma_wait3A_329 = arith.constant 0 : i32
      %dma_wait3A_330 = tpu.memref_slice %arg7[%add3A, %run_scoped3A_238, %dma_wait3A_328, %dma_wait3A_329] : memref<32x4x25x100xi32, #tpu.memory_space<hbm>> -> memref<1x1x25x100xi32, #tpu.memory_space<hbm>>
      %dma_wait3A_331 = tpu.memref_squeeze %dma_wait3A_330 : memref<1x1x25x100xi32, #tpu.memory_space<hbm>> -> memref<25x100xi32, #tpu.memory_space<hbm>>
      %dma_wait3A_332 = arith.constant 0 : i32
      %dma_wait3A_333 = arith.constant 0 : i32
      %dma_wait3A_334 = tpu.memref_slice %arg7[%add3A, %run_scoped3A_238, %dma_wait3A_332, %dma_wait3A_333] : memref<32x4x25x100xi32, #tpu.memory_space<hbm>> -> memref<1x1x25x100xi32, #tpu.memory_space<hbm>>
      %dma_wait3A_335 = tpu.memref_squeeze %dma_wait3A_334 : memref<1x1x25x100xi32, #tpu.memory_space<hbm>> -> memref<25x100xi32, #tpu.memory_space<hbm>>
      tpu.wait_dma2 semaphore(%run_scoped3A_319 : memref<!tpu.dma_semaphore, #tpu.memory_space<semaphore_mem>>) src(%dma_wait3A_335 : memref<25x100xi32, #tpu.memory_space<hbm>>) dst(%arg13 : memref<25x100xi32, #tpu.memory_space<vmem>>)
      tpu.yield
    }) : () -> ()
    %dma_start3A_239 = arith.constant 0 : i32
    %dma_start3A_240 = arith.constant 0 : i32
    %dma_start3A_241 = tpu.memref_slice %arg12[%dma_start3A_239, %dma_start3A_240] : memref<25x100xi32, #tpu.memory_space<vmem>> -> memref<1x100xi32, #tpu.memory_space<vmem>>
    %dma_start3A_242 = tpu.memref_squeeze %dma_start3A_241 : memref<1x100xi32, #tpu.memory_space<vmem>> -> memref<100xi32, #tpu.memory_space<vmem>>
    %dma_start3A_243 = arith.constant 0 : i32
    %dma_start3A_244 = arith.constant 0 : i32
    %dma_start3A_245 = tpu.memref_slice %arg3[%dma_start3A_243, %dma_start3A_244] : memref<20000x128xf32, #tpu.memory_space<hbm>> -> memref<20000x128xf32, #tpu.memory_space<hbm>>
    tpu.enqueue_indirect_dma source(%dma_start3A_245 : memref<20000x128xf32, #tpu.memory_space<hbm>>) target(%arg14 : memref<100x128xf32, #tpu.memory_space<vmem>>) offsets(%dma_start3A_242 : memref<100xi32, #tpu.memory_space<vmem>>) semaphore(%arg17 : memref<!tpu.dma_semaphore, #tpu.memory_space<semaphore_mem>>)
    %dma_start3A_246 = arith.constant 1 : i32
    %dma_start3A_247 = arith.constant 0 : i32
    %dma_start3A_248 = tpu.memref_slice %arg12[%dma_start3A_246, %dma_start3A_247] : memref<25x100xi32, #tpu.memory_space<vmem>> -> memref<1x100xi32, #tpu.memory_space<vmem>>
    %dma_start3A_249 = tpu.memref_squeeze %dma_start3A_248 : memref<1x100xi32, #tpu.memory_space<vmem>> -> memref<100xi32, #tpu.memory_space<vmem>>
    %dma_start3A_250 = arith.constant 0 : i32
    %dma_start3A_251 = arith.constant 0 : i32
    %dma_start3A_252 = tpu.memref_slice %arg3[%dma_start3A_250, %dma_start3A_251] : memref<20000x128xf32, #tpu.memory_space<hbm>> -> memref<20000x128xf32, #tpu.memory_space<hbm>>
    tpu.enqueue_indirect_dma source(%dma_start3A_252 : memref<20000x128xf32, #tpu.memory_space<hbm>>) target(%arg15 : memref<100x128xf32, #tpu.memory_space<vmem>>) offsets(%dma_start3A_249 : memref<100xi32, #tpu.memory_space<vmem>>) semaphore(%arg18 : memref<!tpu.dma_semaphore, #tpu.memory_space<semaphore_mem>>)
    %dma_start3A_253 = arith.constant 2 : i32
    %dma_start3A_254 = arith.constant 0 : i32
    %dma_start3A_255 = tpu.memref_slice %arg12[%dma_start3A_253, %dma_start3A_254] : memref<25x100xi32, #tpu.memory_space<vmem>> -> memref<1x100xi32, #tpu.memory_space<vmem>>
    %dma_start3A_256 = tpu.memref_squeeze %dma_start3A_255 : memref<1x100xi32, #tpu.memory_space<vmem>> -> memref<100xi32, #tpu.memory_space<vmem>>
    %dma_start3A_257 = arith.constant 0 : i32
    %dma_start3A_258 = arith.constant 0 : i32
    %dma_start3A_259 = tpu.memref_slice %arg3[%dma_start3A_257, %dma_start3A_258] : memref<20000x128xf32, #tpu.memory_space<hbm>> -> memref<20000x128xf32, #tpu.memory_space<hbm>>
    tpu.enqueue_indirect_dma source(%dma_start3A_259 : memref<20000x128xf32, #tpu.memory_space<hbm>>) target(%arg16 : memref<100x128xf32, #tpu.memory_space<vmem>>) offsets(%dma_start3A_256 : memref<100xi32, #tpu.memory_space<vmem>>) semaphore(%arg19 : memref<!tpu.dma_semaphore, #tpu.memory_space<semaphore_mem>>)
    %scan3A_260 = arith.constant 0 : i32
    %scan3A_261 = arith.constant 8 : i32
    %scan3A_262 = arith.addi %scan3A_260, %scan3A_261 : i32
    %scan3A_263 = arith.constant 1 : i32
    scf.for %scan3A_319 = %scan3A_260 to %scan3A_262 step %scan3A_263  : i32 {
      %mul3A_320 = arith.constant 3 : i32
      %mul3A_321 = arith.muli %scan3A_319, %mul3A_320 : i32
      %add3A_322 = arith.constant 0 : i32
      %add3A_323 = arith.addi %mul3A_321, %add3A_322 : i32
      %dma_wait3A_324 = arith.constant 0 : i32
      %dma_wait3A_325 = tpu.memref_slice %arg12[%add3A_323, %dma_wait3A_324] : memref<25x100xi32, #tpu.memory_space<vmem>> -> memref<1x100xi32, #tpu.memory_space<vmem>>
      %dma_wait3A_326 = tpu.memref_squeeze %dma_wait3A_325 : memref<1x100xi32, #tpu.memory_space<vmem>> -> memref<100xi32, #tpu.memory_space<vmem>>
      %dma_wait3A_327 = arith.constant 0 : i32
      %dma_wait3A_328 = arith.constant 0 : i32
      %dma_wait3A_329 = tpu.memref_slice %arg3[%dma_wait3A_327, %dma_wait3A_328] : memref<20000x128xf32, #tpu.memory_space<hbm>> -> memref<20000x128xf32, #tpu.memory_space<hbm>>
      tpu.wait_indirect_dma semaphore(%arg17 : memref<!tpu.dma_semaphore, #tpu.memory_space<semaphore_mem>>) src(%dma_wait3A_329 : memref<20000x128xf32, #tpu.memory_space<hbm>>) dst(%arg14 : memref<100x128xf32, #tpu.memory_space<vmem>>)
      "tpu.region"() ({
        %run_scoped3A_372 = tpu.sem_alloc : memref<!tpu.dma_semaphore, #tpu.memory_space<semaphore_mem>>
        %dma_start3A_373 = arith.constant 0 : i32
        %dma_start3A_374 = tpu.memref_slice %arg13[%add3A_323, %dma_start3A_373] : memref<25x100xi32, #tpu.memory_space<vmem>> -> memref<1x100xi32, #tpu.memory_space<vmem>>
        %dma_start3A_375 = tpu.memref_squeeze %dma_start3A_374 : memref<1x100xi32, #tpu.memory_space<vmem>> -> memref<100xi32, #tpu.memory_space<vmem>>
        %dma_start3A_376 = arith.constant 0 : i32
        %dma_start3A_377 = arith.constant 0 : i32
        %dma_start3A_378 = tpu.memref_slice %arg11[%dma_start3A_376, %dma_start3A_377] : memref<10000x128xf32, #tpu.memory_space<vmem_shared>> -> memref<10000x128xf32, #tpu.memory_space<vmem_shared>>
        tpu.enqueue_indirect_dma source(%arg14 : memref<100x128xf32, #tpu.memory_space<vmem>>) target(%dma_start3A_378 : memref<10000x128xf32, #tpu.memory_space<vmem_shared>>) offsets(%dma_start3A_375 : memref<100xi32, #tpu.memory_space<vmem>>) semaphore(%run_scoped3A_372 : memref<!tpu.dma_semaphore, #tpu.memory_space<semaphore_mem>>) {add = true}
        %dma_wait3A_379 = arith.constant 0 : i32
        %dma_wait3A_380 = tpu.memref_slice %arg13[%add3A_323, %dma_wait3A_379] : memref<25x100xi32, #tpu.memory_space<vmem>> -> memref<1x100xi32, #tpu.memory_space<vmem>>
        %dma_wait3A_381 = tpu.memref_squeeze %dma_wait3A_380 : memref<1x100xi32, #tpu.memory_space<vmem>> -> memref<100xi32, #tpu.memory_space<vmem>>
        %dma_wait3A_382 = arith.constant 0 : i32
        %dma_wait3A_383 = arith.constant 0 : i32
        %dma_wait3A_384 = tpu.memref_slice %arg11[%dma_wait3A_382, %dma_wait3A_383] : memref<10000x128xf32, #tpu.memory_space<vmem_shared>> -> memref<10000x128xf32, #tpu.memory_space<vmem_shared>>
        tpu.wait_indirect_dma semaphore(%run_scoped3A_372 : memref<!tpu.dma_semaphore, #tpu.memory_space<semaphore_mem>>) src(%arg14 : memref<100x128xf32, #tpu.memory_space<vmem>>) dst(%dma_wait3A_384 : memref<10000x128xf32, #tpu.memory_space<vmem_shared>>)
        tpu.yield
      }) : () -> ()
      %add3A_330 = arith.constant 3 : i32
      %add3A_331 = arith.addi %add3A_323, %add3A_330 : i32
      %lt3A = arith.constant 25 : i32
      %lt3A_332 = arith.cmpi slt, %add3A_331, %lt3A : i32
      %add3A_333 = arith.constant 3 : i32
      %add3A_334 = arith.addi %add3A_323, %add3A_333 : i32
      %convert_element_type3A_335 = arith.extui %lt3A_332 : i1 to i32
      %cond3A_336 = arith.constant 0 : i32
      %cond3A_337 = arith.cmpi ne, %convert_element_type3A_335, %cond3A_336 : i32
      scf.if %cond3A_337 {
        %dma_start3A_372 = arith.constant 0 : i32
        %dma_start3A_373 = tpu.memref_slice %arg12[%add3A_334, %dma_start3A_372] : memref<25x100xi32, #tpu.memory_space<vmem>> -> memref<1x100xi32, #tpu.memory_space<vmem>>
        %dma_start3A_374 = tpu.memref_squeeze %dma_start3A_373 : memref<1x100xi32, #tpu.memory_space<vmem>> -> memref<100xi32, #tpu.memory_space<vmem>>
        %dma_start3A_375 = arith.constant 0 : i32
        %dma_start3A_376 = arith.constant 0 : i32
        %dma_start3A_377 = tpu.memref_slice %arg3[%dma_start3A_375, %dma_start3A_376] : memref<20000x128xf32, #tpu.memory_space<hbm>> -> memref<20000x128xf32, #tpu.memory_space<hbm>>
        tpu.enqueue_indirect_dma source(%dma_start3A_377 : memref<20000x128xf32, #tpu.memory_space<hbm>>) target(%arg14 : memref<100x128xf32, #tpu.memory_space<vmem>>) offsets(%dma_start3A_374 : memref<100xi32, #tpu.memory_space<vmem>>) semaphore(%arg17 : memref<!tpu.dma_semaphore, #tpu.memory_space<semaphore_mem>>)
      } else {
      }
      %add3A_338 = arith.constant 1 : i32
      %add3A_339 = arith.addi %mul3A_321, %add3A_338 : i32
      %dma_wait3A_340 = arith.constant 0 : i32
      %dma_wait3A_341 = tpu.memref_slice %arg12[%add3A_339, %dma_wait3A_340] : memref<25x100xi32, #tpu.memory_space<vmem>> -> memref<1x100xi32, #tpu.memory_space<vmem>>
      %dma_wait3A_342 = tpu.memref_squeeze %dma_wait3A_341 : memref<1x100xi32, #tpu.memory_space<vmem>> -> memref<100xi32, #tpu.memory_space<vmem>>
      %dma_wait3A_343 = arith.constant 0 : i32
      %dma_wait3A_344 = arith.constant 0 : i32
      %dma_wait3A_345 = tpu.memref_slice %arg3[%dma_wait3A_343, %dma_wait3A_344] : memref<20000x128xf32, #tpu.memory_space<hbm>> -> memref<20000x128xf32, #tpu.memory_space<hbm>>
      tpu.wait_indirect_dma semaphore(%arg18 : memref<!tpu.dma_semaphore, #tpu.memory_space<semaphore_mem>>) src(%dma_wait3A_345 : memref<20000x128xf32, #tpu.memory_space<hbm>>) dst(%arg15 : memref<100x128xf32, #tpu.memory_space<vmem>>)
      "tpu.region"() ({
        %run_scoped3A_372 = tpu.sem_alloc : memref<!tpu.dma_semaphore, #tpu.memory_space<semaphore_mem>>
        %dma_start3A_373 = arith.constant 0 : i32
        %dma_start3A_374 = tpu.memref_slice %arg13[%add3A_339, %dma_start3A_373] : memref<25x100xi32, #tpu.memory_space<vmem>> -> memref<1x100xi32, #tpu.memory_space<vmem>>
        %dma_start3A_375 = tpu.memref_squeeze %dma_start3A_374 : memref<1x100xi32, #tpu.memory_space<vmem>> -> memref<100xi32, #tpu.memory_space<vmem>>
        %dma_start3A_376 = arith.constant 0 : i32
        %dma_start3A_377 = arith.constant 0 : i32
        %dma_start3A_378 = tpu.memref_slice %arg11[%dma_start3A_376, %dma_start3A_377] : memref<10000x128xf32, #tpu.memory_space<vmem_shared>> -> memref<10000x128xf32, #tpu.memory_space<vmem_shared>>
        tpu.enqueue_indirect_dma source(%arg15 : memref<100x128xf32, #tpu.memory_space<vmem>>) target(%dma_start3A_378 : memref<10000x128xf32, #tpu.memory_space<vmem_shared>>) offsets(%dma_start3A_375 : memref<100xi32, #tpu.memory_space<vmem>>) semaphore(%run_scoped3A_372 : memref<!tpu.dma_semaphore, #tpu.memory_space<semaphore_mem>>) {add = true}
        %dma_wait3A_379 = arith.constant 0 : i32
        %dma_wait3A_380 = tpu.memref_slice %arg13[%add3A_339, %dma_wait3A_379] : memref<25x100xi32, #tpu.memory_space<vmem>> -> memref<1x100xi32, #tpu.memory_space<vmem>>
        %dma_wait3A_381 = tpu.memref_squeeze %dma_wait3A_380 : memref<1x100xi32, #tpu.memory_space<vmem>> -> memref<100xi32, #tpu.memory_space<vmem>>
        %dma_wait3A_382 = arith.constant 0 : i32
        %dma_wait3A_383 = arith.constant 0 : i32
        %dma_wait3A_384 = tpu.memref_slice %arg11[%dma_wait3A_382, %dma_wait3A_383] : memref<10000x128xf32, #tpu.memory_space<vmem_shared>> -> memref<10000x128xf32, #tpu.memory_space<vmem_shared>>
        tpu.wait_indirect_dma semaphore(%run_scoped3A_372 : memref<!tpu.dma_semaphore, #tpu.memory_space<semaphore_mem>>) src(%arg15 : memref<100x128xf32, #tpu.memory_space<vmem>>) dst(%dma_wait3A_384 : memref<10000x128xf32, #tpu.memory_space<vmem_shared>>)
        tpu.yield
      }) : () -> ()
      %add3A_346 = arith.constant 3 : i32
      %add3A_347 = arith.addi %add3A_339, %add3A_346 : i32
      %lt3A_348 = arith.constant 25 : i32
      %lt3A_349 = arith.cmpi slt, %add3A_347, %lt3A_348 : i32
      %add3A_350 = arith.constant 3 : i32
      %add3A_351 = arith.addi %add3A_339, %add3A_350 : i32
      %convert_element_type3A_352 = arith.extui %lt3A_349 : i1 to i32
      %cond3A_353 = arith.constant 0 : i32
      %cond3A_354 = arith.cmpi ne, %convert_element_type3A_352, %cond3A_353 : i32
      scf.if %cond3A_354 {
        %dma_start3A_372 = arith.constant 0 : i32
        %dma_start3A_373 = tpu.memref_slice %arg12[%add3A_351, %dma_start3A_372] : memref<25x100xi32, #tpu.memory_space<vmem>> -> memref<1x100xi32, #tpu.memory_space<vmem>>
        %dma_start3A_374 = tpu.memref_squeeze %dma_start3A_373 : memref<1x100xi32, #tpu.memory_space<vmem>> -> memref<100xi32, #tpu.memory_space<vmem>>
        %dma_start3A_375 = arith.constant 0 : i32
        %dma_start3A_376 = arith.constant 0 : i32
        %dma_start3A_377 = tpu.memref_slice %arg3[%dma_start3A_375, %dma_start3A_376] : memref<20000x128xf32, #tpu.memory_space<hbm>> -> memref<20000x128xf32, #tpu.memory_space<hbm>>
        tpu.enqueue_indirect_dma source(%dma_start3A_377 : memref<20000x128xf32, #tpu.memory_space<hbm>>) target(%arg15 : memref<100x128xf32, #tpu.memory_space<vmem>>) offsets(%dma_start3A_374 : memref<100xi32, #tpu.memory_space<vmem>>) semaphore(%arg18 : memref<!tpu.dma_semaphore, #tpu.memory_space<semaphore_mem>>)
      } else {
      }
      %add3A_355 = arith.constant 2 : i32
      %add3A_356 = arith.addi %mul3A_321, %add3A_355 : i32
      %dma_wait3A_357 = arith.constant 0 : i32
      %dma_wait3A_358 = tpu.memref_slice %arg12[%add3A_356, %dma_wait3A_357] : memref<25x100xi32, #tpu.memory_space<vmem>> -> memref<1x100xi32, #tpu.memory_space<vmem>>
      %dma_wait3A_359 = tpu.memref_squeeze %dma_wait3A_358 : memref<1x100xi32, #tpu.memory_space<vmem>> -> memref<100xi32, #tpu.memory_space<vmem>>
      %dma_wait3A_360 = arith.constant 0 : i32
      %dma_wait3A_361 = arith.constant 0 : i32
      %dma_wait3A_362 = tpu.memref_slice %arg3[%dma_wait3A_360, %dma_wait3A_361] : memref<20000x128xf32, #tpu.memory_space<hbm>> -> memref<20000x128xf32, #tpu.memory_space<hbm>>
      tpu.wait_indirect_dma semaphore(%arg19 : memref<!tpu.dma_semaphore, #tpu.memory_space<semaphore_mem>>) src(%dma_wait3A_362 : memref<20000x128xf32, #tpu.memory_space<hbm>>) dst(%arg16 : memref<100x128xf32, #tpu.memory_space<vmem>>)
      "tpu.region"() ({
        %run_scoped3A_372 = tpu.sem_alloc : memref<!tpu.dma_semaphore, #tpu.memory_space<semaphore_mem>>
        %dma_start3A_373 = arith.constant 0 : i32
        %dma_start3A_374 = tpu.memref_slice %arg13[%add3A_356, %dma_start3A_373] : memref<25x100xi32, #tpu.memory_space<vmem>> -> memref<1x100xi32, #tpu.memory_space<vmem>>
        %dma_start3A_375 = tpu.memref_squeeze %dma_start3A_374 : memref<1x100xi32, #tpu.memory_space<vmem>> -> memref<100xi32, #tpu.memory_space<vmem>>
        %dma_start3A_376 = arith.constant 0 : i32
        %dma_start3A_377 = arith.constant 0 : i32
        %dma_start3A_378 = tpu.memref_slice %arg11[%dma_start3A_376, %dma_start3A_377] : memref<10000x128xf32, #tpu.memory_space<vmem_shared>> -> memref<10000x128xf32, #tpu.memory_space<vmem_shared>>
        tpu.enqueue_indirect_dma source(%arg16 : memref<100x128xf32, #tpu.memory_space<vmem>>) target(%dma_start3A_378 : memref<10000x128xf32, #tpu.memory_space<vmem_shared>>) offsets(%dma_start3A_375 : memref<100xi32, #tpu.memory_space<vmem>>) semaphore(%run_scoped3A_372 : memref<!tpu.dma_semaphore, #tpu.memory_space<semaphore_mem>>) {add = true}
        %dma_wait3A_379 = arith.constant 0 : i32
        %dma_wait3A_380 = tpu.memref_slice %arg13[%add3A_356, %dma_wait3A_379] : memref<25x100xi32, #tpu.memory_space<vmem>> -> memref<1x100xi32, #tpu.memory_space<vmem>>
        %dma_wait3A_381 = tpu.memref_squeeze %dma_wait3A_380 : memref<1x100xi32, #tpu.memory_space<vmem>> -> memref<100xi32, #tpu.memory_space<vmem>>
        %dma_wait3A_382 = arith.constant 0 : i32
        %dma_wait3A_383 = arith.constant 0 : i32
        %dma_wait3A_384 = tpu.memref_slice %arg11[%dma_wait3A_382, %dma_wait3A_383] : memref<10000x128xf32, #tpu.memory_space<vmem_shared>> -> memref<10000x128xf32, #tpu.memory_space<vmem_shared>>
        tpu.wait_indirect_dma semaphore(%run_scoped3A_372 : memref<!tpu.dma_semaphore, #tpu.memory_space<semaphore_mem>>) src(%arg16 : memref<100x128xf32, #tpu.memory_space<vmem>>) dst(%dma_wait3A_384 : memref<10000x128xf32, #tpu.memory_space<vmem_shared>>)
        tpu.yield
      }) : () -> ()
      %add3A_363 = arith.constant 3 : i32
      %add3A_364 = arith.addi %add3A_356, %add3A_363 : i32
      %lt3A_365 = arith.constant 25 : i32
      %lt3A_366 = arith.cmpi slt, %add3A_364, %lt3A_365 : i32
      %add3A_367 = arith.constant 3 : i32
      %add3A_368 = arith.addi %add3A_356, %add3A_367 : i32
      %convert_element_type3A_369 = arith.extui %lt3A_366 : i1 to i32
      %cond3A_370 = arith.constant 0 : i32
      %cond3A_371 = arith.cmpi ne, %convert_element_type3A_369, %cond3A_370 : i32
      scf.if %cond3A_371 {
        %dma_start3A_372 = arith.constant 0 : i32
        %dma_start3A_373 = tpu.memref_slice %arg12[%add3A_368, %dma_start3A_372] : memref<25x100xi32, #tpu.memory_space<vmem>> -> memref<1x100xi32, #tpu.memory_space<vmem>>
        %dma_start3A_374 = tpu.memref_squeeze %dma_start3A_373 : memref<1x100xi32, #tpu.memory_space<vmem>> -> memref<100xi32, #tpu.memory_space<vmem>>
        %dma_start3A_375 = arith.constant 0 : i32
        %dma_start3A_376 = arith.constant 0 : i32
        %dma_start3A_377 = tpu.memref_slice %arg3[%dma_start3A_375, %dma_start3A_376] : memref<20000x128xf32, #tpu.memory_space<hbm>> -> memref<20000x128xf32, #tpu.memory_space<hbm>>
        tpu.enqueue_indirect_dma source(%dma_start3A_377 : memref<20000x128xf32, #tpu.memory_space<hbm>>) target(%arg16 : memref<100x128xf32, #tpu.memory_space<vmem>>) offsets(%dma_start3A_374 : memref<100xi32, #tpu.memory_space<vmem>>) semaphore(%arg19 : memref<!tpu.dma_semaphore, #tpu.memory_space<semaphore_mem>>)
      } else {
      }
    }
    %scan3A_264 = arith.constant 8 : i32
    %dma_wait3A_265 = arith.constant 24 : i32
    %dma_wait3A_266 = arith.constant 0 : i32
    %dma_wait3A_267 = tpu.memref_slice %arg12[%dma_wait3A_265, %dma_wait3A_266] : memref<25x100xi32, #tpu.memory_space<vmem>> -> memref<1x100xi32, #tpu.memory_space<vmem>>
    %dma_wait3A_268 = tpu.memref_squeeze %dma_wait3A_267 : memref<1x100xi32, #tpu.memory_space<vmem>> -> memref<100xi32, #tpu.memory_space<vmem>>
    %dma_wait3A_269 = arith.constant 0 : i32
    %dma_wait3A_270 = arith.constant 0 : i32
    %dma_wait3A_271 = tpu.memref_slice %arg3[%dma_wait3A_269, %dma_wait3A_270] : memref<20000x128xf32, #tpu.memory_space<hbm>> -> memref<20000x128xf32, #tpu.memory_space<hbm>>
    tpu.wait_indirect_dma semaphore(%arg17 : memref<!tpu.dma_semaphore, #tpu.memory_space<semaphore_mem>>) src(%dma_wait3A_271 : memref<20000x128xf32, #tpu.memory_space<hbm>>) dst(%arg14 : memref<100x128xf32, #tpu.memory_space<vmem>>)
    %run_scoped3A_272 = arith.constant 24 : i32
    "tpu.region"() ({
      %run_scoped3A_319 = tpu.sem_alloc : memref<!tpu.dma_semaphore, #tpu.memory_space<semaphore_mem>>
      %dma_start3A_320 = arith.constant 0 : i32
      %dma_start3A_321 = tpu.memref_slice %arg13[%run_scoped3A_272, %dma_start3A_320] : memref<25x100xi32, #tpu.memory_space<vmem>> -> memref<1x100xi32, #tpu.memory_space<vmem>>
      %dma_start3A_322 = tpu.memref_squeeze %dma_start3A_321 : memref<1x100xi32, #tpu.memory_space<vmem>> -> memref<100xi32, #tpu.memory_space<vmem>>
      %dma_start3A_323 = arith.constant 0 : i32
      %dma_start3A_324 = arith.constant 0 : i32
      %dma_start3A_325 = tpu.memref_slice %arg11[%dma_start3A_323, %dma_start3A_324] : memref<10000x128xf32, #tpu.memory_space<vmem_shared>> -> memref<10000x128xf32, #tpu.memory_space<vmem_shared>>
      tpu.enqueue_indirect_dma source(%arg14 : memref<100x128xf32, #tpu.memory_space<vmem>>) target(%dma_start3A_325 : memref<10000x128xf32, #tpu.memory_space<vmem_shared>>) offsets(%dma_start3A_322 : memref<100xi32, #tpu.memory_space<vmem>>) semaphore(%run_scoped3A_319 : memref<!tpu.dma_semaphore, #tpu.memory_space<semaphore_mem>>) {add = true}
      %dma_wait3A_326 = arith.constant 0 : i32
      %dma_wait3A_327 = tpu.memref_slice %arg13[%run_scoped3A_272, %dma_wait3A_326] : memref<25x100xi32, #tpu.memory_space<vmem>> -> memref<1x100xi32, #tpu.memory_space<vmem>>
      %dma_wait3A_328 = tpu.memref_squeeze %dma_wait3A_327 : memref<1x100xi32, #tpu.memory_space<vmem>> -> memref<100xi32, #tpu.memory_space<vmem>>
      %dma_wait3A_329 = arith.constant 0 : i32
      %dma_wait3A_330 = arith.constant 0 : i32
      %dma_wait3A_331 = tpu.memref_slice %arg11[%dma_wait3A_329, %dma_wait3A_330] : memref<10000x128xf32, #tpu.memory_space<vmem_shared>> -> memref<10000x128xf32, #tpu.memory_space<vmem_shared>>
      tpu.wait_indirect_dma semaphore(%run_scoped3A_319 : memref<!tpu.dma_semaphore, #tpu.memory_space<semaphore_mem>>) src(%arg14 : memref<100x128xf32, #tpu.memory_space<vmem>>) dst(%dma_wait3A_331 : memref<10000x128xf32, #tpu.memory_space<vmem_shared>>)
      tpu.yield
    }) : () -> ()
    %run_scoped3A_273 = arith.constant 3 : i32
    "tpu.region"() ({
      %run_scoped3A_319 = tpu.sem_alloc : memref<!tpu.dma_semaphore, #tpu.memory_space<semaphore_mem>>
      %dma_start3A_320 = arith.constant 0 : i32
      %dma_start3A_321 = arith.constant 0 : i32
      %dma_start3A_322 = tpu.memref_slice %arg6[%add3A, %run_scoped3A_273, %dma_start3A_320, %dma_start3A_321] : memref<32x4x25x100xi32, #tpu.memory_space<hbm>> -> memref<1x1x25x100xi32, #tpu.memory_space<hbm>>
      %dma_start3A_323 = tpu.memref_squeeze %dma_start3A_322 : memref<1x1x25x100xi32, #tpu.memory_space<hbm>> -> memref<25x100xi32, #tpu.memory_space<hbm>>
      %dma_start3A_324 = arith.constant 0 : i32
      %dma_start3A_325 = arith.constant 0 : i32
      %dma_start3A_326 = tpu.memref_slice %arg6[%add3A, %run_scoped3A_273, %dma_start3A_324, %dma_start3A_325] : memref<32x4x25x100xi32, #tpu.memory_space<hbm>> -> memref<1x1x25x100xi32, #tpu.memory_space<hbm>>
      %dma_start3A_327 = tpu.memref_squeeze %dma_start3A_326 : memref<1x1x25x100xi32, #tpu.memory_space<hbm>> -> memref<25x100xi32, #tpu.memory_space<hbm>>
      tpu.enqueue_dma source(%dma_start3A_327 : memref<25x100xi32, #tpu.memory_space<hbm>>) target(%arg12 : memref<25x100xi32, #tpu.memory_space<vmem>>) target_semaphore(%run_scoped3A_319 : memref<!tpu.dma_semaphore, #tpu.memory_space<semaphore_mem>>)
      %dma_wait3A_328 = arith.constant 0 : i32
      %dma_wait3A_329 = arith.constant 0 : i32
      %dma_wait3A_330 = tpu.memref_slice %arg6[%add3A, %run_scoped3A_273, %dma_wait3A_328, %dma_wait3A_329] : memref<32x4x25x100xi32, #tpu.memory_space<hbm>> -> memref<1x1x25x100xi32, #tpu.memory_space<hbm>>
      %dma_wait3A_331 = tpu.memref_squeeze %dma_wait3A_330 : memref<1x1x25x100xi32, #tpu.memory_space<hbm>> -> memref<25x100xi32, #tpu.memory_space<hbm>>
      %dma_wait3A_332 = arith.constant 0 : i32
      %dma_wait3A_333 = arith.constant 0 : i32
      %dma_wait3A_334 = tpu.memref_slice %arg6[%add3A, %run_scoped3A_273, %dma_wait3A_332, %dma_wait3A_333] : memref<32x4x25x100xi32, #tpu.memory_space<hbm>> -> memref<1x1x25x100xi32, #tpu.memory_space<hbm>>
      %dma_wait3A_335 = tpu.memref_squeeze %dma_wait3A_334 : memref<1x1x25x100xi32, #tpu.memory_space<hbm>> -> memref<25x100xi32, #tpu.memory_space<hbm>>
      tpu.wait_dma2 semaphore(%run_scoped3A_319 : memref<!tpu.dma_semaphore, #tpu.memory_space<semaphore_mem>>) src(%dma_wait3A_335 : memref<25x100xi32, #tpu.memory_space<hbm>>) dst(%arg12 : memref<25x100xi32, #tpu.memory_space<vmem>>)
      tpu.yield
    }) : () -> ()
    %run_scoped3A_274 = arith.constant 3 : i32
    "tpu.region"() ({
      %run_scoped3A_319 = tpu.sem_alloc : memref<!tpu.dma_semaphore, #tpu.memory_space<semaphore_mem>>
      %dma_start3A_320 = arith.constant 0 : i32
      %dma_start3A_321 = arith.constant 0 : i32
      %dma_start3A_322 = tpu.memref_slice %arg7[%add3A, %run_scoped3A_274, %dma_start3A_320, %dma_start3A_321] : memref<32x4x25x100xi32, #tpu.memory_space<hbm>> -> memref<1x1x25x100xi32, #tpu.memory_space<hbm>>
      %dma_start3A_323 = tpu.memref_squeeze %dma_start3A_322 : memref<1x1x25x100xi32, #tpu.memory_space<hbm>> -> memref<25x100xi32, #tpu.memory_space<hbm>>
      %dma_start3A_324 = arith.constant 0 : i32
      %dma_start3A_325 = arith.constant 0 : i32
      %dma_start3A_326 = tpu.memref_slice %arg7[%add3A, %run_scoped3A_274, %dma_start3A_324, %dma_start3A_325] : memref<32x4x25x100xi32, #tpu.memory_space<hbm>> -> memref<1x1x25x100xi32, #tpu.memory_space<hbm>>
      %dma_start3A_327 = tpu.memref_squeeze %dma_start3A_326 : memref<1x1x25x100xi32, #tpu.memory_space<hbm>> -> memref<25x100xi32, #tpu.memory_space<hbm>>
      tpu.enqueue_dma source(%dma_start3A_327 : memref<25x100xi32, #tpu.memory_space<hbm>>) target(%arg13 : memref<25x100xi32, #tpu.memory_space<vmem>>) target_semaphore(%run_scoped3A_319 : memref<!tpu.dma_semaphore, #tpu.memory_space<semaphore_mem>>)
      %dma_wait3A_328 = arith.constant 0 : i32
      %dma_wait3A_329 = arith.constant 0 : i32
      %dma_wait3A_330 = tpu.memref_slice %arg7[%add3A, %run_scoped3A_274, %dma_wait3A_328, %dma_wait3A_329] : memref<32x4x25x100xi32, #tpu.memory_space<hbm>> -> memref<1x1x25x100xi32, #tpu.memory_space<hbm>>
      %dma_wait3A_331 = tpu.memref_squeeze %dma_wait3A_330 : memref<1x1x25x100xi32, #tpu.memory_space<hbm>> -> memref<25x100xi32, #tpu.memory_space<hbm>>
      %dma_wait3A_332 = arith.constant 0 : i32
      %dma_wait3A_333 = arith.constant 0 : i32
      %dma_wait3A_334 = tpu.memref_slice %arg7[%add3A, %run_scoped3A_274, %dma_wait3A_332, %dma_wait3A_333] : memref<32x4x25x100xi32, #tpu.memory_space<hbm>> -> memref<1x1x25x100xi32, #tpu.memory_space<hbm>>
      %dma_wait3A_335 = tpu.memref_squeeze %dma_wait3A_334 : memref<1x1x25x100xi32, #tpu.memory_space<hbm>> -> memref<25x100xi32, #tpu.memory_space<hbm>>
      tpu.wait_dma2 semaphore(%run_scoped3A_319 : memref<!tpu.dma_semaphore, #tpu.memory_space<semaphore_mem>>) src(%dma_wait3A_335 : memref<25x100xi32, #tpu.memory_space<hbm>>) dst(%arg13 : memref<25x100xi32, #tpu.memory_space<vmem>>)
      tpu.yield
    }) : () -> ()
    %dma_start3A_275 = arith.constant 0 : i32
    %dma_start3A_276 = arith.constant 0 : i32
    %dma_start3A_277 = tpu.memref_slice %arg12[%dma_start3A_275, %dma_start3A_276] : memref<25x100xi32, #tpu.memory_space<vmem>> -> memref<1x100xi32, #tpu.memory_space<vmem>>
    %dma_start3A_278 = tpu.memref_squeeze %dma_start3A_277 : memref<1x100xi32, #tpu.memory_space<vmem>> -> memref<100xi32, #tpu.memory_space<vmem>>
    %dma_start3A_279 = arith.constant 0 : i32
    %dma_start3A_280 = arith.constant 0 : i32
    %dma_start3A_281 = tpu.memref_slice %arg3[%dma_start3A_279, %dma_start3A_280] : memref<20000x128xf32, #tpu.memory_space<hbm>> -> memref<20000x128xf32, #tpu.memory_space<hbm>>
    tpu.enqueue_indirect_dma source(%dma_start3A_281 : memref<20000x128xf32, #tpu.memory_space<hbm>>) target(%arg14 : memref<100x128xf32, #tpu.memory_space<vmem>>) offsets(%dma_start3A_278 : memref<100xi32, #tpu.memory_space<vmem>>) semaphore(%arg17 : memref<!tpu.dma_semaphore, #tpu.memory_space<semaphore_mem>>)
    %dma_start3A_282 = arith.constant 1 : i32
    %dma_start3A_283 = arith.constant 0 : i32
    %dma_start3A_284 = tpu.memref_slice %arg12[%dma_start3A_282, %dma_start3A_283] : memref<25x100xi32, #tpu.memory_space<vmem>> -> memref<1x100xi32, #tpu.memory_space<vmem>>
    %dma_start3A_285 = tpu.memref_squeeze %dma_start3A_284 : memref<1x100xi32, #tpu.memory_space<vmem>> -> memref<100xi32, #tpu.memory_space<vmem>>
    %dma_start3A_286 = arith.constant 0 : i32
    %dma_start3A_287 = arith.constant 0 : i32
    %dma_start3A_288 = tpu.memref_slice %arg3[%dma_start3A_286, %dma_start3A_287] : memref<20000x128xf32, #tpu.memory_space<hbm>> -> memref<20000x128xf32, #tpu.memory_space<hbm>>
    tpu.enqueue_indirect_dma source(%dma_start3A_288 : memref<20000x128xf32, #tpu.memory_space<hbm>>) target(%arg15 : memref<100x128xf32, #tpu.memory_space<vmem>>) offsets(%dma_start3A_285 : memref<100xi32, #tpu.memory_space<vmem>>) semaphore(%arg18 : memref<!tpu.dma_semaphore, #tpu.memory_space<semaphore_mem>>)
    %dma_start3A_289 = arith.constant 2 : i32
    %dma_start3A_290 = arith.constant 0 : i32
    %dma_start3A_291 = tpu.memref_slice %arg12[%dma_start3A_289, %dma_start3A_290] : memref<25x100xi32, #tpu.memory_space<vmem>> -> memref<1x100xi32, #tpu.memory_space<vmem>>
    %dma_start3A_292 = tpu.memref_squeeze %dma_start3A_291 : memref<1x100xi32, #tpu.memory_space<vmem>> -> memref<100xi32, #tpu.memory_space<vmem>>
    %dma_start3A_293 = arith.constant 0 : i32
    %dma_start3A_294 = arith.constant 0 : i32
    %dma_start3A_295 = tpu.memref_slice %arg3[%dma_start3A_293, %dma_start3A_294] : memref<20000x128xf32, #tpu.memory_space<hbm>> -> memref<20000x128xf32, #tpu.memory_space<hbm>>
    tpu.enqueue_indirect_dma source(%dma_start3A_295 : memref<20000x128xf32, #tpu.memory_space<hbm>>) target(%arg16 : memref<100x128xf32, #tpu.memory_space<vmem>>) offsets(%dma_start3A_292 : memref<100xi32, #tpu.memory_space<vmem>>) semaphore(%arg19 : memref<!tpu.dma_semaphore, #tpu.memory_space<semaphore_mem>>)
    %scan3A_296 = arith.constant 0 : i32
    %scan3A_297 = arith.constant 8 : i32
    %scan3A_298 = arith.addi %scan3A_296, %scan3A_297 : i32
    %scan3A_299 = arith.constant 1 : i32
    scf.for %scan3A_319 = %scan3A_296 to %scan3A_298 step %scan3A_299  : i32 {
      %mul3A_320 = arith.constant 3 : i32
      %mul3A_321 = arith.muli %scan3A_319, %mul3A_320 : i32
      %add3A_322 = arith.constant 0 : i32
      %add3A_323 = arith.addi %mul3A_321, %add3A_322 : i32
      %dma_wait3A_324 = arith.constant 0 : i32
      %dma_wait3A_325 = tpu.memref_slice %arg12[%add3A_323, %dma_wait3A_324] : memref<25x100xi32, #tpu.memory_space<vmem>> -> memref<1x100xi32, #tpu.memory_space<vmem>>
      %dma_wait3A_326 = tpu.memref_squeeze %dma_wait3A_325 : memref<1x100xi32, #tpu.memory_space<vmem>> -> memref<100xi32, #tpu.memory_space<vmem>>
      %dma_wait3A_327 = arith.constant 0 : i32
      %dma_wait3A_328 = arith.constant 0 : i32
      %dma_wait3A_329 = tpu.memref_slice %arg3[%dma_wait3A_327, %dma_wait3A_328] : memref<20000x128xf32, #tpu.memory_space<hbm>> -> memref<20000x128xf32, #tpu.memory_space<hbm>>
      tpu.wait_indirect_dma semaphore(%arg17 : memref<!tpu.dma_semaphore, #tpu.memory_space<semaphore_mem>>) src(%dma_wait3A_329 : memref<20000x128xf32, #tpu.memory_space<hbm>>) dst(%arg14 : memref<100x128xf32, #tpu.memory_space<vmem>>)
      "tpu.region"() ({
        %run_scoped3A_372 = tpu.sem_alloc : memref<!tpu.dma_semaphore, #tpu.memory_space<semaphore_mem>>
        %dma_start3A_373 = arith.constant 0 : i32
        %dma_start3A_374 = tpu.memref_slice %arg13[%add3A_323, %dma_start3A_373] : memref<25x100xi32, #tpu.memory_space<vmem>> -> memref<1x100xi32, #tpu.memory_space<vmem>>
        %dma_start3A_375 = tpu.memref_squeeze %dma_start3A_374 : memref<1x100xi32, #tpu.memory_space<vmem>> -> memref<100xi32, #tpu.memory_space<vmem>>
        %dma_start3A_376 = arith.constant 0 : i32
        %dma_start3A_377 = arith.constant 0 : i32
        %dma_start3A_378 = tpu.memref_slice %arg11[%dma_start3A_376, %dma_start3A_377] : memref<10000x128xf32, #tpu.memory_space<vmem_shared>> -> memref<10000x128xf32, #tpu.memory_space<vmem_shared>>
        tpu.enqueue_indirect_dma source(%arg14 : memref<100x128xf32, #tpu.memory_space<vmem>>) target(%dma_start3A_378 : memref<10000x128xf32, #tpu.memory_space<vmem_shared>>) offsets(%dma_start3A_375 : memref<100xi32, #tpu.memory_space<vmem>>) semaphore(%run_scoped3A_372 : memref<!tpu.dma_semaphore, #tpu.memory_space<semaphore_mem>>) {add = true}
        %dma_wait3A_379 = arith.constant 0 : i32
        %dma_wait3A_380 = tpu.memref_slice %arg13[%add3A_323, %dma_wait3A_379] : memref<25x100xi32, #tpu.memory_space<vmem>> -> memref<1x100xi32, #tpu.memory_space<vmem>>
        %dma_wait3A_381 = tpu.memref_squeeze %dma_wait3A_380 : memref<1x100xi32, #tpu.memory_space<vmem>> -> memref<100xi32, #tpu.memory_space<vmem>>
        %dma_wait3A_382 = arith.constant 0 : i32
        %dma_wait3A_383 = arith.constant 0 : i32
        %dma_wait3A_384 = tpu.memref_slice %arg11[%dma_wait3A_382, %dma_wait3A_383] : memref<10000x128xf32, #tpu.memory_space<vmem_shared>> -> memref<10000x128xf32, #tpu.memory_space<vmem_shared>>
        tpu.wait_indirect_dma semaphore(%run_scoped3A_372 : memref<!tpu.dma_semaphore, #tpu.memory_space<semaphore_mem>>) src(%arg14 : memref<100x128xf32, #tpu.memory_space<vmem>>) dst(%dma_wait3A_384 : memref<10000x128xf32, #tpu.memory_space<vmem_shared>>)
        tpu.yield
      }) : () -> ()
      %add3A_330 = arith.constant 3 : i32
      %add3A_331 = arith.addi %add3A_323, %add3A_330 : i32
      %lt3A = arith.constant 25 : i32
      %lt3A_332 = arith.cmpi slt, %add3A_331, %lt3A : i32
      %add3A_333 = arith.constant 3 : i32
      %add3A_334 = arith.addi %add3A_323, %add3A_333 : i32
      %convert_element_type3A_335 = arith.extui %lt3A_332 : i1 to i32
      %cond3A_336 = arith.constant 0 : i32
      %cond3A_337 = arith.cmpi ne, %convert_element_type3A_335, %cond3A_336 : i32
      scf.if %cond3A_337 {
        %dma_start3A_372 = arith.constant 0 : i32
        %dma_start3A_373 = tpu.memref_slice %arg12[%add3A_334, %dma_start3A_372] : memref<25x100xi32, #tpu.memory_space<vmem>> -> memref<1x100xi32, #tpu.memory_space<vmem>>
        %dma_start3A_374 = tpu.memref_squeeze %dma_start3A_373 : memref<1x100xi32, #tpu.memory_space<vmem>> -> memref<100xi32, #tpu.memory_space<vmem>>
        %dma_start3A_375 = arith.constant 0 : i32
        %dma_start3A_376 = arith.constant 0 : i32
        %dma_start3A_377 = tpu.memref_slice %arg3[%dma_start3A_375, %dma_start3A_376] : memref<20000x128xf32, #tpu.memory_space<hbm>> -> memref<20000x128xf32, #tpu.memory_space<hbm>>
        tpu.enqueue_indirect_dma source(%dma_start3A_377 : memref<20000x128xf32, #tpu.memory_space<hbm>>) target(%arg14 : memref<100x128xf32, #tpu.memory_space<vmem>>) offsets(%dma_start3A_374 : memref<100xi32, #tpu.memory_space<vmem>>) semaphore(%arg17 : memref<!tpu.dma_semaphore, #tpu.memory_space<semaphore_mem>>)
      } else {
      }
      %add3A_338 = arith.constant 1 : i32
      %add3A_339 = arith.addi %mul3A_321, %add3A_338 : i32
      %dma_wait3A_340 = arith.constant 0 : i32
      %dma_wait3A_341 = tpu.memref_slice %arg12[%add3A_339, %dma_wait3A_340] : memref<25x100xi32, #tpu.memory_space<vmem>> -> memref<1x100xi32, #tpu.memory_space<vmem>>
      %dma_wait3A_342 = tpu.memref_squeeze %dma_wait3A_341 : memref<1x100xi32, #tpu.memory_space<vmem>> -> memref<100xi32, #tpu.memory_space<vmem>>
      %dma_wait3A_343 = arith.constant 0 : i32
      %dma_wait3A_344 = arith.constant 0 : i32
      %dma_wait3A_345 = tpu.memref_slice %arg3[%dma_wait3A_343, %dma_wait3A_344] : memref<20000x128xf32, #tpu.memory_space<hbm>> -> memref<20000x128xf32, #tpu.memory_space<hbm>>
      tpu.wait_indirect_dma semaphore(%arg18 : memref<!tpu.dma_semaphore, #tpu.memory_space<semaphore_mem>>) src(%dma_wait3A_345 : memref<20000x128xf32, #tpu.memory_space<hbm>>) dst(%arg15 : memref<100x128xf32, #tpu.memory_space<vmem>>)
      "tpu.region"() ({
        %run_scoped3A_372 = tpu.sem_alloc : memref<!tpu.dma_semaphore, #tpu.memory_space<semaphore_mem>>
        %dma_start3A_373 = arith.constant 0 : i32
        %dma_start3A_374 = tpu.memref_slice %arg13[%add3A_339, %dma_start3A_373] : memref<25x100xi32, #tpu.memory_space<vmem>> -> memref<1x100xi32, #tpu.memory_space<vmem>>
        %dma_start3A_375 = tpu.memref_squeeze %dma_start3A_374 : memref<1x100xi32, #tpu.memory_space<vmem>> -> memref<100xi32, #tpu.memory_space<vmem>>
        %dma_start3A_376 = arith.constant 0 : i32
        %dma_start3A_377 = arith.constant 0 : i32
        %dma_start3A_378 = tpu.memref_slice %arg11[%dma_start3A_376, %dma_start3A_377] : memref<10000x128xf32, #tpu.memory_space<vmem_shared>> -> memref<10000x128xf32, #tpu.memory_space<vmem_shared>>
        tpu.enqueue_indirect_dma source(%arg15 : memref<100x128xf32, #tpu.memory_space<vmem>>) target(%dma_start3A_378 : memref<10000x128xf32, #tpu.memory_space<vmem_shared>>) offsets(%dma_start3A_375 : memref<100xi32, #tpu.memory_space<vmem>>) semaphore(%run_scoped3A_372 : memref<!tpu.dma_semaphore, #tpu.memory_space<semaphore_mem>>) {add = true}
        %dma_wait3A_379 = arith.constant 0 : i32
        %dma_wait3A_380 = tpu.memref_slice %arg13[%add3A_339, %dma_wait3A_379] : memref<25x100xi32, #tpu.memory_space<vmem>> -> memref<1x100xi32, #tpu.memory_space<vmem>>
        %dma_wait3A_381 = tpu.memref_squeeze %dma_wait3A_380 : memref<1x100xi32, #tpu.memory_space<vmem>> -> memref<100xi32, #tpu.memory_space<vmem>>
        %dma_wait3A_382 = arith.constant 0 : i32
        %dma_wait3A_383 = arith.constant 0 : i32
        %dma_wait3A_384 = tpu.memref_slice %arg11[%dma_wait3A_382, %dma_wait3A_383] : memref<10000x128xf32, #tpu.memory_space<vmem_shared>> -> memref<10000x128xf32, #tpu.memory_space<vmem_shared>>
        tpu.wait_indirect_dma semaphore(%run_scoped3A_372 : memref<!tpu.dma_semaphore, #tpu.memory_space<semaphore_mem>>) src(%arg15 : memref<100x128xf32, #tpu.memory_space<vmem>>) dst(%dma_wait3A_384 : memref<10000x128xf32, #tpu.memory_space<vmem_shared>>)
        tpu.yield
      }) : () -> ()
      %add3A_346 = arith.constant 3 : i32
      %add3A_347 = arith.addi %add3A_339, %add3A_346 : i32
      %lt3A_348 = arith.constant 25 : i32
      %lt3A_349 = arith.cmpi slt, %add3A_347, %lt3A_348 : i32
      %add3A_350 = arith.constant 3 : i32
      %add3A_351 = arith.addi %add3A_339, %add3A_350 : i32
      %convert_element_type3A_352 = arith.extui %lt3A_349 : i1 to i32
      %cond3A_353 = arith.constant 0 : i32
      %cond3A_354 = arith.cmpi ne, %convert_element_type3A_352, %cond3A_353 : i32
      scf.if %cond3A_354 {
        %dma_start3A_372 = arith.constant 0 : i32
        %dma_start3A_373 = tpu.memref_slice %arg12[%add3A_351, %dma_start3A_372] : memref<25x100xi32, #tpu.memory_space<vmem>> -> memref<1x100xi32, #tpu.memory_space<vmem>>
        %dma_start3A_374 = tpu.memref_squeeze %dma_start3A_373 : memref<1x100xi32, #tpu.memory_space<vmem>> -> memref<100xi32, #tpu.memory_space<vmem>>
        %dma_start3A_375 = arith.constant 0 : i32
        %dma_start3A_376 = arith.constant 0 : i32
        %dma_start3A_377 = tpu.memref_slice %arg3[%dma_start3A_375, %dma_start3A_376] : memref<20000x128xf32, #tpu.memory_space<hbm>> -> memref<20000x128xf32, #tpu.memory_space<hbm>>
        tpu.enqueue_indirect_dma source(%dma_start3A_377 : memref<20000x128xf32, #tpu.memory_space<hbm>>) target(%arg15 : memref<100x128xf32, #tpu.memory_space<vmem>>) offsets(%dma_start3A_374 : memref<100xi32, #tpu.memory_space<vmem>>) semaphore(%arg18 : memref<!tpu.dma_semaphore, #tpu.memory_space<semaphore_mem>>)
      } else {
      }
      %add3A_355 = arith.constant 2 : i32
      %add3A_356 = arith.addi %mul3A_321, %add3A_355 : i32
      %dma_wait3A_357 = arith.constant 0 : i32
      %dma_wait3A_358 = tpu.memref_slice %arg12[%add3A_356, %dma_wait3A_357] : memref<25x100xi32, #tpu.memory_space<vmem>> -> memref<1x100xi32, #tpu.memory_space<vmem>>
      %dma_wait3A_359 = tpu.memref_squeeze %dma_wait3A_358 : memref<1x100xi32, #tpu.memory_space<vmem>> -> memref<100xi32, #tpu.memory_space<vmem>>
      %dma_wait3A_360 = arith.constant 0 : i32
      %dma_wait3A_361 = arith.constant 0 : i32
      %dma_wait3A_362 = tpu.memref_slice %arg3[%dma_wait3A_360, %dma_wait3A_361] : memref<20000x128xf32, #tpu.memory_space<hbm>> -> memref<20000x128xf32, #tpu.memory_space<hbm>>
      tpu.wait_indirect_dma semaphore(%arg19 : memref<!tpu.dma_semaphore, #tpu.memory_space<semaphore_mem>>) src(%dma_wait3A_362 : memref<20000x128xf32, #tpu.memory_space<hbm>>) dst(%arg16 : memref<100x128xf32, #tpu.memory_space<vmem>>)
      "tpu.region"() ({
        %run_scoped3A_372 = tpu.sem_alloc : memref<!tpu.dma_semaphore, #tpu.memory_space<semaphore_mem>>
        %dma_start3A_373 = arith.constant 0 : i32
        %dma_start3A_374 = tpu.memref_slice %arg13[%add3A_356, %dma_start3A_373] : memref<25x100xi32, #tpu.memory_space<vmem>> -> memref<1x100xi32, #tpu.memory_space<vmem>>
        %dma_start3A_375 = tpu.memref_squeeze %dma_start3A_374 : memref<1x100xi32, #tpu.memory_space<vmem>> -> memref<100xi32, #tpu.memory_space<vmem>>
        %dma_start3A_376 = arith.constant 0 : i32
        %dma_start3A_377 = arith.constant 0 : i32
        %dma_start3A_378 = tpu.memref_slice %arg11[%dma_start3A_376, %dma_start3A_377] : memref<10000x128xf32, #tpu.memory_space<vmem_shared>> -> memref<10000x128xf32, #tpu.memory_space<vmem_shared>>
        tpu.enqueue_indirect_dma source(%arg16 : memref<100x128xf32, #tpu.memory_space<vmem>>) target(%dma_start3A_378 : memref<10000x128xf32, #tpu.memory_space<vmem_shared>>) offsets(%dma_start3A_375 : memref<100xi32, #tpu.memory_space<vmem>>) semaphore(%run_scoped3A_372 : memref<!tpu.dma_semaphore, #tpu.memory_space<semaphore_mem>>) {add = true}
        %dma_wait3A_379 = arith.constant 0 : i32
        %dma_wait3A_380 = tpu.memref_slice %arg13[%add3A_356, %dma_wait3A_379] : memref<25x100xi32, #tpu.memory_space<vmem>> -> memref<1x100xi32, #tpu.memory_space<vmem>>
        %dma_wait3A_381 = tpu.memref_squeeze %dma_wait3A_380 : memref<1x100xi32, #tpu.memory_space<vmem>> -> memref<100xi32, #tpu.memory_space<vmem>>
        %dma_wait3A_382 = arith.constant 0 : i32
        %dma_wait3A_383 = arith.constant 0 : i32
        %dma_wait3A_384 = tpu.memref_slice %arg11[%dma_wait3A_382, %dma_wait3A_383] : memref<10000x128xf32, #tpu.memory_space<vmem_shared>> -> memref<10000x128xf32, #tpu.memory_space<vmem_shared>>
        tpu.wait_indirect_dma semaphore(%run_scoped3A_372 : memref<!tpu.dma_semaphore, #tpu.memory_space<semaphore_mem>>) src(%arg16 : memref<100x128xf32, #tpu.memory_space<vmem>>) dst(%dma_wait3A_384 : memref<10000x128xf32, #tpu.memory_space<vmem_shared>>)
        tpu.yield
      }) : () -> ()
      %add3A_363 = arith.constant 3 : i32
      %add3A_364 = arith.addi %add3A_356, %add3A_363 : i32
      %lt3A_365 = arith.constant 25 : i32
      %lt3A_366 = arith.cmpi slt, %add3A_364, %lt3A_365 : i32
      %add3A_367 = arith.constant 3 : i32
      %add3A_368 = arith.addi %add3A_356, %add3A_367 : i32
      %convert_element_type3A_369 = arith.extui %lt3A_366 : i1 to i32
      %cond3A_370 = arith.constant 0 : i32
      %cond3A_371 = arith.cmpi ne, %convert_element_type3A_369, %cond3A_370 : i32
      scf.if %cond3A_371 {
        %dma_start3A_372 = arith.constant 0 : i32
        %dma_start3A_373 = tpu.memref_slice %arg12[%add3A_368, %dma_start3A_372] : memref<25x100xi32, #tpu.memory_space<vmem>> -> memref<1x100xi32, #tpu.memory_space<vmem>>
        %dma_start3A_374 = tpu.memref_squeeze %dma_start3A_373 : memref<1x100xi32, #tpu.memory_space<vmem>> -> memref<100xi32, #tpu.memory_space<vmem>>
        %dma_start3A_375 = arith.constant 0 : i32
        %dma_start3A_376 = arith.constant 0 : i32
        %dma_start3A_377 = tpu.memref_slice %arg3[%dma_start3A_375, %dma_start3A_376] : memref<20000x128xf32, #tpu.memory_space<hbm>> -> memref<20000x128xf32, #tpu.memory_space<hbm>>
        tpu.enqueue_indirect_dma source(%dma_start3A_377 : memref<20000x128xf32, #tpu.memory_space<hbm>>) target(%arg16 : memref<100x128xf32, #tpu.memory_space<vmem>>) offsets(%dma_start3A_374 : memref<100xi32, #tpu.memory_space<vmem>>) semaphore(%arg19 : memref<!tpu.dma_semaphore, #tpu.memory_space<semaphore_mem>>)
      } else {
      }
    }
    %scan3A_300 = arith.constant 8 : i32
    %dma_wait3A_301 = arith.constant 24 : i32
    %dma_wait3A_302 = arith.constant 0 : i32
    %dma_wait3A_303 = tpu.memref_slice %arg12[%dma_wait3A_301, %dma_wait3A_302] : memref<25x100xi32, #tpu.memory_space<vmem>> -> memref<1x100xi32, #tpu.memory_space<vmem>>
    %dma_wait3A_304 = tpu.memref_squeeze %dma_wait3A_303 : memref<1x100xi32, #tpu.memory_space<vmem>> -> memref<100xi32, #tpu.memory_space<vmem>>
    %dma_wait3A_305 = arith.constant 0 : i32
    %dma_wait3A_306 = arith.constant 0 : i32
    %dma_wait3A_307 = tpu.memref_slice %arg3[%dma_wait3A_305, %dma_wait3A_306] : memref<20000x128xf32, #tpu.memory_space<hbm>> -> memref<20000x128xf32, #tpu.memory_space<hbm>>
    tpu.wait_indirect_dma semaphore(%arg17 : memref<!tpu.dma_semaphore, #tpu.memory_space<semaphore_mem>>) src(%dma_wait3A_307 : memref<20000x128xf32, #tpu.memory_space<hbm>>) dst(%arg14 : memref<100x128xf32, #tpu.memory_space<vmem>>)
    %run_scoped3A_308 = arith.constant 24 : i32
    "tpu.region"() ({
      %run_scoped3A_319 = tpu.sem_alloc : memref<!tpu.dma_semaphore, #tpu.memory_space<semaphore_mem>>
      %dma_start3A_320 = arith.constant 0 : i32
      %dma_start3A_321 = tpu.memref_slice %arg13[%run_scoped3A_308, %dma_start3A_320] : memref<25x100xi32, #tpu.memory_space<vmem>> -> memref<1x100xi32, #tpu.memory_space<vmem>>
      %dma_start3A_322 = tpu.memref_squeeze %dma_start3A_321 : memref<1x100xi32, #tpu.memory_space<vmem>> -> memref<100xi32, #tpu.memory_space<vmem>>
      %dma_start3A_323 = arith.constant 0 : i32
      %dma_start3A_324 = arith.constant 0 : i32
      %dma_start3A_325 = tpu.memref_slice %arg11[%dma_start3A_323, %dma_start3A_324] : memref<10000x128xf32, #tpu.memory_space<vmem_shared>> -> memref<10000x128xf32, #tpu.memory_space<vmem_shared>>
      tpu.enqueue_indirect_dma source(%arg14 : memref<100x128xf32, #tpu.memory_space<vmem>>) target(%dma_start3A_325 : memref<10000x128xf32, #tpu.memory_space<vmem_shared>>) offsets(%dma_start3A_322 : memref<100xi32, #tpu.memory_space<vmem>>) semaphore(%run_scoped3A_319 : memref<!tpu.dma_semaphore, #tpu.memory_space<semaphore_mem>>) {add = true}
      %dma_wait3A_326 = arith.constant 0 : i32
      %dma_wait3A_327 = tpu.memref_slice %arg13[%run_scoped3A_308, %dma_wait3A_326] : memref<25x100xi32, #tpu.memory_space<vmem>> -> memref<1x100xi32, #tpu.memory_space<vmem>>
      %dma_wait3A_328 = tpu.memref_squeeze %dma_wait3A_327 : memref<1x100xi32, #tpu.memory_space<vmem>> -> memref<100xi32, #tpu.memory_space<vmem>>
      %dma_wait3A_329 = arith.constant 0 : i32
      %dma_wait3A_330 = arith.constant 0 : i32
      %dma_wait3A_331 = tpu.memref_slice %arg11[%dma_wait3A_329, %dma_wait3A_330] : memref<10000x128xf32, #tpu.memory_space<vmem_shared>> -> memref<10000x128xf32, #tpu.memory_space<vmem_shared>>
      tpu.wait_indirect_dma semaphore(%run_scoped3A_319 : memref<!tpu.dma_semaphore, #tpu.memory_space<semaphore_mem>>) src(%arg14 : memref<100x128xf32, #tpu.memory_space<vmem>>) dst(%dma_wait3A_331 : memref<10000x128xf32, #tpu.memory_space<vmem_shared>>)
      tpu.yield
    }) : () -> ()
    %barrier3A_309 = arith.constant 0 : index
    tpu.barrier barrier_id(%barrier3A_309)
    %add3A_310 = arith.constant 0 : i32
    %add3A_311 = arith.addi %mul3A_2, %add3A_310 : i32
    %add3A_312 = arith.constant 0 : i32
    %add3A_313 = arith.addi %mul3A_2, %add3A_312 : i32
    "tpu.region"() ({
      %run_scoped3A_319 = tpu.sem_alloc : memref<!tpu.dma_semaphore, #tpu.memory_space<semaphore_mem>>
      %dma_start3A_320 = arith.constant 0 : i32
      %dma_start3A_321 = tpu.memref_slice %arg10[%arg0, %add3A_313, %dma_start3A_320] : memref<2x10000x128xf32, #tpu.memory_space<hbm>> -> memref<1x624x128xf32, #tpu.memory_space<hbm>>
      %dma_start3A_322 = tpu.memref_squeeze %dma_start3A_321 : memref<1x624x128xf32, #tpu.memory_space<hbm>> -> memref<624x128xf32, #tpu.memory_space<hbm>>
      %dma_start3A_323 = arith.constant 0 : i32
      %dma_start3A_324 = tpu.memref_slice %arg11[%add3A_311, %dma_start3A_323] : memref<10000x128xf32, #tpu.memory_space<vmem_shared>> -> memref<624x128xf32, #tpu.memory_space<vmem_shared>>
      tpu.enqueue_dma source(%dma_start3A_324 : memref<624x128xf32, #tpu.memory_space<vmem_shared>>) target(%dma_start3A_322 : memref<624x128xf32, #tpu.memory_space<hbm>>) target_semaphore(%run_scoped3A_319 : memref<!tpu.dma_semaphore, #tpu.memory_space<semaphore_mem>>)
      %dma_wait3A_325 = arith.constant 0 : i32
      %dma_wait3A_326 = tpu.memref_slice %arg10[%arg0, %add3A_313, %dma_wait3A_325] : memref<2x10000x128xf32, #tpu.memory_space<hbm>> -> memref<1x624x128xf32, #tpu.memory_space<hbm>>
      %dma_wait3A_327 = tpu.memref_squeeze %dma_wait3A_326 : memref<1x624x128xf32, #tpu.memory_space<hbm>> -> memref<624x128xf32, #tpu.memory_space<hbm>>
      %dma_wait3A_328 = arith.constant 0 : i32
      %dma_wait3A_329 = tpu.memref_slice %arg11[%add3A_311, %dma_wait3A_328] : memref<10000x128xf32, #tpu.memory_space<vmem_shared>> -> memref<624x128xf32, #tpu.memory_space<vmem_shared>>
      tpu.wait_dma2 semaphore(%run_scoped3A_319 : memref<!tpu.dma_semaphore, #tpu.memory_space<semaphore_mem>>) src(%dma_wait3A_329 : memref<624x128xf32, #tpu.memory_space<vmem_shared>>) dst(%dma_wait3A_327 : memref<624x128xf32, #tpu.memory_space<hbm>>)
      tpu.yield
    }) : () -> ()
    %eq3A_314 = arith.constant 15 : i32
    %eq3A_315 = arith.cmpi eq, %arg1, %eq3A_314 : i32
    %convert_element_type3A_316 = arith.extui %eq3A_315 : i1 to i32
    %cond3A_317 = arith.constant 0 : i32
    %cond3A_318 = arith.cmpi ne, %convert_element_type3A_316, %cond3A_317 : i32
    scf.if %cond3A_318 {
      %add3A_319 = arith.constant 624 : i32
      %add3A_320 = arith.addi %mul3A_2, %add3A_319 : i32
      %add3A_321 = arith.constant 624 : i32
      %add3A_322 = arith.addi %mul3A_2, %add3A_321 : i32
      "tpu.region"() ({
        %run_scoped3A_323 = tpu.sem_alloc : memref<!tpu.dma_semaphore, #tpu.memory_space<semaphore_mem>>
        %dma_start3A_324 = arith.constant 0 : i32
        %dma_start3A_325 = tpu.memref_slice %arg10[%arg0, %add3A_322, %dma_start3A_324] : memref<2x10000x128xf32, #tpu.memory_space<hbm>> -> memref<1x16x128xf32, #tpu.memory_space<hbm>>
        %dma_start3A_326 = tpu.memref_squeeze %dma_start3A_325 : memref<1x16x128xf32, #tpu.memory_space<hbm>> -> memref<16x128xf32, #tpu.memory_space<hbm>>
        %dma_start3A_327 = arith.constant 0 : i32
        %dma_start3A_328 = tpu.memref_slice %arg11[%add3A_320, %dma_start3A_327] : memref<10000x128xf32, #tpu.memory_space<vmem_shared>> -> memref<16x128xf32, #tpu.memory_space<vmem_shared>>
        tpu.enqueue_dma source(%dma_start3A_328 : memref<16x128xf32, #tpu.memory_space<vmem_shared>>) target(%dma_start3A_326 : memref<16x128xf32, #tpu.memory_space<hbm>>) target_semaphore(%run_scoped3A_323 : memref<!tpu.dma_semaphore, #tpu.memory_space<semaphore_mem>>)
        %dma_wait3A_329 = arith.constant 0 : i32
        %dma_wait3A_330 = tpu.memref_slice %arg10[%arg0, %add3A_322, %dma_wait3A_329] : memref<2x10000x128xf32, #tpu.memory_space<hbm>> -> memref<1x16x128xf32, #tpu.memory_space<hbm>>
        %dma_wait3A_331 = tpu.memref_squeeze %dma_wait3A_330 : memref<1x16x128xf32, #tpu.memory_space<hbm>> -> memref<16x128xf32, #tpu.memory_space<hbm>>
        %dma_wait3A_332 = arith.constant 0 : i32
        %dma_wait3A_333 = tpu.memref_slice %arg11[%add3A_320, %dma_wait3A_332] : memref<10000x128xf32, #tpu.memory_space<vmem_shared>> -> memref<16x128xf32, #tpu.memory_space<vmem_shared>>
        tpu.wait_dma2 semaphore(%run_scoped3A_323 : memref<!tpu.dma_semaphore, #tpu.memory_space<semaphore_mem>>) src(%dma_wait3A_333 : memref<16x128xf32, #tpu.memory_space<vmem_shared>>) dst(%dma_wait3A_331 : memref<16x128xf32, #tpu.memory_space<hbm>>)
        tpu.yield
      }) : () -> ()
    } else {
    }
    return
  }
}

module attributes {stable_mosaic.version = 14 : i64} {
  func.func @body(%arg0: i32, %arg1: memref<2000x128xf32, #tpu.memory_space<vmem>>, %arg2: memref<2000x128xf32, #tpu.memory_space<vmem>>, %arg3: memref<2x2000x128xf32, #tpu.memory_space<vmem>>, %arg4: memref<2x2000x128xf32, #tpu.memory_space<vmem>>, %arg5: memref<128x256xf32, #tpu.memory_space<vmem>>, %arg6: memref<1x256xf32, #tpu.memory_space<vmem>>, %arg7: memref<256x128xf32, #tpu.memory_space<vmem>>, %arg8: memref<1x128xf32, #tpu.memory_space<vmem>>, %arg9: memref<128x128xf32, #tpu.memory_space<vmem>>, %arg10: memref<1x128xf32, #tpu.memory_space<vmem>>, %arg11: memref<128x256xf32, #tpu.memory_space<vmem>>, %arg12: memref<1x256xf32, #tpu.memory_space<vmem>>, %arg13: memref<256x128xf32, #tpu.memory_space<vmem>>, %arg14: memref<1x128xf32, #tpu.memory_space<vmem>>, %arg15: memref<128x128xf32, #tpu.memory_space<vmem>>, %arg16: memref<1x128xf32, #tpu.memory_space<vmem>>, %arg17: memref<512x256xf32, #tpu.memory_space<vmem>>, %arg18: memref<1x256xf32, #tpu.memory_space<vmem>>, %arg19: memref<256x128xf32, #tpu.memory_space<vmem>>, %arg20: memref<1x128xf32, #tpu.memory_space<vmem>>, %arg21: memref<128x128xf32, #tpu.memory_space<vmem>>, %arg22: memref<1x128xf32, #tpu.memory_space<vmem>>, %arg23: memref<2000x128xf32, #tpu.memory_space<vmem>>) attributes {dimension_semantics = [#tpu.dimension_semantics<arbitrary>], iteration_bounds = array<i64: 5>, scalar_prefetch = 0 : i64, scratch_operands = 0 : i64, tpu.core_type = #tpu.core_type<tc>, window_params = [{transform_indices = @transform_0, window_bounds = array<i64: 2000, 128>}, {transform_indices = @transform_1, window_bounds = array<i64: 2000, 128>}, {transform_indices = @transform_2, window_bounds = array<i64: 2, 2000, 128>}, {transform_indices = @transform_3, window_bounds = array<i64: 2, 2000, 128>}, {pipeline_mode = #tpu.pipeline_mode<synchronous>, transform_indices = @transform_4, window_bounds = array<i64: 128, 256>}, {pipeline_mode = #tpu.pipeline_mode<synchronous>, transform_indices = @transform_5, window_bounds = array<i64: 1, 256>}, {pipeline_mode = #tpu.pipeline_mode<synchronous>, transform_indices = @transform_6, window_bounds = array<i64: 256, 128>}, {pipeline_mode = #tpu.pipeline_mode<synchronous>, transform_indices = @transform_7, window_bounds = array<i64: 1, 128>}, {pipeline_mode = #tpu.pipeline_mode<synchronous>, transform_indices = @transform_8, window_bounds = array<i64: 128, 128>}, {pipeline_mode = #tpu.pipeline_mode<synchronous>, transform_indices = @transform_9, window_bounds = array<i64: 1, 128>}, {pipeline_mode = #tpu.pipeline_mode<synchronous>, transform_indices = @transform_10, window_bounds = array<i64: 128, 256>}, {pipeline_mode = #tpu.pipeline_mode<synchronous>, transform_indices = @transform_11, window_bounds = array<i64: 1, 256>}, {pipeline_mode = #tpu.pipeline_mode<synchronous>, transform_indices = @transform_12, window_bounds = array<i64: 256, 128>}, {pipeline_mode = #tpu.pipeline_mode<synchronous>, transform_indices = @transform_13, window_bounds = array<i64: 1, 128>}, {pipeline_mode = #tpu.pipeline_mode<synchronous>, transform_indices = @transform_14, window_bounds = array<i64: 128, 128>}, {pipeline_mode = #tpu.pipeline_mode<synchronous>, transform_indices = @transform_15, window_bounds = array<i64: 1, 128>}, {pipeline_mode = #tpu.pipeline_mode<synchronous>, transform_indices = @transform_16, window_bounds = array<i64: 512, 256>}, {pipeline_mode = #tpu.pipeline_mode<synchronous>, transform_indices = @transform_17, window_bounds = array<i64: 1, 256>}, {pipeline_mode = #tpu.pipeline_mode<synchronous>, transform_indices = @transform_18, window_bounds = array<i64: 256, 128>}, {pipeline_mode = #tpu.pipeline_mode<synchronous>, transform_indices = @transform_19, window_bounds = array<i64: 1, 128>}, {pipeline_mode = #tpu.pipeline_mode<synchronous>, transform_indices = @transform_20, window_bounds = array<i64: 128, 128>}, {pipeline_mode = #tpu.pipeline_mode<synchronous>, transform_indices = @transform_21, window_bounds = array<i64: 1, 128>}, {transform_indices = @transform_22, window_bounds = array<i64: 2000, 128>}]} {
    %get3A = arith.constant 0 : index
    %get3A_0 = arith.constant 0 : index
    %get3A_1 = arith.constant 0 : index
    %get3A_2 = vector.load %arg3[%get3A, %get3A_0, %get3A_1] : memref<2x2000x128xf32, #tpu.memory_space<vmem>>, vector<1x2000x128xf32>
    %get3A_3 = vector.shape_cast %get3A_2 : vector<1x2000x128xf32> to vector<2000x128xf32>
    %get3A_4 = arith.constant 1 : index
    %get3A_5 = arith.constant 0 : index
    %get3A_6 = arith.constant 0 : index
    %get3A_7 = vector.load %arg3[%get3A_4, %get3A_5, %get3A_6] : memref<2x2000x128xf32, #tpu.memory_space<vmem>>, vector<1x2000x128xf32>
    %get3A_8 = vector.shape_cast %get3A_7 : vector<1x2000x128xf32> to vector<2000x128xf32>
    %add3A = arith.addf %get3A_3, %get3A_8 : vector<2000x128xf32>
    %get3A_9 = arith.constant 0 : index
    %get3A_10 = arith.constant 0 : index
    %get3A_11 = vector.load %arg5[%get3A_9, %get3A_10] : memref<128x256xf32, #tpu.memory_space<vmem>>, vector<128x256xf32>
    %get3A_12 = arith.constant 0 : index
    %get3A_13 = arith.constant 0 : index
    %get3A_14 = vector.load %arg6[%get3A_12, %get3A_13] : memref<1x256xf32, #tpu.memory_space<vmem>>, vector<1x256xf32>
    %get3A_15 = arith.constant 0 : index
    %get3A_16 = arith.constant 0 : index
    %get3A_17 = vector.load %arg7[%get3A_15, %get3A_16] : memref<256x128xf32, #tpu.memory_space<vmem>>, vector<256x128xf32>
    %get3A_18 = arith.constant 0 : index
    %get3A_19 = arith.constant 0 : index
    %get3A_20 = vector.load %arg8[%get3A_18, %get3A_19] : memref<1x128xf32, #tpu.memory_space<vmem>>, vector<1x128xf32>
    %get3A_21 = arith.constant 0 : index
    %get3A_22 = arith.constant 0 : index
    %get3A_23 = vector.load %arg9[%get3A_21, %get3A_22] : memref<128x128xf32, #tpu.memory_space<vmem>>, vector<128x128xf32>
    %get3A_24 = arith.constant 0 : index
    %get3A_25 = arith.constant 0 : index
    %get3A_26 = vector.load %arg10[%get3A_24, %get3A_25] : memref<1x128xf32, #tpu.memory_space<vmem>>, vector<1x128xf32>
    %dot_general3A = arith.constant dense<0.000000e+00> : vector<2000x256xf32>
    %dot_general3A_27 = tpu.matmul %add3A, %get3A_11, %dot_general3A {dimension_numbers = #tpu.dot_dimension_numbers<[1], [0], [0], [1], [0, 0, 1, 1], [], []>, transpose_lhs_hint = false} : vector<2000x128xf32>, vector<128x256xf32>, vector<2000x256xf32> -> vector<2000x256xf32>
    %add3A_28 = vector.broadcast %get3A_14 : vector<1x256xf32> to vector<2000x256xf32>
    %add3A_29 = arith.addf %dot_general3A_27, %add3A_28 : vector<2000x256xf32>
    %gt3A = arith.constant 0.000000e+00 : f32
    %gt3A_30 = vector.broadcast %gt3A : f32 to vector<2000x256xf32>
    %gt3A_31 = arith.cmpf ogt, %add3A_29, %gt3A_30 : vector<2000x256xf32>
    %exp3A = math.exp %add3A_29 : vector<2000x256xf32>
    %sub3A = arith.constant 1.000000e+00 : f32
    %sub3A_32 = vector.broadcast %sub3A : f32 to vector<2000x256xf32>
    %sub3A_33 = arith.subf %exp3A, %sub3A_32 : vector<2000x256xf32>
    %select_n3A = arith.select %gt3A_31, %add3A_29, %sub3A_33 : vector<2000x256xi1>, vector<2000x256xf32>
    %dot_general3A_34 = arith.constant dense<0.000000e+00> : vector<2000x128xf32>
    %dot_general3A_35 = tpu.matmul %select_n3A, %get3A_17, %dot_general3A_34 {dimension_numbers = #tpu.dot_dimension_numbers<[1], [0], [0], [1], [0, 0, 1, 1], [], []>, transpose_lhs_hint = false} : vector<2000x256xf32>, vector<256x128xf32>, vector<2000x128xf32> -> vector<2000x128xf32>
    %add3A_36 = vector.broadcast %get3A_20 : vector<1x128xf32> to vector<2000x128xf32>
    %add3A_37 = arith.addf %dot_general3A_35, %add3A_36 : vector<2000x128xf32>
    %gt3A_38 = arith.constant 0.000000e+00 : f32
    %gt3A_39 = vector.broadcast %gt3A_38 : f32 to vector<2000x128xf32>
    %gt3A_40 = arith.cmpf ogt, %add3A_37, %gt3A_39 : vector<2000x128xf32>
    %exp3A_41 = math.exp %add3A_37 : vector<2000x128xf32>
    %sub3A_42 = arith.constant 1.000000e+00 : f32
    %sub3A_43 = vector.broadcast %sub3A_42 : f32 to vector<2000x128xf32>
    %sub3A_44 = arith.subf %exp3A_41, %sub3A_43 : vector<2000x128xf32>
    %select_n3A_45 = arith.select %gt3A_40, %add3A_37, %sub3A_44 : vector<2000x128xi1>, vector<2000x128xf32>
    %dot_general3A_46 = arith.constant dense<0.000000e+00> : vector<2000x128xf32>
    %dot_general3A_47 = tpu.matmul %select_n3A_45, %get3A_23, %dot_general3A_46 {dimension_numbers = #tpu.dot_dimension_numbers<[1], [0], [0], [1], [0, 0, 1, 1], [], []>, transpose_lhs_hint = false} : vector<2000x128xf32>, vector<128x128xf32>, vector<2000x128xf32> -> vector<2000x128xf32>
    %add3A_48 = vector.broadcast %get3A_26 : vector<1x128xf32> to vector<2000x128xf32>
    %add3A_49 = arith.addf %dot_general3A_47, %add3A_48 : vector<2000x128xf32>
    %get3A_50 = arith.constant 0 : index
    %get3A_51 = arith.constant 0 : index
    %get3A_52 = arith.constant 0 : index
    %get3A_53 = vector.load %arg4[%get3A_50, %get3A_51, %get3A_52] : memref<2x2000x128xf32, #tpu.memory_space<vmem>>, vector<1x2000x128xf32>
    %get3A_54 = vector.shape_cast %get3A_53 : vector<1x2000x128xf32> to vector<2000x128xf32>
    %get3A_55 = arith.constant 1 : index
    %get3A_56 = arith.constant 0 : index
    %get3A_57 = arith.constant 0 : index
    %get3A_58 = vector.load %arg4[%get3A_55, %get3A_56, %get3A_57] : memref<2x2000x128xf32, #tpu.memory_space<vmem>>, vector<1x2000x128xf32>
    %get3A_59 = vector.shape_cast %get3A_58 : vector<1x2000x128xf32> to vector<2000x128xf32>
    %add3A_60 = arith.addf %get3A_54, %get3A_59 : vector<2000x128xf32>
    %get3A_61 = arith.constant 0 : index
    %get3A_62 = arith.constant 0 : index
    %get3A_63 = vector.load %arg11[%get3A_61, %get3A_62] : memref<128x256xf32, #tpu.memory_space<vmem>>, vector<128x256xf32>
    %get3A_64 = arith.constant 0 : index
    %get3A_65 = arith.constant 0 : index
    %get3A_66 = vector.load %arg12[%get3A_64, %get3A_65] : memref<1x256xf32, #tpu.memory_space<vmem>>, vector<1x256xf32>
    %get3A_67 = arith.constant 0 : index
    %get3A_68 = arith.constant 0 : index
    %get3A_69 = vector.load %arg13[%get3A_67, %get3A_68] : memref<256x128xf32, #tpu.memory_space<vmem>>, vector<256x128xf32>
    %get3A_70 = arith.constant 0 : index
    %get3A_71 = arith.constant 0 : index
    %get3A_72 = vector.load %arg14[%get3A_70, %get3A_71] : memref<1x128xf32, #tpu.memory_space<vmem>>, vector<1x128xf32>
    %get3A_73 = arith.constant 0 : index
    %get3A_74 = arith.constant 0 : index
    %get3A_75 = vector.load %arg15[%get3A_73, %get3A_74] : memref<128x128xf32, #tpu.memory_space<vmem>>, vector<128x128xf32>
    %get3A_76 = arith.constant 0 : index
    %get3A_77 = arith.constant 0 : index
    %get3A_78 = vector.load %arg16[%get3A_76, %get3A_77] : memref<1x128xf32, #tpu.memory_space<vmem>>, vector<1x128xf32>
    %dot_general3A_79 = arith.constant dense<0.000000e+00> : vector<2000x256xf32>
    %dot_general3A_80 = tpu.matmul %add3A_60, %get3A_63, %dot_general3A_79 {dimension_numbers = #tpu.dot_dimension_numbers<[1], [0], [0], [1], [0, 0, 1, 1], [], []>, transpose_lhs_hint = false} : vector<2000x128xf32>, vector<128x256xf32>, vector<2000x256xf32> -> vector<2000x256xf32>
    %add3A_81 = vector.broadcast %get3A_66 : vector<1x256xf32> to vector<2000x256xf32>
    %add3A_82 = arith.addf %dot_general3A_80, %add3A_81 : vector<2000x256xf32>
    %gt3A_83 = arith.constant 0.000000e+00 : f32
    %gt3A_84 = vector.broadcast %gt3A_83 : f32 to vector<2000x256xf32>
    %gt3A_85 = arith.cmpf ogt, %add3A_82, %gt3A_84 : vector<2000x256xf32>
    %exp3A_86 = math.exp %add3A_82 : vector<2000x256xf32>
    %sub3A_87 = arith.constant 1.000000e+00 : f32
    %sub3A_88 = vector.broadcast %sub3A_87 : f32 to vector<2000x256xf32>
    %sub3A_89 = arith.subf %exp3A_86, %sub3A_88 : vector<2000x256xf32>
    %select_n3A_90 = arith.select %gt3A_85, %add3A_82, %sub3A_89 : vector<2000x256xi1>, vector<2000x256xf32>
    %dot_general3A_91 = arith.constant dense<0.000000e+00> : vector<2000x128xf32>
    %dot_general3A_92 = tpu.matmul %select_n3A_90, %get3A_69, %dot_general3A_91 {dimension_numbers = #tpu.dot_dimension_numbers<[1], [0], [0], [1], [0, 0, 1, 1], [], []>, transpose_lhs_hint = false} : vector<2000x256xf32>, vector<256x128xf32>, vector<2000x128xf32> -> vector<2000x128xf32>
    %add3A_93 = vector.broadcast %get3A_72 : vector<1x128xf32> to vector<2000x128xf32>
    %add3A_94 = arith.addf %dot_general3A_92, %add3A_93 : vector<2000x128xf32>
    %gt3A_95 = arith.constant 0.000000e+00 : f32
    %gt3A_96 = vector.broadcast %gt3A_95 : f32 to vector<2000x128xf32>
    %gt3A_97 = arith.cmpf ogt, %add3A_94, %gt3A_96 : vector<2000x128xf32>
    %exp3A_98 = math.exp %add3A_94 : vector<2000x128xf32>
    %sub3A_99 = arith.constant 1.000000e+00 : f32
    %sub3A_100 = vector.broadcast %sub3A_99 : f32 to vector<2000x128xf32>
    %sub3A_101 = arith.subf %exp3A_98, %sub3A_100 : vector<2000x128xf32>
    %select_n3A_102 = arith.select %gt3A_97, %add3A_94, %sub3A_101 : vector<2000x128xi1>, vector<2000x128xf32>
    %dot_general3A_103 = arith.constant dense<0.000000e+00> : vector<2000x128xf32>
    %dot_general3A_104 = tpu.matmul %select_n3A_102, %get3A_75, %dot_general3A_103 {dimension_numbers = #tpu.dot_dimension_numbers<[1], [0], [0], [1], [0, 0, 1, 1], [], []>, transpose_lhs_hint = false} : vector<2000x128xf32>, vector<128x128xf32>, vector<2000x128xf32> -> vector<2000x128xf32>
    %add3A_105 = vector.broadcast %get3A_78 : vector<1x128xf32> to vector<2000x128xf32>
    %add3A_106 = arith.addf %dot_general3A_104, %add3A_105 : vector<2000x128xf32>
    %get3A_107 = arith.constant 0 : index
    %get3A_108 = arith.constant 0 : index
    %get3A_109 = vector.load %arg2[%get3A_107, %get3A_108] : memref<2000x128xf32, #tpu.memory_space<vmem>>, vector<2000x128xf32>
    %get3A_110 = arith.constant 0 : index
    %get3A_111 = arith.constant 0 : index
    %get3A_112 = vector.load %arg1[%get3A_110, %get3A_111] : memref<2000x128xf32, #tpu.memory_space<vmem>>, vector<2000x128xf32>
    %concatenate3A = tpu.concatenate %get3A_109, %add3A_49, %add3A_106, %get3A_112 in 1 : vector<2000x128xf32>, vector<2000x128xf32>, vector<2000x128xf32>, vector<2000x128xf32> -> vector<2000x512xf32>
    %get3A_113 = arith.constant 0 : index
    %get3A_114 = arith.constant 0 : index
    %get3A_115 = vector.load %arg17[%get3A_113, %get3A_114] : memref<512x256xf32, #tpu.memory_space<vmem>>, vector<512x256xf32>
    %get3A_116 = arith.constant 0 : index
    %get3A_117 = arith.constant 0 : index
    %get3A_118 = vector.load %arg18[%get3A_116, %get3A_117] : memref<1x256xf32, #tpu.memory_space<vmem>>, vector<1x256xf32>
    %get3A_119 = arith.constant 0 : index
    %get3A_120 = arith.constant 0 : index
    %get3A_121 = vector.load %arg19[%get3A_119, %get3A_120] : memref<256x128xf32, #tpu.memory_space<vmem>>, vector<256x128xf32>
    %get3A_122 = arith.constant 0 : index
    %get3A_123 = arith.constant 0 : index
    %get3A_124 = vector.load %arg20[%get3A_122, %get3A_123] : memref<1x128xf32, #tpu.memory_space<vmem>>, vector<1x128xf32>
    %get3A_125 = arith.constant 0 : index
    %get3A_126 = arith.constant 0 : index
    %get3A_127 = vector.load %arg21[%get3A_125, %get3A_126] : memref<128x128xf32, #tpu.memory_space<vmem>>, vector<128x128xf32>
    %get3A_128 = arith.constant 0 : index
    %get3A_129 = arith.constant 0 : index
    %get3A_130 = vector.load %arg22[%get3A_128, %get3A_129] : memref<1x128xf32, #tpu.memory_space<vmem>>, vector<1x128xf32>
    %dot_general3A_131 = arith.constant dense<0.000000e+00> : vector<2000x256xf32>
    %dot_general3A_132 = tpu.matmul %concatenate3A, %get3A_115, %dot_general3A_131 {dimension_numbers = #tpu.dot_dimension_numbers<[1], [0], [0], [1], [0, 0, 1, 1], [], []>, transpose_lhs_hint = false} : vector<2000x512xf32>, vector<512x256xf32>, vector<2000x256xf32> -> vector<2000x256xf32>
    %add3A_133 = vector.broadcast %get3A_118 : vector<1x256xf32> to vector<2000x256xf32>
    %add3A_134 = arith.addf %dot_general3A_132, %add3A_133 : vector<2000x256xf32>
    %gt3A_135 = arith.constant 0.000000e+00 : f32
    %gt3A_136 = vector.broadcast %gt3A_135 : f32 to vector<2000x256xf32>
    %gt3A_137 = arith.cmpf ogt, %add3A_134, %gt3A_136 : vector<2000x256xf32>
    %exp3A_138 = math.exp %add3A_134 : vector<2000x256xf32>
    %sub3A_139 = arith.constant 1.000000e+00 : f32
    %sub3A_140 = vector.broadcast %sub3A_139 : f32 to vector<2000x256xf32>
    %sub3A_141 = arith.subf %exp3A_138, %sub3A_140 : vector<2000x256xf32>
    %select_n3A_142 = arith.select %gt3A_137, %add3A_134, %sub3A_141 : vector<2000x256xi1>, vector<2000x256xf32>
    %dot_general3A_143 = arith.constant dense<0.000000e+00> : vector<2000x128xf32>
    %dot_general3A_144 = tpu.matmul %select_n3A_142, %get3A_121, %dot_general3A_143 {dimension_numbers = #tpu.dot_dimension_numbers<[1], [0], [0], [1], [0, 0, 1, 1], [], []>, transpose_lhs_hint = false} : vector<2000x256xf32>, vector<256x128xf32>, vector<2000x128xf32> -> vector<2000x128xf32>
    %add3A_145 = vector.broadcast %get3A_124 : vector<1x128xf32> to vector<2000x128xf32>
    %add3A_146 = arith.addf %dot_general3A_144, %add3A_145 : vector<2000x128xf32>
    %gt3A_147 = arith.constant 0.000000e+00 : f32
    %gt3A_148 = vector.broadcast %gt3A_147 : f32 to vector<2000x128xf32>
    %gt3A_149 = arith.cmpf ogt, %add3A_146, %gt3A_148 : vector<2000x128xf32>
    %exp3A_150 = math.exp %add3A_146 : vector<2000x128xf32>
    %sub3A_151 = arith.constant 1.000000e+00 : f32
    %sub3A_152 = vector.broadcast %sub3A_151 : f32 to vector<2000x128xf32>
    %sub3A_153 = arith.subf %exp3A_150, %sub3A_152 : vector<2000x128xf32>
    %select_n3A_154 = arith.select %gt3A_149, %add3A_146, %sub3A_153 : vector<2000x128xi1>, vector<2000x128xf32>
    %dot_general3A_155 = arith.constant dense<0.000000e+00> : vector<2000x128xf32>
    %dot_general3A_156 = tpu.matmul %select_n3A_154, %get3A_127, %dot_general3A_155 {dimension_numbers = #tpu.dot_dimension_numbers<[1], [0], [0], [1], [0, 0, 1, 1], [], []>, transpose_lhs_hint = false} : vector<2000x128xf32>, vector<128x128xf32>, vector<2000x128xf32> -> vector<2000x128xf32>
    %add3A_157 = vector.broadcast %get3A_130 : vector<1x128xf32> to vector<2000x128xf32>
    %add3A_158 = arith.addf %dot_general3A_156, %add3A_157 : vector<2000x128xf32>
    %mul3A = arith.constant 2000 : i32
    %mul3A_159 = arith.muli %arg0, %mul3A : i32
    %iota3A = tpu.iota {dimensions = array<i32: 0>} : vector<2000x1xi32>
    %add3A_160 = vector.broadcast %mul3A_159 : i32 to vector<2000x1xi32>
    %add3A_161 = arith.addi %add3A_160, %iota3A : vector<2000x1xi32>
    %eq3A = arith.constant 9999 : i32
    %eq3A_162 = vector.broadcast %eq3A : i32 to vector<2000x1xi32>
    %eq3A_163 = arith.cmpi eq, %add3A_161, %eq3A_162 : vector<2000x1xi32>
    %jit3A = arith.constant 0.000000e+00 : f32
    %broadcast_in_dim3A = vector.shape_cast %eq3A_163 : vector<2000x1xi1> to vector<2000x1xi1>
    %broadcast_in_dim3A_164 = vector.broadcast %broadcast_in_dim3A : vector<2000x1xi1> to vector<2000x128xi1>
    %broadcast_in_dim3A_165 = vector.broadcast %jit3A : f32 to vector<2000x128xf32>
    %select_n3A_166 = arith.select %broadcast_in_dim3A_164, %broadcast_in_dim3A_165, %add3A_158 : vector<2000x128xi1>, vector<2000x128xf32>
    %swap3A = arith.constant 0 : index
    %swap3A_167 = arith.constant 0 : index
    %swap3A_168 = vector.load %arg23[%swap3A, %swap3A_167] : memref<2000x128xf32, #tpu.memory_space<vmem>>, vector<2000x128xf32>
    tpu.vector_store %arg23[%swap3A, %swap3A_167], %select_n3A_166 {strides = array<i32>} : memref<2000x128xf32, #tpu.memory_space<vmem>>, vector<2000x128xf32>,
    return
  }
  func.func @transform_0(%arg0: i32) -> (i32, i32) {
    %c0_i32 = arith.constant 0 : i32
    %c0_i32_0 = arith.constant 0 : i32
    return %arg0, %c0_i32 : i32, i32
  }
  func.func @transform_1(%arg0: i32) -> (i32, i32) {
    %c0_i32 = arith.constant 0 : i32
    %c0_i32_0 = arith.constant 0 : i32
    return %arg0, %c0_i32 : i32, i32
  }
  func.func @transform_2(%arg0: i32) -> (i32, i32, i32) {
    %c0_i32 = arith.constant 0 : i32
    %c0_i32_0 = arith.constant 0 : i32
    %c0_i32_1 = arith.constant 0 : i32
    return %c0_i32, %arg0, %c0_i32_0 : i32, i32, i32
  }
  func.func @transform_3(%arg0: i32) -> (i32, i32, i32) {
    %c0_i32 = arith.constant 0 : i32
    %c0_i32_0 = arith.constant 0 : i32
    %c0_i32_1 = arith.constant 0 : i32
    return %c0_i32, %arg0, %c0_i32_0 : i32, i32, i32
  }
  func.func @transform_4(%arg0: i32) -> (i32, i32) {
    %c0_i32 = arith.constant 0 : i32
    %c0_i32_0 = arith.constant 0 : i32
    %c0_i32_1 = arith.constant 0 : i32
    return %c0_i32, %c0_i32_0 : i32, i32
  }
  func.func @transform_5(%arg0: i32) -> (i32, i32) {
    %c0_i32 = arith.constant 0 : i32
    %c0_i32_0 = arith.constant 0 : i32
    %c0_i32_1 = arith.constant 0 : i32
    return %c0_i32, %c0_i32_0 : i32, i32
  }
  func.func @transform_6(%arg0: i32) -> (i32, i32) {
    %c0_i32 = arith.constant 0 : i32
    %c0_i32_0 = arith.constant 0 : i32
    %c0_i32_1 = arith.constant 0 : i32
    return %c0_i32, %c0_i32_0 : i32, i32
  }
  func.func @transform_7(%arg0: i32) -> (i32, i32) {
    %c0_i32 = arith.constant 0 : i32
    %c0_i32_0 = arith.constant 0 : i32
    %c0_i32_1 = arith.constant 0 : i32
    return %c0_i32, %c0_i32_0 : i32, i32
  }
  func.func @transform_8(%arg0: i32) -> (i32, i32) {
    %c0_i32 = arith.constant 0 : i32
    %c0_i32_0 = arith.constant 0 : i32
    %c0_i32_1 = arith.constant 0 : i32
    return %c0_i32, %c0_i32_0 : i32, i32
  }
  func.func @transform_9(%arg0: i32) -> (i32, i32) {
    %c0_i32 = arith.constant 0 : i32
    %c0_i32_0 = arith.constant 0 : i32
    %c0_i32_1 = arith.constant 0 : i32
    return %c0_i32, %c0_i32_0 : i32, i32
  }
  func.func @transform_10(%arg0: i32) -> (i32, i32) {
    %c0_i32 = arith.constant 0 : i32
    %c0_i32_0 = arith.constant 0 : i32
    %c0_i32_1 = arith.constant 0 : i32
    return %c0_i32, %c0_i32_0 : i32, i32
  }
  func.func @transform_11(%arg0: i32) -> (i32, i32) {
    %c0_i32 = arith.constant 0 : i32
    %c0_i32_0 = arith.constant 0 : i32
    %c0_i32_1 = arith.constant 0 : i32
    return %c0_i32, %c0_i32_0 : i32, i32
  }
  func.func @transform_12(%arg0: i32) -> (i32, i32) {
    %c0_i32 = arith.constant 0 : i32
    %c0_i32_0 = arith.constant 0 : i32
    %c0_i32_1 = arith.constant 0 : i32
    return %c0_i32, %c0_i32_0 : i32, i32
  }
  func.func @transform_13(%arg0: i32) -> (i32, i32) {
    %c0_i32 = arith.constant 0 : i32
    %c0_i32_0 = arith.constant 0 : i32
    %c0_i32_1 = arith.constant 0 : i32
    return %c0_i32, %c0_i32_0 : i32, i32
  }
  func.func @transform_14(%arg0: i32) -> (i32, i32) {
    %c0_i32 = arith.constant 0 : i32
    %c0_i32_0 = arith.constant 0 : i32
    %c0_i32_1 = arith.constant 0 : i32
    return %c0_i32, %c0_i32_0 : i32, i32
  }
  func.func @transform_15(%arg0: i32) -> (i32, i32) {
    %c0_i32 = arith.constant 0 : i32
    %c0_i32_0 = arith.constant 0 : i32
    %c0_i32_1 = arith.constant 0 : i32
    return %c0_i32, %c0_i32_0 : i32, i32
  }
  func.func @transform_16(%arg0: i32) -> (i32, i32) {
    %c0_i32 = arith.constant 0 : i32
    %c0_i32_0 = arith.constant 0 : i32
    %c0_i32_1 = arith.constant 0 : i32
    return %c0_i32, %c0_i32_0 : i32, i32
  }
  func.func @transform_17(%arg0: i32) -> (i32, i32) {
    %c0_i32 = arith.constant 0 : i32
    %c0_i32_0 = arith.constant 0 : i32
    %c0_i32_1 = arith.constant 0 : i32
    return %c0_i32, %c0_i32_0 : i32, i32
  }
  func.func @transform_18(%arg0: i32) -> (i32, i32) {
    %c0_i32 = arith.constant 0 : i32
    %c0_i32_0 = arith.constant 0 : i32
    %c0_i32_1 = arith.constant 0 : i32
    return %c0_i32, %c0_i32_0 : i32, i32
  }
  func.func @transform_19(%arg0: i32) -> (i32, i32) {
    %c0_i32 = arith.constant 0 : i32
    %c0_i32_0 = arith.constant 0 : i32
    %c0_i32_1 = arith.constant 0 : i32
    return %c0_i32, %c0_i32_0 : i32, i32
  }
  func.func @transform_20(%arg0: i32) -> (i32, i32) {
    %c0_i32 = arith.constant 0 : i32
    %c0_i32_0 = arith.constant 0 : i32
    %c0_i32_1 = arith.constant 0 : i32
    return %c0_i32, %c0_i32_0 : i32, i32
  }
  func.func @transform_21(%arg0: i32) -> (i32, i32) {
    %c0_i32 = arith.constant 0 : i32
    %c0_i32_0 = arith.constant 0 : i32
    %c0_i32_1 = arith.constant 0 : i32
    return %c0_i32, %c0_i32_0 : i32, i32
  }
  func.func @transform_22(%arg0: i32) -> (i32, i32) {
    %c0_i32 = arith.constant 0 : i32
    %c0_i32_0 = arith.constant 0 : i32
    return %arg0, %c0_i32 : i32, i32
  }
}

module attributes {stable_mosaic.version = 14 : i64} {
  func.func @body(%arg0: i32, %arg1: memref<2000x128xf32, #tpu.memory_space<vmem>>, %arg2: memref<2000x128xf32, #tpu.memory_space<vmem>>, %arg3: memref<128x256xf32, #tpu.memory_space<vmem>>, %arg4: memref<1x256xf32, #tpu.memory_space<vmem>>, %arg5: memref<256x128xf32, #tpu.memory_space<vmem>>, %arg6: memref<1x128xf32, #tpu.memory_space<vmem>>, %arg7: memref<128x128xf32, #tpu.memory_space<vmem>>, %arg8: memref<1x128xf32, #tpu.memory_space<vmem>>, %arg9: memref<128x256xf32, #tpu.memory_space<vmem>>, %arg10: memref<1x256xf32, #tpu.memory_space<vmem>>, %arg11: memref<256x128xf32, #tpu.memory_space<vmem>>, %arg12: memref<1x128xf32, #tpu.memory_space<vmem>>, %arg13: memref<128x128xf32, #tpu.memory_space<vmem>>, %arg14: memref<1x128xf32, #tpu.memory_space<vmem>>, %arg15: memref<2000x128xf32, #tpu.memory_space<vmem>>, %arg16: memref<2000x128xf32, #tpu.memory_space<vmem>>) attributes {dimension_semantics = [#tpu.dimension_semantics<arbitrary>], iteration_bounds = array<i64: 5>, scalar_prefetch = 0 : i64, scratch_operands = 0 : i64, tpu.core_type = #tpu.core_type<tc>, window_params = [{transform_indices = @transform_0, window_bounds = array<i64: 2000, 128>}, {transform_indices = @transform_1, window_bounds = array<i64: 2000, 128>}, {pipeline_mode = #tpu.pipeline_mode<synchronous>, transform_indices = @transform_2, window_bounds = array<i64: 128, 256>}, {pipeline_mode = #tpu.pipeline_mode<synchronous>, transform_indices = @transform_3, window_bounds = array<i64: 1, 256>}, {pipeline_mode = #tpu.pipeline_mode<synchronous>, transform_indices = @transform_4, window_bounds = array<i64: 256, 128>}, {pipeline_mode = #tpu.pipeline_mode<synchronous>, transform_indices = @transform_5, window_bounds = array<i64: 1, 128>}, {pipeline_mode = #tpu.pipeline_mode<synchronous>, transform_indices = @transform_6, window_bounds = array<i64: 128, 128>}, {pipeline_mode = #tpu.pipeline_mode<synchronous>, transform_indices = @transform_7, window_bounds = array<i64: 1, 128>}, {pipeline_mode = #tpu.pipeline_mode<synchronous>, transform_indices = @transform_8, window_bounds = array<i64: 128, 256>}, {pipeline_mode = #tpu.pipeline_mode<synchronous>, transform_indices = @transform_9, window_bounds = array<i64: 1, 256>}, {pipeline_mode = #tpu.pipeline_mode<synchronous>, transform_indices = @transform_10, window_bounds = array<i64: 256, 128>}, {pipeline_mode = #tpu.pipeline_mode<synchronous>, transform_indices = @transform_11, window_bounds = array<i64: 1, 128>}, {pipeline_mode = #tpu.pipeline_mode<synchronous>, transform_indices = @transform_12, window_bounds = array<i64: 128, 128>}, {pipeline_mode = #tpu.pipeline_mode<synchronous>, transform_indices = @transform_13, window_bounds = array<i64: 1, 128>}, {transform_indices = @transform_14, window_bounds = array<i64: 2000, 128>}, {transform_indices = @transform_15, window_bounds = array<i64: 2000, 128>}]} {
    %get3A = arith.constant 0 : index
    %get3A_0 = arith.constant 0 : index
    %get3A_1 = vector.load %arg1[%get3A, %get3A_0] : memref<2000x128xf32, #tpu.memory_space<vmem>>, vector<2000x128xf32>
    %get3A_2 = arith.constant 0 : index
    %get3A_3 = arith.constant 0 : index
    %get3A_4 = vector.load %arg3[%get3A_2, %get3A_3] : memref<128x256xf32, #tpu.memory_space<vmem>>, vector<128x256xf32>
    %get3A_5 = arith.constant 0 : index
    %get3A_6 = arith.constant 0 : index
    %get3A_7 = vector.load %arg4[%get3A_5, %get3A_6] : memref<1x256xf32, #tpu.memory_space<vmem>>, vector<1x256xf32>
    %get3A_8 = arith.constant 0 : index
    %get3A_9 = arith.constant 0 : index
    %get3A_10 = vector.load %arg5[%get3A_8, %get3A_9] : memref<256x128xf32, #tpu.memory_space<vmem>>, vector<256x128xf32>
    %get3A_11 = arith.constant 0 : index
    %get3A_12 = arith.constant 0 : index
    %get3A_13 = vector.load %arg6[%get3A_11, %get3A_12] : memref<1x128xf32, #tpu.memory_space<vmem>>, vector<1x128xf32>
    %get3A_14 = arith.constant 0 : index
    %get3A_15 = arith.constant 0 : index
    %get3A_16 = vector.load %arg7[%get3A_14, %get3A_15] : memref<128x128xf32, #tpu.memory_space<vmem>>, vector<128x128xf32>
    %get3A_17 = arith.constant 0 : index
    %get3A_18 = arith.constant 0 : index
    %get3A_19 = vector.load %arg8[%get3A_17, %get3A_18] : memref<1x128xf32, #tpu.memory_space<vmem>>, vector<1x128xf32>
    %dot_general3A = arith.constant dense<0.000000e+00> : vector<2000x256xf32>
    %dot_general3A_20 = tpu.matmul %get3A_1, %get3A_4, %dot_general3A {dimension_numbers = #tpu.dot_dimension_numbers<[1], [0], [0], [1], [0, 0, 1, 1], [], []>, transpose_lhs_hint = false} : vector<2000x128xf32>, vector<128x256xf32>, vector<2000x256xf32> -> vector<2000x256xf32>
    %add3A = vector.broadcast %get3A_7 : vector<1x256xf32> to vector<2000x256xf32>
    %add3A_21 = arith.addf %dot_general3A_20, %add3A : vector<2000x256xf32>
    %gt3A = arith.constant 0.000000e+00 : f32
    %gt3A_22 = vector.broadcast %gt3A : f32 to vector<2000x256xf32>
    %gt3A_23 = arith.cmpf ogt, %add3A_21, %gt3A_22 : vector<2000x256xf32>
    %exp3A = math.exp %add3A_21 : vector<2000x256xf32>
    %sub3A = arith.constant 1.000000e+00 : f32
    %sub3A_24 = vector.broadcast %sub3A : f32 to vector<2000x256xf32>
    %sub3A_25 = arith.subf %exp3A, %sub3A_24 : vector<2000x256xf32>
    %select_n3A = arith.select %gt3A_23, %add3A_21, %sub3A_25 : vector<2000x256xi1>, vector<2000x256xf32>
    %dot_general3A_26 = arith.constant dense<0.000000e+00> : vector<2000x128xf32>
    %dot_general3A_27 = tpu.matmul %select_n3A, %get3A_10, %dot_general3A_26 {dimension_numbers = #tpu.dot_dimension_numbers<[1], [0], [0], [1], [0, 0, 1, 1], [], []>, transpose_lhs_hint = false} : vector<2000x256xf32>, vector<256x128xf32>, vector<2000x128xf32> -> vector<2000x128xf32>
    %add3A_28 = vector.broadcast %get3A_13 : vector<1x128xf32> to vector<2000x128xf32>
    %add3A_29 = arith.addf %dot_general3A_27, %add3A_28 : vector<2000x128xf32>
    %gt3A_30 = arith.constant 0.000000e+00 : f32
    %gt3A_31 = vector.broadcast %gt3A_30 : f32 to vector<2000x128xf32>
    %gt3A_32 = arith.cmpf ogt, %add3A_29, %gt3A_31 : vector<2000x128xf32>
    %exp3A_33 = math.exp %add3A_29 : vector<2000x128xf32>
    %sub3A_34 = arith.constant 1.000000e+00 : f32
    %sub3A_35 = vector.broadcast %sub3A_34 : f32 to vector<2000x128xf32>
    %sub3A_36 = arith.subf %exp3A_33, %sub3A_35 : vector<2000x128xf32>
    %select_n3A_37 = arith.select %gt3A_32, %add3A_29, %sub3A_36 : vector<2000x128xi1>, vector<2000x128xf32>
    %dot_general3A_38 = arith.constant dense<0.000000e+00> : vector<2000x128xf32>
    %dot_general3A_39 = tpu.matmul %select_n3A_37, %get3A_16, %dot_general3A_38 {dimension_numbers = #tpu.dot_dimension_numbers<[1], [0], [0], [1], [0, 0, 1, 1], [], []>, transpose_lhs_hint = false} : vector<2000x128xf32>, vector<128x128xf32>, vector<2000x128xf32> -> vector<2000x128xf32>
    %add3A_40 = vector.broadcast %get3A_19 : vector<1x128xf32> to vector<2000x128xf32>
    %add3A_41 = arith.addf %dot_general3A_39, %add3A_40 : vector<2000x128xf32>
    %swap3A = arith.constant 0 : index
    %swap3A_42 = arith.constant 0 : index
    %swap3A_43 = vector.load %arg15[%swap3A, %swap3A_42] : memref<2000x128xf32, #tpu.memory_space<vmem>>, vector<2000x128xf32>
    tpu.vector_store %arg15[%swap3A, %swap3A_42], %add3A_41 {strides = array<i32>} : memref<2000x128xf32, #tpu.memory_space<vmem>>, vector<2000x128xf32>,
    %get3A_44 = arith.constant 0 : index
    %get3A_45 = arith.constant 0 : index
    %get3A_46 = vector.load %arg2[%get3A_44, %get3A_45] : memref<2000x128xf32, #tpu.memory_space<vmem>>, vector<2000x128xf32>
    %get3A_47 = arith.constant 0 : index
    %get3A_48 = arith.constant 0 : index
    %get3A_49 = vector.load %arg9[%get3A_47, %get3A_48] : memref<128x256xf32, #tpu.memory_space<vmem>>, vector<128x256xf32>
    %get3A_50 = arith.constant 0 : index
    %get3A_51 = arith.constant 0 : index
    %get3A_52 = vector.load %arg10[%get3A_50, %get3A_51] : memref<1x256xf32, #tpu.memory_space<vmem>>, vector<1x256xf32>
    %get3A_53 = arith.constant 0 : index
    %get3A_54 = arith.constant 0 : index
    %get3A_55 = vector.load %arg11[%get3A_53, %get3A_54] : memref<256x128xf32, #tpu.memory_space<vmem>>, vector<256x128xf32>
    %get3A_56 = arith.constant 0 : index
    %get3A_57 = arith.constant 0 : index
    %get3A_58 = vector.load %arg12[%get3A_56, %get3A_57] : memref<1x128xf32, #tpu.memory_space<vmem>>, vector<1x128xf32>
    %get3A_59 = arith.constant 0 : index
    %get3A_60 = arith.constant 0 : index
    %get3A_61 = vector.load %arg13[%get3A_59, %get3A_60] : memref<128x128xf32, #tpu.memory_space<vmem>>, vector<128x128xf32>
    %get3A_62 = arith.constant 0 : index
    %get3A_63 = arith.constant 0 : index
    %get3A_64 = vector.load %arg14[%get3A_62, %get3A_63] : memref<1x128xf32, #tpu.memory_space<vmem>>, vector<1x128xf32>
    %dot_general3A_65 = arith.constant dense<0.000000e+00> : vector<2000x256xf32>
    %dot_general3A_66 = tpu.matmul %get3A_46, %get3A_49, %dot_general3A_65 {dimension_numbers = #tpu.dot_dimension_numbers<[1], [0], [0], [1], [0, 0, 1, 1], [], []>, transpose_lhs_hint = false} : vector<2000x128xf32>, vector<128x256xf32>, vector<2000x256xf32> -> vector<2000x256xf32>
    %add3A_67 = vector.broadcast %get3A_52 : vector<1x256xf32> to vector<2000x256xf32>
    %add3A_68 = arith.addf %dot_general3A_66, %add3A_67 : vector<2000x256xf32>
    %gt3A_69 = arith.constant 0.000000e+00 : f32
    %gt3A_70 = vector.broadcast %gt3A_69 : f32 to vector<2000x256xf32>
    %gt3A_71 = arith.cmpf ogt, %add3A_68, %gt3A_70 : vector<2000x256xf32>
    %exp3A_72 = math.exp %add3A_68 : vector<2000x256xf32>
    %sub3A_73 = arith.constant 1.000000e+00 : f32
    %sub3A_74 = vector.broadcast %sub3A_73 : f32 to vector<2000x256xf32>
    %sub3A_75 = arith.subf %exp3A_72, %sub3A_74 : vector<2000x256xf32>
    %select_n3A_76 = arith.select %gt3A_71, %add3A_68, %sub3A_75 : vector<2000x256xi1>, vector<2000x256xf32>
    %dot_general3A_77 = arith.constant dense<0.000000e+00> : vector<2000x128xf32>
    %dot_general3A_78 = tpu.matmul %select_n3A_76, %get3A_55, %dot_general3A_77 {dimension_numbers = #tpu.dot_dimension_numbers<[1], [0], [0], [1], [0, 0, 1, 1], [], []>, transpose_lhs_hint = false} : vector<2000x256xf32>, vector<256x128xf32>, vector<2000x128xf32> -> vector<2000x128xf32>
    %add3A_79 = vector.broadcast %get3A_58 : vector<1x128xf32> to vector<2000x128xf32>
    %add3A_80 = arith.addf %dot_general3A_78, %add3A_79 : vector<2000x128xf32>
    %gt3A_81 = arith.constant 0.000000e+00 : f32
    %gt3A_82 = vector.broadcast %gt3A_81 : f32 to vector<2000x128xf32>
    %gt3A_83 = arith.cmpf ogt, %add3A_80, %gt3A_82 : vector<2000x128xf32>
    %exp3A_84 = math.exp %add3A_80 : vector<2000x128xf32>
    %sub3A_85 = arith.constant 1.000000e+00 : f32
    %sub3A_86 = vector.broadcast %sub3A_85 : f32 to vector<2000x128xf32>
    %sub3A_87 = arith.subf %exp3A_84, %sub3A_86 : vector<2000x128xf32>
    %select_n3A_88 = arith.select %gt3A_83, %add3A_80, %sub3A_87 : vector<2000x128xi1>, vector<2000x128xf32>
    %dot_general3A_89 = arith.constant dense<0.000000e+00> : vector<2000x128xf32>
    %dot_general3A_90 = tpu.matmul %select_n3A_88, %get3A_61, %dot_general3A_89 {dimension_numbers = #tpu.dot_dimension_numbers<[1], [0], [0], [1], [0, 0, 1, 1], [], []>, transpose_lhs_hint = false} : vector<2000x128xf32>, vector<128x128xf32>, vector<2000x128xf32> -> vector<2000x128xf32>
    %add3A_91 = vector.broadcast %get3A_64 : vector<1x128xf32> to vector<2000x128xf32>
    %add3A_92 = arith.addf %dot_general3A_90, %add3A_91 : vector<2000x128xf32>
    %swap3A_93 = arith.constant 0 : index
    %swap3A_94 = arith.constant 0 : index
    %swap3A_95 = vector.load %arg16[%swap3A_93, %swap3A_94] : memref<2000x128xf32, #tpu.memory_space<vmem>>, vector<2000x128xf32>
    tpu.vector_store %arg16[%swap3A_93, %swap3A_94], %add3A_92 {strides = array<i32>} : memref<2000x128xf32, #tpu.memory_space<vmem>>, vector<2000x128xf32>,
    return
  }
  func.func @transform_0(%arg0: i32) -> (i32, i32) {
    %c0_i32 = arith.constant 0 : i32
    %c0_i32_0 = arith.constant 0 : i32
    return %arg0, %c0_i32 : i32, i32
  }
  func.func @transform_1(%arg0: i32) -> (i32, i32) {
    %c0_i32 = arith.constant 0 : i32
    %c0_i32_0 = arith.constant 0 : i32
    return %arg0, %c0_i32 : i32, i32
  }
  func.func @transform_2(%arg0: i32) -> (i32, i32) {
    %c0_i32 = arith.constant 0 : i32
    %c0_i32_0 = arith.constant 0 : i32
    %c0_i32_1 = arith.constant 0 : i32
    return %c0_i32, %c0_i32_0 : i32, i32
  }
  func.func @transform_3(%arg0: i32) -> (i32, i32) {
    %c0_i32 = arith.constant 0 : i32
    %c0_i32_0 = arith.constant 0 : i32
    %c0_i32_1 = arith.constant 0 : i32
    return %c0_i32, %c0_i32_0 : i32, i32
  }
  func.func @transform_4(%arg0: i32) -> (i32, i32) {
    %c0_i32 = arith.constant 0 : i32
    %c0_i32_0 = arith.constant 0 : i32
    %c0_i32_1 = arith.constant 0 : i32
    return %c0_i32, %c0_i32_0 : i32, i32
  }
  func.func @transform_5(%arg0: i32) -> (i32, i32) {
    %c0_i32 = arith.constant 0 : i32
    %c0_i32_0 = arith.constant 0 : i32
    %c0_i32_1 = arith.constant 0 : i32
    return %c0_i32, %c0_i32_0 : i32, i32
  }
  func.func @transform_6(%arg0: i32) -> (i32, i32) {
    %c0_i32 = arith.constant 0 : i32
    %c0_i32_0 = arith.constant 0 : i32
    %c0_i32_1 = arith.constant 0 : i32
    return %c0_i32, %c0_i32_0 : i32, i32
  }
  func.func @transform_7(%arg0: i32) -> (i32, i32) {
    %c0_i32 = arith.constant 0 : i32
    %c0_i32_0 = arith.constant 0 : i32
    %c0_i32_1 = arith.constant 0 : i32
    return %c0_i32, %c0_i32_0 : i32, i32
  }
  func.func @transform_8(%arg0: i32) -> (i32, i32) {
    %c0_i32 = arith.constant 0 : i32
    %c0_i32_0 = arith.constant 0 : i32
    %c0_i32_1 = arith.constant 0 : i32
    return %c0_i32, %c0_i32_0 : i32, i32
  }
  func.func @transform_9(%arg0: i32) -> (i32, i32) {
    %c0_i32 = arith.constant 0 : i32
    %c0_i32_0 = arith.constant 0 : i32
    %c0_i32_1 = arith.constant 0 : i32
    return %c0_i32, %c0_i32_0 : i32, i32
  }
  func.func @transform_10(%arg0: i32) -> (i32, i32) {
    %c0_i32 = arith.constant 0 : i32
    %c0_i32_0 = arith.constant 0 : i32
    %c0_i32_1 = arith.constant 0 : i32
    return %c0_i32, %c0_i32_0 : i32, i32
  }
  func.func @transform_11(%arg0: i32) -> (i32, i32) {
    %c0_i32 = arith.constant 0 : i32
    %c0_i32_0 = arith.constant 0 : i32
    %c0_i32_1 = arith.constant 0 : i32
    return %c0_i32, %c0_i32_0 : i32, i32
  }
  func.func @transform_12(%arg0: i32) -> (i32, i32) {
    %c0_i32 = arith.constant 0 : i32
    %c0_i32_0 = arith.constant 0 : i32
    %c0_i32_1 = arith.constant 0 : i32
    return %c0_i32, %c0_i32_0 : i32, i32
  }
  func.func @transform_13(%arg0: i32) -> (i32, i32) {
    %c0_i32 = arith.constant 0 : i32
    %c0_i32_0 = arith.constant 0 : i32
    %c0_i32_1 = arith.constant 0 : i32
    return %c0_i32, %c0_i32_0 : i32, i32
  }
  func.func @transform_14(%arg0: i32) -> (i32, i32) {
    %c0_i32 = arith.constant 0 : i32
    %c0_i32_0 = arith.constant 0 : i32
    return %arg0, %c0_i32 : i32, i32
  }
  func.func @transform_15(%arg0: i32) -> (i32, i32) {
    %c0_i32 = arith.constant 0 : i32
    %c0_i32_0 = arith.constant 0 : i32
    return %arg0, %c0_i32 : i32, i32
  }
}

</mosaic_0001>

<sc_bundles>
// kernel: kernel.6.cloned.1.call-start
scs
__scs_entry_jumppad:
0x0: {  	(pc) =	sbr.rel $0x88, $3  }
0x1: {  	(tag) =	ssettag $0x0;
	lr =	simm.s32 $0x1  }
0x2: {  	[smem:$0x3F7E] =	sst lr;
	_ =	strace $0xD0000000  }
0x3: {  	_ = 	snop  }
0x4: {  	_ = 	snop  }
0x5: {  	_ = 	snop  }
0x6: {  	_ = 	snop  }
0x7: {  	_ = 	snop  }
__scs_overlays_trampoline_lowered:
0x8: {  	[smem:$0x3F8D] =	sst s0  }
0x9: {  	[smem:$0x3F8E] =	sst s1  }
0xa: {  	[smem:$0x3F8F] =	sst s2  }
0xb: {  	[smem:$0x3F90] =	sst s3  }
0xc: {  	[smem:$0x3F91] =	sst s4  }
0xd: {  	[smem:$0x3F92] =	sst s5  }
0xe: {  	[smem:$0x3F93] =	sst s6  }
0xf: {  	[smem:$0x3F94] =	sst s7  }
0x10: {  	[smem:$0x3F95] =	sst s8  }
0x11: {  	[smem:$0x3F96] =	sst s9;
	s0 =	simm.s32 @!p0 $0x0  }
0x12: {  	s1 =	sld [smem:$0x3F7C];
	s0 =	simm.s32 @p0 $0x1  }
0x13: {  	[smem:$0x3F97] =	sst s0;
	s0 =	simm.s32 @!p1 $0x0  }
0x14: {  	s2 =	sld [smem:$0x3F7B];
	s0 =	simm.s32 @p1 $0x1  }
0x15: {  	[smem:$0x3F98] =	sst s0;
	s0 =	simm.s32 @!p2 $0x0  }
0x16: {  	s3 =	sld [smem:$0x3FDB];
	s0 =	simm.s32 @p2 $0x1  }
0x17: {  	s4 =	simm.s32 $0x1BF5;
	[smem:$0x3F9A] =	sst s0  }
0x18: {  	s0 =	sld [smem:$0x3F7D];
	_ =	swait.ge [sflag:s4], $0x0  }
0x19: {  	s7 =	sld [smem:$0x3F7E]  }
0x1a: {  	s8 =	sadd.s32 $0xFFFFE003, lr  }
0x1b: {  	s9 =	sadd.s32 $0xFFFFFEF7, lr;
	s5 =	simm.s32 $0xFFFFFFFF;
	p2 =	slt.u32 s8, $0xFFFFF086  }
0x1c: {  	p1 =	slt.u32 s9, $0xF7A;
	s5 =	simm.s32 @!p2 $0x0  }
0x1d: {  	s5 =	simm.s32 @p1 $0x1;
	p0 =	seq.s32 s7, s2  }
0x1e: {  	s7 =	smul.u32 @!p0 $0xF7A, s2;
	p2 =	seq.s32 @!p0 s5, $0x0  }
0x1f: {  	s9 =	smul.u32 $0xF7A, s1;
	s8 =	simm.s32 @!p0 $0x1BF5;
	p2 =	por !p2, p0  }
0x20: {  	[sflag:s8] =	ssyncset.s32 @!p0 $0xFFFFF086;
	s6 =	sadd.s32 @!p0 s3, s7;
	s7 =	simm.s32 @!p0 $0x108  }
0x21: {  	s3 =	sadd.s32 s3, s9;
	s6 =	sadd.s32 @!p0 $0x88, s6;
	s7 =	simm.s32 @p2 $0x1082  }
0x22: {  	[simem:s7], [sflag:s8] =	dma.local @!p0 [hbm:s6], $0xF7A  }
0x23: {  	s9 =	sor.u32 $0xD0000000, s2;
	s6 =	simm.s32 $0x108;
	_ =	swait.ge @!p0 [sflag:s8], $0x0  }
0x24: {  	s3 =	sadd.s32 $0x88, s3;
	s6 =	simm.s32 @!p1 $0x1082;
	[sflag:s4] =	ssyncset.s32 $0xFFFFF086  }
0x25: {  	[simem:s6], [sflag:s4] =	dma.local [hbm:s3], $0xF7A  }
0x26: {  	[smem:$0x3F7E] =	sst s1;
	(tag) =	ssettag s2;
	_ =	strace s9  }
0x27: {  	s1 =	sld [smem:$0x3F8E]  }
0x28: {  	s2 =	sld [smem:$0x3F8F]  }
0x29: {  	s4 =	sld [smem:$0x3F91]  }
0x2a: {  	p0 =	seq.s32 s5, $0x0;
	s5 =	sld [smem:$0x3F92]  }
0x2b: {  	s6 =	sld [smem:$0x3F93]  }
0x2c: {  	s7 =	sld [smem:$0x3F94]  }
0x2d: {  	s3 =	simm.s32 $0x108;
	s8 =	sld [smem:$0x3F95]  }
0x2e: {  	s3 =	simm.s32 @!p0 $0x1082;
	s9 =	sld [smem:$0x3F96]  }
0x2f: {  	lr =	sadd.s32 s0, s3;
	s0 =	sld [smem:$0x3F8D]  }
0x30: {  	s3 =	sld [smem:$0x3F90]  }
0x31: {  	[smem:$0x3F99] =	sst s10  }
0x32: {  	s10 =	sld [smem:$0x3F97];
	_ =	sdelay $0x3  }
0x33: {  	p0 =	seq.s32 s10, $0x1;
	s10 =	sld [smem:$0x3F99];
	_ =	sdelay $0x3  }
0x34: {  	[smem:$0x3F99] =	sst s10  }
0x35: {  	s10 =	sld [smem:$0x3F98];
	_ =	sdelay $0x3  }
0x36: {  	p1 =	seq.s32 s10, $0x1;
	s10 =	sld [smem:$0x3F99];
	_ =	sdelay $0x3  }
0x37: {  	[smem:$0x3F99] =	sst s10  }
0x38: {  	s10 =	sld [smem:$0x3F9A]  }
0x39: {  	_ = 	snop;
	(pc) =	sbr.ind lr, $3  }
0x3a: {  	_ = 	snop  }
0x3b: {  	_ = 	snop  }
0x3c: {  	p2 =	seq.s32 s10, $0x1;
	s10 =	sld [smem:$0x3F99]  }
0x3d: {  	_ =	shalt  }
0x3e: {  	_ =	shalt  }
0x3f: {  	_ =	shalt  }
0x40: {  	_ =	shalt  }
0x41: {  	_ =	shalt  }
0x42: {  	_ =	shalt  }
0x43: {  	_ =	shalt  }
0x44: {  	_ =	shalt  }
0x45: {  	_ =	shalt  }
0x46: {  	_ =	shalt  }
0x47: {  	_ =	shalt  }
0x48: {  	_ =	shalt  }
0x49: {  	_ =	shalt  }
0x4a: {  	_ =	shalt  }
0x4b: {  	_ =	shalt  }
0x4c: {  	_ =	shalt  }
0x4d: {  	_ =	shalt  }
0x4e: {  	_ =	shalt  }
0x4f: {  	_ =	shalt  }
0x50: {  	_ =	shalt  }
0x51: {  	_ =	shalt  }
0x52: {  	_ =	shalt  }
0x53: {  	_ =	shalt  }
0x54: {  	_ =	shalt  }
0x55: {  	_ =	shalt  }
0x56: {  	_ =	shalt  }
0x57: {  	_ =	shalt  }
0x58: {  	_ =	shalt  }
0x59: {  	_ =	shalt  }
0x5a: {  	_ =	shalt  }
0x5b: {  	_ =	shalt  }
0x5c: {  	_ =	shalt  }
0x5d: {  	_ =	shalt  }
0x5e: {  	_ =	shalt  }
0x5f: {  	_ =	shalt  }
0x60: {  	_ =	shalt  }
0x61: {  	_ =	shalt  }
0x62: {  	_ =	shalt  }
0x63: {  	_ =	shalt  }
0x64: {  	_ =	shalt  }
0x65: {  	_ =	shalt  }
0x66: {  	_ =	shalt  }
0x67: {  	_ =	shalt  }
0x68: {  	_ =	shalt  }
0x69: {  	_ =	shalt  }
0x6a: {  	_ =	shalt  }
0x6b: {  	_ =	shalt  }
0x6c: {  	_ =	shalt  }
0x6d: {  	_ =	shalt  }
0x6e: {  	_ =	shalt  }
0x6f: {  	_ =	shalt  }
0x70: {  	_ =	shalt  }
0x71: {  	_ =	shalt  }
0x72: {  	_ =	shalt  }
0x73: {  	_ =	shalt  }
0x74: {  	_ =	shalt  }
0x75: {  	_ =	shalt  }
0x76: {  	_ =	shalt  }
0x77: {  	_ =	shalt  }
0x78: {  	_ =	shalt  }
0x79: {  	_ =	shalt  }
0x7a: {  	_ =	shalt  }
0x7b: {  	_ =	shalt  }
0x7c: {  	_ =	shalt  }
0x7d: {  	_ =	shalt  }
0x7e: {  	_ =	shalt  }
0x7f: {  	_ =	shalt  }
0x80: {  	_ =	shalt  }
0x81: {  	_ =	shalt  }
0x82: {  	_ =	shalt  }
0x83: {  	_ =	shalt  }
0x84: {  	_ =	shalt  }
0x85: {  	_ =	shalt  }
0x86: {  	_ =	shalt  }
0x87: {  	_ =	shalt  }
.Lfunc_end0:
.L_simem_size_0:
called_computation_lowered:
.L_overlay_start_0:
0x88: {  	s2 =	sld [smem:$0x3FD9]  }
0x89: {  	s3 =	sld [smem:$0x3FFE];
	_ =	sdelay $0x1  }
0x8a: {  	s1 =	srdreg.scid  }
0x8b: {  	s0 =	sand.u32 $0x1, s1  }
0x8c: {  	s17 =	sshll.u32 s0, $0xA;
	s2 =	sadd.s32 s3, s2  }
0x8d: {  	s2 =	sadd.s32 s2, s17  }
0x8e: {  	[smem:$0x3FA5] =	sst s2  }
0x8f: {  	_ = 	snop  }
0x90: {  	s2 =	sld [smem:$0x3FC9];
	(tm) =	ssettm $0x1  }
0x91: {  	s18 =	sld [smem:$0x3FFB];
	_ =	sdelay $0x3  }
0x92: {  	_ =	strace s18  }
0x93: {  	s3 =	sld [smem:$0x3FFC];
	_ =	sdelay $0x3  }
0x94: {  	_ =	strace s3  }
0x95: {  	s3 =	sld [smem:$0x3FFD];
	_ =	sdelay $0x3  }
0x96: {  	_ =	strace s3  }
0x97: {  	_ =	strace $0x8FFFFFFF  }
0x98: {  	s19 =	sld [smem:$0x3FDB];
	_ =	sdelay $0x1  }
0x99: {  	s4 =	simm.s32 $_scs_section_size  }
0x9a: {  	s5 =	simm.s32 $_size__tile_overlayer_lowered;
	s6 =	simm.s32 $_tile_overlayer_lowered  }
0x9b: {  	s22 =	simm.s32 $0x1BFF;
	s21 =	sshll.u32 s6, $0x1;
	s3 =	sadd.s32 s4, s19  }
0x9c: {  	s7 =	simm.s32 $0x0;
	s20 =	sshll.u32 s5, $0x1;
	s5 =	sadd.s32 s21, s3  }
0x9d: {  	[timem:s7], [sflag:s22] =	dma.local [hbm:s5], s20  }
0x9e: {  	_ =	swait.ge [sflag:s22], s20  }
0x9f: {  	s4 =	ssub.s32 $0x0, s20;
	[sflag:s22] =	ssyncset.done $0x0  }
0xa0: {  	[sflag:s22] =	ssyncadd.s32 s4;
	_ =	sdelay $0x1  }
0xa1: {  	s23 =	simm.s32 $0x1B8B  }
0xa2: {  	_ =	swait.ge [sflag:s23], $0x1  }
0xa3: {  	[sflag:s23] =	ssyncset.done $0x0  }
0xa4: {  	s25 =	simm.s32 $0x1B8E;
	s24 =	sld [smem:$0x3FFE];
	[sflag:s23] =	ssyncadd.s32 $0xFFFFFFFF  }
0xa5: {  	s26 =	simm.s32 $execute0_lowered;
	[smem:$0x3FD2] =	sst s25  }
0xa6: {  	s5 =	sshll.u32 s26, $0x1;
	_ =	strace $0x80000046;
	[dreg:$0x1] =	wrdreg $0xFFFFFFFF  }
0xa7: {  	s28 =	simm.s32 $_size_execute0_lowered;
	s3 =	sadd.s32 s3, s5;
	[dreg:$0x0] =	wrdreg $0x0  }
0xa8: {  	s5 =	sshll.u32 s28, $0x1;
	[dreg:$0x2] =	wrdreg s3  }
0xa9: {  	[dreg:$0x3] =	wrdreg s5  }
0xaa: {  	[dreg:$0x4] =	wrdreg $0xC0  }
0xab: {  	_ =	task [dreg:s7], $0x5FFFF  }
0xac: {  	[dreg:$0x1] =	wrdreg $0xFFFFFFFF  }
0xad: {  	[dreg:$0x0] =	wrdreg $0x60  }
0xae: {  	[dreg:$0x2] =	wrdreg s2  }
0xaf: {  	[dreg:$0x3] =	wrdreg s24  }
0xb0: {  	[dreg:$0x4] =	wrdreg $0x9  }
0xb1: {  	_ =	task.clear_ibuf [dreg:s7], $0x5FFFF;
	_ =	strace $0x90000046  }
0xb2: {  	s29 =	simm.s32 $0x9;
	_ =	strace $0x80000048  }
0xb3: {  	_ =	swait.ge [sflag:s29], $0x1  }
0xb4: {  	[sflag:s29] =	ssyncadd.s32 $0xFFFFFFFF  }
0xb5: {  	_ =	strace $0x90000048  }
0xb6: {  	_ =	sfence  }
0xb7: {  	s30 =	sld [smem:$0x0];
	_ =	sdelay $0x2  }
0xb8: {  	s31 =	sshll.u32 s1, $0xD;
	s1 =	sshrl.u32 s1, $0x2  }
0xb9: {  	s3 =	sand.u32 $0x4000, s31;
	s1 =	sadd.s32 s1, s30  }
0xba: {  	s0 =	sor.u32 s3, s0;
	s1 =	sshll.u32 s1, $0x11  }
0xbb: {  	s0 =	sor.u32 s1, s0  }
0xbc: {  	s0 =	sadd.s32 $0x8F2B, s0  }
0xbd: {  	[sflag:s0] =	ssyncadd.remote.s32 $0x1  }
0xbe: {  	_ =	sfence.sel $0xFFFF  }
0xbf: {  	[dreg:$0x0] =	wrdreg $0xFFFFFFFF;
	(pc) =	sbr.abs _section_cstart, $3  }
0xc0: {  	[dreg:$0x1] =	wrdreg $0xFFFFFFFF  }
0xc1: {  	_ =	task.clear_ibuf [dreg:s7], $0x2FFFF;
	_ =	strace $0x9FFFFFFF  }
0xc2: {  	(tm) =	ssettm $0x7FFFFFFF  }
0xc3: {  	_ =	shalt  }
tec
execute0_lowered:
.L_overlay_start_1:
0x0: {  	(tag) =	ssettag $0x1  }
0x1: {  	s1 =	srdreg.scid;
	s0 =	stileid.u32  }
0x2: {  	s15 =	sand.u32 $0x1, s1;
	s31 =	sshll.u32 s0, $0x1  }
0x3: {  	s2 =	rddreg [dreg:$0x0];
	s10 =	sor.u32 s15, s31  }
0x4: {  	s9 =	rddreg [dreg:$0x1];
	s4 =	smul.u32 $0x28, s10  }
0x5: {  	s3 =	simm.s32 $0x0;
	s1 =	rddreg [dreg:$0x2]  }
0x6: {  	[smem:$0x7FF] =	sst s3;
	s4 =	sadd.s32 s4, s9  }
0x7: {  	_ =	strace $0x80000047;
	s5 =	sadd.s32 $0x4800, s4;
	s4 =	simm.s32 $0x2  }
0x8: {  	[tilespmem:s3], [sflag:$0x2] =	stream.linear.gather [hbm4b:s5+s3], $0x140, $0x38;
	[tilespmem:$0x2180] =	vst v63  }
0x9: {  	_ =	swait.ge [sflag:s4], $0x140  }
0xa: {  	s6 =	simm.s32 $0x40;
	[sflag:s4] =	ssyncset.done $0x0  }
0xb: {  	s7 =	simm.s32 $0x180;
	s8 =	simm.s32 $0x1;
	[sflag:s4] =	ssyncadd.s32 $0xFFFFFEC0  }
0xc: {  	[tilespmem:s7], [sflag:$0x1] =	stream.indirect.gather [hbm4b:s2+s6], $0x80, s3, s6, $0xb8;
	[tilespmem:$0x2180] =	vst v63  }
0xd: {  	s11 =	smul.u32 $0x1400, s10;
	_ =	swait.ge [sflag:s8], $0x2000  }
0xe: {  	s12 =	sadd.s32 $0x4E00, s9;
	[sflag:s8] =	ssyncset.done $0x0  }
0xf: {  	s9 =	sadd.s32 s12, s11;
	[sflag:s8] =	ssyncadd.s32 $0xFFFFE000  }
0x10: {  	[hbm4b:s9+s3] =	stream.linear.scatter [tilespmem:s7], [sflag:$0x2], $0x2000, $0x38;
	[tilespmem:$0x2180] =	vst v63  }
0x11: {  	_ =	swait.ge [sflag:s4], $0x2000  }
0x12: {  	[sflag:s4] =	ssyncset.done $0x0  }
0x13: {  	s10 =	smul.u32 $0xA000, s10;
	[sflag:s4] =	ssyncadd.s32 $0xFFFFE000  }
0x14: {  	[tilespmem:s7], [sflag:$0x1] =	stream.indirect.gather [hbm4b:s2+s6], $0x80, s6, s6, $0xb8;
	[tilespmem:$0x2180] =	vst v63  }
0x15: {  	s10 =	sshrl.u32 s10, $0x3;
	_ =	swait.ge [sflag:s8], $0x2000  }
0x16: {  	s16 =	sadd.s32 s12, s10;
	[sflag:s8] =	ssyncset.done $0x0  }
0x17: {  	s10 =	sadd.s32 $0x400, s16;
	[sflag:s8] =	ssyncadd.s32 $0xFFFFE000  }
0x18: {  	[hbm4b:s10+s3] =	stream.linear.scatter [tilespmem:s7], [sflag:$0x2], $0x2000, $0x38;
	[tilespmem:$0x2180] =	vst v63  }
0x19: {  	_ =	swait.ge [sflag:s4], $0x2000  }
0x1a: {  	[sflag:s4] =	ssyncset.done $0x0  }
0x1b: {  	s11 =	simm.s32 $0x80;
	[sflag:s4] =	ssyncadd.s32 $0xFFFFE000  }
0x1c: {  	[tilespmem:s7], [sflag:$0x1] =	stream.indirect.gather [hbm4b:s2+s6], $0x80, s11, s6, $0xb8;
	[tilespmem:$0x2180] =	vst v63  }
0x1d: {  	_ =	swait.ge [sflag:s8], $0x2000  }
0x1e: {  	[sflag:s8] =	ssyncset.done $0x0  }
0x1f: {  	s12 =	sadd.s32 $0x800, s16;
	[sflag:s8] =	ssyncadd.s32 $0xFFFFE000  }
0x20: {  	[hbm4b:s12+s3] =	stream.linear.scatter [tilespmem:s7], [sflag:$0x2], $0x2000, $0x38;
	[tilespmem:$0x2180] =	vst v63  }
0x21: {  	_ =	swait.ge [sflag:s4], $0x2000  }
0x22: {  	[sflag:s4] =	ssyncset.done $0x0  }
0x23: {  	s13 =	simm.s32 $0xC0;
	[sflag:s4] =	ssyncadd.s32 $0xFFFFE000  }
0x24: {  	[tilespmem:s7], [sflag:$0x1] =	stream.indirect.gather [hbm4b:s2+s6], $0x80, s13, s6, $0xb8;
	[tilespmem:$0x2180] =	vst v63  }
0x25: {  	_ =	swait.ge [sflag:s8], $0x2000  }
0x26: {  	[sflag:s8] =	ssyncset.done $0x0  }
0x27: {  	s17 =	ssub.s32 $0x2, s15;
	s14 =	sadd.s32 $0xC00, s16;
	[sflag:s8] =	ssyncadd.s32 $0xFFFFE000  }
0x28: {  	[hbm4b:s14+s3] =	stream.linear.scatter [tilespmem:s7], [sflag:$0x2], $0x2000, $0x38;
	[tilespmem:$0x2180] =	vst v63  }
0x29: {  	s18 =	sshrl.u32 s17, $0x1;
	_ =	swait.ge [sflag:s4], $0x2000  }
0x2a: {  	s17 =	ssub.s32 s17, s18;
	[sflag:s4] =	ssyncset.done $0x0  }
0x2b: {  	s15 =	simm.s32 $0x100;
	s17 =	smax.u32 s17, $0x1;
	[sflag:s4] =	ssyncadd.s32 $0xFFFFE000  }
0x2c: {  	[tilespmem:s7], [sflag:$0x1] =	stream.indirect.gather [hbm4b:s2+s6], $0x80, s15, s6, $0xb8;
	[tilespmem:$0x2180] =	vst v63  }
0x2d: {  	p0 =	sne.s32 s17, $0x1;
	_ =	swait.ge [sflag:s8], $0x2000  }
.Ltmp0:
0x2e: {  	[sflag:s8] =	ssyncset.done $0x0;
	(pc) =	sbr.rel @!p0 .LBB2_2-.Ltmp0, $4  }
0x2f: {  	s16 =	sadd.s32 $0x1000, s16;
	[sflag:s8] =	ssyncadd.s32 $0xFFFFE000  }
0x30: {  	[hbm4b:s16+s3] =	stream.linear.scatter [tilespmem:s7], [sflag:$0x2], $0x2000, $0x38;
	[tilespmem:$0x2180] =	vst v63  }
0x31: {  	_ =	swait.ge [sflag:s4], $0x2000  }
0x32: {  	s17 =	sadd.s32 $0xFFFFFFFF, s17;
	[sflag:s4] =	ssyncset.done $0x0  }
.LBB2_1:
0x33: {  	p0 =	sne.s32 s17, $0x1;
	s17 =	sadd.s32 $0xFFFFFFFF, s17;
	[sflag:s4] =	ssyncadd.s32 $0xFFFFE000  }
0x34: {  	[tilespmem:s3], [sflag:$0x2] =	stream.linear.gather [hbm4b:s5+s3], $0x140, $0x38;
	[tilespmem:$0x2180] =	vst v63  }
0x35: {  	_ =	swait.ge [sflag:s4], $0x140  }
0x36: {  	[sflag:s4] =	ssyncset.done $0x0  }
0x37: {  	[sflag:s4] =	ssyncadd.s32 $0xFFFFFEC0  }
0x38: {  	[tilespmem:s7], [sflag:$0x1] =	stream.indirect.gather [hbm4b:s2+s6], $0x80, s3, s6, $0xb8;
	[tilespmem:$0x2180] =	vst v63  }
0x39: {  	_ =	swait.ge [sflag:s8], $0x2000  }
0x3a: {  	[sflag:s8] =	ssyncset.done $0x0  }
0x3b: {  	[sflag:s8] =	ssyncadd.s32 $0xFFFFE000  }
0x3c: {  	[hbm4b:s9+s3] =	stream.linear.scatter [tilespmem:s7], [sflag:$0x2], $0x2000, $0x38;
	[tilespmem:$0x2180] =	vst v63  }
0x3d: {  	_ =	swait.ge [sflag:s4], $0x2000  }
0x3e: {  	[sflag:s4] =	ssyncset.done $0x0  }
0x3f: {  	[sflag:s4] =	ssyncadd.s32 $0xFFFFE000  }
0x40: {  	[tilespmem:s7], [sflag:$0x1] =	stream.indirect.gather [hbm4b:s2+s6], $0x80, s6, s6, $0xb8;
	[tilespmem:$0x2180] =	vst v63  }
0x41: {  	_ =	swait.ge [sflag:s8], $0x2000  }
0x42: {  	[sflag:s8] =	ssyncset.done $0x0  }
0x43: {  	[sflag:s8] =	ssyncadd.s32 $0xFFFFE000  }
0x44: {  	[hbm4b:s10+s3] =	stream.linear.scatter [tilespmem:s7], [sflag:$0x2], $0x2000, $0x38;
	[tilespmem:$0x2180] =	vst v63  }
0x45: {  	_ =	swait.ge [sflag:s4], $0x2000  }
0x46: {  	[sflag:s4] =	ssyncset.done $0x0  }
0x47: {  	[sflag:s4] =	ssyncadd.s32 $0xFFFFE000  }
0x48: {  	[tilespmem:s7], [sflag:$0x1] =	stream.indirect.gather [hbm4b:s2+s6], $0x80, s11, s6, $0xb8;
	[tilespmem:$0x2180] =	vst v63  }
0x49: {  	_ =	swait.ge [sflag:s8], $0x2000  }
0x4a: {  	[sflag:s8] =	ssyncset.done $0x0  }
0x4b: {  	[sflag:s8] =	ssyncadd.s32 $0xFFFFE000  }
0x4c: {  	[hbm4b:s12+s3] =	stream.linear.scatter [tilespmem:s7], [sflag:$0x2], $0x2000, $0x38;
	[tilespmem:$0x2180] =	vst v63  }
0x4d: {  	_ =	swait.ge [sflag:s4], $0x2000  }
0x4e: {  	[sflag:s4] =	ssyncset.done $0x0  }
0x4f: {  	[sflag:s4] =	ssyncadd.s32 $0xFFFFE000  }
0x50: {  	[tilespmem:s7], [sflag:$0x1] =	stream.indirect.gather [hbm4b:s2+s6], $0x80, s13, s6, $0xb8;
	[tilespmem:$0x2180] =	vst v63  }
0x51: {  	_ =	swait.ge [sflag:s8], $0x2000  }
0x52: {  	[sflag:s8] =	ssyncset.done $0x0  }
0x53: {  	[sflag:s8] =	ssyncadd.s32 $0xFFFFE000  }
0x54: {  	[hbm4b:s14+s3] =	stream.linear.scatter [tilespmem:s7], [sflag:$0x2], $0x2000, $0x38;
	[tilespmem:$0x2180] =	vst v63  }
0x55: {  	_ =	swait.ge [sflag:s4], $0x2000  }
0x56: {  	[sflag:s4] =	ssyncset.done $0x0  }
0x57: {  	[sflag:s4] =	ssyncadd.s32 $0xFFFFE000  }
0x58: {  	[tilespmem:s7], [sflag:$0x1] =	stream.indirect.gather [hbm4b:s2+s6], $0x80, s15, s6, $0xb8;
	[tilespmem:$0x2180] =	vst v63  }
0x59: {  	_ =	swait.ge [sflag:s8], $0x2000  }
.Ltmp1:
0x5a: {  	[sflag:s8] =	ssyncset.done $0x0;
	(pc) =	sbr.rel @p0 .LBB2_1-.Ltmp1, $4  }
0x5b: {  	[sflag:s8] =	ssyncadd.s32 $0xFFFFE000  }
0x5c: {  	[hbm4b:s16+s3] =	stream.linear.scatter [tilespmem:s7], [sflag:$0x2], $0x2000, $0x38;
	[tilespmem:$0x2180] =	vst v63  }
0x5d: {  	_ =	swait.ge [sflag:s4], $0x2000  }
0x5e: {  	[sflag:s4] =	ssyncset.done $0x0  }
.LBB2_2:
0x5f: {  	[sflag:s4] =	ssyncadd.s32 $0xFFFFE000  }
0x60: {  	_ =	sfence.sel $0x180000  }
0x61: {  	[bflag:$0x0] =	sbarrier.arrive $0xFFFF  }
0x62: {  	p0 =	sne.s32 s0, $0x0;
	_ =	strace $0x90000047  }
0x63: {  	s0 =	sadd.s32 @!p0 $0x100000, s1;
	[bflag:$0x2] =	sbarrier.arrive $0xFFFF  }
0x64: {  	[sflag:s0] =	ssyncadd.tile.s32 @!p0 $0x1;
	_ =	shalt  }
.Lfunc_end2:
_tile_overlayer_lowered:
.L_overlay_start_2:
0x65: {  	(tag) =	ssettag $0x2  }
0x66: {  	s0 =	rddreg [dreg:$0x0];
	s2 =	stileid.u32  }
0x67: {  	s1 =	rddreg [dreg:$0x1];
	p0 =	sne.s32 s2, $0x0  }
0x68: {  	s3 =	rddreg [dreg:$0x2];
	[bflag:$0x3] =	sbarrier.arrive $0xFFFF;
	s2 =	simm.s32 @!p0 $0x1C02  }
0x69: {  	[timem:s3], [sflag:s2] =	dma.local @!p0 [hbm:s0], s1  }
0x6a: {  	s0 =	simm.s32 @!p0 $0x2  }
0x6b: {  	_ =	swait.ge @!p0 [sflag:s0], s1  }
0x6c: {  	s1 =	ssub.s32 @!p0 $0x0, s1;
	[sflag:s0] =	ssyncset.done @!p0 $0x0  }
0x6d: {  	[sflag:s0] =	ssyncadd.s32 @!p0 s1  }
0x6e: {  	[bflag:$0x3] =	sbarrier.arrive $0xFFFF  }
0x6f: {  	_ =	shalt  }

// kernel: kernel.9.cloned.1.call-start
scs
__scs_entry_jumppad:
0x0: {  	(pc) =	sbr.rel $0x88, $3  }
0x1: {  	(tag) =	ssettag $0x0;
	lr =	simm.s32 $0x1  }
0x2: {  	[smem:$0x3F7E] =	sst lr;
	_ =	strace $0xD0000000  }
0x3: {  	_ = 	snop  }
0x4: {  	_ = 	snop  }
0x5: {  	_ = 	snop  }
0x6: {  	_ = 	snop  }
0x7: {  	_ = 	snop  }
__scs_overlays_trampoline_lowered:
0x8: {  	[smem:$0x3F8D] =	sst s0  }
0x9: {  	[smem:$0x3F8E] =	sst s1  }
0xa: {  	[smem:$0x3F8F] =	sst s2  }
0xb: {  	[smem:$0x3F90] =	sst s3  }
0xc: {  	[smem:$0x3F91] =	sst s4  }
0xd: {  	[smem:$0x3F92] =	sst s5  }
0xe: {  	[smem:$0x3F93] =	sst s6  }
0xf: {  	[smem:$0x3F94] =	sst s7  }
0x10: {  	[smem:$0x3F95] =	sst s8  }
0x11: {  	[smem:$0x3F96] =	sst s9;
	s0 =	simm.s32 @!p0 $0x0  }
0x12: {  	s1 =	sld [smem:$0x3F7C];
	s0 =	simm.s32 @p0 $0x1  }
0x13: {  	[smem:$0x3F97] =	sst s0;
	s0 =	simm.s32 @!p1 $0x0  }
0x14: {  	s2 =	sld [smem:$0x3F7B];
	s0 =	simm.s32 @p1 $0x1  }
0x15: {  	[smem:$0x3F98] =	sst s0;
	s0 =	simm.s32 @!p2 $0x0  }
0x16: {  	s3 =	sld [smem:$0x3FDB];
	s0 =	simm.s32 @p2 $0x1  }
0x17: {  	s4 =	simm.s32 $0x1BF5;
	[smem:$0x3F9A] =	sst s0  }
0x18: {  	s0 =	sld [smem:$0x3F7D];
	_ =	swait.ge [sflag:s4], $0x0  }
0x19: {  	s7 =	sld [smem:$0x3F7E]  }
0x1a: {  	s8 =	sadd.s32 $0xFFFFE003, lr  }
0x1b: {  	s9 =	sadd.s32 $0xFFFFFEF7, lr;
	s5 =	simm.s32 $0xFFFFFFFF;
	p2 =	slt.u32 s8, $0xFFFFF086  }
0x1c: {  	p1 =	slt.u32 s9, $0xF7A;
	s5 =	simm.s32 @!p2 $0x0  }
0x1d: {  	s5 =	simm.s32 @p1 $0x1;
	p0 =	seq.s32 s7, s2  }
0x1e: {  	s7 =	smul.u32 @!p0 $0xF7A, s2;
	p2 =	seq.s32 @!p0 s5, $0x0  }
0x1f: {  	s9 =	smul.u32 $0xF7A, s1;
	s8 =	simm.s32 @!p0 $0x1BF5;
	p2 =	por !p2, p0  }
0x20: {  	[sflag:s8] =	ssyncset.s32 @!p0 $0xFFFFF086;
	s6 =	sadd.s32 @!p0 s3, s7;
	s7 =	simm.s32 @!p0 $0x108  }
0x21: {  	s3 =	sadd.s32 s3, s9;
	s6 =	sadd.s32 @!p0 $0x88, s6;
	s7 =	simm.s32 @p2 $0x1082  }
0x22: {  	[simem:s7], [sflag:s8] =	dma.local @!p0 [hbm:s6], $0xF7A  }
0x23: {  	s9 =	sor.u32 $0xD0000000, s2;
	s6 =	simm.s32 $0x108;
	_ =	swait.ge @!p0 [sflag:s8], $0x0  }
0x24: {  	s3 =	sadd.s32 $0x88, s3;
	s6 =	simm.s32 @!p1 $0x1082;
	[sflag:s4] =	ssyncset.s32 $0xFFFFF086  }
0x25: {  	[simem:s6], [sflag:s4] =	dma.local [hbm:s3], $0xF7A  }
0x26: {  	[smem:$0x3F7E] =	sst s1;
	(tag) =	ssettag s2;
	_ =	strace s9  }
0x27: {  	s1 =	sld [smem:$0x3F8E]  }
0x28: {  	s2 =	sld [smem:$0x3F8F]  }
0x29: {  	s4 =	sld [smem:$0x3F91]  }
0x2a: {  	p0 =	seq.s32 s5, $0x0;
	s5 =	sld [smem:$0x3F92]  }
0x2b: {  	s6 =	sld [smem:$0x3F93]  }
0x2c: {  	s7 =	sld [smem:$0x3F94]  }
0x2d: {  	s3 =	simm.s32 $0x108;
	s8 =	sld [smem:$0x3F95]  }
0x2e: {  	s3 =	simm.s32 @!p0 $0x1082;
	s9 =	sld [smem:$0x3F96]  }
0x2f: {  	lr =	sadd.s32 s0, s3;
	s0 =	sld [smem:$0x3F8D]  }
0x30: {  	s3 =	sld [smem:$0x3F90]  }
0x31: {  	[smem:$0x3F99] =	sst s10  }
0x32: {  	s10 =	sld [smem:$0x3F97];
	_ =	sdelay $0x3  }
0x33: {  	p0 =	seq.s32 s10, $0x1;
	s10 =	sld [smem:$0x3F99];
	_ =	sdelay $0x3  }
0x34: {  	[smem:$0x3F99] =	sst s10  }
0x35: {  	s10 =	sld [smem:$0x3F98];
	_ =	sdelay $0x3  }
0x36: {  	p1 =	seq.s32 s10, $0x1;
	s10 =	sld [smem:$0x3F99];
	_ =	sdelay $0x3  }
0x37: {  	[smem:$0x3F99] =	sst s10  }
0x38: {  	s10 =	sld [smem:$0x3F9A]  }
0x39: {  	_ = 	snop;
	(pc) =	sbr.ind lr, $3  }
0x3a: {  	_ = 	snop  }
0x3b: {  	_ = 	snop  }
0x3c: {  	p2 =	seq.s32 s10, $0x1;
	s10 =	sld [smem:$0x3F99]  }
0x3d: {  	_ =	shalt  }
0x3e: {  	_ =	shalt  }
0x3f: {  	_ =	shalt  }
0x40: {  	_ =	shalt  }
0x41: {  	_ =	shalt  }
0x42: {  	_ =	shalt  }
0x43: {  	_ =	shalt  }
0x44: {  	_ =	shalt  }
0x45: {  	_ =	shalt  }
0x46: {  	_ =	shalt  }
0x47: {  	_ =	shalt  }
0x48: {  	_ =	shalt  }
0x49: {  	_ =	shalt  }
0x4a: {  	_ =	shalt  }
0x4b: {  	_ =	shalt  }
0x4c: {  	_ =	shalt  }
0x4d: {  	_ =	shalt  }
0x4e: {  	_ =	shalt  }
0x4f: {  	_ =	shalt  }
0x50: {  	_ =	shalt  }
0x51: {  	_ =	shalt  }
0x52: {  	_ =	shalt  }
0x53: {  	_ =	shalt  }
0x54: {  	_ =	shalt  }
0x55: {  	_ =	shalt  }
0x56: {  	_ =	shalt  }
0x57: {  	_ =	shalt  }
0x58: {  	_ =	shalt  }
0x59: {  	_ =	shalt  }
0x5a: {  	_ =	shalt  }
0x5b: {  	_ =	shalt  }
0x5c: {  	_ =	shalt  }
0x5d: {  	_ =	shalt  }
0x5e: {  	_ =	shalt  }
0x5f: {  	_ =	shalt  }
0x60: {  	_ =	shalt  }
0x61: {  	_ =	shalt  }
0x62: {  	_ =	shalt  }
0x63: {  	_ =	shalt  }
0x64: {  	_ =	shalt  }
0x65: {  	_ =	shalt  }
0x66: {  	_ =	shalt  }
0x67: {  	_ =	shalt  }
0x68: {  	_ =	shalt  }
0x69: {  	_ =	shalt  }
0x6a: {  	_ =	shalt  }
0x6b: {  	_ =	shalt  }
0x6c: {  	_ =	shalt  }
0x6d: {  	_ =	shalt  }
0x6e: {  	_ =	shalt  }
0x6f: {  	_ =	shalt  }
0x70: {  	_ =	shalt  }
0x71: {  	_ =	shalt  }
0x72: {  	_ =	shalt  }
0x73: {  	_ =	shalt  }
0x74: {  	_ =	shalt  }
0x75: {  	_ =	shalt  }
0x76: {  	_ =	shalt  }
0x77: {  	_ =	shalt  }
0x78: {  	_ =	shalt  }
0x79: {  	_ =	shalt  }
0x7a: {  	_ =	shalt  }
0x7b: {  	_ =	shalt  }
0x7c: {  	_ =	shalt  }
0x7d: {  	_ =	shalt  }
0x7e: {  	_ =	shalt  }
0x7f: {  	_ =	shalt  }
0x80: {  	_ =	shalt  }
0x81: {  	_ =	shalt  }
0x82: {  	_ =	shalt  }
0x83: {  	_ =	shalt  }
0x84: {  	_ =	shalt  }
0x85: {  	_ =	shalt  }
0x86: {  	_ =	shalt  }
0x87: {  	_ =	shalt  }
.Lfunc_end0:
.L_simem_size_0:
called_computation.1_lowered:
.L_overlay_start_0:
0x88: {  	s2 =	sld [smem:$0x3FD9]  }
0x89: {  	s3 =	sld [smem:$0x3FFE];
	_ =	sdelay $0x1  }
0x8a: {  	s1 =	srdreg.scid  }
0x8b: {  	s0 =	sand.u32 $0x1, s1  }
0x8c: {  	s17 =	sshll.u32 s0, $0xA;
	s2 =	sadd.s32 s3, s2  }
0x8d: {  	s2 =	sadd.s32 s2, s17  }
0x8e: {  	[smem:$0x3FA5] =	sst s2  }
0x8f: {  	_ = 	snop  }
0x90: {  	s18 =	sld [smem:$0x3FC9]  }
0x91: {  	s4 =	sld [smem:$0x3FC7]  }
0x92: {  	s5 =	sld [smem:$0x3FD0];
	(tm) =	ssettm $0x1  }
0x93: {  	s19 =	sld [smem:$0x3FFB];
	_ =	sdelay $0x3  }
0x94: {  	_ =	strace s19  }
0x95: {  	s2 =	sld [smem:$0x3FFC];
	_ =	sdelay $0x3  }
0x96: {  	_ =	strace s2  }
0x97: {  	s2 =	sld [smem:$0x3FFD];
	_ =	sdelay $0x3  }
0x98: {  	_ =	strace s2  }
0x99: {  	_ =	strace $0x8FFFFFFF  }
0x9a: {  	s20 =	sld [smem:$0x3FDB];
	_ =	sdelay $0x1  }
0x9b: {  	s6 =	simm.s32 $_scs_section_size  }
0x9c: {  	s7 =	simm.s32 $_size__tile_overlayer_lowered;
	s8 =	simm.s32 $_tile_overlayer_lowered  }
0x9d: {  	s9 =	simm.s32 $0x1BFF;
	s21 =	sshll.u32 s8, $0x1;
	s6 =	sadd.s32 s6, s20  }
0x9e: {  	s22 =	simm.s32 $0x0;
	s7 =	sshll.u32 s7, $0x1;
	s8 =	sadd.s32 s21, s6  }
0x9f: {  	[timem:s22], [sflag:s9] =	dma.local [hbm:s8], s7  }
0xa0: {  	_ =	swait.ge [sflag:s9], s7  }
0xa1: {  	s7 =	ssub.s32 $0x0, s7;
	[sflag:s9] =	ssyncset.done $0x0  }
0xa2: {  	[sflag:s9] =	ssyncadd.s32 s7;
	_ =	sdelay $0x1  }
0xa3: {  	s23 =	simm.s32 $0x1B8B  }
0xa4: {  	_ =	swait.ge [sflag:s23], $0x1  }
0xa5: {  	[sflag:s23] =	ssyncset.done $0x0  }
0xa6: {  	[sflag:s23] =	ssyncadd.s32 $0xFFFFFFFF  }
0xa7: {  	s7 =	sld [smem:$0x0]  }
0xa8: {  	s8 =	sand.u32 $0xFFFFFFFE, s1  }
0xa9: {  	p0 =	sne.s32 s1, s8  }
0xaa: {  	s8 =	sshll.u32 @p0 s8, $0xE  }
0xab: {  	s8 =	sadd.s32 @p0 $0x11B8D, s8;
	s9 =	sshll.u32 @p0 s7, $0x11  }
0xac: {  	s8 =	sor.u32 @p0 s9, s8  }
0xad: {  	[sflag:s8] =	ssyncadd.remote.s32 @p0 $0x1;
	_ =	sdelay $0x1  }
0xae: {  	s8 =	simm.s32 @p0 $0x1B8D  }
0xaf: {  	_ =	swait.eq @p0 [sflag:s8], $0x1  }
0xb0: {  	[sflag:s8] =	ssyncadd.s32 @p0 $0xFFFFFFFF  }
0xb1: {  	s9 =	sshll.u32 @!p0 s1, $0xE  }
0xb2: {  	s9 =	sor.u32 @!p0 $0x4000, s9;
	s8 =	simm.s32 @!p0 $0x1B8D  }
0xb3: {  	s7 =	sshll.u32 @!p0 s7, $0x11;
	s9 =	sadd.s32 @!p0 $0x11B8D, s9;
	_ =	swait.eq @!p0 [sflag:s8], $0x1  }
0xb4: {  	s7 =	sor.u32 @!p0 s7, s9;
	[sflag:s8] =	ssyncadd.s32 @!p0 $0xFFFFFFFF  }
0xb5: {  	s25 =	simm.s32 $0x1B8E;
	s24 =	sld [smem:$0x3FFE];
	[sflag:s7] =	ssyncadd.remote.s32 @!p0 $0x1  }
0xb6: {  	s26 =	simm.s32 $execute0_lowered;
	[smem:$0x3FD2] =	sst s25  }
0xb7: {  	s8 =	sshll.u32 s26, $0x1;
	_ =	strace $0x80000049;
	[dreg:$0x1] =	wrdreg $0xFFFFFFFF  }
0xb8: {  	s28 =	simm.s32 $_size_execute0_lowered;
	s6 =	sadd.s32 s6, s8;
	[dreg:$0x0] =	wrdreg $0x0  }
0xb9: {  	s8 =	sshll.u32 s28, $0x1;
	[dreg:$0x2] =	wrdreg s6  }
0xba: {  	[dreg:$0x3] =	wrdreg s8  }
0xbb: {  	[dreg:$0x4] =	wrdreg $0xC0  }
0xbc: {  	_ =	task [dreg:s22], $0x5FFFF  }
0xbd: {  	[dreg:$0x1] =	wrdreg $0xFFFFFFFF  }
0xbe: {  	[dreg:$0x0] =	wrdreg $0x60  }
0xbf: {  	[dreg:$0x2] =	wrdreg s18  }
0xc0: {  	[dreg:$0x3] =	wrdreg s4  }
0xc1: {  	[dreg:$0x4] =	wrdreg s5  }
0xc2: {  	[dreg:$0x5] =	wrdreg s24  }
0xc3: {  	[dreg:$0x6] =	wrdreg $0x0  }
0xc4: {  	[dreg:$0x7] =	wrdreg $0xA  }
0xc5: {  	_ =	task.clear_ibuf [dreg:s22], $0x8FFFF;
	_ =	strace $0x90000049  }
0xc6: {  	s29 =	simm.s32 $0xA;
	_ =	strace $0x8000004B  }
0xc7: {  	_ =	swait.ge [sflag:s29], $0x1  }
0xc8: {  	[sflag:s29] =	ssyncadd.s32 $0xFFFFFFFF  }
0xc9: {  	_ =	strace $0x9000004B  }
0xca: {  	_ =	sfence  }
0xcb: {  	s30 =	sld [smem:$0x0];
	_ =	sdelay $0x2  }
0xcc: {  	s31 =	sshll.u32 s1, $0xD;
	s1 =	sshrl.u32 s1, $0x2  }
0xcd: {  	s4 =	sand.u32 $0x4000, s31;
	s1 =	sadd.s32 s1, s30  }
0xce: {  	s0 =	sor.u32 s4, s0;
	s1 =	sshll.u32 s1, $0x11  }
0xcf: {  	s0 =	sor.u32 s1, s0  }
0xd0: {  	s0 =	sadd.s32 $0x8F2B, s0  }
0xd1: {  	[sflag:s0] =	ssyncadd.remote.s32 $0x1  }
0xd2: {  	_ =	sfence.sel $0xFFFF  }
0xd3: {  	[dreg:$0x0] =	wrdreg $0xFFFFFFFF;
	(pc) =	sbr.abs _section_cstart, $3  }
0xd4: {  	[dreg:$0x1] =	wrdreg $0xFFFFFFFF  }
0xd5: {  	_ =	task.clear_ibuf [dreg:s22], $0x2FFFF;
	_ =	strace $0x9FFFFFFF  }
0xd6: {  	(tm) =	ssettm $0x7FFFFFFF  }
0xd7: {  	_ =	shalt  }
tec
execute0_lowered:
.L_overlay_start_1:
0x0: {  	(tag) =	ssettag $0x1  }
0x1: {  	s12 =	rddreg [dreg:$0x0]  }
0x2: {  	s2 =	rddreg [dreg:$0x1]  }
0x3: {  	s3 =	rddreg [dreg:$0x2]  }
0x4: {  	s0 =	rddreg [dreg:$0x3]  }
0x5: {  	s4 =	rddreg [dreg:$0x4];
	s6 =	srdreg.scid;
	s5 =	simm.s32 $0x0  }
0x6: {  	s16 =	stileid.u32;
	s6 =	sand.u32 $0x1, s6;
	[smem:$0x7FF] =	sst s5  }
0x7: {  	s7 =	sshll.u32 s16, $0xC;
	s9 =	sadd.s32 $0x138000, s4;
	s20 =	sadd.s32 $0x2CE00, s0  }
0x8: {  	s14 =	smul.u32 $0x13800, s16;
	s28 =	sadd.s32 $0x5F600, s0;
	s31 =	sadd.s32 $0x3CE00, s0  }
0x9: {  	s5 =	sadd.s32 $0x4CE00, s0;
	s15 =	sadd.s32 $0x5CE00, s0;
	s18 =	sadd.s32 $0xAD800, s0  }
0xa: {  	s8 =	sshll.u32 s6, $0xB;
	_ =	strace $0x8000004A;
	[dreg:$0x6] =	wrdreg s9  }
0xb: {  	s0 =	sadd.s32 $0x5F500, s0;
	[dreg:$0x1b] =	wrdreg s15;
	s7 =	sor.u32 s8, s7  }
0xc: {  	p0 =	sne.s32 s16, $0xF;
	[dreg:$0x1d] =	wrdreg s0;
	s21 =	sadd.s32 s3, s7  }
0xd: {  	s22 =	sadd.s32 s20, s7;
	s10 =	sor.u32 $0x200, s7;
	[dreg:$0x7] =	wrdreg s21  }
0xe: {  	s11 =	sor.u32 $0x400, s7;
	s17 =	sadd.s32 s31, s7;
	[dreg:$0x8] =	wrdreg s22  }
0xf: {  	s13 =	sor.u32 $0x600, s7;
	s7 =	sadd.s32 s5, s7;
	[dreg:$0x11] =	wrdreg s17  }
0x10: {  	s26 =	smul.u32 $0x138800, s6;
	s23 =	sadd.s32 s3, s10;
	[dreg:$0x12] =	wrdreg s7  }
0x11: {  	s6 =	ssub.s32 $0x2, s6;
	s24 =	sadd.s32 s20, s10;
	[dreg:$0x9] =	wrdreg s23  }
0x12: {  	s15 =	simm.s32 $0x15880;
	s25 =	sadd.s32 s3, s11;
	[dreg:$0xa] =	wrdreg s24  }
0x13: {  	s29 =	sadd.s32 s14, s26;
	s1 =	sadd.s32 s20, s11;
	[dreg:$0xb] =	wrdreg s25  }
0x14: {  	s9 =	sshrl.u32 s26, $0x3;
	s3 =	sadd.s32 s3, s13;
	[dreg:$0xc] =	wrdreg s1  }
0x15: {  	s14 =	simm.s32 $0x64;
	s8 =	sadd.s32 s20, s13;
	[dreg:$0xd] =	wrdreg s3  }
0x16: {  	s9 =	sadd.s32 $0x27000, s9;
	s19 =	sadd.s32 s31, s10;
	[dreg:$0xe] =	wrdreg s8  }
0x17: {  	s20 =	sadd.s32 s5, s10;
	s21 =	sshrl.u32 s6, $0x1;
	[dreg:$0x13] =	wrdreg s19  }
0x18: {  	s22 =	sadd.s32 s31, s11;
	s17 =	simm.s32 $0x18C80;
	[dreg:$0x14] =	wrdreg s20  }
0x19: {  	s3 =	sshrl.u32 s29, $0x3;
	s1 =	sadd.s32 s28, s9;
	[dreg:$0x15] =	wrdreg s22  }
0x1a: {  	s23 =	smul.u32 $0x4E000, s16;
	s24 =	sadd.s32 s5, s11;
	[dreg:$0x10] =	wrdreg s1  }
0x1b: {  	s6 =	ssub.s32 s6, s21;
	s25 =	sadd.s32 s31, s13;
	[dreg:$0x16] =	wrdreg s24  }
0x1c: {  	s29 =	sshll.u32 s16, $0x6;
	s30 =	sadd.s32 s28, s3;
	[dreg:$0x17] =	wrdreg s25  }
0x1d: {  	s11 =	simm.s32 $0x4;
	s28 =	sadd.s32 s5, s13;
	[dreg:$0xf] =	wrdreg s30  }
0x1e: {  	s19 =	simm.s32 $0x1C080;
	s3 =	sadd.s32 s18, s3;
	[dreg:$0x18] =	wrdreg s28  }
0x1f: {  	s20 =	simm.s32 $0x1;
	s31 =	sor.u32 $0x1C04, s29;
	[dreg:$0x19] =	wrdreg s3  }
0x20: {  	s26 =	sshrl.u32 s23, $0x2;
	s30 =	sadd.s32 s18, s9;
	[dreg:$0x1f] =	wrdreg s31  }
0x21: {  	s22 =	simm.s32 $0x2;
	s10 =	sadd.s32 s26, s4;
	[dreg:$0x1a] =	wrdreg s30  }
0x22: {  	s0 =	smax.u32 s6, $0x1;
	s25 =	simm.s32 $0x3;
	[dreg:$0x1c] =	wrdreg s10  }
.LBB2_1:
0x23: {  	[dreg:$0x1e] =	wrdreg s0  }
0x24: {  	s30 =	rddreg [dreg:$0x1c]  }
0x25: {  	s3 =	rddreg [dreg:$0x1b]  }
0x26: {  	s5 =	rddreg [dreg:$0x1f];
	s0 =	sshrl.u32 s30, $0x3  }
0x27: {  	[smem:$0x7FC] =	sst s0  }
0x28: {  	[spmem:s0], [sflag:s5] =	dma.local [hbm:s3], $0x2700  }
0x29: {  	_ =	swait.ge [sflag:s11], $0x2700  }
0x2a: {  	s23 =	rddreg [dreg:$0x6]  }
0x2b: {  	[sflag:s11] =	ssyncset.done $0x0;
	s3 =	rddreg [dreg:$0x1d];
	s0 =	sshrl.u32 @!p0 s23, $0x3  }
0x2c: {  	[sflag:s11] =	ssyncadd.s32 $0xFFFFD900;
	[smem:$0x7FD] =	sst s0  }
0x2d: {  	[spmem:s0], [sflag:s5] =	dma.local @!p0 [hbm:s3], $0x100  }
0x2e: {  	s0 =	simm.s32 @!p0 $0x4  }
0x2f: {  	_ =	swait.ge @!p0 [sflag:s0], $0x100  }
0x30: {  	[sflag:s0] =	ssyncset.done @!p0 $0x0  }
0x31: {  	[sflag:s0] =	ssyncadd.s32 @!p0 $0xFFFFFF00  }
0x32: {  	[bflag:$0x0] =	sbarrier.arrive $0xFFFF  }
0x33: {  	s31 =	simm.s32 $0x13880;
	s23 =	simm.s32 $0x0;
	s28 =	rddreg [dreg:$0x7]  }
0x34: {  	[tilespmem:s31], [sflag:$0x4] =	stream.linear.gather [hbm4b:s28+s23], $0xC80, $0x38;
	[tilespmem:$0x1F480] =	vst v63  }
0x35: {  	_ =	swait.ge [sflag:s11], $0xC80  }
0x36: {  	[sflag:s11] =	ssyncset.done $0x0  }
0x37: {  	s6 =	simm.s32 $0x14880;
	s5 =	rddreg [dreg:$0x8];
	[sflag:s11] =	ssyncadd.s32 $0xFFFFF380  }
0x38: {  	[tilespmem:s6], [sflag:$0x4] =	stream.linear.gather [hbm4b:s5+s23], $0xC80, $0x38;
	[tilespmem:$0x1F480] =	vst v63  }
0x39: {  	_ =	swait.ge [sflag:s11], $0xC80  }
0x3a: {  	[sflag:s11] =	ssyncset.done $0x0  }
0x3b: {  	[sflag:s11] =	ssyncadd.s32 $0xFFFFF380  }
0x3c: {  	[tilespmem:s15], [sflag:$0x1] =	stream.indirect.gather [hbm4b:s12+s14], $0x80, s31, s14, $0xb8;
	[tilespmem:$0x1F480] =	vst v63  }
0x3d: {  	s7 =	simm.s32 $0x13900  }
0x3e: {  	[tilespmem:s17], [sflag:$0x2] =	stream.indirect.gather [hbm4b:s12+s14], $0x80, s7, s14, $0xb8;
	[tilespmem:$0x1F480] =	vst v63  }
0x3f: {  	s8 =	simm.s32 $0x13980  }
0x40: {  	[tilespmem:s19], [sflag:$0x3] =	stream.indirect.gather [hbm4b:s12+s14], $0x80, s8, s14, $0xb8;
	[tilespmem:$0x1F480] =	vst v63  }
0x41: {  	_ =	swait.ge [sflag:s20], $0x3200  }
0x42: {  	[sflag:s20] =	ssyncset.done $0x0  }
0x43: {  	s1 =	simm.s32 $0x14880;
	[sflag:s20] =	ssyncadd.s32 $0xFFFFCE00  }
0x44: {  	[spmem:s4] =	stream.indirect.scatter.add.f32 [tilespmem:s15], [sflag:$0x4], $0x80, s1, s14, $0xb8;
	[tilespmem:$0x1F480] =	vst v63  }
0x45: {  	_ =	swait.ge [sflag:s11], $0x3200  }
0x46: {  	[sflag:s11] =	ssyncset.done $0x0  }
0x47: {  	s9 =	simm.s32 $0x13A00;
	[sflag:s11] =	ssyncadd.s32 $0xFFFFCE00  }
0x48: {  	[tilespmem:s15], [sflag:$0x1] =	stream.indirect.gather [hbm4b:s12+s14], $0x80, s9, s14, $0xb8;
	[tilespmem:$0x1F480] =	vst v63  }
0x49: {  	_ =	swait.ge [sflag:s22], $0x3200  }
0x4a: {  	[sflag:s22] =	ssyncset.done $0x0  }
0x4b: {  	s10 =	simm.s32 $0x14900;
	[sflag:s22] =	ssyncadd.s32 $0xFFFFCE00  }
0x4c: {  	[spmem:s4] =	stream.indirect.scatter.add.f32 [tilespmem:s17], [sflag:$0x4], $0x80, s10, s14, $0xb8;
	[tilespmem:$0x1F480] =	vst v63  }
0x4d: {  	_ =	swait.ge [sflag:s11], $0x3200  }
0x4e: {  	[sflag:s11] =	ssyncset.done $0x0  }
0x4f: {  	s13 =	simm.s32 $0x13A80;
	[sflag:s11] =	ssyncadd.s32 $0xFFFFCE00  }
0x50: {  	[tilespmem:s17], [sflag:$0x2] =	stream.indirect.gather [hbm4b:s12+s14], $0x80, s13, s14, $0xb8;
	[tilespmem:$0x1F480] =	vst v63  }
0x51: {  	_ =	swait.ge [sflag:s25], $0x3200  }
0x52: {  	[sflag:s25] =	ssyncset.done $0x0  }
0x53: {  	s16 =	simm.s32 $0x14980;
	[sflag:s25] =	ssyncadd.s32 $0xFFFFCE00  }
0x54: {  	[spmem:s4] =	stream.indirect.scatter.add.f32 [tilespmem:s19], [sflag:$0x4], $0x80, s16, s14, $0xb8;
	[tilespmem:$0x1F480] =	vst v63  }
0x55: {  	_ =	swait.ge [sflag:s11], $0x3200  }
0x56: {  	[sflag:s11] =	ssyncset.done $0x0  }
0x57: {  	s18 =	simm.s32 $0x13B00;
	[sflag:s11] =	ssyncadd.s32 $0xFFFFCE00  }
0x58: {  	[tilespmem:s19], [sflag:$0x3] =	stream.indirect.gather [hbm4b:s12+s14], $0x80, s18, s14, $0xb8;
	[tilespmem:$0x1F480] =	vst v63  }
0x59: {  	_ =	swait.ge [sflag:s20], $0x3200  }
0x5a: {  	[sflag:s20] =	ssyncset.done $0x0  }
0x5b: {  	s21 =	simm.s32 $0x14A00;
	[sflag:s20] =	ssyncadd.s32 $0xFFFFCE00  }
0x5c: {  	[spmem:s4] =	stream.indirect.scatter.add.f32 [tilespmem:s15], [sflag:$0x4], $0x80, s21, s14, $0xb8;
	[tilespmem:$0x1F480] =	vst v63  }
0x5d: {  	_ =	swait.ge [sflag:s11], $0x3200  }
0x5e: {  	[sflag:s11] =	ssyncset.done $0x0  }
0x5f: {  	s24 =	simm.s32 $0x13B80;
	[sflag:s11] =	ssyncadd.s32 $0xFFFFCE00  }
0x60: {  	[tilespmem:s15], [sflag:$0x1] =	stream.indirect.gather [hbm4b:s12+s14], $0x80, s24, s14, $0xb8;
	[tilespmem:$0x1F480] =	vst v63  }
0x61: {  	_ =	swait.ge [sflag:s22], $0x3200  }
0x62: {  	[sflag:s22] =	ssyncset.done $0x0  }
0x63: {  	s28 =	simm.s32 $0x14A80;
	[sflag:s22] =	ssyncadd.s32 $0xFFFFCE00  }
0x64: {  	[spmem:s4] =	stream.indirect.scatter.add.f32 [tilespmem:s17], [sflag:$0x4], $0x80, s28, s14, $0xb8;
	[tilespmem:$0x1F480] =	vst v63  }
0x65: {  	_ =	swait.ge [sflag:s11], $0x3200  }
0x66: {  	[sflag:s11] =	ssyncset.done $0x0  }
0x67: {  	s29 =	simm.s32 $0x13C00;
	[sflag:s11] =	ssyncadd.s32 $0xFFFFCE00  }
0x68: {  	[tilespmem:s17], [sflag:$0x2] =	stream.indirect.gather [hbm4b:s12+s14], $0x80, s29, s14, $0xb8;
	[tilespmem:$0x1F480] =	vst v63  }
0x69: {  	_ =	swait.ge [sflag:s25], $0x3200  }
0x6a: {  	[sflag:s25] =	ssyncset.done $0x0  }
0x6b: {  	s30 =	simm.s32 $0x14B00;
	[sflag:s25] =	ssyncadd.s32 $0xFFFFCE00  }
0x6c: {  	[spmem:s4] =	stream.indirect.scatter.add.f32 [tilespmem:s19], [sflag:$0x4], $0x80, s30, s14, $0xb8;
	[tilespmem:$0x1F480] =	vst v63  }
0x6d: {  	_ =	swait.ge [sflag:s11], $0x3200  }
0x6e: {  	[sflag:s11] =	ssyncset.done $0x0  }
0x6f: {  	s31 =	simm.s32 $0x13C80;
	[sflag:s11] =	ssyncadd.s32 $0xFFFFCE00  }
0x70: {  	[tilespmem:s19], [sflag:$0x3] =	stream.indirect.gather [hbm4b:s12+s14], $0x80, s31, s14, $0xb8;
	[tilespmem:$0x1F480] =	vst v63  }
0x71: {  	_ =	swait.ge [sflag:s20], $0x3200  }
0x72: {  	[sflag:s20] =	ssyncset.done $0x0  }
0x73: {  	s1 =	simm.s32 $0x14B80;
	[sflag:s20] =	ssyncadd.s32 $0xFFFFCE00  }
0x74: {  	[spmem:s4] =	stream.indirect.scatter.add.f32 [tilespmem:s15], [sflag:$0x4], $0x80, s1, s14, $0xb8;
	[tilespmem:$0x1F480] =	vst v63  }
0x75: {  	_ =	swait.ge [sflag:s11], $0x3200  }
0x76: {  	[sflag:s11] =	ssyncset.done $0x0  }
0x77: {  	s3 =	simm.s32 $0x13D00;
	[sflag:s11] =	ssyncadd.s32 $0xFFFFCE00  }
0x78: {  	[tilespmem:s15], [sflag:$0x1] =	stream.indirect.gather [hbm4b:s12+s14], $0x80, s3, s14, $0xb8;
	[tilespmem:$0x1F480] =	vst v63  }
0x79: {  	_ =	swait.ge [sflag:s22], $0x3200  }
0x7a: {  	[sflag:s22] =	ssyncset.done $0x0  }
0x7b: {  	s10 =	simm.s32 $0x14C00;
	[sflag:s22] =	ssyncadd.s32 $0xFFFFCE00  }
0x7c: {  	[spmem:s4] =	stream.indirect.scatter.add.f32 [tilespmem:s17], [sflag:$0x4], $0x80, s10, s14, $0xb8;
	[tilespmem:$0x1F480] =	vst v63  }
0x7d: {  	_ =	swait.ge [sflag:s11], $0x3200  }
0x7e: {  	[sflag:s11] =	ssyncset.done $0x0  }
0x7f: {  	s21 =	simm.s32 $0x13D80;
	[sflag:s11] =	ssyncadd.s32 $0xFFFFCE00  }
0x80: {  	[tilespmem:s17], [sflag:$0x2] =	stream.indirect.gather [hbm4b:s12+s14], $0x80, s21, s14, $0xb8;
	[tilespmem:$0x1F480] =	vst v63  }
0x81: {  	_ =	swait.ge [sflag:s25], $0x3200  }
0x82: {  	[sflag:s25] =	ssyncset.done $0x0  }
0x83: {  	s28 =	simm.s32 $0x14C80;
	[sflag:s25] =	ssyncadd.s32 $0xFFFFCE00  }
0x84: {  	[spmem:s4] =	stream.indirect.scatter.add.f32 [tilespmem:s19], [sflag:$0x4], $0x80, s28, s14, $0xb8;
	[tilespmem:$0x1F480] =	vst v63  }
0x85: {  	_ =	swait.ge [sflag:s11], $0x3200  }
0x86: {  	[sflag:s11] =	ssyncset.done $0x0  }
0x87: {  	s29 =	simm.s32 $0x13E00;
	[sflag:s11] =	ssyncadd.s32 $0xFFFFCE00  }
0x88: {  	[tilespmem:s19], [sflag:$0x3] =	stream.indirect.gather [hbm4b:s12+s14], $0x80, s29, s14, $0xb8;
	[tilespmem:$0x1F480] =	vst v63  }
0x89: {  	_ =	swait.ge [sflag:s20], $0x3200  }
0x8a: {  	[sflag:s20] =	ssyncset.done $0x0  }
0x8b: {  	s30 =	simm.s32 $0x14D00;
	[sflag:s20] =	ssyncadd.s32 $0xFFFFCE00  }
0x8c: {  	[spmem:s4] =	stream.indirect.scatter.add.f32 [tilespmem:s15], [sflag:$0x4], $0x80, s30, s14, $0xb8;
	[tilespmem:$0x1F480] =	vst v63  }
0x8d: {  	_ =	swait.ge [sflag:s11], $0x3200  }
0x8e: {  	[sflag:s11] =	ssyncset.done $0x0  }
0x8f: {  	s31 =	simm.s32 $0x13E80;
	[sflag:s11] =	ssyncadd.s32 $0xFFFFCE00  }
0x90: {  	[tilespmem:s15], [sflag:$0x1] =	stream.indirect.gather [hbm4b:s12+s14], $0x80, s31, s14, $0xb8;
	[tilespmem:$0x1F480] =	vst v63  }
0x91: {  	_ =	swait.ge [sflag:s22], $0x3200  }
0x92: {  	[sflag:s22] =	ssyncset.done $0x0  }
0x93: {  	s3 =	simm.s32 $0x14D80;
	[sflag:s22] =	ssyncadd.s32 $0xFFFFCE00  }
0x94: {  	[spmem:s4] =	stream.indirect.scatter.add.f32 [tilespmem:s17], [sflag:$0x4], $0x80, s3, s14, $0xb8;
	[tilespmem:$0x1F480] =	vst v63  }
0x95: {  	_ =	swait.ge [sflag:s11], $0x3200  }
0x96: {  	[sflag:s11] =	ssyncset.done $0x0  }
0x97: {  	s21 =	simm.s32 $0x13F00;
	[sflag:s11] =	ssyncadd.s32 $0xFFFFCE00  }
0x98: {  	[tilespmem:s17], [sflag:$0x2] =	stream.indirect.gather [hbm4b:s12+s14], $0x80, s21, s14, $0xb8;
	[tilespmem:$0x1F480] =	vst v63  }
0x99: {  	_ =	swait.ge [sflag:s25], $0x3200  }
0x9a: {  	[sflag:s25] =	ssyncset.done $0x0  }
0x9b: {  	s28 =	simm.s32 $0x14E00;
	[sflag:s25] =	ssyncadd.s32 $0xFFFFCE00  }
0x9c: {  	[spmem:s4] =	stream.indirect.scatter.add.f32 [tilespmem:s19], [sflag:$0x4], $0x80, s28, s14, $0xb8;
	[tilespmem:$0x1F480] =	vst v63  }
0x9d: {  	_ =	swait.ge [sflag:s11], $0x3200  }
0x9e: {  	[sflag:s11] =	ssyncset.done $0x0  }
0x9f: {  	s30 =	simm.s32 $0x13F80;
	[sflag:s11] =	ssyncadd.s32 $0xFFFFCE00  }
0xa0: {  	[tilespmem:s19], [sflag:$0x3] =	stream.indirect.gather [hbm4b:s12+s14], $0x80, s30, s14, $0xb8;
	[tilespmem:$0x1F480] =	vst v63  }
0xa1: {  	_ =	swait.ge [sflag:s20], $0x3200  }
0xa2: {  	[sflag:s20] =	ssyncset.done $0x0  }
0xa3: {  	s31 =	simm.s32 $0x14E80;
	[sflag:s20] =	ssyncadd.s32 $0xFFFFCE00  }
0xa4: {  	[spmem:s4] =	stream.indirect.scatter.add.f32 [tilespmem:s15], [sflag:$0x4], $0x80, s31, s14, $0xb8;
	[tilespmem:$0x1F480] =	vst v63  }
0xa5: {  	_ =	swait.ge [sflag:s11], $0x3200  }
0xa6: {  	[sflag:s11] =	ssyncset.done $0x0  }
0xa7: {  	s3 =	simm.s32 $0x14000;
	[sflag:s11] =	ssyncadd.s32 $0xFFFFCE00  }
0xa8: {  	[tilespmem:s15], [sflag:$0x1] =	stream.indirect.gather [hbm4b:s12+s14], $0x80, s3, s14, $0xb8;
	[tilespmem:$0x1F480] =	vst v63  }
0xa9: {  	_ =	swait.ge [sflag:s22], $0x3200  }
0xaa: {  	[sflag:s22] =	ssyncset.done $0x0  }
0xab: {  	s28 =	simm.s32 $0x14F00;
	[sflag:s22] =	ssyncadd.s32 $0xFFFFCE00  }
0xac: {  	[spmem:s4] =	stream.indirect.scatter.add.f32 [tilespmem:s17], [sflag:$0x4], $0x80, s28, s14, $0xb8;
	[tilespmem:$0x1F480] =	vst v63  }
0xad: {  	_ =	swait.ge [sflag:s11], $0x3200  }
0xae: {  	[sflag:s11] =	ssyncset.done $0x0  }
0xaf: {  	s30 =	simm.s32 $0x14080;
	[sflag:s11] =	ssyncadd.s32 $0xFFFFCE00  }
0xb0: {  	[tilespmem:s17], [sflag:$0x2] =	stream.indirect.gather [hbm4b:s12+s14], $0x80, s30, s14, $0xb8;
	[tilespmem:$0x1F480] =	vst v63  }
0xb1: {  	_ =	swait.ge [sflag:s25], $0x3200  }
0xb2: {  	[sflag:s25] =	ssyncset.done $0x0  }
0xb3: {  	s31 =	simm.s32 $0x14F80;
	[sflag:s25] =	ssyncadd.s32 $0xFFFFCE00  }
0xb4: {  	[spmem:s4] =	stream.indirect.scatter.add.f32 [tilespmem:s19], [sflag:$0x4], $0x80, s31, s14, $0xb8;
	[tilespmem:$0x1F480] =	vst v63  }
0xb5: {  	_ =	swait.ge [sflag:s11], $0x3200  }
0xb6: {  	[sflag:s11] =	ssyncset.done $0x0  }
0xb7: {  	s3 =	simm.s32 $0x14100;
	[sflag:s11] =	ssyncadd.s32 $0xFFFFCE00  }
0xb8: {  	[tilespmem:s19], [sflag:$0x3] =	stream.indirect.gather [hbm4b:s12+s14], $0x80, s3, s14, $0xb8;
	[tilespmem:$0x1F480] =	vst v63  }
0xb9: {  	_ =	swait.ge [sflag:s20], $0x3200  }
0xba: {  	[sflag:s20] =	ssyncset.done $0x0  }
0xbb: {  	s28 =	simm.s32 $0x15000;
	[sflag:s20] =	ssyncadd.s32 $0xFFFFCE00  }
0xbc: {  	[spmem:s4] =	stream.indirect.scatter.add.f32 [tilespmem:s15], [sflag:$0x4], $0x80, s28, s14, $0xb8;
	[tilespmem:$0x1F480] =	vst v63  }
0xbd: {  	_ =	swait.ge [sflag:s11], $0x3200  }
0xbe: {  	[sflag:s11] =	ssyncset.done $0x0  }
0xbf: {  	s30 =	simm.s32 $0x14180;
	[sflag:s11] =	ssyncadd.s32 $0xFFFFCE00  }
0xc0: {  	[tilespmem:s15], [sflag:$0x1] =	stream.indirect.gather [hbm4b:s12+s14], $0x80, s30, s14, $0xb8;
	[tilespmem:$0x1F480] =	vst v63  }
0xc1: {  	_ =	swait.ge [sflag:s22], $0x3200  }
0xc2: {  	[sflag:s22] =	ssyncset.done $0x0  }
0xc3: {  	s31 =	simm.s32 $0x15080;
	[sflag:s22] =	ssyncadd.s32 $0xFFFFCE00  }
0xc4: {  	[spmem:s4] =	stream.indirect.scatter.add.f32 [tilespmem:s17], [sflag:$0x4], $0x80, s31, s14, $0xb8;
	[tilespmem:$0x1F480] =	vst v63  }
0xc5: {  	_ =	swait.ge [sflag:s11], $0x3200  }
0xc6: {  	[sflag:s11] =	ssyncset.done $0x0  }
0xc7: {  	s3 =	simm.s32 $0x14200;
	[sflag:s11] =	ssyncadd.s32 $0xFFFFCE00  }
0xc8: {  	[tilespmem:s17], [sflag:$0x2] =	stream.indirect.gather [hbm4b:s12+s14], $0x80, s3, s14, $0xb8;
	[tilespmem:$0x1F480] =	vst v63  }
0xc9: {  	_ =	swait.ge [sflag:s25], $0x3200  }
0xca: {  	[sflag:s25] =	ssyncset.done $0x0  }
0xcb: {  	s28 =	simm.s32 $0x15100;
	[sflag:s25] =	ssyncadd.s32 $0xFFFFCE00  }
0xcc: {  	[spmem:s4] =	stream.indirect.scatter.add.f32 [tilespmem:s19], [sflag:$0x4], $0x80, s28, s14, $0xb8;
	[tilespmem:$0x1F480] =	vst v63  }
0xcd: {  	_ =	swait.ge [sflag:s11], $0x3200  }
0xce: {  	[sflag:s11] =	ssyncset.done $0x0  }
0xcf: {  	s30 =	simm.s32 $0x14280;
	[sflag:s11] =	ssyncadd.s32 $0xFFFFCE00  }
0xd0: {  	[tilespmem:s19], [sflag:$0x3] =	stream.indirect.gather [hbm4b:s12+s14], $0x80, s30, s14, $0xb8;
	[tilespmem:$0x1F480] =	vst v63  }
0xd1: {  	_ =	swait.ge [sflag:s20], $0x3200  }
0xd2: {  	[sflag:s20] =	ssyncset.done $0x0  }
0xd3: {  	s31 =	simm.s32 $0x15180;
	[sflag:s20] =	ssyncadd.s32 $0xFFFFCE00  }
0xd4: {  	[spmem:s4] =	stream.indirect.scatter.add.f32 [tilespmem:s15], [sflag:$0x4], $0x80, s31, s14, $0xb8;
	[tilespmem:$0x1F480] =	vst v63  }
0xd5: {  	_ =	swait.ge [sflag:s11], $0x3200  }
0xd6: {  	[sflag:s11] =	ssyncset.done $0x0  }
0xd7: {  	s3 =	simm.s32 $0x14300;
	[sflag:s11] =	ssyncadd.s32 $0xFFFFCE00  }
0xd8: {  	[tilespmem:s15], [sflag:$0x1] =	stream.indirect.gather [hbm4b:s12+s14], $0x80, s3, s14, $0xb8;
	[tilespmem:$0x1F480] =	vst v63  }
0xd9: {  	_ =	swait.ge [sflag:s22], $0x3200  }
0xda: {  	[sflag:s22] =	ssyncset.done $0x0  }
0xdb: {  	s28 =	simm.s32 $0x15200;
	[sflag:s22] =	ssyncadd.s32 $0xFFFFCE00  }
0xdc: {  	[spmem:s4] =	stream.indirect.scatter.add.f32 [tilespmem:s17], [sflag:$0x4], $0x80, s28, s14, $0xb8;
	[tilespmem:$0x1F480] =	vst v63  }
0xdd: {  	_ =	swait.ge [sflag:s11], $0x3200  }
0xde: {  	[sflag:s11] =	ssyncset.done $0x0  }
0xdf: {  	s30 =	simm.s32 $0x14380;
	[sflag:s11] =	ssyncadd.s32 $0xFFFFCE00  }
0xe0: {  	[tilespmem:s17], [sflag:$0x2] =	stream.indirect.gather [hbm4b:s12+s14], $0x80, s30, s14, $0xb8;
	[tilespmem:$0x1F480] =	vst v63  }
0xe1: {  	_ =	swait.ge [sflag:s25], $0x3200  }
0xe2: {  	[sflag:s25] =	ssyncset.done $0x0  }
0xe3: {  	s31 =	simm.s32 $0x15280;
	[sflag:s25] =	ssyncadd.s32 $0xFFFFCE00  }
0xe4: {  	[spmem:s4] =	stream.indirect.scatter.add.f32 [tilespmem:s19], [sflag:$0x4], $0x80, s31, s14, $0xb8;
	[tilespmem:$0x1F480] =	vst v63  }
0xe5: {  	_ =	swait.ge [sflag:s11], $0x3200  }
0xe6: {  	[sflag:s11] =	ssyncset.done $0x0  }
0xe7: {  	s3 =	simm.s32 $0x14400;
	[sflag:s11] =	ssyncadd.s32 $0xFFFFCE00  }
0xe8: {  	[tilespmem:s19], [sflag:$0x3] =	stream.indirect.gather [hbm4b:s12+s14], $0x80, s3, s14, $0xb8;
	[tilespmem:$0x1F480] =	vst v63  }
0xe9: {  	_ =	swait.ge [sflag:s20], $0x3200  }
0xea: {  	[sflag:s20] =	ssyncset.done $0x0  }
0xeb: {  	s28 =	simm.s32 $0x15300;
	[sflag:s20] =	ssyncadd.s32 $0xFFFFCE00  }
0xec: {  	[spmem:s4] =	stream.indirect.scatter.add.f32 [tilespmem:s15], [sflag:$0x4], $0x80, s28, s14, $0xb8;
	[tilespmem:$0x1F480] =	vst v63  }
0xed: {  	_ =	swait.ge [sflag:s11], $0x3200  }
0xee: {  	[sflag:s11] =	ssyncset.done $0x0  }
0xef: {  	s30 =	simm.s32 $0x14480;
	[sflag:s11] =	ssyncadd.s32 $0xFFFFCE00  }
0xf0: {  	[tilespmem:s15], [sflag:$0x1] =	stream.indirect.gather [hbm4b:s12+s14], $0x80, s30, s14, $0xb8;
	[tilespmem:$0x1F480] =	vst v63  }
0xf1: {  	_ =	swait.ge [sflag:s22], $0x3200  }
0xf2: {  	[sflag:s22] =	ssyncset.done $0x0  }
0xf3: {  	s31 =	simm.s32 $0x15380;
	[sflag:s22] =	ssyncadd.s32 $0xFFFFCE00  }
0xf4: {  	[spmem:s4] =	stream.indirect.scatter.add.f32 [tilespmem:s17], [sflag:$0x4], $0x80, s31, s14, $0xb8;
	[tilespmem:$0x1F480] =	vst v63  }
0xf5: {  	_ =	swait.ge [sflag:s11], $0x3200  }
0xf6: {  	[sflag:s11] =	ssyncset.done $0x0  }
0xf7: {  	[sflag:s11] =	ssyncadd.s32 $0xFFFFCE00  }
0xf8: {  	_ =	swait.ge [sflag:s25], $0x3200  }
0xf9: {  	[sflag:s25] =	ssyncset.done $0x0  }
0xfa: {  	s3 =	simm.s32 $0x15400;
	[sflag:s25] =	ssyncadd.s32 $0xFFFFCE00  }
0xfb: {  	[spmem:s4] =	stream.indirect.scatter.add.f32 [tilespmem:s19], [sflag:$0x4], $0x80, s3, s14, $0xb8;
	[tilespmem:$0x1F480] =	vst v63  }
0xfc: {  	_ =	swait.ge [sflag:s11], $0x3200  }
0xfd: {  	[sflag:s11] =	ssyncset.done $0x0  }
0xfe: {  	[sflag:s11] =	ssyncadd.s32 $0xFFFFCE00  }
0xff: {  	_ =	swait.ge [sflag:s20], $0x3200  }
0x100: {  	[sflag:s20] =	ssyncset.done $0x0  }
0x101: {  	s28 =	simm.s32 $0x15480;
	[sflag:s20] =	ssyncadd.s32 $0xFFFFCE00  }
0x102: {  	[spmem:s4] =	stream.indirect.scatter.add.f32 [tilespmem:s15], [sflag:$0x4], $0x80, s28, s14, $0xb8;
	[tilespmem:$0x1F480] =	vst v63  }
0x103: {  	_ =	swait.ge [sflag:s11], $0x3200  }
0x104: {  	[sflag:s11] =	ssyncset.done $0x0  }
0x105: {  	s31 =	simm.s32 $0x13880;
	s30 =	rddreg [dreg:$0x9];
	[sflag:s11] =	ssyncadd.s32 $0xFFFFCE00  }
0x106: {  	[tilespmem:s31], [sflag:$0x4] =	stream.linear.gather [hbm4b:s30+s23], $0xC80, $0x38;
	[tilespmem:$0x1F480] =	vst v63  }
0x107: {  	_ =	swait.ge [sflag:s11], $0xC80  }
0x108: {  	[sflag:s11] =	ssyncset.done $0x0  }
0x109: {  	s26 =	simm.s32 $0x14880;
	s3 =	rddreg [dreg:$0xa];
	[sflag:s11] =	ssyncadd.s32 $0xFFFFF380  }
0x10a: {  	[tilespmem:s26], [sflag:$0x4] =	stream.linear.gather [hbm4b:s3+s23], $0xC80, $0x38;
	[tilespmem:$0x1F480] =	vst v63  }
0x10b: {  	_ =	swait.ge [sflag:s11], $0xC80  }
0x10c: {  	[sflag:s11] =	ssyncset.done $0x0  }
0x10d: {  	[sflag:s11] =	ssyncadd.s32 $0xFFFFF380  }
0x10e: {  	[tilespmem:s15], [sflag:$0x1] =	stream.indirect.gather [hbm4b:s12+s14], $0x80, s31, s14, $0xb8;
	[tilespmem:$0x1F480] =	vst v63  }
0x10f: {  	s3 =	simm.s32 $0x13900  }
0x110: {  	[tilespmem:s17], [sflag:$0x2] =	stream.indirect.gather [hbm4b:s12+s14], $0x80, s3, s14, $0xb8;
	[tilespmem:$0x1F480] =	vst v63  }
0x111: {  	s5 =	simm.s32 $0x13980  }
0x112: {  	[tilespmem:s19], [sflag:$0x3] =	stream.indirect.gather [hbm4b:s12+s14], $0x80, s5, s14, $0xb8;
	[tilespmem:$0x1F480] =	vst v63  }
0x113: {  	_ =	swait.ge [sflag:s20], $0x3200  }
0x114: {  	[sflag:s20] =	ssyncset.done $0x0  }
0x115: {  	[sflag:s20] =	ssyncadd.s32 $0xFFFFCE00  }
0x116: {  	[spmem:s4] =	stream.indirect.scatter.add.f32 [tilespmem:s15], [sflag:$0x4], $0x80, s26, s14, $0xb8;
	[tilespmem:$0x1F480] =	vst v63  }
0x117: {  	_ =	swait.ge [sflag:s11], $0x3200  }
0x118: {  	[sflag:s11] =	ssyncset.done $0x0  }
0x119: {  	s5 =	simm.s32 $0x13A00;
	[sflag:s11] =	ssyncadd.s32 $0xFFFFCE00  }
0x11a: {  	[tilespmem:s15], [sflag:$0x1] =	stream.indirect.gather [hbm4b:s12+s14], $0x80, s5, s14, $0xb8;
	[tilespmem:$0x1F480] =	vst v63  }
0x11b: {  	_ =	swait.ge [sflag:s22], $0x3200  }
0x11c: {  	[sflag:s22] =	ssyncset.done $0x0  }
0x11d: {  	s6 =	simm.s32 $0x14900;
	[sflag:s22] =	ssyncadd.s32 $0xFFFFCE00  }
0x11e: {  	[spmem:s4] =	stream.indirect.scatter.add.f32 [tilespmem:s17], [sflag:$0x4], $0x80, s6, s14, $0xb8;
	[tilespmem:$0x1F480] =	vst v63  }
0x11f: {  	_ =	swait.ge [sflag:s11], $0x3200  }
0x120: {  	[sflag:s11] =	ssyncset.done $0x0  }
0x121: {  	s9 =	simm.s32 $0x13A80;
	[sflag:s11] =	ssyncadd.s32 $0xFFFFCE00  }
0x122: {  	[tilespmem:s17], [sflag:$0x2] =	stream.indirect.gather [hbm4b:s12+s14], $0x80, s9, s14, $0xb8;
	[tilespmem:$0x1F480] =	vst v63  }
0x123: {  	_ =	swait.ge [sflag:s25], $0x3200  }
0x124: {  	[sflag:s25] =	ssyncset.done $0x0  }
0x125: {  	s13 =	simm.s32 $0x14980;
	[sflag:s25] =	ssyncadd.s32 $0xFFFFCE00  }
0x126: {  	[spmem:s4] =	stream.indirect.scatter.add.f32 [tilespmem:s19], [sflag:$0x4], $0x80, s13, s14, $0xb8;
	[tilespmem:$0x1F480] =	vst v63  }
0x127: {  	_ =	swait.ge [sflag:s11], $0x3200  }
0x128: {  	[sflag:s11] =	ssyncset.done $0x0  }
0x129: {  	s16 =	simm.s32 $0x13B00;
	[sflag:s11] =	ssyncadd.s32 $0xFFFFCE00  }
0x12a: {  	[tilespmem:s19], [sflag:$0x3] =	stream.indirect.gather [hbm4b:s12+s14], $0x80, s16, s14, $0xb8;
	[tilespmem:$0x1F480] =	vst v63  }
0x12b: {  	_ =	swait.ge [sflag:s20], $0x3200  }
0x12c: {  	[sflag:s20] =	ssyncset.done $0x0  }
0x12d: {  	s18 =	simm.s32 $0x14A00;
	[sflag:s20] =	ssyncadd.s32 $0xFFFFCE00  }
0x12e: {  	[spmem:s4] =	stream.indirect.scatter.add.f32 [tilespmem:s15], [sflag:$0x4], $0x80, s18, s14, $0xb8;
	[tilespmem:$0x1F480] =	vst v63  }
0x12f: {  	_ =	swait.ge [sflag:s11], $0x3200  }
0x130: {  	[sflag:s11] =	ssyncset.done $0x0  }
0x131: {  	s24 =	simm.s32 $0x13B80;
	[sflag:s11] =	ssyncadd.s32 $0xFFFFCE00  }
0x132: {  	[tilespmem:s15], [sflag:$0x1] =	stream.indirect.gather [hbm4b:s12+s14], $0x80, s24, s14, $0xb8;
	[tilespmem:$0x1F480] =	vst v63  }
0x133: {  	_ =	swait.ge [sflag:s22], $0x3200  }
0x134: {  	[sflag:s22] =	ssyncset.done $0x0  }
0x135: {  	s7 =	simm.s32 $0x14A80;
	[sflag:s22] =	ssyncadd.s32 $0xFFFFCE00  }
0x136: {  	[spmem:s4] =	stream.indirect.scatter.add.f32 [tilespmem:s17], [sflag:$0x4], $0x80, s7, s14, $0xb8;
	[tilespmem:$0x1F480] =	vst v63  }
0x137: {  	_ =	swait.ge [sflag:s11], $0x3200  }
0x138: {  	[sflag:s11] =	ssyncset.done $0x0  }
0x139: {  	s6 =	simm.s32 $0x13C00;
	[sflag:s11] =	ssyncadd.s32 $0xFFFFCE00  }
0x13a: {  	[tilespmem:s17], [sflag:$0x2] =	stream.indirect.gather [hbm4b:s12+s14], $0x80, s6, s14, $0xb8;
	[tilespmem:$0x1F480] =	vst v63  }
0x13b: {  	_ =	swait.ge [sflag:s25], $0x3200  }
0x13c: {  	[sflag:s25] =	ssyncset.done $0x0  }
0x13d: {  	s7 =	simm.s32 $0x14B00;
	[sflag:s25] =	ssyncadd.s32 $0xFFFFCE00  }
0x13e: {  	[spmem:s4] =	stream.indirect.scatter.add.f32 [tilespmem:s19], [sflag:$0x4], $0x80, s7, s14, $0xb8;
	[tilespmem:$0x1F480] =	vst v63  }
0x13f: {  	_ =	swait.ge [sflag:s11], $0x3200  }
0x140: {  	[sflag:s11] =	ssyncset.done $0x0  }
0x141: {  	s8 =	simm.s32 $0x13C80;
	[sflag:s11] =	ssyncadd.s32 $0xFFFFCE00  }
0x142: {  	[tilespmem:s19], [sflag:$0x3] =	stream.indirect.gather [hbm4b:s12+s14], $0x80, s8, s14, $0xb8;
	[tilespmem:$0x1F480] =	vst v63  }
0x143: {  	_ =	swait.ge [sflag:s20], $0x3200  }
0x144: {  	[sflag:s20] =	ssyncset.done $0x0  }
0x145: {  	s8 =	simm.s32 $0x14B80;
	[sflag:s20] =	ssyncadd.s32 $0xFFFFCE00  }
0x146: {  	[spmem:s4] =	stream.indirect.scatter.add.f32 [tilespmem:s15], [sflag:$0x4], $0x80, s8, s14, $0xb8;
	[tilespmem:$0x1F480] =	vst v63  }
0x147: {  	_ =	swait.ge [sflag:s11], $0x3200  }
0x148: {  	[sflag:s11] =	ssyncset.done $0x0  }
0x149: {  	s9 =	simm.s32 $0x13D00;
	[sflag:s11] =	ssyncadd.s32 $0xFFFFCE00  }
0x14a: {  	[tilespmem:s15], [sflag:$0x1] =	stream.indirect.gather [hbm4b:s12+s14], $0x80, s9, s14, $0xb8;
	[tilespmem:$0x1F480] =	vst v63  }
0x14b: {  	_ =	swait.ge [sflag:s22], $0x3200  }
0x14c: {  	[sflag:s22] =	ssyncset.done $0x0  }
0x14d: {  	s10 =	simm.s32 $0x14C00;
	[sflag:s22] =	ssyncadd.s32 $0xFFFFCE00  }
0x14e: {  	[spmem:s4] =	stream.indirect.scatter.add.f32 [tilespmem:s17], [sflag:$0x4], $0x80, s10, s14, $0xb8;
	[tilespmem:$0x1F480] =	vst v63  }
0x14f: {  	_ =	swait.ge [sflag:s11], $0x3200  }
0x150: {  	[sflag:s11] =	ssyncset.done $0x0  }
0x151: {  	s10 =	simm.s32 $0x13D80;
	[sflag:s11] =	ssyncadd.s32 $0xFFFFCE00  }
0x152: {  	[tilespmem:s17], [sflag:$0x2] =	stream.indirect.gather [hbm4b:s12+s14], $0x80, s10, s14, $0xb8;
	[tilespmem:$0x1F480] =	vst v63  }
0x153: {  	_ =	swait.ge [sflag:s25], $0x3200  }
0x154: {  	[sflag:s25] =	ssyncset.done $0x0  }
0x155: {  	s30 =	simm.s32 $0x14C80;
	[sflag:s25] =	ssyncadd.s32 $0xFFFFCE00  }
0x156: {  	[spmem:s4] =	stream.indirect.scatter.add.f32 [tilespmem:s19], [sflag:$0x4], $0x80, s30, s14, $0xb8;
	[tilespmem:$0x1F480] =	vst v63  }
0x157: {  	_ =	swait.ge [sflag:s11], $0x3200  }
0x158: {  	[sflag:s11] =	ssyncset.done $0x0  }
0x159: {  	s1 =	simm.s32 $0x13E00;
	[sflag:s11] =	ssyncadd.s32 $0xFFFFCE00  }
0x15a: {  	[tilespmem:s19], [sflag:$0x3] =	stream.indirect.gather [hbm4b:s12+s14], $0x80, s1, s14, $0xb8;
	[tilespmem:$0x1F480] =	vst v63  }
0x15b: {  	_ =	swait.ge [sflag:s20], $0x3200  }
0x15c: {  	[sflag:s20] =	ssyncset.done $0x0  }
0x15d: {  	s31 =	simm.s32 $0x14D00;
	[sflag:s20] =	ssyncadd.s32 $0xFFFFCE00  }
0x15e: {  	[spmem:s4] =	stream.indirect.scatter.add.f32 [tilespmem:s15], [sflag:$0x4], $0x80, s31, s14, $0xb8;
	[tilespmem:$0x1F480] =	vst v63  }
0x15f: {  	_ =	swait.ge [sflag:s11], $0x3200  }
0x160: {  	[sflag:s11] =	ssyncset.done $0x0  }
0x161: {  	s13 =	simm.s32 $0x13E80;
	[sflag:s11] =	ssyncadd.s32 $0xFFFFCE00  }
0x162: {  	[tilespmem:s15], [sflag:$0x1] =	stream.indirect.gather [hbm4b:s12+s14], $0x80, s13, s14, $0xb8;
	[tilespmem:$0x1F480] =	vst v63  }
0x163: {  	_ =	swait.ge [sflag:s22], $0x3200  }
0x164: {  	[sflag:s22] =	ssyncset.done $0x0  }
0x165: {  	s16 =	simm.s32 $0x14D80;
	[sflag:s22] =	ssyncadd.s32 $0xFFFFCE00  }
0x166: {  	[spmem:s4] =	stream.indirect.scatter.add.f32 [tilespmem:s17], [sflag:$0x4], $0x80, s16, s14, $0xb8;
	[tilespmem:$0x1F480] =	vst v63  }
0x167: {  	_ =	swait.ge [sflag:s11], $0x3200  }
0x168: {  	[sflag:s11] =	ssyncset.done $0x0  }
0x169: {  	s29 =	simm.s32 $0x13F00;
	[sflag:s11] =	ssyncadd.s32 $0xFFFFCE00  }
0x16a: {  	[tilespmem:s17], [sflag:$0x2] =	stream.indirect.gather [hbm4b:s12+s14], $0x80, s29, s14, $0xb8;
	[tilespmem:$0x1F480] =	vst v63  }
0x16b: {  	_ =	swait.ge [sflag:s25], $0x3200  }
0x16c: {  	[sflag:s25] =	ssyncset.done $0x0  }
0x16d: {  	s18 =	simm.s32 $0x14E00;
	[sflag:s25] =	ssyncadd.s32 $0xFFFFCE00  }
0x16e: {  	[spmem:s4] =	stream.indirect.scatter.add.f32 [tilespmem:s19], [sflag:$0x4], $0x80, s18, s14, $0xb8;
	[tilespmem:$0x1F480] =	vst v63  }
0x16f: {  	_ =	swait.ge [sflag:s11], $0x3200  }
0x170: {  	[sflag:s11] =	ssyncset.done $0x0  }
0x171: {  	s21 =	simm.s32 $0x13F80;
	[sflag:s11] =	ssyncadd.s32 $0xFFFFCE00  }
0x172: {  	[tilespmem:s19], [sflag:$0x3] =	stream.indirect.gather [hbm4b:s12+s14], $0x80, s21, s14, $0xb8;
	[tilespmem:$0x1F480] =	vst v63  }
0x173: {  	_ =	swait.ge [sflag:s20], $0x3200  }
0x174: {  	[sflag:s20] =	ssyncset.done $0x0  }
0x175: {  	s21 =	simm.s32 $0x14E80;
	[sflag:s20] =	ssyncadd.s32 $0xFFFFCE00  }
0x176: {  	[spmem:s4] =	stream.indirect.scatter.add.f32 [tilespmem:s15], [sflag:$0x4], $0x80, s21, s14, $0xb8;
	[tilespmem:$0x1F480] =	vst v63  }
0x177: {  	_ =	swait.ge [sflag:s11], $0x3200  }
0x178: {  	[sflag:s11] =	ssyncset.done $0x0  }
0x179: {  	s24 =	simm.s32 $0x14000;
	[sflag:s11] =	ssyncadd.s32 $0xFFFFCE00  }
0x17a: {  	[tilespmem:s15], [sflag:$0x1] =	stream.indirect.gather [hbm4b:s12+s14], $0x80, s24, s14, $0xb8;
	[tilespmem:$0x1F480] =	vst v63  }
0x17b: {  	_ =	swait.ge [sflag:s22], $0x3200  }
0x17c: {  	[sflag:s22] =	ssyncset.done $0x0  }
0x17d: {  	s26 =	simm.s32 $0x14F00;
	[sflag:s22] =	ssyncadd.s32 $0xFFFFCE00  }
0x17e: {  	[spmem:s4] =	stream.indirect.scatter.add.f32 [tilespmem:s17], [sflag:$0x4], $0x80, s26, s14, $0xb8;
	[tilespmem:$0x1F480] =	vst v63  }
0x17f: {  	_ =	swait.ge [sflag:s11], $0x3200  }
0x180: {  	[sflag:s11] =	ssyncset.done $0x0  }
0x181: {  	s29 =	simm.s32 $0x14080;
	[sflag:s11] =	ssyncadd.s32 $0xFFFFCE00  }
0x182: {  	[tilespmem:s17], [sflag:$0x2] =	stream.indirect.gather [hbm4b:s12+s14], $0x80, s29, s14, $0xb8;
	[tilespmem:$0x1F480] =	vst v63  }
0x183: {  	_ =	swait.ge [sflag:s25], $0x3200  }
0x184: {  	[sflag:s25] =	ssyncset.done $0x0  }
0x185: {  	s30 =	simm.s32 $0x14F80;
	[sflag:s25] =	ssyncadd.s32 $0xFFFFCE00  }
0x186: {  	[spmem:s4] =	stream.indirect.scatter.add.f32 [tilespmem:s19], [sflag:$0x4], $0x80, s30, s14, $0xb8;
	[tilespmem:$0x1F480] =	vst v63  }
0x187: {  	_ =	swait.ge [sflag:s11], $0x3200  }
0x188: {  	[sflag:s11] =	ssyncset.done $0x0  }
0x189: {  	s31 =	simm.s32 $0x14100;
	[sflag:s11] =	ssyncadd.s32 $0xFFFFCE00  }
0x18a: {  	[tilespmem:s19], [sflag:$0x3] =	stream.indirect.gather [hbm4b:s12+s14], $0x80, s31, s14, $0xb8;
	[tilespmem:$0x1F480] =	vst v63  }
0x18b: {  	_ =	swait.ge [sflag:s20], $0x3200  }
0x18c: {  	[sflag:s20] =	ssyncset.done $0x0  }
0x18d: {  	s1 =	simm.s32 $0x15000;
	[sflag:s20] =	ssyncadd.s32 $0xFFFFCE00  }
0x18e: {  	[spmem:s4] =	stream.indirect.scatter.add.f32 [tilespmem:s15], [sflag:$0x4], $0x80, s1, s14, $0xb8;
	[tilespmem:$0x1F480] =	vst v63  }
0x18f: {  	_ =	swait.ge [sflag:s11], $0x3200  }
0x190: {  	[sflag:s11] =	ssyncset.done $0x0  }
0x191: {  	s0 =	simm.s32 $0x14180;
	[sflag:s11] =	ssyncadd.s32 $0xFFFFCE00  }
0x192: {  	[tilespmem:s15], [sflag:$0x1] =	stream.indirect.gather [hbm4b:s12+s14], $0x80, s0, s14, $0xb8;
	[tilespmem:$0x1F480] =	vst v63  }
0x193: {  	_ =	swait.ge [sflag:s22], $0x3200  }
0x194: {  	[sflag:s22] =	ssyncset.done $0x0  }
0x195: {  	s1 =	simm.s32 $0x15080;
	[sflag:s22] =	ssyncadd.s32 $0xFFFFCE00  }
0x196: {  	[spmem:s4] =	stream.indirect.scatter.add.f32 [tilespmem:s17], [sflag:$0x4], $0x80, s1, s14, $0xb8;
	[tilespmem:$0x1F480] =	vst v63  }
0x197: {  	_ =	swait.ge [sflag:s11], $0x3200  }
0x198: {  	[sflag:s11] =	ssyncset.done $0x0  }
0x199: {  	s0 =	simm.s32 $0x14200;
	[sflag:s11] =	ssyncadd.s32 $0xFFFFCE00  }
0x19a: {  	[tilespmem:s17], [sflag:$0x2] =	stream.indirect.gather [hbm4b:s12+s14], $0x80, s0, s14, $0xb8;
	[tilespmem:$0x1F480] =	vst v63  }
0x19b: {  	_ =	swait.ge [sflag:s25], $0x3200  }
0x19c: {  	[sflag:s25] =	ssyncset.done $0x0  }
0x19d: {  	s1 =	simm.s32 $0x15100;
	[sflag:s25] =	ssyncadd.s32 $0xFFFFCE00  }
0x19e: {  	[spmem:s4] =	stream.indirect.scatter.add.f32 [tilespmem:s19], [sflag:$0x4], $0x80, s1, s14, $0xb8;
	[tilespmem:$0x1F480] =	vst v63  }
0x19f: {  	_ =	swait.ge [sflag:s11], $0x3200  }
0x1a0: {  	[sflag:s11] =	ssyncset.done $0x0  }
0x1a1: {  	s0 =	simm.s32 $0x14280;
	[sflag:s11] =	ssyncadd.s32 $0xFFFFCE00  }
0x1a2: {  	[tilespmem:s19], [sflag:$0x3] =	stream.indirect.gather [hbm4b:s12+s14], $0x80, s0, s14, $0xb8;
	[tilespmem:$0x1F480] =	vst v63  }
0x1a3: {  	_ =	swait.ge [sflag:s20], $0x3200  }
0x1a4: {  	[sflag:s20] =	ssyncset.done $0x0  }
0x1a5: {  	s1 =	simm.s32 $0x15180;
	[sflag:s20] =	ssyncadd.s32 $0xFFFFCE00  }
0x1a6: {  	[spmem:s4] =	stream.indirect.scatter.add.f32 [tilespmem:s15], [sflag:$0x4], $0x80, s1, s14, $0xb8;
	[tilespmem:$0x1F480] =	vst v63  }
0x1a7: {  	_ =	swait.ge [sflag:s11], $0x3200  }
0x1a8: {  	[sflag:s11] =	ssyncset.done $0x0  }
0x1a9: {  	s0 =	simm.s32 $0x14300;
	[sflag:s11] =	ssyncadd.s32 $0xFFFFCE00  }
0x1aa: {  	[tilespmem:s15], [sflag:$0x1] =	stream.indirect.gather [hbm4b:s12+s14], $0x80, s0, s14, $0xb8;
	[tilespmem:$0x1F480] =	vst v63  }
0x1ab: {  	_ =	swait.ge [sflag:s22], $0x3200  }
0x1ac: {  	[sflag:s22] =	ssyncset.done $0x0  }
0x1ad: {  	s1 =	simm.s32 $0x15200;
	[sflag:s22] =	ssyncadd.s32 $0xFFFFCE00  }
0x1ae: {  	[spmem:s4] =	stream.indirect.scatter.add.f32 [tilespmem:s17], [sflag:$0x4], $0x80, s1, s14, $0xb8;
	[tilespmem:$0x1F480] =	vst v63  }
0x1af: {  	_ =	swait.ge [sflag:s11], $0x3200  }
0x1b0: {  	[sflag:s11] =	ssyncset.done $0x0  }
0x1b1: {  	s0 =	simm.s32 $0x14380;
	[sflag:s11] =	ssyncadd.s32 $0xFFFFCE00  }
0x1b2: {  	[tilespmem:s17], [sflag:$0x2] =	stream.indirect.gather [hbm4b:s12+s14], $0x80, s0, s14, $0xb8;
	[tilespmem:$0x1F480] =	vst v63  }
0x1b3: {  	_ =	swait.ge [sflag:s25], $0x3200  }
0x1b4: {  	[sflag:s25] =	ssyncset.done $0x0  }
0x1b5: {  	s1 =	simm.s32 $0x15280;
	[sflag:s25] =	ssyncadd.s32 $0xFFFFCE00  }
0x1b6: {  	[spmem:s4] =	stream.indirect.scatter.add.f32 [tilespmem:s19], [sflag:$0x4], $0x80, s1, s14, $0xb8;
	[tilespmem:$0x1F480] =	vst v63  }
0x1b7: {  	_ =	swait.ge [sflag:s11], $0x3200  }
0x1b8: {  	[sflag:s11] =	ssyncset.done $0x0  }
0x1b9: {  	s0 =	simm.s32 $0x14400;
	[sflag:s11] =	ssyncadd.s32 $0xFFFFCE00  }
0x1ba: {  	[tilespmem:s19], [sflag:$0x3] =	stream.indirect.gather [hbm4b:s12+s14], $0x80, s0, s14, $0xb8;
	[tilespmem:$0x1F480] =	vst v63  }
0x1bb: {  	_ =	swait.ge [sflag:s20], $0x3200  }
0x1bc: {  	[sflag:s20] =	ssyncset.done $0x0  }
0x1bd: {  	s1 =	simm.s32 $0x15300;
	[sflag:s20] =	ssyncadd.s32 $0xFFFFCE00  }
0x1be: {  	[spmem:s4] =	stream.indirect.scatter.add.f32 [tilespmem:s15], [sflag:$0x4], $0x80, s1, s14, $0xb8;
	[tilespmem:$0x1F480] =	vst v63  }
0x1bf: {  	_ =	swait.ge [sflag:s11], $0x3200  }
0x1c0: {  	[sflag:s11] =	ssyncset.done $0x0  }
0x1c1: {  	s0 =	simm.s32 $0x14480;
	[sflag:s11] =	ssyncadd.s32 $0xFFFFCE00  }
0x1c2: {  	[tilespmem:s15], [sflag:$0x1] =	stream.indirect.gather [hbm4b:s12+s14], $0x80, s0, s14, $0xb8;
	[tilespmem:$0x1F480] =	vst v63  }
0x1c3: {  	_ =	swait.ge [sflag:s22], $0x3200  }
0x1c4: {  	[sflag:s22] =	ssyncset.done $0x0  }
0x1c5: {  	s1 =	simm.s32 $0x15380;
	[sflag:s22] =	ssyncadd.s32 $0xFFFFCE00  }
0x1c6: {  	[spmem:s4] =	stream.indirect.scatter.add.f32 [tilespmem:s17], [sflag:$0x4], $0x80, s1, s14, $0xb8;
	[tilespmem:$0x1F480] =	vst v63  }
0x1c7: {  	_ =	swait.ge [sflag:s11], $0x3200  }
0x1c8: {  	[sflag:s11] =	ssyncset.done $0x0  }
0x1c9: {  	[sflag:s11] =	ssyncadd.s32 $0xFFFFCE00  }
0x1ca: {  	_ =	swait.ge [sflag:s25], $0x3200  }
0x1cb: {  	[sflag:s25] =	ssyncset.done $0x0  }
0x1cc: {  	s0 =	simm.s32 $0x15400;
	[sflag:s25] =	ssyncadd.s32 $0xFFFFCE00  }
0x1cd: {  	[spmem:s4] =	stream.indirect.scatter.add.f32 [tilespmem:s19], [sflag:$0x4], $0x80, s0, s14, $0xb8;
	[tilespmem:$0x1F480] =	vst v63  }
0x1ce: {  	_ =	swait.ge [sflag:s11], $0x3200  }
0x1cf: {  	[sflag:s11] =	ssyncset.done $0x0  }
0x1d0: {  	[sflag:s11] =	ssyncadd.s32 $0xFFFFCE00  }
0x1d1: {  	_ =	swait.ge [sflag:s20], $0x3200  }
0x1d2: {  	[sflag:s20] =	ssyncset.done $0x0  }
0x1d3: {  	s1 =	simm.s32 $0x15480;
	[sflag:s20] =	ssyncadd.s32 $0xFFFFCE00  }
0x1d4: {  	[spmem:s4] =	stream.indirect.scatter.add.f32 [tilespmem:s15], [sflag:$0x4], $0x80, s1, s14, $0xb8;
	[tilespmem:$0x1F480] =	vst v63  }
0x1d5: {  	_ =	swait.ge [sflag:s11], $0x3200  }
0x1d6: {  	[sflag:s11] =	ssyncset.done $0x0  }
0x1d7: {  	s1 =	simm.s32 $0x13880;
	s0 =	rddreg [dreg:$0xb];
	[sflag:s11] =	ssyncadd.s32 $0xFFFFCE00  }
0x1d8: {  	[tilespmem:s1], [sflag:$0x4] =	stream.linear.gather [hbm4b:s0+s23], $0xC80, $0x38;
	[tilespmem:$0x1F480] =	vst v63  }
0x1d9: {  	_ =	swait.ge [sflag:s11], $0xC80  }
0x1da: {  	[sflag:s11] =	ssyncset.done $0x0  }
0x1db: {  	s0 =	simm.s32 $0x14880;
	s28 =	rddreg [dreg:$0xc];
	[sflag:s11] =	ssyncadd.s32 $0xFFFFF380  }
0x1dc: {  	[tilespmem:s0], [sflag:$0x4] =	stream.linear.gather [hbm4b:s28+s23], $0xC80, $0x38;
	[tilespmem:$0x1F480] =	vst v63  }
0x1dd: {  	_ =	swait.ge [sflag:s11], $0xC80  }
0x1de: {  	[sflag:s11] =	ssyncset.done $0x0  }
0x1df: {  	[sflag:s11] =	ssyncadd.s32 $0xFFFFF380  }
0x1e0: {  	[tilespmem:s15], [sflag:$0x1] =	stream.indirect.gather [hbm4b:s12+s14], $0x80, s1, s14, $0xb8;
	[tilespmem:$0x1F480] =	vst v63  }
0x1e1: {  	_ = 	snop  }
0x1e2: {  	[tilespmem:s17], [sflag:$0x2] =	stream.indirect.gather [hbm4b:s12+s14], $0x80, s3, s14, $0xb8;
	[tilespmem:$0x1F480] =	vst v63  }
0x1e3: {  	s28 =	simm.s32 $0x13980  }
0x1e4: {  	[tilespmem:s19], [sflag:$0x3] =	stream.indirect.gather [hbm4b:s12+s14], $0x80, s28, s14, $0xb8;
	[tilespmem:$0x1F480] =	vst v63  }
0x1e5: {  	_ =	swait.ge [sflag:s20], $0x3200  }
0x1e6: {  	[sflag:s20] =	ssyncset.done $0x0  }
0x1e7: {  	[sflag:s20] =	ssyncadd.s32 $0xFFFFCE00  }
0x1e8: {  	[spmem:s4] =	stream.indirect.scatter.add.f32 [tilespmem:s15], [sflag:$0x4], $0x80, s0, s14, $0xb8;
	[tilespmem:$0x1F480] =	vst v63  }
0x1e9: {  	_ =	swait.ge [sflag:s11], $0x3200  }
0x1ea: {  	[sflag:s11] =	ssyncset.done $0x0  }
0x1eb: {  	[sflag:s11] =	ssyncadd.s32 $0xFFFFCE00  }
0x1ec: {  	[tilespmem:s15], [sflag:$0x1] =	stream.indirect.gather [hbm4b:s12+s14], $0x80, s5, s14, $0xb8;
	[tilespmem:$0x1F480] =	vst v63  }
0x1ed: {  	_ =	swait.ge [sflag:s22], $0x3200  }
0x1ee: {  	[sflag:s22] =	ssyncset.done $0x0  }
0x1ef: {  	s28 =	simm.s32 $0x14900;
	[sflag:s22] =	ssyncadd.s32 $0xFFFFCE00  }
0x1f0: {  	[spmem:s4] =	stream.indirect.scatter.add.f32 [tilespmem:s17], [sflag:$0x4], $0x80, s28, s14, $0xb8;
	[tilespmem:$0x1F480] =	vst v63  }
0x1f1: {  	_ =	swait.ge [sflag:s11], $0x3200  }
0x1f2: {  	[sflag:s11] =	ssyncset.done $0x0  }
0x1f3: {  	s28 =	simm.s32 $0x13A80;
	[sflag:s11] =	ssyncadd.s32 $0xFFFFCE00  }
0x1f4: {  	[tilespmem:s17], [sflag:$0x2] =	stream.indirect.gather [hbm4b:s12+s14], $0x80, s28, s14, $0xb8;
	[tilespmem:$0x1F480] =	vst v63  }
0x1f5: {  	_ =	swait.ge [sflag:s25], $0x3200  }
0x1f6: {  	[sflag:s25] =	ssyncset.done $0x0  }
0x1f7: {  	s28 =	simm.s32 $0x14980;
	[sflag:s25] =	ssyncadd.s32 $0xFFFFCE00  }
0x1f8: {  	[spmem:s4] =	stream.indirect.scatter.add.f32 [tilespmem:s19], [sflag:$0x4], $0x80, s28, s14, $0xb8;
	[tilespmem:$0x1F480] =	vst v63  }
0x1f9: {  	_ =	swait.ge [sflag:s11], $0x3200  }
0x1fa: {  	[sflag:s11] =	ssyncset.done $0x0  }
0x1fb: {  	s28 =	simm.s32 $0x13B00;
	[sflag:s11] =	ssyncadd.s32 $0xFFFFCE00  }
0x1fc: {  	[tilespmem:s19], [sflag:$0x3] =	stream.indirect.gather [hbm4b:s12+s14], $0x80, s28, s14, $0xb8;
	[tilespmem:$0x1F480] =	vst v63  }
0x1fd: {  	_ =	swait.ge [sflag:s20], $0x3200  }
0x1fe: {  	[sflag:s20] =	ssyncset.done $0x0  }
0x1ff: {  	s28 =	simm.s32 $0x14A00;
	[sflag:s20] =	ssyncadd.s32 $0xFFFFCE00  }
0x200: {  	[spmem:s4] =	stream.indirect.scatter.add.f32 [tilespmem:s15], [sflag:$0x4], $0x80, s28, s14, $0xb8;
	[tilespmem:$0x1F480] =	vst v63  }
0x201: {  	_ =	swait.ge [sflag:s11], $0x3200  }
0x202: {  	[sflag:s11] =	ssyncset.done $0x0  }
0x203: {  	s28 =	simm.s32 $0x13B80;
	[sflag:s11] =	ssyncadd.s32 $0xFFFFCE00  }
0x204: {  	[tilespmem:s15], [sflag:$0x1] =	stream.indirect.gather [hbm4b:s12+s14], $0x80, s28, s14, $0xb8;
	[tilespmem:$0x1F480] =	vst v63  }
0x205: {  	_ =	swait.ge [sflag:s22], $0x3200  }
0x206: {  	[sflag:s22] =	ssyncset.done $0x0  }
0x207: {  	s28 =	simm.s32 $0x14A80;
	[sflag:s22] =	ssyncadd.s32 $0xFFFFCE00  }
0x208: {  	[spmem:s4] =	stream.indirect.scatter.add.f32 [tilespmem:s17], [sflag:$0x4], $0x80, s28, s14, $0xb8;
	[tilespmem:$0x1F480] =	vst v63  }
0x209: {  	_ =	swait.ge [sflag:s11], $0x3200  }
0x20a: {  	[sflag:s11] =	ssyncset.done $0x0  }
0x20b: {  	[sflag:s11] =	ssyncadd.s32 $0xFFFFCE00  }
0x20c: {  	[tilespmem:s17], [sflag:$0x2] =	stream.indirect.gather [hbm4b:s12+s14], $0x80, s6, s14, $0xb8;
	[tilespmem:$0x1F480] =	vst v63  }
0x20d: {  	_ =	swait.ge [sflag:s25], $0x3200  }
0x20e: {  	[sflag:s25] =	ssyncset.done $0x0  }
0x20f: {  	[sflag:s25] =	ssyncadd.s32 $0xFFFFCE00  }
0x210: {  	[spmem:s4] =	stream.indirect.scatter.add.f32 [tilespmem:s19], [sflag:$0x4], $0x80, s7, s14, $0xb8;
	[tilespmem:$0x1F480] =	vst v63  }
0x211: {  	_ =	swait.ge [sflag:s11], $0x3200  }
0x212: {  	[sflag:s11] =	ssyncset.done $0x0  }
0x213: {  	s28 =	simm.s32 $0x13C80;
	[sflag:s11] =	ssyncadd.s32 $0xFFFFCE00  }
0x214: {  	[tilespmem:s19], [sflag:$0x3] =	stream.indirect.gather [hbm4b:s12+s14], $0x80, s28, s14, $0xb8;
	[tilespmem:$0x1F480] =	vst v63  }
0x215: {  	_ =	swait.ge [sflag:s20], $0x3200  }
0x216: {  	[sflag:s20] =	ssyncset.done $0x0  }
0x217: {  	[sflag:s20] =	ssyncadd.s32 $0xFFFFCE00  }
0x218: {  	[spmem:s4] =	stream.indirect.scatter.add.f32 [tilespmem:s15], [sflag:$0x4], $0x80, s8, s14, $0xb8;
	[tilespmem:$0x1F480] =	vst v63  }
0x219: {  	_ =	swait.ge [sflag:s11], $0x3200  }
0x21a: {  	[sflag:s11] =	ssyncset.done $0x0  }
0x21b: {  	[sflag:s11] =	ssyncadd.s32 $0xFFFFCE00  }
0x21c: {  	[tilespmem:s15], [sflag:$0x1] =	stream.indirect.gather [hbm4b:s12+s14], $0x80, s9, s14, $0xb8;
	[tilespmem:$0x1F480] =	vst v63  }
0x21d: {  	_ =	swait.ge [sflag:s22], $0x3200  }
0x21e: {  	[sflag:s22] =	ssyncset.done $0x0  }
0x21f: {  	s9 =	simm.s32 $0x14C00;
	[sflag:s22] =	ssyncadd.s32 $0xFFFFCE00  }
0x220: {  	[spmem:s4] =	stream.indirect.scatter.add.f32 [tilespmem:s17], [sflag:$0x4], $0x80, s9, s14, $0xb8;
	[tilespmem:$0x1F480] =	vst v63  }
0x221: {  	_ =	swait.ge [sflag:s11], $0x3200  }
0x222: {  	[sflag:s11] =	ssyncset.done $0x0  }
0x223: {  	[sflag:s11] =	ssyncadd.s32 $0xFFFFCE00  }
0x224: {  	[tilespmem:s17], [sflag:$0x2] =	stream.indirect.gather [hbm4b:s12+s14], $0x80, s10, s14, $0xb8;
	[tilespmem:$0x1F480] =	vst v63  }
0x225: {  	_ =	swait.ge [sflag:s25], $0x3200  }
0x226: {  	[sflag:s25] =	ssyncset.done $0x0  }
0x227: {  	s28 =	simm.s32 $0x14C80;
	[sflag:s25] =	ssyncadd.s32 $0xFFFFCE00  }
0x228: {  	[spmem:s4] =	stream.indirect.scatter.add.f32 [tilespmem:s19], [sflag:$0x4], $0x80, s28, s14, $0xb8;
	[tilespmem:$0x1F480] =	vst v63  }
0x229: {  	_ =	swait.ge [sflag:s11], $0x3200  }
0x22a: {  	[sflag:s11] =	ssyncset.done $0x0  }
0x22b: {  	s9 =	simm.s32 $0x13E00;
	[sflag:s11] =	ssyncadd.s32 $0xFFFFCE00  }
0x22c: {  	[tilespmem:s19], [sflag:$0x3] =	stream.indirect.gather [hbm4b:s12+s14], $0x80, s9, s14, $0xb8;
	[tilespmem:$0x1F480] =	vst v63  }
0x22d: {  	_ =	swait.ge [sflag:s20], $0x3200  }
0x22e: {  	[sflag:s20] =	ssyncset.done $0x0  }
0x22f: {  	s28 =	simm.s32 $0x14D00;
	[sflag:s20] =	ssyncadd.s32 $0xFFFFCE00  }
0x230: {  	[spmem:s4] =	stream.indirect.scatter.add.f32 [tilespmem:s15], [sflag:$0x4], $0x80, s28, s14, $0xb8;
	[tilespmem:$0x1F480] =	vst v63  }
0x231: {  	_ =	swait.ge [sflag:s11], $0x3200  }
0x232: {  	[sflag:s11] =	ssyncset.done $0x0  }
0x233: {  	[sflag:s11] =	ssyncadd.s32 $0xFFFFCE00  }
0x234: {  	[tilespmem:s15], [sflag:$0x1] =	stream.indirect.gather [hbm4b:s12+s14], $0x80, s13, s14, $0xb8;
	[tilespmem:$0x1F480] =	vst v63  }
0x235: {  	_ =	swait.ge [sflag:s22], $0x3200  }
0x236: {  	[sflag:s22] =	ssyncset.done $0x0  }
0x237: {  	[sflag:s22] =	ssyncadd.s32 $0xFFFFCE00  }
0x238: {  	[spmem:s4] =	stream.indirect.scatter.add.f32 [tilespmem:s17], [sflag:$0x4], $0x80, s16, s14, $0xb8;
	[tilespmem:$0x1F480] =	vst v63  }
0x239: {  	_ =	swait.ge [sflag:s11], $0x3200  }
0x23a: {  	[sflag:s11] =	ssyncset.done $0x0  }
0x23b: {  	s9 =	simm.s32 $0x13F00;
	[sflag:s11] =	ssyncadd.s32 $0xFFFFCE00  }
0x23c: {  	[tilespmem:s17], [sflag:$0x2] =	stream.indirect.gather [hbm4b:s12+s14], $0x80, s9, s14, $0xb8;
	[tilespmem:$0x1F480] =	vst v63  }
0x23d: {  	_ =	swait.ge [sflag:s25], $0x3200  }
0x23e: {  	[sflag:s25] =	ssyncset.done $0x0  }
0x23f: {  	[sflag:s25] =	ssyncadd.s32 $0xFFFFCE00  }
0x240: {  	[spmem:s4] =	stream.indirect.scatter.add.f32 [tilespmem:s19], [sflag:$0x4], $0x80, s18, s14, $0xb8;
	[tilespmem:$0x1F480] =	vst v63  }
0x241: {  	_ =	swait.ge [sflag:s11], $0x3200  }
0x242: {  	[sflag:s11] =	ssyncset.done $0x0  }
0x243: {  	s28 =	simm.s32 $0x13F80;
	[sflag:s11] =	ssyncadd.s32 $0xFFFFCE00  }
0x244: {  	[tilespmem:s19], [sflag:$0x3] =	stream.indirect.gather [hbm4b:s12+s14], $0x80, s28, s14, $0xb8;
	[tilespmem:$0x1F480] =	vst v63  }
0x245: {  	_ =	swait.ge [sflag:s20], $0x3200  }
0x246: {  	[sflag:s20] =	ssyncset.done $0x0  }
0x247: {  	[sflag:s20] =	ssyncadd.s32 $0xFFFFCE00  }
0x248: {  	[spmem:s4] =	stream.indirect.scatter.add.f32 [tilespmem:s15], [sflag:$0x4], $0x80, s21, s14, $0xb8;
	[tilespmem:$0x1F480] =	vst v63  }
0x249: {  	_ =	swait.ge [sflag:s11], $0x3200  }
0x24a: {  	[sflag:s11] =	ssyncset.done $0x0  }
0x24b: {  	[sflag:s11] =	ssyncadd.s32 $0xFFFFCE00  }
0x24c: {  	[tilespmem:s15], [sflag:$0x1] =	stream.indirect.gather [hbm4b:s12+s14], $0x80, s24, s14, $0xb8;
	[tilespmem:$0x1F480] =	vst v63  }
0x24d: {  	_ =	swait.ge [sflag:s22], $0x3200  }
0x24e: {  	[sflag:s22] =	ssyncset.done $0x0  }
0x24f: {  	[sflag:s22] =	ssyncadd.s32 $0xFFFFCE00  }
0x250: {  	[spmem:s4] =	stream.indirect.scatter.add.f32 [tilespmem:s17], [sflag:$0x4], $0x80, s26, s14, $0xb8;
	[tilespmem:$0x1F480] =	vst v63  }
0x251: {  	_ =	swait.ge [sflag:s11], $0x3200  }
0x252: {  	[sflag:s11] =	ssyncset.done $0x0  }
0x253: {  	[sflag:s11] =	ssyncadd.s32 $0xFFFFCE00  }
0x254: {  	[tilespmem:s17], [sflag:$0x2] =	stream.indirect.gather [hbm4b:s12+s14], $0x80, s29, s14, $0xb8;
	[tilespmem:$0x1F480] =	vst v63  }
0x255: {  	_ =	swait.ge [sflag:s25], $0x3200  }
0x256: {  	[sflag:s25] =	ssyncset.done $0x0  }
0x257: {  	[sflag:s25] =	ssyncadd.s32 $0xFFFFCE00  }
0x258: {  	[spmem:s4] =	stream.indirect.scatter.add.f32 [tilespmem:s19], [sflag:$0x4], $0x80, s30, s14, $0xb8;
	[tilespmem:$0x1F480] =	vst v63  }
0x259: {  	_ =	swait.ge [sflag:s11], $0x3200  }
0x25a: {  	[sflag:s11] =	ssyncset.done $0x0  }
0x25b: {  	[sflag:s11] =	ssyncadd.s32 $0xFFFFCE00  }
0x25c: {  	[tilespmem:s19], [sflag:$0x3] =	stream.indirect.gather [hbm4b:s12+s14], $0x80, s31, s14, $0xb8;
	[tilespmem:$0x1F480] =	vst v63  }
0x25d: {  	_ =	swait.ge [sflag:s20], $0x3200  }
0x25e: {  	[sflag:s20] =	ssyncset.done $0x0  }
0x25f: {  	s28 =	simm.s32 $0x15000;
	[sflag:s20] =	ssyncadd.s32 $0xFFFFCE00  }
0x260: {  	[spmem:s4] =	stream.indirect.scatter.add.f32 [tilespmem:s15], [sflag:$0x4], $0x80, s28, s14, $0xb8;
	[tilespmem:$0x1F480] =	vst v63  }
0x261: {  	_ =	swait.ge [sflag:s11], $0x3200  }
0x262: {  	[sflag:s11] =	ssyncset.done $0x0  }
0x263: {  	s28 =	simm.s32 $0x14180;
	[sflag:s11] =	ssyncadd.s32 $0xFFFFCE00  }
0x264: {  	[tilespmem:s15], [sflag:$0x1] =	stream.indirect.gather [hbm4b:s12+s14], $0x80, s28, s14, $0xb8;
	[tilespmem:$0x1F480] =	vst v63  }
0x265: {  	_ =	swait.ge [sflag:s22], $0x3200  }
0x266: {  	[sflag:s22] =	ssyncset.done $0x0  }
0x267: {  	s28 =	simm.s32 $0x15080;
	[sflag:s22] =	ssyncadd.s32 $0xFFFFCE00  }
0x268: {  	[spmem:s4] =	stream.indirect.scatter.add.f32 [tilespmem:s17], [sflag:$0x4], $0x80, s28, s14, $0xb8;
	[tilespmem:$0x1F480] =	vst v63  }
0x269: {  	_ =	swait.ge [sflag:s11], $0x3200  }
0x26a: {  	[sflag:s11] =	ssyncset.done $0x0  }
0x26b: {  	s28 =	simm.s32 $0x14200;
	[sflag:s11] =	ssyncadd.s32 $0xFFFFCE00  }
0x26c: {  	[tilespmem:s17], [sflag:$0x2] =	stream.indirect.gather [hbm4b:s12+s14], $0x80, s28, s14, $0xb8;
	[tilespmem:$0x1F480] =	vst v63  }
0x26d: {  	_ =	swait.ge [sflag:s25], $0x3200  }
0x26e: {  	[sflag:s25] =	ssyncset.done $0x0  }
0x26f: {  	s28 =	simm.s32 $0x15100;
	[sflag:s25] =	ssyncadd.s32 $0xFFFFCE00  }
0x270: {  	[spmem:s4] =	stream.indirect.scatter.add.f32 [tilespmem:s19], [sflag:$0x4], $0x80, s28, s14, $0xb8;
	[tilespmem:$0x1F480] =	vst v63  }
0x271: {  	_ =	swait.ge [sflag:s11], $0x3200  }
0x272: {  	[sflag:s11] =	ssyncset.done $0x0  }
0x273: {  	s28 =	simm.s32 $0x14280;
	[sflag:s11] =	ssyncadd.s32 $0xFFFFCE00  }
0x274: {  	[tilespmem:s19], [sflag:$0x3] =	stream.indirect.gather [hbm4b:s12+s14], $0x80, s28, s14, $0xb8;
	[tilespmem:$0x1F480] =	vst v63  }
0x275: {  	_ =	swait.ge [sflag:s20], $0x3200  }
0x276: {  	[sflag:s20] =	ssyncset.done $0x0  }
0x277: {  	s28 =	simm.s32 $0x15180;
	[sflag:s20] =	ssyncadd.s32 $0xFFFFCE00  }
0x278: {  	[spmem:s4] =	stream.indirect.scatter.add.f32 [tilespmem:s15], [sflag:$0x4], $0x80, s28, s14, $0xb8;
	[tilespmem:$0x1F480] =	vst v63  }
0x279: {  	_ =	swait.ge [sflag:s11], $0x3200  }
0x27a: {  	[sflag:s11] =	ssyncset.done $0x0  }
0x27b: {  	s28 =	simm.s32 $0x14300;
	[sflag:s11] =	ssyncadd.s32 $0xFFFFCE00  }
0x27c: {  	[tilespmem:s15], [sflag:$0x1] =	stream.indirect.gather [hbm4b:s12+s14], $0x80, s28, s14, $0xb8;
	[tilespmem:$0x1F480] =	vst v63  }
0x27d: {  	_ =	swait.ge [sflag:s22], $0x3200  }
0x27e: {  	[sflag:s22] =	ssyncset.done $0x0  }
0x27f: {  	s28 =	simm.s32 $0x15200;
	[sflag:s22] =	ssyncadd.s32 $0xFFFFCE00  }
0x280: {  	[spmem:s4] =	stream.indirect.scatter.add.f32 [tilespmem:s17], [sflag:$0x4], $0x80, s28, s14, $0xb8;
	[tilespmem:$0x1F480] =	vst v63  }
0x281: {  	_ =	swait.ge [sflag:s11], $0x3200  }
0x282: {  	[sflag:s11] =	ssyncset.done $0x0  }
0x283: {  	s28 =	simm.s32 $0x14380;
	[sflag:s11] =	ssyncadd.s32 $0xFFFFCE00  }
0x284: {  	[tilespmem:s17], [sflag:$0x2] =	stream.indirect.gather [hbm4b:s12+s14], $0x80, s28, s14, $0xb8;
	[tilespmem:$0x1F480] =	vst v63  }
0x285: {  	_ =	swait.ge [sflag:s25], $0x3200  }
0x286: {  	[sflag:s25] =	ssyncset.done $0x0  }
0x287: {  	s28 =	simm.s32 $0x15280;
	[sflag:s25] =	ssyncadd.s32 $0xFFFFCE00  }
0x288: {  	[spmem:s4] =	stream.indirect.scatter.add.f32 [tilespmem:s19], [sflag:$0x4], $0x80, s28, s14, $0xb8;
	[tilespmem:$0x1F480] =	vst v63  }
0x289: {  	_ =	swait.ge [sflag:s11], $0x3200  }
0x28a: {  	[sflag:s11] =	ssyncset.done $0x0  }
0x28b: {  	s28 =	simm.s32 $0x14400;
	[sflag:s11] =	ssyncadd.s32 $0xFFFFCE00  }
0x28c: {  	[tilespmem:s19], [sflag:$0x3] =	stream.indirect.gather [hbm4b:s12+s14], $0x80, s28, s14, $0xb8;
	[tilespmem:$0x1F480] =	vst v63  }
0x28d: {  	_ =	swait.ge [sflag:s20], $0x3200  }
0x28e: {  	[sflag:s20] =	ssyncset.done $0x0  }
0x28f: {  	s28 =	simm.s32 $0x15300;
	[sflag:s20] =	ssyncadd.s32 $0xFFFFCE00  }
0x290: {  	[spmem:s4] =	stream.indirect.scatter.add.f32 [tilespmem:s15], [sflag:$0x4], $0x80, s28, s14, $0xb8;
	[tilespmem:$0x1F480] =	vst v63  }
0x291: {  	_ =	swait.ge [sflag:s11], $0x3200  }
0x292: {  	[sflag:s11] =	ssyncset.done $0x0  }
0x293: {  	s28 =	simm.s32 $0x14480;
	[sflag:s11] =	ssyncadd.s32 $0xFFFFCE00  }
0x294: {  	[tilespmem:s15], [sflag:$0x1] =	stream.indirect.gather [hbm4b:s12+s14], $0x80, s28, s14, $0xb8;
	[tilespmem:$0x1F480] =	vst v63  }
0x295: {  	_ =	swait.ge [sflag:s22], $0x3200  }
0x296: {  	[sflag:s22] =	ssyncset.done $0x0  }
0x297: {  	s28 =	simm.s32 $0x15380;
	[sflag:s22] =	ssyncadd.s32 $0xFFFFCE00  }
0x298: {  	[spmem:s4] =	stream.indirect.scatter.add.f32 [tilespmem:s17], [sflag:$0x4], $0x80, s28, s14, $0xb8;
	[tilespmem:$0x1F480] =	vst v63  }
0x299: {  	_ =	swait.ge [sflag:s11], $0x3200  }
0x29a: {  	[sflag:s11] =	ssyncset.done $0x0  }
0x29b: {  	[sflag:s11] =	ssyncadd.s32 $0xFFFFCE00  }
0x29c: {  	_ =	swait.ge [sflag:s25], $0x3200  }
0x29d: {  	[sflag:s25] =	ssyncset.done $0x0  }
0x29e: {  	s28 =	simm.s32 $0x15400;
	[sflag:s25] =	ssyncadd.s32 $0xFFFFCE00  }
0x29f: {  	[spmem:s4] =	stream.indirect.scatter.add.f32 [tilespmem:s19], [sflag:$0x4], $0x80, s28, s14, $0xb8;
	[tilespmem:$0x1F480] =	vst v63  }
0x2a0: {  	_ =	swait.ge [sflag:s11], $0x3200  }
0x2a1: {  	[sflag:s11] =	ssyncset.done $0x0  }
0x2a2: {  	[sflag:s11] =	ssyncadd.s32 $0xFFFFCE00  }
0x2a3: {  	_ =	swait.ge [sflag:s20], $0x3200  }
0x2a4: {  	[sflag:s20] =	ssyncset.done $0x0  }
0x2a5: {  	s28 =	simm.s32 $0x15480;
	[sflag:s20] =	ssyncadd.s32 $0xFFFFCE00  }
0x2a6: {  	[spmem:s4] =	stream.indirect.scatter.add.f32 [tilespmem:s15], [sflag:$0x4], $0x80, s28, s14, $0xb8;
	[tilespmem:$0x1F480] =	vst v63  }
0x2a7: {  	_ =	swait.ge [sflag:s11], $0x3200  }
0x2a8: {  	[sflag:s11] =	ssyncset.done $0x0  }
0x2a9: {  	s1 =	simm.s32 $0x13880;
	s28 =	rddreg [dreg:$0xd];
	[sflag:s11] =	ssyncadd.s32 $0xFFFFCE00  }
0x2aa: {  	[tilespmem:s1], [sflag:$0x4] =	stream.linear.gather [hbm4b:s28+s23], $0xC80, $0x38;
	[tilespmem:$0x1F480] =	vst v63  }
0x2ab: {  	_ =	swait.ge [sflag:s11], $0xC80  }
0x2ac: {  	[sflag:s11] =	ssyncset.done $0x0  }
0x2ad: {  	s0 =	simm.s32 $0x14880;
	s28 =	rddreg [dreg:$0xe];
	[sflag:s11] =	ssyncadd.s32 $0xFFFFF380  }
0x2ae: {  	[tilespmem:s0], [sflag:$0x4] =	stream.linear.gather [hbm4b:s28+s23], $0xC80, $0x38;
	[tilespmem:$0x1F480] =	vst v63  }
0x2af: {  	_ =	swait.ge [sflag:s11], $0xC80  }
0x2b0: {  	[sflag:s11] =	ssyncset.done $0x0  }
0x2b1: {  	[sflag:s11] =	ssyncadd.s32 $0xFFFFF380  }
0x2b2: {  	[tilespmem:s15], [sflag:$0x1] =	stream.indirect.gather [hbm4b:s12+s14], $0x80, s1, s14, $0xb8;
	[tilespmem:$0x1F480] =	vst v63  }
0x2b3: {  	s3 =	simm.s32 $0x13900  }
0x2b4: {  	[tilespmem:s17], [sflag:$0x2] =	stream.indirect.gather [hbm4b:s12+s14], $0x80, s3, s14, $0xb8;
	[tilespmem:$0x1F480] =	vst v63  }
0x2b5: {  	s3 =	simm.s32 $0x13980  }
0x2b6: {  	[tilespmem:s19], [sflag:$0x3] =	stream.indirect.gather [hbm4b:s12+s14], $0x80, s3, s14, $0xb8;
	[tilespmem:$0x1F480] =	vst v63  }
0x2b7: {  	_ =	swait.ge [sflag:s20], $0x3200  }
0x2b8: {  	[sflag:s20] =	ssyncset.done $0x0  }
0x2b9: {  	[sflag:s20] =	ssyncadd.s32 $0xFFFFCE00  }
0x2ba: {  	[spmem:s4] =	stream.indirect.scatter.add.f32 [tilespmem:s15], [sflag:$0x4], $0x80, s0, s14, $0xb8;
	[tilespmem:$0x1F480] =	vst v63  }
0x2bb: {  	_ =	swait.ge [sflag:s11], $0x3200  }
0x2bc: {  	[sflag:s11] =	ssyncset.done $0x0  }
0x2bd: {  	s23 =	simm.s32 $0x13A00;
	[sflag:s11] =	ssyncadd.s32 $0xFFFFCE00  }
0x2be: {  	[tilespmem:s15], [sflag:$0x1] =	stream.indirect.gather [hbm4b:s12+s14], $0x80, s23, s14, $0xb8;
	[tilespmem:$0x1F480] =	vst v63  }
0x2bf: {  	_ =	swait.ge [sflag:s22], $0x3200  }
0x2c0: {  	[sflag:s22] =	ssyncset.done $0x0  }
0x2c1: {  	s28 =	simm.s32 $0x14900;
	[sflag:s22] =	ssyncadd.s32 $0xFFFFCE00  }
0x2c2: {  	[spmem:s4] =	stream.indirect.scatter.add.f32 [tilespmem:s17], [sflag:$0x4], $0x80, s28, s14, $0xb8;
	[tilespmem:$0x1F480] =	vst v63  }
0x2c3: {  	_ =	swait.ge [sflag:s11], $0x3200  }
0x2c4: {  	[sflag:s11] =	ssyncset.done $0x0  }
0x2c5: {  	s1 =	simm.s32 $0x13A80;
	[sflag:s11] =	ssyncadd.s32 $0xFFFFCE00  }
0x2c6: {  	[tilespmem:s17], [sflag:$0x2] =	stream.indirect.gather [hbm4b:s12+s14], $0x80, s1, s14, $0xb8;
	[tilespmem:$0x1F480] =	vst v63  }
0x2c7: {  	_ =	swait.ge [sflag:s25], $0x3200  }
0x2c8: {  	[sflag:s25] =	ssyncset.done $0x0  }
0x2c9: {  	s3 =	simm.s32 $0x14980;
	[sflag:s25] =	ssyncadd.s32 $0xFFFFCE00  }
0x2ca: {  	[spmem:s4] =	stream.indirect.scatter.add.f32 [tilespmem:s19], [sflag:$0x4], $0x80, s3, s14, $0xb8;
	[tilespmem:$0x1F480] =	vst v63  }
0x2cb: {  	_ =	swait.ge [sflag:s11], $0x3200  }
0x2cc: {  	[sflag:s11] =	ssyncset.done $0x0  }
0x2cd: {  	s23 =	simm.s32 $0x13B00;
	[sflag:s11] =	ssyncadd.s32 $0xFFFFCE00  }
0x2ce: {  	[tilespmem:s19], [sflag:$0x3] =	stream.indirect.gather [hbm4b:s12+s14], $0x80, s23, s14, $0xb8;
	[tilespmem:$0x1F480] =	vst v63  }
0x2cf: {  	_ =	swait.ge [sflag:s20], $0x3200  }
0x2d0: {  	[sflag:s20] =	ssyncset.done $0x0  }
0x2d1: {  	s28 =	simm.s32 $0x14A00;
	[sflag:s20] =	ssyncadd.s32 $0xFFFFCE00  }
0x2d2: {  	[spmem:s4] =	stream.indirect.scatter.add.f32 [tilespmem:s15], [sflag:$0x4], $0x80, s28, s14, $0xb8;
	[tilespmem:$0x1F480] =	vst v63  }
0x2d3: {  	_ =	swait.ge [sflag:s11], $0x3200  }
0x2d4: {  	[sflag:s11] =	ssyncset.done $0x0  }
0x2d5: {  	s1 =	simm.s32 $0x13B80;
	[sflag:s11] =	ssyncadd.s32 $0xFFFFCE00  }
0x2d6: {  	[tilespmem:s15], [sflag:$0x1] =	stream.indirect.gather [hbm4b:s12+s14], $0x80, s1, s14, $0xb8;
	[tilespmem:$0x1F480] =	vst v63  }
0x2d7: {  	_ =	swait.ge [sflag:s22], $0x3200  }
0x2d8: {  	[sflag:s22] =	ssyncset.done $0x0  }
0x2d9: {  	s3 =	simm.s32 $0x14A80;
	[sflag:s22] =	ssyncadd.s32 $0xFFFFCE00  }
0x2da: {  	[spmem:s4] =	stream.indirect.scatter.add.f32 [tilespmem:s17], [sflag:$0x4], $0x80, s3, s14, $0xb8;
	[tilespmem:$0x1F480] =	vst v63  }
0x2db: {  	_ =	swait.ge [sflag:s11], $0x3200  }
0x2dc: {  	[sflag:s11] =	ssyncset.done $0x0  }
0x2dd: {  	s6 =	simm.s32 $0x13C00;
	[sflag:s11] =	ssyncadd.s32 $0xFFFFCE00  }
0x2de: {  	[tilespmem:s17], [sflag:$0x2] =	stream.indirect.gather [hbm4b:s12+s14], $0x80, s6, s14, $0xb8;
	[tilespmem:$0x1F480] =	vst v63  }
0x2df: {  	_ =	swait.ge [sflag:s25], $0x3200  }
0x2e0: {  	[sflag:s25] =	ssyncset.done $0x0  }
0x2e1: {  	s7 =	simm.s32 $0x14B00;
	[sflag:s25] =	ssyncadd.s32 $0xFFFFCE00  }
0x2e2: {  	[spmem:s4] =	stream.indirect.scatter.add.f32 [tilespmem:s19], [sflag:$0x4], $0x80, s7, s14, $0xb8;
	[tilespmem:$0x1F480] =	vst v63  }
0x2e3: {  	_ =	swait.ge [sflag:s11], $0x3200  }
0x2e4: {  	[sflag:s11] =	ssyncset.done $0x0  }
0x2e5: {  	s7 =	simm.s32 $0x13C80;
	[sflag:s11] =	ssyncadd.s32 $0xFFFFCE00  }
0x2e6: {  	[tilespmem:s19], [sflag:$0x3] =	stream.indirect.gather [hbm4b:s12+s14], $0x80, s7, s14, $0xb8;
	[tilespmem:$0x1F480] =	vst v63  }
0x2e7: {  	_ =	swait.ge [sflag:s20], $0x3200  }
0x2e8: {  	[sflag:s20] =	ssyncset.done $0x0  }
0x2e9: {  	s8 =	simm.s32 $0x14B80;
	[sflag:s20] =	ssyncadd.s32 $0xFFFFCE00  }
0x2ea: {  	[spmem:s4] =	stream.indirect.scatter.add.f32 [tilespmem:s15], [sflag:$0x4], $0x80, s8, s14, $0xb8;
	[tilespmem:$0x1F480] =	vst v63  }
0x2eb: {  	_ =	swait.ge [sflag:s11], $0x3200  }
0x2ec: {  	[sflag:s11] =	ssyncset.done $0x0  }
0x2ed: {  	s23 =	simm.s32 $0x13D00;
	[sflag:s11] =	ssyncadd.s32 $0xFFFFCE00  }
0x2ee: {  	[tilespmem:s15], [sflag:$0x1] =	stream.indirect.gather [hbm4b:s12+s14], $0x80, s23, s14, $0xb8;
	[tilespmem:$0x1F480] =	vst v63  }
0x2ef: {  	_ =	swait.ge [sflag:s22], $0x3200  }
0x2f0: {  	[sflag:s22] =	ssyncset.done $0x0  }
0x2f1: {  	s28 =	simm.s32 $0x14C00;
	[sflag:s22] =	ssyncadd.s32 $0xFFFFCE00  }
0x2f2: {  	[spmem:s4] =	stream.indirect.scatter.add.f32 [tilespmem:s17], [sflag:$0x4], $0x80, s28, s14, $0xb8;
	[tilespmem:$0x1F480] =	vst v63  }
0x2f3: {  	_ =	swait.ge [sflag:s11], $0x3200  }
0x2f4: {  	[sflag:s11] =	ssyncset.done $0x0  }
0x2f5: {  	s10 =	simm.s32 $0x13D80;
	[sflag:s11] =	ssyncadd.s32 $0xFFFFCE00  }
0x2f6: {  	[tilespmem:s17], [sflag:$0x2] =	stream.indirect.gather [hbm4b:s12+s14], $0x80, s10, s14, $0xb8;
	[tilespmem:$0x1F480] =	vst v63  }
0x2f7: {  	_ =	swait.ge [sflag:s25], $0x3200  }
0x2f8: {  	[sflag:s25] =	ssyncset.done $0x0  }
0x2f9: {  	s1 =	simm.s32 $0x14C80;
	[sflag:s25] =	ssyncadd.s32 $0xFFFFCE00  }
0x2fa: {  	[spmem:s4] =	stream.indirect.scatter.add.f32 [tilespmem:s19], [sflag:$0x4], $0x80, s1, s14, $0xb8;
	[tilespmem:$0x1F480] =	vst v63  }
0x2fb: {  	_ =	swait.ge [sflag:s11], $0x3200  }
0x2fc: {  	[sflag:s11] =	ssyncset.done $0x0  }
0x2fd: {  	s3 =	simm.s32 $0x13E00;
	[sflag:s11] =	ssyncadd.s32 $0xFFFFCE00  }
0x2fe: {  	[tilespmem:s19], [sflag:$0x3] =	stream.indirect.gather [hbm4b:s12+s14], $0x80, s3, s14, $0xb8;
	[tilespmem:$0x1F480] =	vst v63  }
0x2ff: {  	_ =	swait.ge [sflag:s20], $0x3200  }
0x300: {  	[sflag:s20] =	ssyncset.done $0x0  }
0x301: {  	s6 =	simm.s32 $0x14D00;
	[sflag:s20] =	ssyncadd.s32 $0xFFFFCE00  }
0x302: {  	[spmem:s4] =	stream.indirect.scatter.add.f32 [tilespmem:s15], [sflag:$0x4], $0x80, s6, s14, $0xb8;
	[tilespmem:$0x1F480] =	vst v63  }
0x303: {  	_ =	swait.ge [sflag:s11], $0x3200  }
0x304: {  	[sflag:s11] =	ssyncset.done $0x0  }
0x305: {  	s13 =	simm.s32 $0x13E80;
	[sflag:s11] =	ssyncadd.s32 $0xFFFFCE00  }
0x306: {  	[tilespmem:s15], [sflag:$0x1] =	stream.indirect.gather [hbm4b:s12+s14], $0x80, s13, s14, $0xb8;
	[tilespmem:$0x1F480] =	vst v63  }
0x307: {  	_ =	swait.ge [sflag:s22], $0x3200  }
0x308: {  	[sflag:s22] =	ssyncset.done $0x0  }
0x309: {  	s16 =	simm.s32 $0x14D80;
	[sflag:s22] =	ssyncadd.s32 $0xFFFFCE00  }
0x30a: {  	[spmem:s4] =	stream.indirect.scatter.add.f32 [tilespmem:s17], [sflag:$0x4], $0x80, s16, s14, $0xb8;
	[tilespmem:$0x1F480] =	vst v63  }
0x30b: {  	_ =	swait.ge [sflag:s11], $0x3200  }
0x30c: {  	[sflag:s11] =	ssyncset.done $0x0  }
0x30d: {  	s9 =	simm.s32 $0x13F00;
	[sflag:s11] =	ssyncadd.s32 $0xFFFFCE00  }
0x30e: {  	[tilespmem:s17], [sflag:$0x2] =	stream.indirect.gather [hbm4b:s12+s14], $0x80, s9, s14, $0xb8;
	[tilespmem:$0x1F480] =	vst v63  }
0x30f: {  	_ =	swait.ge [sflag:s25], $0x3200  }
0x310: {  	[sflag:s25] =	ssyncset.done $0x0  }
0x311: {  	s18 =	simm.s32 $0x14E00;
	[sflag:s25] =	ssyncadd.s32 $0xFFFFCE00  }
0x312: {  	[spmem:s4] =	stream.indirect.scatter.add.f32 [tilespmem:s19], [sflag:$0x4], $0x80, s18, s14, $0xb8;
	[tilespmem:$0x1F480] =	vst v63  }
0x313: {  	_ =	swait.ge [sflag:s11], $0x3200  }
0x314: {  	[sflag:s11] =	ssyncset.done $0x0  }
0x315: {  	s5 =	simm.s32 $0x13F80;
	[sflag:s11] =	ssyncadd.s32 $0xFFFFCE00  }
0x316: {  	[tilespmem:s19], [sflag:$0x3] =	stream.indirect.gather [hbm4b:s12+s14], $0x80, s5, s14, $0xb8;
	[tilespmem:$0x1F480] =	vst v63  }
0x317: {  	_ =	swait.ge [sflag:s20], $0x3200  }
0x318: {  	[sflag:s20] =	ssyncset.done $0x0  }
0x319: {  	s21 =	simm.s32 $0x14E80;
	[sflag:s20] =	ssyncadd.s32 $0xFFFFCE00  }
0x31a: {  	[spmem:s4] =	stream.indirect.scatter.add.f32 [tilespmem:s15], [sflag:$0x4], $0x80, s21, s14, $0xb8;
	[tilespmem:$0x1F480] =	vst v63  }
0x31b: {  	_ =	swait.ge [sflag:s11], $0x3200  }
0x31c: {  	[sflag:s11] =	ssyncset.done $0x0  }
0x31d: {  	s24 =	simm.s32 $0x14000;
	[sflag:s11] =	ssyncadd.s32 $0xFFFFCE00  }
0x31e: {  	[tilespmem:s15], [sflag:$0x1] =	stream.indirect.gather [hbm4b:s12+s14], $0x80, s24, s14, $0xb8;
	[tilespmem:$0x1F480] =	vst v63  }
0x31f: {  	_ =	swait.ge [sflag:s22], $0x3200  }
0x320: {  	[sflag:s22] =	ssyncset.done $0x0  }
0x321: {  	s26 =	simm.s32 $0x14F00;
	[sflag:s22] =	ssyncadd.s32 $0xFFFFCE00  }
0x322: {  	[spmem:s4] =	stream.indirect.scatter.add.f32 [tilespmem:s17], [sflag:$0x4], $0x80, s26, s14, $0xb8;
	[tilespmem:$0x1F480] =	vst v63  }
0x323: {  	_ =	swait.ge [sflag:s11], $0x3200  }
0x324: {  	[sflag:s11] =	ssyncset.done $0x0  }
0x325: {  	s29 =	simm.s32 $0x14080;
	[sflag:s11] =	ssyncadd.s32 $0xFFFFCE00  }
0x326: {  	[tilespmem:s17], [sflag:$0x2] =	stream.indirect.gather [hbm4b:s12+s14], $0x80, s29, s14, $0xb8;
	[tilespmem:$0x1F480] =	vst v63  }
0x327: {  	_ =	swait.ge [sflag:s25], $0x3200  }
0x328: {  	[sflag:s25] =	ssyncset.done $0x0  }
0x329: {  	s30 =	simm.s32 $0x14F80;
	[sflag:s25] =	ssyncadd.s32 $0xFFFFCE00  }
0x32a: {  	[spmem:s4] =	stream.indirect.scatter.add.f32 [tilespmem:s19], [sflag:$0x4], $0x80, s30, s14, $0xb8;
	[tilespmem:$0x1F480] =	vst v63  }
0x32b: {  	_ =	swait.ge [sflag:s11], $0x3200  }
0x32c: {  	[sflag:s11] =	ssyncset.done $0x0  }
0x32d: {  	s31 =	simm.s32 $0x14100;
	[sflag:s11] =	ssyncadd.s32 $0xFFFFCE00  }
0x32e: {  	[tilespmem:s19], [sflag:$0x3] =	stream.indirect.gather [hbm4b:s12+s14], $0x80, s31, s14, $0xb8;
	[tilespmem:$0x1F480] =	vst v63  }
0x32f: {  	_ =	swait.ge [sflag:s20], $0x3200  }
0x330: {  	[sflag:s20] =	ssyncset.done $0x0  }
0x331: {  	s7 =	simm.s32 $0x15000;
	[sflag:s20] =	ssyncadd.s32 $0xFFFFCE00  }
0x332: {  	[spmem:s4] =	stream.indirect.scatter.add.f32 [tilespmem:s15], [sflag:$0x4], $0x80, s7, s14, $0xb8;
	[tilespmem:$0x1F480] =	vst v63  }
0x333: {  	_ =	swait.ge [sflag:s11], $0x3200  }
0x334: {  	[sflag:s11] =	ssyncset.done $0x0  }
0x335: {  	s9 =	simm.s32 $0x14180;
	[sflag:s11] =	ssyncadd.s32 $0xFFFFCE00  }
0x336: {  	[tilespmem:s15], [sflag:$0x1] =	stream.indirect.gather [hbm4b:s12+s14], $0x80, s9, s14, $0xb8;
	[tilespmem:$0x1F480] =	vst v63  }
0x337: {  	_ =	swait.ge [sflag:s22], $0x3200  }
0x338: {  	[sflag:s22] =	ssyncset.done $0x0  }
0x339: {  	s10 =	simm.s32 $0x15080;
	[sflag:s22] =	ssyncadd.s32 $0xFFFFCE00  }
0x33a: {  	[spmem:s4] =	stream.indirect.scatter.add.f32 [tilespmem:s17], [sflag:$0x4], $0x80, s10, s14, $0xb8;
	[tilespmem:$0x1F480] =	vst v63  }
0x33b: {  	_ =	swait.ge [sflag:s11], $0x3200  }
0x33c: {  	[sflag:s11] =	ssyncset.done $0x0  }
0x33d: {  	s13 =	simm.s32 $0x14200;
	[sflag:s11] =	ssyncadd.s32 $0xFFFFCE00  }
0x33e: {  	[tilespmem:s17], [sflag:$0x2] =	stream.indirect.gather [hbm4b:s12+s14], $0x80, s13, s14, $0xb8;
	[tilespmem:$0x1F480] =	vst v63  }
0x33f: {  	_ =	swait.ge [sflag:s25], $0x3200  }
0x340: {  	[sflag:s25] =	ssyncset.done $0x0  }
0x341: {  	s16 =	simm.s32 $0x15100;
	[sflag:s25] =	ssyncadd.s32 $0xFFFFCE00  }
0x342: {  	[spmem:s4] =	stream.indirect.scatter.add.f32 [tilespmem:s19], [sflag:$0x4], $0x80, s16, s14, $0xb8;
	[tilespmem:$0x1F480] =	vst v63  }
0x343: {  	_ =	swait.ge [sflag:s11], $0x3200  }
0x344: {  	[sflag:s11] =	ssyncset.done $0x0  }
0x345: {  	s18 =	simm.s32 $0x14280;
	[sflag:s11] =	ssyncadd.s32 $0xFFFFCE00  }
0x346: {  	[tilespmem:s19], [sflag:$0x3] =	stream.indirect.gather [hbm4b:s12+s14], $0x80, s18, s14, $0xb8;
	[tilespmem:$0x1F480] =	vst v63  }
0x347: {  	_ =	swait.ge [sflag:s20], $0x3200  }
0x348: {  	[sflag:s20] =	ssyncset.done $0x0  }
0x349: {  	s21 =	simm.s32 $0x15180;
	[sflag:s20] =	ssyncadd.s32 $0xFFFFCE00  }
0x34a: {  	[spmem:s4] =	stream.indirect.scatter.add.f32 [tilespmem:s15], [sflag:$0x4], $0x80, s21, s14, $0xb8;
	[tilespmem:$0x1F480] =	vst v63  }
0x34b: {  	_ =	swait.ge [sflag:s11], $0x3200  }
0x34c: {  	[sflag:s11] =	ssyncset.done $0x0  }
0x34d: {  	s24 =	simm.s32 $0x14300;
	[sflag:s11] =	ssyncadd.s32 $0xFFFFCE00  }
0x34e: {  	[tilespmem:s15], [sflag:$0x1] =	stream.indirect.gather [hbm4b:s12+s14], $0x80, s24, s14, $0xb8;
	[tilespmem:$0x1F480] =	vst v63  }
0x34f: {  	_ =	swait.ge [sflag:s22], $0x3200  }
0x350: {  	[sflag:s22] =	ssyncset.done $0x0  }
0x351: {  	s26 =	simm.s32 $0x15200;
	[sflag:s22] =	ssyncadd.s32 $0xFFFFCE00  }
0x352: {  	[spmem:s4] =	stream.indirect.scatter.add.f32 [tilespmem:s17], [sflag:$0x4], $0x80, s26, s14, $0xb8;
	[tilespmem:$0x1F480] =	vst v63  }
0x353: {  	_ =	swait.ge [sflag:s11], $0x3200  }
0x354: {  	[sflag:s11] =	ssyncset.done $0x0  }
0x355: {  	s28 =	simm.s32 $0x14380;
	[sflag:s11] =	ssyncadd.s32 $0xFFFFCE00  }
0x356: {  	[tilespmem:s17], [sflag:$0x2] =	stream.indirect.gather [hbm4b:s12+s14], $0x80, s28, s14, $0xb8;
	[tilespmem:$0x1F480] =	vst v63  }
0x357: {  	_ =	swait.ge [sflag:s25], $0x3200  }
0x358: {  	[sflag:s25] =	ssyncset.done $0x0  }
0x359: {  	s29 =	simm.s32 $0x15280;
	[sflag:s25] =	ssyncadd.s32 $0xFFFFCE00  }
0x35a: {  	[spmem:s4] =	stream.indirect.scatter.add.f32 [tilespmem:s19], [sflag:$0x4], $0x80, s29, s14, $0xb8;
	[tilespmem:$0x1F480] =	vst v63  }
0x35b: {  	_ =	swait.ge [sflag:s11], $0x3200  }
0x35c: {  	[sflag:s11] =	ssyncset.done $0x0  }
0x35d: {  	s30 =	simm.s32 $0x14400;
	[sflag:s11] =	ssyncadd.s32 $0xFFFFCE00  }
0x35e: {  	[tilespmem:s19], [sflag:$0x3] =	stream.indirect.gather [hbm4b:s12+s14], $0x80, s30, s14, $0xb8;
	[tilespmem:$0x1F480] =	vst v63  }
0x35f: {  	_ =	swait.ge [sflag:s20], $0x3200  }
0x360: {  	[sflag:s20] =	ssyncset.done $0x0  }
0x361: {  	s31 =	simm.s32 $0x15300;
	[sflag:s20] =	ssyncadd.s32 $0xFFFFCE00  }
0x362: {  	[spmem:s4] =	stream.indirect.scatter.add.f32 [tilespmem:s15], [sflag:$0x4], $0x80, s31, s14, $0xb8;
	[tilespmem:$0x1F480] =	vst v63  }
0x363: {  	_ =	swait.ge [sflag:s11], $0x3200  }
0x364: {  	[sflag:s11] =	ssyncset.done $0x0  }
0x365: {  	s3 =	simm.s32 $0x14480;
	[sflag:s11] =	ssyncadd.s32 $0xFFFFCE00  }
0x366: {  	[tilespmem:s15], [sflag:$0x1] =	stream.indirect.gather [hbm4b:s12+s14], $0x80, s3, s14, $0xb8;
	[tilespmem:$0x1F480] =	vst v63  }
0x367: {  	_ =	swait.ge [sflag:s22], $0x3200  }
0x368: {  	[sflag:s22] =	ssyncset.done $0x0  }
0x369: {  	s5 =	simm.s32 $0x15380;
	[sflag:s22] =	ssyncadd.s32 $0xFFFFCE00  }
0x36a: {  	[spmem:s4] =	stream.indirect.scatter.add.f32 [tilespmem:s17], [sflag:$0x4], $0x80, s5, s14, $0xb8;
	[tilespmem:$0x1F480] =	vst v63  }
0x36b: {  	_ =	swait.ge [sflag:s11], $0x3200  }
0x36c: {  	[sflag:s11] =	ssyncset.done $0x0  }
0x36d: {  	[sflag:s11] =	ssyncadd.s32 $0xFFFFCE00  }
0x36e: {  	_ =	swait.ge [sflag:s25], $0x3200  }
0x36f: {  	[sflag:s25] =	ssyncset.done $0x0  }
0x370: {  	s6 =	simm.s32 $0x15400;
	[sflag:s25] =	ssyncadd.s32 $0xFFFFCE00  }
0x371: {  	[spmem:s4] =	stream.indirect.scatter.add.f32 [tilespmem:s19], [sflag:$0x4], $0x80, s6, s14, $0xb8;
	[tilespmem:$0x1F480] =	vst v63  }
0x372: {  	_ =	swait.ge [sflag:s11], $0x3200  }
0x373: {  	[sflag:s11] =	ssyncset.done $0x0  }
0x374: {  	[sflag:s11] =	ssyncadd.s32 $0xFFFFCE00  }
0x375: {  	_ =	swait.ge [sflag:s20], $0x3200  }
0x376: {  	[sflag:s20] =	ssyncset.done $0x0  }
0x377: {  	s7 =	simm.s32 $0x15480;
	[sflag:s20] =	ssyncadd.s32 $0xFFFFCE00  }
0x378: {  	[spmem:s4] =	stream.indirect.scatter.add.f32 [tilespmem:s15], [sflag:$0x4], $0x80, s7, s14, $0xb8;
	[tilespmem:$0x1F480] =	vst v63  }
0x379: {  	_ =	swait.ge [sflag:s11], $0x3200  }
0x37a: {  	[sflag:s11] =	ssyncset.done $0x0  }
0x37b: {  	[sflag:s11] =	ssyncadd.s32 $0xFFFFCE00  }
0x37c: {  	[bflag:$0x0] =	sbarrier.arrive $0xFFFF  }
0x37d: {  	s10 =	sld [smem:$0x7FC]  }
0x37e: {  	s9 =	rddreg [dreg:$0xf]  }
0x37f: {  	s13 =	rddreg [dreg:$0x1f]  }
0x380: {  	[hbm:s9], [sflag:s13] =	dma.local [spmem:s10], $0x2700  }
0x381: {  	_ =	swait.ge [sflag:s11], $0x2700  }
0x382: {  	[sflag:s11] =	ssyncset.done $0x0;
	s6 =	rddreg [dreg:$0x1c]  }
0x383: {  	s5 =	rddreg [dreg:$0x1b];
	[sflag:s11] =	ssyncadd.s32 $0xFFFFD900;
	s28 =	sshrl.u32 @p0 s6, $0x3  }
0x384: {  	[spmem:s28], [sflag:s13] =	dma.local @p0 [hbm:s5], $0x2700  }
0x385: {  	s28 =	simm.s32 @p0 $0x4  }
0x386: {  	_ =	swait.ge @p0 [sflag:s28], $0x2700  }
0x387: {  	s0 =	sld [smem:$0x7FD]  }
0x388: {  	[sflag:s28] =	ssyncset.done @p0 $0x0  }
0x389: {  	s3 =	simm.s32 @!p0 $0x4;
	s29 =	rddreg [dreg:$0x10];
	[sflag:s28] =	ssyncadd.s32 @p0 $0xFFFFD900  }
0x38a: {  	[hbm:s29], [sflag:s13] =	dma.local @!p0 [spmem:s0], $0x100  }
0x38b: {  	_ =	swait.ge @!p0 [sflag:s3], $0x100  }
0x38c: {  	[sflag:s3] =	ssyncset.done @!p0 $0x0  }
0x38d: {  	s28 =	sshrl.u32 @!p0 s6, $0x3;
	[sflag:s3] =	ssyncadd.s32 @!p0 $0xFFFFFF00  }
0x38e: {  	[spmem:s28], [sflag:s13] =	dma.local @!p0 [hbm:s5], $0x2700  }
0x38f: {  	_ =	swait.ge @!p0 [sflag:s3], $0x2700  }
0x390: {  	[sflag:s3] =	ssyncset.done @!p0 $0x0  }
0x391: {  	s5 =	rddreg [dreg:$0x1d];
	[sflag:s3] =	ssyncadd.s32 @!p0 $0xFFFFD900  }
0x392: {  	[spmem:s0], [sflag:s13] =	dma.local @!p0 [hbm:s5], $0x100  }
0x393: {  	_ =	swait.ge @!p0 [sflag:s3], $0x100  }
0x394: {  	[sflag:s3] =	ssyncset.done @!p0 $0x0  }
0x395: {  	[sflag:s3] =	ssyncadd.s32 @!p0 $0xFFFFFF00  }
0x396: {  	[bflag:$0x0] =	sbarrier.arrive $0xFFFF  }
0x397: {  	s18 =	simm.s32 $0x13880;
	s21 =	simm.s32 $0x0;
	s16 =	rddreg [dreg:$0x11]  }
0x398: {  	[tilespmem:s18], [sflag:$0x4] =	stream.linear.gather [hbm4b:s16+s21], $0xC80, $0x38;
	[tilespmem:$0x1F480] =	vst v63  }
0x399: {  	_ =	swait.ge [sflag:s11], $0xC80  }
0x39a: {  	[sflag:s11] =	ssyncset.done $0x0  }
0x39b: {  	s26 =	simm.s32 $0x14880;
	s24 =	rddreg [dreg:$0x12];
	[sflag:s11] =	ssyncadd.s32 $0xFFFFF380  }
0x39c: {  	[tilespmem:s26], [sflag:$0x4] =	stream.linear.gather [hbm4b:s24+s21], $0xC80, $0x38;
	[tilespmem:$0x1F480] =	vst v63  }
0x39d: {  	_ =	swait.ge [sflag:s11], $0xC80  }
0x39e: {  	[sflag:s11] =	ssyncset.done $0x0  }
0x39f: {  	[sflag:s11] =	ssyncadd.s32 $0xFFFFF380  }
0x3a0: {  	[tilespmem:s15], [sflag:$0x1] =	stream.indirect.gather [hbm4b:s2+s14], $0x80, s18, s14, $0xb8;
	[tilespmem:$0x1F480] =	vst v63  }
0x3a1: {  	s6 =	simm.s32 $0x13900  }
0x3a2: {  	[tilespmem:s17], [sflag:$0x2] =	stream.indirect.gather [hbm4b:s2+s14], $0x80, s6, s14, $0xb8;
	[tilespmem:$0x1F480] =	vst v63  }
0x3a3: {  	s28 =	simm.s32 $0x13980  }
0x3a4: {  	[tilespmem:s19], [sflag:$0x3] =	stream.indirect.gather [hbm4b:s2+s14], $0x80, s28, s14, $0xb8;
	[tilespmem:$0x1F480] =	vst v63  }
0x3a5: {  	_ =	swait.ge [sflag:s20], $0x3200  }
0x3a6: {  	[sflag:s20] =	ssyncset.done $0x0  }
0x3a7: {  	[sflag:s20] =	ssyncadd.s32 $0xFFFFCE00  }
0x3a8: {  	[spmem:s4] =	stream.indirect.scatter.add.f32 [tilespmem:s15], [sflag:$0x4], $0x80, s26, s14, $0xb8;
	[tilespmem:$0x1F480] =	vst v63  }
0x3a9: {  	_ =	swait.ge [sflag:s11], $0x3200  }
0x3aa: {  	[sflag:s11] =	ssyncset.done $0x0  }
0x3ab: {  	s29 =	simm.s32 $0x13A00;
	[sflag:s11] =	ssyncadd.s32 $0xFFFFCE00  }
0x3ac: {  	[tilespmem:s15], [sflag:$0x1] =	stream.indirect.gather [hbm4b:s2+s14], $0x80, s29, s14, $0xb8;
	[tilespmem:$0x1F480] =	vst v63  }
0x3ad: {  	_ =	swait.ge [sflag:s22], $0x3200  }
0x3ae: {  	[sflag:s22] =	ssyncset.done $0x0  }
0x3af: {  	s30 =	simm.s32 $0x14900;
	[sflag:s22] =	ssyncadd.s32 $0xFFFFCE00  }
0x3b0: {  	[spmem:s4] =	stream.indirect.scatter.add.f32 [tilespmem:s17], [sflag:$0x4], $0x80, s30, s14, $0xb8;
	[tilespmem:$0x1F480] =	vst v63  }
0x3b1: {  	_ =	swait.ge [sflag:s11], $0x3200  }
0x3b2: {  	[sflag:s11] =	ssyncset.done $0x0  }
0x3b3: {  	s31 =	simm.s32 $0x13A80;
	[sflag:s11] =	ssyncadd.s32 $0xFFFFCE00  }
0x3b4: {  	[tilespmem:s17], [sflag:$0x2] =	stream.indirect.gather [hbm4b:s2+s14], $0x80, s31, s14, $0xb8;
	[tilespmem:$0x1F480] =	vst v63  }
0x3b5: {  	_ =	swait.ge [sflag:s25], $0x3200  }
0x3b6: {  	[sflag:s25] =	ssyncset.done $0x0  }
0x3b7: {  	s5 =	simm.s32 $0x14980;
	[sflag:s25] =	ssyncadd.s32 $0xFFFFCE00  }
0x3b8: {  	[spmem:s4] =	stream.indirect.scatter.add.f32 [tilespmem:s19], [sflag:$0x4], $0x80, s5, s14, $0xb8;
	[tilespmem:$0x1F480] =	vst v63  }
0x3b9: {  	_ =	swait.ge [sflag:s11], $0x3200  }
0x3ba: {  	[sflag:s11] =	ssyncset.done $0x0  }
0x3bb: {  	s7 =	simm.s32 $0x13B00;
	[sflag:s11] =	ssyncadd.s32 $0xFFFFCE00  }
0x3bc: {  	[tilespmem:s19], [sflag:$0x3] =	stream.indirect.gather [hbm4b:s2+s14], $0x80, s7, s14, $0xb8;
	[tilespmem:$0x1F480] =	vst v63  }
0x3bd: {  	_ =	swait.ge [sflag:s20], $0x3200  }
0x3be: {  	[sflag:s20] =	ssyncset.done $0x0  }
0x3bf: {  	s9 =	simm.s32 $0x14A00;
	[sflag:s20] =	ssyncadd.s32 $0xFFFFCE00  }
0x3c0: {  	[spmem:s4] =	stream.indirect.scatter.add.f32 [tilespmem:s15], [sflag:$0x4], $0x80, s9, s14, $0xb8;
	[tilespmem:$0x1F480] =	vst v63  }
0x3c1: {  	_ =	swait.ge [sflag:s11], $0x3200  }
0x3c2: {  	[sflag:s11] =	ssyncset.done $0x0  }
0x3c3: {  	s10 =	simm.s32 $0x13B80;
	[sflag:s11] =	ssyncadd.s32 $0xFFFFCE00  }
0x3c4: {  	[tilespmem:s15], [sflag:$0x1] =	stream.indirect.gather [hbm4b:s2+s14], $0x80, s10, s14, $0xb8;
	[tilespmem:$0x1F480] =	vst v63  }
0x3c5: {  	_ =	swait.ge [sflag:s22], $0x3200  }
0x3c6: {  	[sflag:s22] =	ssyncset.done $0x0  }
0x3c7: {  	s7 =	simm.s32 $0x14A80;
	[sflag:s22] =	ssyncadd.s32 $0xFFFFCE00  }
0x3c8: {  	[spmem:s4] =	stream.indirect.scatter.add.f32 [tilespmem:s17], [sflag:$0x4], $0x80, s7, s14, $0xb8;
	[tilespmem:$0x1F480] =	vst v63  }
0x3c9: {  	_ =	swait.ge [sflag:s11], $0x3200  }
0x3ca: {  	[sflag:s11] =	ssyncset.done $0x0  }
0x3cb: {  	s9 =	simm.s32 $0x13C00;
	[sflag:s11] =	ssyncadd.s32 $0xFFFFCE00  }
0x3cc: {  	[tilespmem:s17], [sflag:$0x2] =	stream.indirect.gather [hbm4b:s2+s14], $0x80, s9, s14, $0xb8;
	[tilespmem:$0x1F480] =	vst v63  }
0x3cd: {  	_ =	swait.ge [sflag:s25], $0x3200  }
0x3ce: {  	[sflag:s25] =	ssyncset.done $0x0  }
0x3cf: {  	s16 =	simm.s32 $0x14B00;
	[sflag:s25] =	ssyncadd.s32 $0xFFFFCE00  }
0x3d0: {  	[spmem:s4] =	stream.indirect.scatter.add.f32 [tilespmem:s19], [sflag:$0x4], $0x80, s16, s14, $0xb8;
	[tilespmem:$0x1F480] =	vst v63  }
0x3d1: {  	_ =	swait.ge [sflag:s11], $0x3200  }
0x3d2: {  	[sflag:s11] =	ssyncset.done $0x0  }
0x3d3: {  	s18 =	simm.s32 $0x13C80;
	[sflag:s11] =	ssyncadd.s32 $0xFFFFCE00  }
0x3d4: {  	[tilespmem:s19], [sflag:$0x3] =	stream.indirect.gather [hbm4b:s2+s14], $0x80, s18, s14, $0xb8;
	[tilespmem:$0x1F480] =	vst v63  }
0x3d5: {  	_ =	swait.ge [sflag:s20], $0x3200  }
0x3d6: {  	[sflag:s20] =	ssyncset.done $0x0  }
0x3d7: {  	s21 =	simm.s32 $0x14B80;
	[sflag:s20] =	ssyncadd.s32 $0xFFFFCE00  }
0x3d8: {  	[spmem:s4] =	stream.indirect.scatter.add.f32 [tilespmem:s15], [sflag:$0x4], $0x80, s21, s14, $0xb8;
	[tilespmem:$0x1F480] =	vst v63  }
0x3d9: {  	_ =	swait.ge [sflag:s11], $0x3200  }
0x3da: {  	[sflag:s11] =	ssyncset.done $0x0  }
0x3db: {  	s24 =	simm.s32 $0x13D00;
	[sflag:s11] =	ssyncadd.s32 $0xFFFFCE00  }
0x3dc: {  	[tilespmem:s15], [sflag:$0x1] =	stream.indirect.gather [hbm4b:s2+s14], $0x80, s24, s14, $0xb8;
	[tilespmem:$0x1F480] =	vst v63  }
0x3dd: {  	_ =	swait.ge [sflag:s22], $0x3200  }
0x3de: {  	[sflag:s22] =	ssyncset.done $0x0  }
0x3df: {  	s26 =	simm.s32 $0x14C00;
	[sflag:s22] =	ssyncadd.s32 $0xFFFFCE00  }
0x3e0: {  	[spmem:s4] =	stream.indirect.scatter.add.f32 [tilespmem:s17], [sflag:$0x4], $0x80, s26, s14, $0xb8;
	[tilespmem:$0x1F480] =	vst v63  }
0x3e1: {  	_ =	swait.ge [sflag:s11], $0x3200  }
0x3e2: {  	[sflag:s11] =	ssyncset.done $0x0  }
0x3e3: {  	s29 =	simm.s32 $0x13D80;
	[sflag:s11] =	ssyncadd.s32 $0xFFFFCE00  }
0x3e4: {  	[tilespmem:s17], [sflag:$0x2] =	stream.indirect.gather [hbm4b:s2+s14], $0x80, s29, s14, $0xb8;
	[tilespmem:$0x1F480] =	vst v63  }
0x3e5: {  	_ =	swait.ge [sflag:s25], $0x3200  }
0x3e6: {  	[sflag:s25] =	ssyncset.done $0x0  }
0x3e7: {  	s8 =	simm.s32 $0x14C80;
	[sflag:s25] =	ssyncadd.s32 $0xFFFFCE00  }
0x3e8: {  	[spmem:s4] =	stream.indirect.scatter.add.f32 [tilespmem:s19], [sflag:$0x4], $0x80, s8, s14, $0xb8;
	[tilespmem:$0x1F480] =	vst v63  }
0x3e9: {  	_ =	swait.ge [sflag:s11], $0x3200  }
0x3ea: {  	[sflag:s11] =	ssyncset.done $0x0  }
0x3eb: {  	s30 =	simm.s32 $0x13E00;
	[sflag:s11] =	ssyncadd.s32 $0xFFFFCE00  }
0x3ec: {  	[tilespmem:s19], [sflag:$0x3] =	stream.indirect.gather [hbm4b:s2+s14], $0x80, s30, s14, $0xb8;
	[tilespmem:$0x1F480] =	vst v63  }
0x3ed: {  	_ =	swait.ge [sflag:s20], $0x3200  }
0x3ee: {  	[sflag:s20] =	ssyncset.done $0x0  }
0x3ef: {  	s31 =	simm.s32 $0x14D00;
	[sflag:s20] =	ssyncadd.s32 $0xFFFFCE00  }
0x3f0: {  	[spmem:s4] =	stream.indirect.scatter.add.f32 [tilespmem:s15], [sflag:$0x4], $0x80, s31, s14, $0xb8;
	[tilespmem:$0x1F480] =	vst v63  }
0x3f1: {  	_ =	swait.ge [sflag:s11], $0x3200  }
0x3f2: {  	[sflag:s11] =	ssyncset.done $0x0  }
0x3f3: {  	s13 =	simm.s32 $0x13E80;
	[sflag:s11] =	ssyncadd.s32 $0xFFFFCE00  }
0x3f4: {  	[tilespmem:s15], [sflag:$0x1] =	stream.indirect.gather [hbm4b:s2+s14], $0x80, s13, s14, $0xb8;
	[tilespmem:$0x1F480] =	vst v63  }
0x3f5: {  	_ =	swait.ge [sflag:s22], $0x3200  }
0x3f6: {  	[sflag:s22] =	ssyncset.done $0x0  }
0x3f7: {  	s10 =	simm.s32 $0x14D80;
	[sflag:s22] =	ssyncadd.s32 $0xFFFFCE00  }
0x3f8: {  	[spmem:s4] =	stream.indirect.scatter.add.f32 [tilespmem:s17], [sflag:$0x4], $0x80, s10, s14, $0xb8;
	[tilespmem:$0x1F480] =	vst v63  }
0x3f9: {  	_ =	swait.ge [sflag:s11], $0x3200  }
0x3fa: {  	[sflag:s11] =	ssyncset.done $0x0  }
0x3fb: {  	s1 =	simm.s32 $0x13F00;
	[sflag:s11] =	ssyncadd.s32 $0xFFFFCE00  }
0x3fc: {  	[tilespmem:s17], [sflag:$0x2] =	stream.indirect.gather [hbm4b:s2+s14], $0x80, s1, s14, $0xb8;
	[tilespmem:$0x1F480] =	vst v63  }
0x3fd: {  	_ =	swait.ge [sflag:s25], $0x3200  }
0x3fe: {  	[sflag:s25] =	ssyncset.done $0x0  }
0x3ff: {  	s5 =	simm.s32 $0x14E00;
	[sflag:s25] =	ssyncadd.s32 $0xFFFFCE00  }
0x400: {  	[spmem:s4] =	stream.indirect.scatter.add.f32 [tilespmem:s19], [sflag:$0x4], $0x80, s5, s14, $0xb8;
	[tilespmem:$0x1F480] =	vst v63  }
0x401: {  	_ =	swait.ge [sflag:s11], $0x3200  }
0x402: {  	[sflag:s11] =	ssyncset.done $0x0  }
0x403: {  	s23 =	simm.s32 $0x13F80;
	[sflag:s11] =	ssyncadd.s32 $0xFFFFCE00  }
0x404: {  	[tilespmem:s19], [sflag:$0x3] =	stream.indirect.gather [hbm4b:s2+s14], $0x80, s23, s14, $0xb8;
	[tilespmem:$0x1F480] =	vst v63  }
0x405: {  	_ =	swait.ge [sflag:s20], $0x3200  }
0x406: {  	[sflag:s20] =	ssyncset.done $0x0  }
0x407: {  	s8 =	simm.s32 $0x14E80;
	[sflag:s20] =	ssyncadd.s32 $0xFFFFCE00  }
0x408: {  	[spmem:s4] =	stream.indirect.scatter.add.f32 [tilespmem:s15], [sflag:$0x4], $0x80, s8, s14, $0xb8;
	[tilespmem:$0x1F480] =	vst v63  }
0x409: {  	_ =	swait.ge [sflag:s11], $0x3200  }
0x40a: {  	[sflag:s11] =	ssyncset.done $0x0  }
0x40b: {  	s28 =	simm.s32 $0x14000;
	[sflag:s11] =	ssyncadd.s32 $0xFFFFCE00  }
0x40c: {  	[tilespmem:s15], [sflag:$0x1] =	stream.indirect.gather [hbm4b:s2+s14], $0x80, s28, s14, $0xb8;
	[tilespmem:$0x1F480] =	vst v63  }
0x40d: {  	_ =	swait.ge [sflag:s22], $0x3200  }
0x40e: {  	[sflag:s22] =	ssyncset.done $0x0  }
0x40f: {  	s13 =	simm.s32 $0x14F00;
	[sflag:s22] =	ssyncadd.s32 $0xFFFFCE00  }
0x410: {  	[spmem:s4] =	stream.indirect.scatter.add.f32 [tilespmem:s17], [sflag:$0x4], $0x80, s13, s14, $0xb8;
	[tilespmem:$0x1F480] =	vst v63  }
0x411: {  	_ =	swait.ge [sflag:s11], $0x3200  }
0x412: {  	[sflag:s11] =	ssyncset.done $0x0  }
0x413: {  	s23 =	simm.s32 $0x14080;
	[sflag:s11] =	ssyncadd.s32 $0xFFFFCE00  }
0x414: {  	[tilespmem:s17], [sflag:$0x2] =	stream.indirect.gather [hbm4b:s2+s14], $0x80, s23, s14, $0xb8;
	[tilespmem:$0x1F480] =	vst v63  }
0x415: {  	_ =	swait.ge [sflag:s25], $0x3200  }
0x416: {  	[sflag:s25] =	ssyncset.done $0x0  }
0x417: {  	s1 =	simm.s32 $0x14F80;
	[sflag:s25] =	ssyncadd.s32 $0xFFFFCE00  }
0x418: {  	[spmem:s4] =	stream.indirect.scatter.add.f32 [tilespmem:s19], [sflag:$0x4], $0x80, s1, s14, $0xb8;
	[tilespmem:$0x1F480] =	vst v63  }
0x419: {  	_ =	swait.ge [sflag:s11], $0x3200  }
0x41a: {  	[sflag:s11] =	ssyncset.done $0x0  }
0x41b: {  	s28 =	simm.s32 $0x14100;
	[sflag:s11] =	ssyncadd.s32 $0xFFFFCE00  }
0x41c: {  	[tilespmem:s19], [sflag:$0x3] =	stream.indirect.gather [hbm4b:s2+s14], $0x80, s28, s14, $0xb8;
	[tilespmem:$0x1F480] =	vst v63  }
0x41d: {  	_ =	swait.ge [sflag:s20], $0x3200  }
0x41e: {  	[sflag:s20] =	ssyncset.done $0x0  }
0x41f: {  	s1 =	simm.s32 $0x15000;
	[sflag:s20] =	ssyncadd.s32 $0xFFFFCE00  }
0x420: {  	[spmem:s4] =	stream.indirect.scatter.add.f32 [tilespmem:s15], [sflag:$0x4], $0x80, s1, s14, $0xb8;
	[tilespmem:$0x1F480] =	vst v63  }
0x421: {  	_ =	swait.ge [sflag:s11], $0x3200  }
0x422: {  	[sflag:s11] =	ssyncset.done $0x0  }
0x423: {  	s28 =	simm.s32 $0x14180;
	[sflag:s11] =	ssyncadd.s32 $0xFFFFCE00  }
0x424: {  	[tilespmem:s15], [sflag:$0x1] =	stream.indirect.gather [hbm4b:s2+s14], $0x80, s28, s14, $0xb8;
	[tilespmem:$0x1F480] =	vst v63  }
0x425: {  	_ =	swait.ge [sflag:s22], $0x3200  }
0x426: {  	[sflag:s22] =	ssyncset.done $0x0  }
0x427: {  	s1 =	simm.s32 $0x15080;
	[sflag:s22] =	ssyncadd.s32 $0xFFFFCE00  }
0x428: {  	[spmem:s4] =	stream.indirect.scatter.add.f32 [tilespmem:s17], [sflag:$0x4], $0x80, s1, s14, $0xb8;
	[tilespmem:$0x1F480] =	vst v63  }
0x429: {  	_ =	swait.ge [sflag:s11], $0x3200  }
0x42a: {  	[sflag:s11] =	ssyncset.done $0x0  }
0x42b: {  	s28 =	simm.s32 $0x14200;
	[sflag:s11] =	ssyncadd.s32 $0xFFFFCE00  }
0x42c: {  	[tilespmem:s17], [sflag:$0x2] =	stream.indirect.gather [hbm4b:s2+s14], $0x80, s28, s14, $0xb8;
	[tilespmem:$0x1F480] =	vst v63  }
0x42d: {  	_ =	swait.ge [sflag:s25], $0x3200  }
0x42e: {  	[sflag:s25] =	ssyncset.done $0x0  }
0x42f: {  	s1 =	simm.s32 $0x15100;
	[sflag:s25] =	ssyncadd.s32 $0xFFFFCE00  }
0x430: {  	[spmem:s4] =	stream.indirect.scatter.add.f32 [tilespmem:s19], [sflag:$0x4], $0x80, s1, s14, $0xb8;
	[tilespmem:$0x1F480] =	vst v63  }
0x431: {  	_ =	swait.ge [sflag:s11], $0x3200  }
0x432: {  	[sflag:s11] =	ssyncset.done $0x0  }
0x433: {  	s28 =	simm.s32 $0x14280;
	[sflag:s11] =	ssyncadd.s32 $0xFFFFCE00  }
0x434: {  	[tilespmem:s19], [sflag:$0x3] =	stream.indirect.gather [hbm4b:s2+s14], $0x80, s28, s14, $0xb8;
	[tilespmem:$0x1F480] =	vst v63  }
0x435: {  	_ =	swait.ge [sflag:s20], $0x3200  }
0x436: {  	[sflag:s20] =	ssyncset.done $0x0  }
0x437: {  	s1 =	simm.s32 $0x15180;
	[sflag:s20] =	ssyncadd.s32 $0xFFFFCE00  }
0x438: {  	[spmem:s4] =	stream.indirect.scatter.add.f32 [tilespmem:s15], [sflag:$0x4], $0x80, s1, s14, $0xb8;
	[tilespmem:$0x1F480] =	vst v63  }
0x439: {  	_ =	swait.ge [sflag:s11], $0x3200  }
0x43a: {  	[sflag:s11] =	ssyncset.done $0x0  }
0x43b: {  	s28 =	simm.s32 $0x14300;
	[sflag:s11] =	ssyncadd.s32 $0xFFFFCE00  }
0x43c: {  	[tilespmem:s15], [sflag:$0x1] =	stream.indirect.gather [hbm4b:s2+s14], $0x80, s28, s14, $0xb8;
	[tilespmem:$0x1F480] =	vst v63  }
0x43d: {  	_ =	swait.ge [sflag:s22], $0x3200  }
0x43e: {  	[sflag:s22] =	ssyncset.done $0x0  }
0x43f: {  	s1 =	simm.s32 $0x15200;
	[sflag:s22] =	ssyncadd.s32 $0xFFFFCE00  }
0x440: {  	[spmem:s4] =	stream.indirect.scatter.add.f32 [tilespmem:s17], [sflag:$0x4], $0x80, s1, s14, $0xb8;
	[tilespmem:$0x1F480] =	vst v63  }
0x441: {  	_ =	swait.ge [sflag:s11], $0x3200  }
0x442: {  	[sflag:s11] =	ssyncset.done $0x0  }
0x443: {  	s28 =	simm.s32 $0x14380;
	[sflag:s11] =	ssyncadd.s32 $0xFFFFCE00  }
0x444: {  	[tilespmem:s17], [sflag:$0x2] =	stream.indirect.gather [hbm4b:s2+s14], $0x80, s28, s14, $0xb8;
	[tilespmem:$0x1F480] =	vst v63  }
0x445: {  	_ =	swait.ge [sflag:s25], $0x3200  }
0x446: {  	[sflag:s25] =	ssyncset.done $0x0  }
0x447: {  	s1 =	simm.s32 $0x15280;
	[sflag:s25] =	ssyncadd.s32 $0xFFFFCE00  }
0x448: {  	[spmem:s4] =	stream.indirect.scatter.add.f32 [tilespmem:s19], [sflag:$0x4], $0x80, s1, s14, $0xb8;
	[tilespmem:$0x1F480] =	vst v63  }
0x449: {  	_ =	swait.ge [sflag:s11], $0x3200  }
0x44a: {  	[sflag:s11] =	ssyncset.done $0x0  }
0x44b: {  	s28 =	simm.s32 $0x14400;
	[sflag:s11] =	ssyncadd.s32 $0xFFFFCE00  }
0x44c: {  	[tilespmem:s19], [sflag:$0x3] =	stream.indirect.gather [hbm4b:s2+s14], $0x80, s28, s14, $0xb8;
	[tilespmem:$0x1F480] =	vst v63  }
0x44d: {  	_ =	swait.ge [sflag:s20], $0x3200  }
0x44e: {  	[sflag:s20] =	ssyncset.done $0x0  }
0x44f: {  	s1 =	simm.s32 $0x15300;
	[sflag:s20] =	ssyncadd.s32 $0xFFFFCE00  }
0x450: {  	[spmem:s4] =	stream.indirect.scatter.add.f32 [tilespmem:s15], [sflag:$0x4], $0x80, s1, s14, $0xb8;
	[tilespmem:$0x1F480] =	vst v63  }
0x451: {  	_ =	swait.ge [sflag:s11], $0x3200  }
0x452: {  	[sflag:s11] =	ssyncset.done $0x0  }
0x453: {  	s28 =	simm.s32 $0x14480;
	[sflag:s11] =	ssyncadd.s32 $0xFFFFCE00  }
0x454: {  	[tilespmem:s15], [sflag:$0x1] =	stream.indirect.gather [hbm4b:s2+s14], $0x80, s28, s14, $0xb8;
	[tilespmem:$0x1F480] =	vst v63  }
0x455: {  	_ =	swait.ge [sflag:s22], $0x3200  }
0x456: {  	[sflag:s22] =	ssyncset.done $0x0  }
0x457: {  	s1 =	simm.s32 $0x15380;
	[sflag:s22] =	ssyncadd.s32 $0xFFFFCE00  }
0x458: {  	[spmem:s4] =	stream.indirect.scatter.add.f32 [tilespmem:s17], [sflag:$0x4], $0x80, s1, s14, $0xb8;
	[tilespmem:$0x1F480] =	vst v63  }
0x459: {  	_ =	swait.ge [sflag:s11], $0x3200  }
0x45a: {  	[sflag:s11] =	ssyncset.done $0x0  }
0x45b: {  	[sflag:s11] =	ssyncadd.s32 $0xFFFFCE00  }
0x45c: {  	_ =	swait.ge [sflag:s25], $0x3200  }
0x45d: {  	[sflag:s25] =	ssyncset.done $0x0  }
0x45e: {  	s28 =	simm.s32 $0x15400;
	[sflag:s25] =	ssyncadd.s32 $0xFFFFCE00  }
0x45f: {  	[spmem:s4] =	stream.indirect.scatter.add.f32 [tilespmem:s19], [sflag:$0x4], $0x80, s28, s14, $0xb8;
	[tilespmem:$0x1F480] =	vst v63  }
0x460: {  	_ =	swait.ge [sflag:s11], $0x3200  }
0x461: {  	[sflag:s11] =	ssyncset.done $0x0  }
0x462: {  	[sflag:s11] =	ssyncadd.s32 $0xFFFFCE00  }
0x463: {  	_ =	swait.ge [sflag:s20], $0x3200  }
0x464: {  	[sflag:s20] =	ssyncset.done $0x0  }
0x465: {  	s1 =	simm.s32 $0x15480;
	[sflag:s20] =	ssyncadd.s32 $0xFFFFCE00  }
0x466: {  	[spmem:s4] =	stream.indirect.scatter.add.f32 [tilespmem:s15], [sflag:$0x4], $0x80, s1, s14, $0xb8;
	[tilespmem:$0x1F480] =	vst v63  }
0x467: {  	_ =	swait.ge [sflag:s11], $0x3200  }
0x468: {  	s0 =	simm.s32 $0x13880;
	[sflag:s11] =	ssyncset.done $0x0  }
0x469: {  	s1 =	simm.s32 $0x0;
	s28 =	rddreg [dreg:$0x13];
	[sflag:s11] =	ssyncadd.s32 $0xFFFFCE00  }
0x46a: {  	[tilespmem:s0], [sflag:$0x4] =	stream.linear.gather [hbm4b:s28+s1], $0xC80, $0x38;
	[tilespmem:$0x1F480] =	vst v63  }
0x46b: {  	_ =	swait.ge [sflag:s11], $0xC80  }
0x46c: {  	[sflag:s11] =	ssyncset.done $0x0  }
0x46d: {  	s3 =	simm.s32 $0x14880;
	s28 =	rddreg [dreg:$0x14];
	[sflag:s11] =	ssyncadd.s32 $0xFFFFF380  }
0x46e: {  	[tilespmem:s3], [sflag:$0x4] =	stream.linear.gather [hbm4b:s28+s1], $0xC80, $0x38;
	[tilespmem:$0x1F480] =	vst v63  }
0x46f: {  	_ =	swait.ge [sflag:s11], $0xC80  }
0x470: {  	[sflag:s11] =	ssyncset.done $0x0  }
0x471: {  	[sflag:s11] =	ssyncadd.s32 $0xFFFFF380  }
0x472: {  	[tilespmem:s15], [sflag:$0x1] =	stream.indirect.gather [hbm4b:s2+s14], $0x80, s0, s14, $0xb8;
	[tilespmem:$0x1F480] =	vst v63  }
0x473: {  	_ = 	snop  }
0x474: {  	[tilespmem:s17], [sflag:$0x2] =	stream.indirect.gather [hbm4b:s2+s14], $0x80, s6, s14, $0xb8;
	[tilespmem:$0x1F480] =	vst v63  }
0x475: {  	s6 =	simm.s32 $0x13980  }
0x476: {  	[tilespmem:s19], [sflag:$0x3] =	stream.indirect.gather [hbm4b:s2+s14], $0x80, s6, s14, $0xb8;
	[tilespmem:$0x1F480] =	vst v63  }
0x477: {  	_ =	swait.ge [sflag:s20], $0x3200  }
0x478: {  	[sflag:s20] =	ssyncset.done $0x0  }
0x479: {  	[sflag:s20] =	ssyncadd.s32 $0xFFFFCE00  }
0x47a: {  	[spmem:s4] =	stream.indirect.scatter.add.f32 [tilespmem:s15], [sflag:$0x4], $0x80, s3, s14, $0xb8;
	[tilespmem:$0x1F480] =	vst v63  }
0x47b: {  	_ =	swait.ge [sflag:s11], $0x3200  }
0x47c: {  	[sflag:s11] =	ssyncset.done $0x0  }
0x47d: {  	s28 =	simm.s32 $0x13A00;
	[sflag:s11] =	ssyncadd.s32 $0xFFFFCE00  }
0x47e: {  	[tilespmem:s15], [sflag:$0x1] =	stream.indirect.gather [hbm4b:s2+s14], $0x80, s28, s14, $0xb8;
	[tilespmem:$0x1F480] =	vst v63  }
0x47f: {  	_ =	swait.ge [sflag:s22], $0x3200  }
0x480: {  	[sflag:s22] =	ssyncset.done $0x0  }
0x481: {  	s1 =	simm.s32 $0x14900;
	[sflag:s22] =	ssyncadd.s32 $0xFFFFCE00  }
0x482: {  	[spmem:s4] =	stream.indirect.scatter.add.f32 [tilespmem:s17], [sflag:$0x4], $0x80, s1, s14, $0xb8;
	[tilespmem:$0x1F480] =	vst v63  }
0x483: {  	_ =	swait.ge [sflag:s11], $0x3200  }
0x484: {  	[sflag:s11] =	ssyncset.done $0x0  }
0x485: {  	s3 =	simm.s32 $0x13A80;
	[sflag:s11] =	ssyncadd.s32 $0xFFFFCE00  }
0x486: {  	[tilespmem:s17], [sflag:$0x2] =	stream.indirect.gather [hbm4b:s2+s14], $0x80, s3, s14, $0xb8;
	[tilespmem:$0x1F480] =	vst v63  }
0x487: {  	_ =	swait.ge [sflag:s25], $0x3200  }
0x488: {  	[sflag:s25] =	ssyncset.done $0x0  }
0x489: {  	s28 =	simm.s32 $0x14980;
	[sflag:s25] =	ssyncadd.s32 $0xFFFFCE00  }
0x48a: {  	[spmem:s4] =	stream.indirect.scatter.add.f32 [tilespmem:s19], [sflag:$0x4], $0x80, s28, s14, $0xb8;
	[tilespmem:$0x1F480] =	vst v63  }
0x48b: {  	_ =	swait.ge [sflag:s11], $0x3200  }
0x48c: {  	[sflag:s11] =	ssyncset.done $0x0  }
0x48d: {  	s1 =	simm.s32 $0x13B00;
	[sflag:s11] =	ssyncadd.s32 $0xFFFFCE00  }
0x48e: {  	[tilespmem:s19], [sflag:$0x3] =	stream.indirect.gather [hbm4b:s2+s14], $0x80, s1, s14, $0xb8;
	[tilespmem:$0x1F480] =	vst v63  }
0x48f: {  	_ =	swait.ge [sflag:s20], $0x3200  }
0x490: {  	[sflag:s20] =	ssyncset.done $0x0  }
0x491: {  	s3 =	simm.s32 $0x14A00;
	[sflag:s20] =	ssyncadd.s32 $0xFFFFCE00  }
0x492: {  	[spmem:s4] =	stream.indirect.scatter.add.f32 [tilespmem:s15], [sflag:$0x4], $0x80, s3, s14, $0xb8;
	[tilespmem:$0x1F480] =	vst v63  }
0x493: {  	_ =	swait.ge [sflag:s11], $0x3200  }
0x494: {  	[sflag:s11] =	ssyncset.done $0x0  }
0x495: {  	s28 =	simm.s32 $0x13B80;
	[sflag:s11] =	ssyncadd.s32 $0xFFFFCE00  }
0x496: {  	[tilespmem:s15], [sflag:$0x1] =	stream.indirect.gather [hbm4b:s2+s14], $0x80, s28, s14, $0xb8;
	[tilespmem:$0x1F480] =	vst v63  }
0x497: {  	_ =	swait.ge [sflag:s22], $0x3200  }
0x498: {  	[sflag:s22] =	ssyncset.done $0x0  }
0x499: {  	[sflag:s22] =	ssyncadd.s32 $0xFFFFCE00  }
0x49a: {  	[spmem:s4] =	stream.indirect.scatter.add.f32 [tilespmem:s17], [sflag:$0x4], $0x80, s7, s14, $0xb8;
	[tilespmem:$0x1F480] =	vst v63  }
0x49b: {  	_ =	swait.ge [sflag:s11], $0x3200  }
0x49c: {  	[sflag:s11] =	ssyncset.done $0x0  }
0x49d: {  	[sflag:s11] =	ssyncadd.s32 $0xFFFFCE00  }
0x49e: {  	[tilespmem:s17], [sflag:$0x2] =	stream.indirect.gather [hbm4b:s2+s14], $0x80, s9, s14, $0xb8;
	[tilespmem:$0x1F480] =	vst v63  }
0x49f: {  	_ =	swait.ge [sflag:s25], $0x3200  }
0x4a0: {  	[sflag:s25] =	ssyncset.done $0x0  }
0x4a1: {  	[sflag:s25] =	ssyncadd.s32 $0xFFFFCE00  }
0x4a2: {  	[spmem:s4] =	stream.indirect.scatter.add.f32 [tilespmem:s19], [sflag:$0x4], $0x80, s16, s14, $0xb8;
	[tilespmem:$0x1F480] =	vst v63  }
0x4a3: {  	_ =	swait.ge [sflag:s11], $0x3200  }
0x4a4: {  	[sflag:s11] =	ssyncset.done $0x0  }
0x4a5: {  	[sflag:s11] =	ssyncadd.s32 $0xFFFFCE00  }
0x4a6: {  	[tilespmem:s19], [sflag:$0x3] =	stream.indirect.gather [hbm4b:s2+s14], $0x80, s18, s14, $0xb8;
	[tilespmem:$0x1F480] =	vst v63  }
0x4a7: {  	_ =	swait.ge [sflag:s20], $0x3200  }
0x4a8: {  	[sflag:s20] =	ssyncset.done $0x0  }
0x4a9: {  	[sflag:s20] =	ssyncadd.s32 $0xFFFFCE00  }
0x4aa: {  	[spmem:s4] =	stream.indirect.scatter.add.f32 [tilespmem:s15], [sflag:$0x4], $0x80, s21, s14, $0xb8;
	[tilespmem:$0x1F480] =	vst v63  }
0x4ab: {  	_ =	swait.ge [sflag:s11], $0x3200  }
0x4ac: {  	[sflag:s11] =	ssyncset.done $0x0  }
0x4ad: {  	[sflag:s11] =	ssyncadd.s32 $0xFFFFCE00  }
0x4ae: {  	[tilespmem:s15], [sflag:$0x1] =	stream.indirect.gather [hbm4b:s2+s14], $0x80, s24, s14, $0xb8;
	[tilespmem:$0x1F480] =	vst v63  }
0x4af: {  	_ =	swait.ge [sflag:s22], $0x3200  }
0x4b0: {  	[sflag:s22] =	ssyncset.done $0x0  }
0x4b1: {  	[sflag:s22] =	ssyncadd.s32 $0xFFFFCE00  }
0x4b2: {  	[spmem:s4] =	stream.indirect.scatter.add.f32 [tilespmem:s17], [sflag:$0x4], $0x80, s26, s14, $0xb8;
	[tilespmem:$0x1F480] =	vst v63  }
0x4b3: {  	_ =	swait.ge [sflag:s11], $0x3200  }
0x4b4: {  	[sflag:s11] =	ssyncset.done $0x0  }
0x4b5: {  	[sflag:s11] =	ssyncadd.s32 $0xFFFFCE00  }
0x4b6: {  	[tilespmem:s17], [sflag:$0x2] =	stream.indirect.gather [hbm4b:s2+s14], $0x80, s29, s14, $0xb8;
	[tilespmem:$0x1F480] =	vst v63  }
0x4b7: {  	_ =	swait.ge [sflag:s25], $0x3200  }
0x4b8: {  	[sflag:s25] =	ssyncset.done $0x0  }
0x4b9: {  	s9 =	simm.s32 $0x14C80;
	[sflag:s25] =	ssyncadd.s32 $0xFFFFCE00  }
0x4ba: {  	[spmem:s4] =	stream.indirect.scatter.add.f32 [tilespmem:s19], [sflag:$0x4], $0x80, s9, s14, $0xb8;
	[tilespmem:$0x1F480] =	vst v63  }
0x4bb: {  	_ =	swait.ge [sflag:s11], $0x3200  }
0x4bc: {  	[sflag:s11] =	ssyncset.done $0x0  }
0x4bd: {  	[sflag:s11] =	ssyncadd.s32 $0xFFFFCE00  }
0x4be: {  	[tilespmem:s19], [sflag:$0x3] =	stream.indirect.gather [hbm4b:s2+s14], $0x80, s30, s14, $0xb8;
	[tilespmem:$0x1F480] =	vst v63  }
0x4bf: {  	_ =	swait.ge [sflag:s20], $0x3200  }
0x4c0: {  	[sflag:s20] =	ssyncset.done $0x0  }
0x4c1: {  	[sflag:s20] =	ssyncadd.s32 $0xFFFFCE00  }
0x4c2: {  	[spmem:s4] =	stream.indirect.scatter.add.f32 [tilespmem:s15], [sflag:$0x4], $0x80, s31, s14, $0xb8;
	[tilespmem:$0x1F480] =	vst v63  }
0x4c3: {  	_ =	swait.ge [sflag:s11], $0x3200  }
0x4c4: {  	[sflag:s11] =	ssyncset.done $0x0  }
0x4c5: {  	s29 =	simm.s32 $0x13E80;
	[sflag:s11] =	ssyncadd.s32 $0xFFFFCE00  }
0x4c6: {  	[tilespmem:s15], [sflag:$0x1] =	stream.indirect.gather [hbm4b:s2+s14], $0x80, s29, s14, $0xb8;
	[tilespmem:$0x1F480] =	vst v63  }
0x4c7: {  	_ =	swait.ge [sflag:s22], $0x3200  }
0x4c8: {  	[sflag:s22] =	ssyncset.done $0x0  }
0x4c9: {  	[sflag:s22] =	ssyncadd.s32 $0xFFFFCE00  }
0x4ca: {  	[spmem:s4] =	stream.indirect.scatter.add.f32 [tilespmem:s17], [sflag:$0x4], $0x80, s10, s14, $0xb8;
	[tilespmem:$0x1F480] =	vst v63  }
0x4cb: {  	_ =	swait.ge [sflag:s11], $0x3200  }
0x4cc: {  	[sflag:s11] =	ssyncset.done $0x0  }
0x4cd: {  	s16 =	simm.s32 $0x13F00;
	[sflag:s11] =	ssyncadd.s32 $0xFFFFCE00  }
0x4ce: {  	[tilespmem:s17], [sflag:$0x2] =	stream.indirect.gather [hbm4b:s2+s14], $0x80, s16, s14, $0xb8;
	[tilespmem:$0x1F480] =	vst v63  }
0x4cf: {  	_ =	swait.ge [sflag:s25], $0x3200  }
0x4d0: {  	[sflag:s25] =	ssyncset.done $0x0  }
0x4d1: {  	[sflag:s25] =	ssyncadd.s32 $0xFFFFCE00  }
0x4d2: {  	[spmem:s4] =	stream.indirect.scatter.add.f32 [tilespmem:s19], [sflag:$0x4], $0x80, s5, s14, $0xb8;
	[tilespmem:$0x1F480] =	vst v63  }
0x4d3: {  	_ =	swait.ge [sflag:s11], $0x3200  }
0x4d4: {  	[sflag:s11] =	ssyncset.done $0x0  }
0x4d5: {  	s5 =	simm.s32 $0x13F80;
	[sflag:s11] =	ssyncadd.s32 $0xFFFFCE00  }
0x4d6: {  	[tilespmem:s19], [sflag:$0x3] =	stream.indirect.gather [hbm4b:s2+s14], $0x80, s5, s14, $0xb8;
	[tilespmem:$0x1F480] =	vst v63  }
0x4d7: {  	_ =	swait.ge [sflag:s20], $0x3200  }
0x4d8: {  	[sflag:s20] =	ssyncset.done $0x0  }
0x4d9: {  	[sflag:s20] =	ssyncadd.s32 $0xFFFFCE00  }
0x4da: {  	[spmem:s4] =	stream.indirect.scatter.add.f32 [tilespmem:s15], [sflag:$0x4], $0x80, s8, s14, $0xb8;
	[tilespmem:$0x1F480] =	vst v63  }
0x4db: {  	_ =	swait.ge [sflag:s11], $0x3200  }
0x4dc: {  	[sflag:s11] =	ssyncset.done $0x0  }
0x4dd: {  	s30 =	simm.s32 $0x14000;
	[sflag:s11] =	ssyncadd.s32 $0xFFFFCE00  }
0x4de: {  	[tilespmem:s15], [sflag:$0x1] =	stream.indirect.gather [hbm4b:s2+s14], $0x80, s30, s14, $0xb8;
	[tilespmem:$0x1F480] =	vst v63  }
0x4df: {  	_ =	swait.ge [sflag:s22], $0x3200  }
0x4e0: {  	[sflag:s22] =	ssyncset.done $0x0  }
0x4e1: {  	[sflag:s22] =	ssyncadd.s32 $0xFFFFCE00  }
0x4e2: {  	[spmem:s4] =	stream.indirect.scatter.add.f32 [tilespmem:s17], [sflag:$0x4], $0x80, s13, s14, $0xb8;
	[tilespmem:$0x1F480] =	vst v63  }
0x4e3: {  	_ =	swait.ge [sflag:s11], $0x3200  }
0x4e4: {  	[sflag:s11] =	ssyncset.done $0x0  }
0x4e5: {  	[sflag:s11] =	ssyncadd.s32 $0xFFFFCE00  }
0x4e6: {  	[tilespmem:s17], [sflag:$0x2] =	stream.indirect.gather [hbm4b:s2+s14], $0x80, s23, s14, $0xb8;
	[tilespmem:$0x1F480] =	vst v63  }
0x4e7: {  	_ =	swait.ge [sflag:s25], $0x3200  }
0x4e8: {  	[sflag:s25] =	ssyncset.done $0x0  }
0x4e9: {  	s31 =	simm.s32 $0x14F80;
	[sflag:s25] =	ssyncadd.s32 $0xFFFFCE00  }
0x4ea: {  	[spmem:s4] =	stream.indirect.scatter.add.f32 [tilespmem:s19], [sflag:$0x4], $0x80, s31, s14, $0xb8;
	[tilespmem:$0x1F480] =	vst v63  }
0x4eb: {  	_ =	swait.ge [sflag:s11], $0x3200  }
0x4ec: {  	[sflag:s11] =	ssyncset.done $0x0  }
0x4ed: {  	s1 =	simm.s32 $0x14100;
	[sflag:s11] =	ssyncadd.s32 $0xFFFFCE00  }
0x4ee: {  	[tilespmem:s19], [sflag:$0x3] =	stream.indirect.gather [hbm4b:s2+s14], $0x80, s1, s14, $0xb8;
	[tilespmem:$0x1F480] =	vst v63  }
0x4ef: {  	_ =	swait.ge [sflag:s20], $0x3200  }
0x4f0: {  	[sflag:s20] =	ssyncset.done $0x0  }
0x4f1: {  	s3 =	simm.s32 $0x15000;
	[sflag:s20] =	ssyncadd.s32 $0xFFFFCE00  }
0x4f2: {  	[spmem:s4] =	stream.indirect.scatter.add.f32 [tilespmem:s15], [sflag:$0x4], $0x80, s3, s14, $0xb8;
	[tilespmem:$0x1F480] =	vst v63  }
0x4f3: {  	_ =	swait.ge [sflag:s11], $0x3200  }
0x4f4: {  	[sflag:s11] =	ssyncset.done $0x0  }
0x4f5: {  	s7 =	simm.s32 $0x14180;
	[sflag:s11] =	ssyncadd.s32 $0xFFFFCE00  }
0x4f6: {  	[tilespmem:s15], [sflag:$0x1] =	stream.indirect.gather [hbm4b:s2+s14], $0x80, s7, s14, $0xb8;
	[tilespmem:$0x1F480] =	vst v63  }
0x4f7: {  	_ =	swait.ge [sflag:s22], $0x3200  }
0x4f8: {  	[sflag:s22] =	ssyncset.done $0x0  }
0x4f9: {  	s8 =	simm.s32 $0x15080;
	[sflag:s22] =	ssyncadd.s32 $0xFFFFCE00  }
0x4fa: {  	[spmem:s4] =	stream.indirect.scatter.add.f32 [tilespmem:s17], [sflag:$0x4], $0x80, s8, s14, $0xb8;
	[tilespmem:$0x1F480] =	vst v63  }
0x4fb: {  	_ =	swait.ge [sflag:s11], $0x3200  }
0x4fc: {  	[sflag:s11] =	ssyncset.done $0x0  }
0x4fd: {  	s10 =	simm.s32 $0x14200;
	[sflag:s11] =	ssyncadd.s32 $0xFFFFCE00  }
0x4fe: {  	[tilespmem:s17], [sflag:$0x2] =	stream.indirect.gather [hbm4b:s2+s14], $0x80, s10, s14, $0xb8;
	[tilespmem:$0x1F480] =	vst v63  }
0x4ff: {  	_ =	swait.ge [sflag:s25], $0x3200  }
0x500: {  	[sflag:s25] =	ssyncset.done $0x0  }
0x501: {  	s13 =	simm.s32 $0x15100;
	[sflag:s25] =	ssyncadd.s32 $0xFFFFCE00  }
0x502: {  	[spmem:s4] =	stream.indirect.scatter.add.f32 [tilespmem:s19], [sflag:$0x4], $0x80, s13, s14, $0xb8;
	[tilespmem:$0x1F480] =	vst v63  }
0x503: {  	_ =	swait.ge [sflag:s11], $0x3200  }
0x504: {  	[sflag:s11] =	ssyncset.done $0x0  }
0x505: {  	s18 =	simm.s32 $0x14280;
	[sflag:s11] =	ssyncadd.s32 $0xFFFFCE00  }
0x506: {  	[tilespmem:s19], [sflag:$0x3] =	stream.indirect.gather [hbm4b:s2+s14], $0x80, s18, s14, $0xb8;
	[tilespmem:$0x1F480] =	vst v63  }
0x507: {  	_ =	swait.ge [sflag:s20], $0x3200  }
0x508: {  	[sflag:s20] =	ssyncset.done $0x0  }
0x509: {  	s21 =	simm.s32 $0x15180;
	[sflag:s20] =	ssyncadd.s32 $0xFFFFCE00  }
0x50a: {  	[spmem:s4] =	stream.indirect.scatter.add.f32 [tilespmem:s15], [sflag:$0x4], $0x80, s21, s14, $0xb8;
	[tilespmem:$0x1F480] =	vst v63  }
0x50b: {  	_ =	swait.ge [sflag:s11], $0x3200  }
0x50c: {  	[sflag:s11] =	ssyncset.done $0x0  }
0x50d: {  	s23 =	simm.s32 $0x14300;
	[sflag:s11] =	ssyncadd.s32 $0xFFFFCE00  }
0x50e: {  	[tilespmem:s15], [sflag:$0x1] =	stream.indirect.gather [hbm4b:s2+s14], $0x80, s23, s14, $0xb8;
	[tilespmem:$0x1F480] =	vst v63  }
0x50f: {  	_ =	swait.ge [sflag:s22], $0x3200  }
0x510: {  	[sflag:s22] =	ssyncset.done $0x0  }
0x511: {  	s26 =	simm.s32 $0x15200;
	[sflag:s22] =	ssyncadd.s32 $0xFFFFCE00  }
0x512: {  	[spmem:s4] =	stream.indirect.scatter.add.f32 [tilespmem:s17], [sflag:$0x4], $0x80, s26, s14, $0xb8;
	[tilespmem:$0x1F480] =	vst v63  }
0x513: {  	_ =	swait.ge [sflag:s11], $0x3200  }
0x514: {  	[sflag:s11] =	ssyncset.done $0x0  }
0x515: {  	s28 =	simm.s32 $0x14380;
	[sflag:s11] =	ssyncadd.s32 $0xFFFFCE00  }
0x516: {  	[tilespmem:s17], [sflag:$0x2] =	stream.indirect.gather [hbm4b:s2+s14], $0x80, s28, s14, $0xb8;
	[tilespmem:$0x1F480] =	vst v63  }
0x517: {  	_ =	swait.ge [sflag:s25], $0x3200  }
0x518: {  	[sflag:s25] =	ssyncset.done $0x0  }
0x519: {  	s29 =	simm.s32 $0x15280;
	[sflag:s25] =	ssyncadd.s32 $0xFFFFCE00  }
0x51a: {  	[spmem:s4] =	stream.indirect.scatter.add.f32 [tilespmem:s19], [sflag:$0x4], $0x80, s29, s14, $0xb8;
	[tilespmem:$0x1F480] =	vst v63  }
0x51b: {  	_ =	swait.ge [sflag:s11], $0x3200  }
0x51c: {  	[sflag:s11] =	ssyncset.done $0x0  }
0x51d: {  	s30 =	simm.s32 $0x14400;
	[sflag:s11] =	ssyncadd.s32 $0xFFFFCE00  }
0x51e: {  	[tilespmem:s19], [sflag:$0x3] =	stream.indirect.gather [hbm4b:s2+s14], $0x80, s30, s14, $0xb8;
	[tilespmem:$0x1F480] =	vst v63  }
0x51f: {  	_ =	swait.ge [sflag:s20], $0x3200  }
0x520: {  	[sflag:s20] =	ssyncset.done $0x0  }
0x521: {  	s31 =	simm.s32 $0x15300;
	[sflag:s20] =	ssyncadd.s32 $0xFFFFCE00  }
0x522: {  	[spmem:s4] =	stream.indirect.scatter.add.f32 [tilespmem:s15], [sflag:$0x4], $0x80, s31, s14, $0xb8;
	[tilespmem:$0x1F480] =	vst v63  }
0x523: {  	_ =	swait.ge [sflag:s11], $0x3200  }
0x524: {  	[sflag:s11] =	ssyncset.done $0x0  }
0x525: {  	s1 =	simm.s32 $0x14480;
	[sflag:s11] =	ssyncadd.s32 $0xFFFFCE00  }
0x526: {  	[tilespmem:s15], [sflag:$0x1] =	stream.indirect.gather [hbm4b:s2+s14], $0x80, s1, s14, $0xb8;
	[tilespmem:$0x1F480] =	vst v63  }
0x527: {  	_ =	swait.ge [sflag:s22], $0x3200  }
0x528: {  	[sflag:s22] =	ssyncset.done $0x0  }
0x529: {  	s3 =	simm.s32 $0x15380;
	[sflag:s22] =	ssyncadd.s32 $0xFFFFCE00  }
0x52a: {  	[spmem:s4] =	stream.indirect.scatter.add.f32 [tilespmem:s17], [sflag:$0x4], $0x80, s3, s14, $0xb8;
	[tilespmem:$0x1F480] =	vst v63  }
0x52b: {  	_ =	swait.ge [sflag:s11], $0x3200  }
0x52c: {  	[sflag:s11] =	ssyncset.done $0x0  }
0x52d: {  	[sflag:s11] =	ssyncadd.s32 $0xFFFFCE00  }
0x52e: {  	_ =	swait.ge [sflag:s25], $0x3200  }
0x52f: {  	[sflag:s25] =	ssyncset.done $0x0  }
0x530: {  	s7 =	simm.s32 $0x15400;
	[sflag:s25] =	ssyncadd.s32 $0xFFFFCE00  }
0x531: {  	[spmem:s4] =	stream.indirect.scatter.add.f32 [tilespmem:s19], [sflag:$0x4], $0x80, s7, s14, $0xb8;
	[tilespmem:$0x1F480] =	vst v63  }
0x532: {  	_ =	swait.ge [sflag:s11], $0x3200  }
0x533: {  	[sflag:s11] =	ssyncset.done $0x0  }
0x534: {  	[sflag:s11] =	ssyncadd.s32 $0xFFFFCE00  }
0x535: {  	_ =	swait.ge [sflag:s20], $0x3200  }
0x536: {  	[sflag:s20] =	ssyncset.done $0x0  }
0x537: {  	s8 =	simm.s32 $0x15480;
	[sflag:s20] =	ssyncadd.s32 $0xFFFFCE00  }
0x538: {  	[spmem:s4] =	stream.indirect.scatter.add.f32 [tilespmem:s15], [sflag:$0x4], $0x80, s8, s14, $0xb8;
	[tilespmem:$0x1F480] =	vst v63  }
0x539: {  	_ =	swait.ge [sflag:s11], $0x3200  }
0x53a: {  	s13 =	simm.s32 $0x13880;
	[sflag:s11] =	ssyncset.done $0x0  }
0x53b: {  	s18 =	simm.s32 $0x0;
	s10 =	rddreg [dreg:$0x15];
	[sflag:s11] =	ssyncadd.s32 $0xFFFFCE00  }
0x53c: {  	[tilespmem:s13], [sflag:$0x4] =	stream.linear.gather [hbm4b:s10+s18], $0xC80, $0x38;
	[tilespmem:$0x1F480] =	vst v63  }
0x53d: {  	_ =	swait.ge [sflag:s11], $0xC80  }
0x53e: {  	[sflag:s11] =	ssyncset.done $0x0  }
0x53f: {  	s23 =	simm.s32 $0x14880;
	s21 =	rddreg [dreg:$0x16];
	[sflag:s11] =	ssyncadd.s32 $0xFFFFF380  }
0x540: {  	[tilespmem:s23], [sflag:$0x4] =	stream.linear.gather [hbm4b:s21+s18], $0xC80, $0x38;
	[tilespmem:$0x1F480] =	vst v63  }
0x541: {  	_ =	swait.ge [sflag:s11], $0xC80  }
0x542: {  	[sflag:s11] =	ssyncset.done $0x0  }
0x543: {  	[sflag:s11] =	ssyncadd.s32 $0xFFFFF380  }
0x544: {  	[tilespmem:s15], [sflag:$0x1] =	stream.indirect.gather [hbm4b:s2+s14], $0x80, s13, s14, $0xb8;
	[tilespmem:$0x1F480] =	vst v63  }
0x545: {  	s26 =	simm.s32 $0x13900  }
0x546: {  	[tilespmem:s17], [sflag:$0x2] =	stream.indirect.gather [hbm4b:s2+s14], $0x80, s26, s14, $0xb8;
	[tilespmem:$0x1F480] =	vst v63  }
0x547: {  	s28 =	simm.s32 $0x13980  }
0x548: {  	[tilespmem:s19], [sflag:$0x3] =	stream.indirect.gather [hbm4b:s2+s14], $0x80, s28, s14, $0xb8;
	[tilespmem:$0x1F480] =	vst v63  }
0x549: {  	_ =	swait.ge [sflag:s20], $0x3200  }
0x54a: {  	[sflag:s20] =	ssyncset.done $0x0  }
0x54b: {  	[sflag:s20] =	ssyncadd.s32 $0xFFFFCE00  }
0x54c: {  	[spmem:s4] =	stream.indirect.scatter.add.f32 [tilespmem:s15], [sflag:$0x4], $0x80, s23, s14, $0xb8;
	[tilespmem:$0x1F480] =	vst v63  }
0x54d: {  	_ =	swait.ge [sflag:s11], $0x3200  }
0x54e: {  	[sflag:s11] =	ssyncset.done $0x0  }
0x54f: {  	s6 =	simm.s32 $0x13A00;
	[sflag:s11] =	ssyncadd.s32 $0xFFFFCE00  }
0x550: {  	[tilespmem:s15], [sflag:$0x1] =	stream.indirect.gather [hbm4b:s2+s14], $0x80, s6, s14, $0xb8;
	[tilespmem:$0x1F480] =	vst v63  }
0x551: {  	_ =	swait.ge [sflag:s22], $0x3200  }
0x552: {  	[sflag:s22] =	ssyncset.done $0x0  }
0x553: {  	s7 =	simm.s32 $0x14900;
	[sflag:s22] =	ssyncadd.s32 $0xFFFFCE00  }
0x554: {  	[spmem:s4] =	stream.indirect.scatter.add.f32 [tilespmem:s17], [sflag:$0x4], $0x80, s7, s14, $0xb8;
	[tilespmem:$0x1F480] =	vst v63  }
0x555: {  	_ =	swait.ge [sflag:s11], $0x3200  }
0x556: {  	[sflag:s11] =	ssyncset.done $0x0  }
0x557: {  	s29 =	simm.s32 $0x13A80;
	[sflag:s11] =	ssyncadd.s32 $0xFFFFCE00  }
0x558: {  	[tilespmem:s17], [sflag:$0x2] =	stream.indirect.gather [hbm4b:s2+s14], $0x80, s29, s14, $0xb8;
	[tilespmem:$0x1F480] =	vst v63  }
0x559: {  	_ =	swait.ge [sflag:s25], $0x3200  }
0x55a: {  	[sflag:s25] =	ssyncset.done $0x0  }
0x55b: {  	s30 =	simm.s32 $0x14980;
	[sflag:s25] =	ssyncadd.s32 $0xFFFFCE00  }
0x55c: {  	[spmem:s4] =	stream.indirect.scatter.add.f32 [tilespmem:s19], [sflag:$0x4], $0x80, s30, s14, $0xb8;
	[tilespmem:$0x1F480] =	vst v63  }
0x55d: {  	_ =	swait.ge [sflag:s11], $0x3200  }
0x55e: {  	[sflag:s11] =	ssyncset.done $0x0  }
0x55f: {  	s31 =	simm.s32 $0x13B00;
	[sflag:s11] =	ssyncadd.s32 $0xFFFFCE00  }
0x560: {  	[tilespmem:s19], [sflag:$0x3] =	stream.indirect.gather [hbm4b:s2+s14], $0x80, s31, s14, $0xb8;
	[tilespmem:$0x1F480] =	vst v63  }
0x561: {  	_ =	swait.ge [sflag:s20], $0x3200  }
0x562: {  	[sflag:s20] =	ssyncset.done $0x0  }
0x563: {  	s10 =	simm.s32 $0x14A00;
	[sflag:s20] =	ssyncadd.s32 $0xFFFFCE00  }
0x564: {  	[spmem:s4] =	stream.indirect.scatter.add.f32 [tilespmem:s15], [sflag:$0x4], $0x80, s10, s14, $0xb8;
	[tilespmem:$0x1F480] =	vst v63  }
0x565: {  	_ =	swait.ge [sflag:s11], $0x3200  }
0x566: {  	[sflag:s11] =	ssyncset.done $0x0  }
0x567: {  	s13 =	simm.s32 $0x13B80;
	[sflag:s11] =	ssyncadd.s32 $0xFFFFCE00  }
0x568: {  	[tilespmem:s15], [sflag:$0x1] =	stream.indirect.gather [hbm4b:s2+s14], $0x80, s13, s14, $0xb8;
	[tilespmem:$0x1F480] =	vst v63  }
0x569: {  	_ =	swait.ge [sflag:s22], $0x3200  }
0x56a: {  	[sflag:s22] =	ssyncset.done $0x0  }
0x56b: {  	s6 =	simm.s32 $0x14A80;
	[sflag:s22] =	ssyncadd.s32 $0xFFFFCE00  }
0x56c: {  	[spmem:s4] =	stream.indirect.scatter.add.f32 [tilespmem:s17], [sflag:$0x4], $0x80, s6, s14, $0xb8;
	[tilespmem:$0x1F480] =	vst v63  }
0x56d: {  	_ =	swait.ge [sflag:s11], $0x3200  }
0x56e: {  	[sflag:s11] =	ssyncset.done $0x0  }
0x56f: {  	s18 =	simm.s32 $0x13C00;
	[sflag:s11] =	ssyncadd.s32 $0xFFFFCE00  }
0x570: {  	[tilespmem:s17], [sflag:$0x2] =	stream.indirect.gather [hbm4b:s2+s14], $0x80, s18, s14, $0xb8;
	[tilespmem:$0x1F480] =	vst v63  }
0x571: {  	_ =	swait.ge [sflag:s25], $0x3200  }
0x572: {  	[sflag:s25] =	ssyncset.done $0x0  }
0x573: {  	s21 =	simm.s32 $0x14B00;
	[sflag:s25] =	ssyncadd.s32 $0xFFFFCE00  }
0x574: {  	[spmem:s4] =	stream.indirect.scatter.add.f32 [tilespmem:s19], [sflag:$0x4], $0x80, s21, s14, $0xb8;
	[tilespmem:$0x1F480] =	vst v63  }
0x575: {  	_ =	swait.ge [sflag:s11], $0x3200  }
0x576: {  	[sflag:s11] =	ssyncset.done $0x0  }
0x577: {  	s23 =	simm.s32 $0x13C80;
	[sflag:s11] =	ssyncadd.s32 $0xFFFFCE00  }
0x578: {  	[tilespmem:s19], [sflag:$0x3] =	stream.indirect.gather [hbm4b:s2+s14], $0x80, s23, s14, $0xb8;
	[tilespmem:$0x1F480] =	vst v63  }
0x579: {  	_ =	swait.ge [sflag:s20], $0x3200  }
0x57a: {  	[sflag:s20] =	ssyncset.done $0x0  }
0x57b: {  	s26 =	simm.s32 $0x14B80;
	[sflag:s20] =	ssyncadd.s32 $0xFFFFCE00  }
0x57c: {  	[spmem:s4] =	stream.indirect.scatter.add.f32 [tilespmem:s15], [sflag:$0x4], $0x80, s26, s14, $0xb8;
	[tilespmem:$0x1F480] =	vst v63  }
0x57d: {  	_ =	swait.ge [sflag:s11], $0x3200  }
0x57e: {  	[sflag:s11] =	ssyncset.done $0x0  }
0x57f: {  	s28 =	simm.s32 $0x13D00;
	[sflag:s11] =	ssyncadd.s32 $0xFFFFCE00  }
0x580: {  	[tilespmem:s15], [sflag:$0x1] =	stream.indirect.gather [hbm4b:s2+s14], $0x80, s28, s14, $0xb8;
	[tilespmem:$0x1F480] =	vst v63  }
0x581: {  	_ =	swait.ge [sflag:s22], $0x3200  }
0x582: {  	[sflag:s22] =	ssyncset.done $0x0  }
0x583: {  	s29 =	simm.s32 $0x14C00;
	[sflag:s22] =	ssyncadd.s32 $0xFFFFCE00  }
0x584: {  	[spmem:s4] =	stream.indirect.scatter.add.f32 [tilespmem:s17], [sflag:$0x4], $0x80, s29, s14, $0xb8;
	[tilespmem:$0x1F480] =	vst v63  }
0x585: {  	_ =	swait.ge [sflag:s11], $0x3200  }
0x586: {  	[sflag:s11] =	ssyncset.done $0x0  }
0x587: {  	s30 =	simm.s32 $0x13D80;
	[sflag:s11] =	ssyncadd.s32 $0xFFFFCE00  }
0x588: {  	[tilespmem:s17], [sflag:$0x2] =	stream.indirect.gather [hbm4b:s2+s14], $0x80, s30, s14, $0xb8;
	[tilespmem:$0x1F480] =	vst v63  }
0x589: {  	_ =	swait.ge [sflag:s25], $0x3200  }
0x58a: {  	[sflag:s25] =	ssyncset.done $0x0  }
0x58b: {  	[sflag:s25] =	ssyncadd.s32 $0xFFFFCE00  }
0x58c: {  	[spmem:s4] =	stream.indirect.scatter.add.f32 [tilespmem:s19], [sflag:$0x4], $0x80, s9, s14, $0xb8;
	[tilespmem:$0x1F480] =	vst v63  }
0x58d: {  	_ =	swait.ge [sflag:s11], $0x3200  }
0x58e: {  	[sflag:s11] =	ssyncset.done $0x0  }
0x58f: {  	s31 =	simm.s32 $0x13E00;
	[sflag:s11] =	ssyncadd.s32 $0xFFFFCE00  }
0x590: {  	[tilespmem:s19], [sflag:$0x3] =	stream.indirect.gather [hbm4b:s2+s14], $0x80, s31, s14, $0xb8;
	[tilespmem:$0x1F480] =	vst v63  }
0x591: {  	_ =	swait.ge [sflag:s20], $0x3200  }
0x592: {  	[sflag:s20] =	ssyncset.done $0x0  }
0x593: {  	s9 =	simm.s32 $0x14D00;
	[sflag:s20] =	ssyncadd.s32 $0xFFFFCE00  }
0x594: {  	[spmem:s4] =	stream.indirect.scatter.add.f32 [tilespmem:s15], [sflag:$0x4], $0x80, s9, s14, $0xb8;
	[tilespmem:$0x1F480] =	vst v63  }
0x595: {  	_ =	swait.ge [sflag:s11], $0x3200  }
0x596: {  	[sflag:s11] =	ssyncset.done $0x0  }
0x597: {  	s13 =	simm.s32 $0x13E80;
	[sflag:s11] =	ssyncadd.s32 $0xFFFFCE00  }
0x598: {  	[tilespmem:s15], [sflag:$0x1] =	stream.indirect.gather [hbm4b:s2+s14], $0x80, s13, s14, $0xb8;
	[tilespmem:$0x1F480] =	vst v63  }
0x599: {  	_ =	swait.ge [sflag:s22], $0x3200  }
0x59a: {  	[sflag:s22] =	ssyncset.done $0x0  }
0x59b: {  	s28 =	simm.s32 $0x14D80;
	[sflag:s22] =	ssyncadd.s32 $0xFFFFCE00  }
0x59c: {  	[spmem:s4] =	stream.indirect.scatter.add.f32 [tilespmem:s17], [sflag:$0x4], $0x80, s28, s14, $0xb8;
	[tilespmem:$0x1F480] =	vst v63  }
0x59d: {  	_ =	swait.ge [sflag:s11], $0x3200  }
0x59e: {  	[sflag:s11] =	ssyncset.done $0x0  }
0x59f: {  	[sflag:s11] =	ssyncadd.s32 $0xFFFFCE00  }
0x5a0: {  	[tilespmem:s17], [sflag:$0x2] =	stream.indirect.gather [hbm4b:s2+s14], $0x80, s16, s14, $0xb8;
	[tilespmem:$0x1F480] =	vst v63  }
0x5a1: {  	_ =	swait.ge [sflag:s25], $0x3200  }
0x5a2: {  	[sflag:s25] =	ssyncset.done $0x0  }
0x5a3: {  	s24 =	simm.s32 $0x14E00;
	[sflag:s25] =	ssyncadd.s32 $0xFFFFCE00  }
0x5a4: {  	[spmem:s4] =	stream.indirect.scatter.add.f32 [tilespmem:s19], [sflag:$0x4], $0x80, s24, s14, $0xb8;
	[tilespmem:$0x1F480] =	vst v63  }
0x5a5: {  	_ =	swait.ge [sflag:s11], $0x3200  }
0x5a6: {  	[sflag:s11] =	ssyncset.done $0x0  }
0x5a7: {  	[sflag:s11] =	ssyncadd.s32 $0xFFFFCE00  }
0x5a8: {  	[tilespmem:s19], [sflag:$0x3] =	stream.indirect.gather [hbm4b:s2+s14], $0x80, s5, s14, $0xb8;
	[tilespmem:$0x1F480] =	vst v63  }
0x5a9: {  	_ =	swait.ge [sflag:s20], $0x3200  }
0x5aa: {  	[sflag:s20] =	ssyncset.done $0x0  }
0x5ab: {  	s28 =	simm.s32 $0x14E80;
	[sflag:s20] =	ssyncadd.s32 $0xFFFFCE00  }
0x5ac: {  	[spmem:s4] =	stream.indirect.scatter.add.f32 [tilespmem:s15], [sflag:$0x4], $0x80, s28, s14, $0xb8;
	[tilespmem:$0x1F480] =	vst v63  }
0x5ad: {  	_ =	swait.ge [sflag:s11], $0x3200  }
0x5ae: {  	[sflag:s11] =	ssyncset.done $0x0  }
0x5af: {  	s28 =	simm.s32 $0x14000;
	[sflag:s11] =	ssyncadd.s32 $0xFFFFCE00  }
0x5b0: {  	[tilespmem:s15], [sflag:$0x1] =	stream.indirect.gather [hbm4b:s2+s14], $0x80, s28, s14, $0xb8;
	[tilespmem:$0x1F480] =	vst v63  }
0x5b1: {  	_ =	swait.ge [sflag:s22], $0x3200  }
0x5b2: {  	[sflag:s22] =	ssyncset.done $0x0  }
0x5b3: {  	s28 =	simm.s32 $0x14F00;
	[sflag:s22] =	ssyncadd.s32 $0xFFFFCE00  }
0x5b4: {  	[spmem:s4] =	stream.indirect.scatter.add.f32 [tilespmem:s17], [sflag:$0x4], $0x80, s28, s14, $0xb8;
	[tilespmem:$0x1F480] =	vst v63  }
0x5b5: {  	_ =	swait.ge [sflag:s11], $0x3200  }
0x5b6: {  	[sflag:s11] =	ssyncset.done $0x0  }
0x5b7: {  	s28 =	simm.s32 $0x14080;
	[sflag:s11] =	ssyncadd.s32 $0xFFFFCE00  }
0x5b8: {  	[tilespmem:s17], [sflag:$0x2] =	stream.indirect.gather [hbm4b:s2+s14], $0x80, s28, s14, $0xb8;
	[tilespmem:$0x1F480] =	vst v63  }
0x5b9: {  	_ =	swait.ge [sflag:s25], $0x3200  }
0x5ba: {  	[sflag:s25] =	ssyncset.done $0x0  }
0x5bb: {  	s28 =	simm.s32 $0x14F80;
	[sflag:s25] =	ssyncadd.s32 $0xFFFFCE00  }
0x5bc: {  	[spmem:s4] =	stream.indirect.scatter.add.f32 [tilespmem:s19], [sflag:$0x4], $0x80, s28, s14, $0xb8;
	[tilespmem:$0x1F480] =	vst v63  }
0x5bd: {  	_ =	swait.ge [sflag:s11], $0x3200  }
0x5be: {  	[sflag:s11] =	ssyncset.done $0x0  }
0x5bf: {  	s28 =	simm.s32 $0x14100;
	[sflag:s11] =	ssyncadd.s32 $0xFFFFCE00  }
0x5c0: {  	[tilespmem:s19], [sflag:$0x3] =	stream.indirect.gather [hbm4b:s2+s14], $0x80, s28, s14, $0xb8;
	[tilespmem:$0x1F480] =	vst v63  }
0x5c1: {  	_ =	swait.ge [sflag:s20], $0x3200  }
0x5c2: {  	[sflag:s20] =	ssyncset.done $0x0  }
0x5c3: {  	s28 =	simm.s32 $0x15000;
	[sflag:s20] =	ssyncadd.s32 $0xFFFFCE00  }
0x5c4: {  	[spmem:s4] =	stream.indirect.scatter.add.f32 [tilespmem:s15], [sflag:$0x4], $0x80, s28, s14, $0xb8;
	[tilespmem:$0x1F480] =	vst v63  }
0x5c5: {  	_ =	swait.ge [sflag:s11], $0x3200  }
0x5c6: {  	[sflag:s11] =	ssyncset.done $0x0  }
0x5c7: {  	s28 =	simm.s32 $0x14180;
	[sflag:s11] =	ssyncadd.s32 $0xFFFFCE00  }
0x5c8: {  	[tilespmem:s15], [sflag:$0x1] =	stream.indirect.gather [hbm4b:s2+s14], $0x80, s28, s14, $0xb8;
	[tilespmem:$0x1F480] =	vst v63  }
0x5c9: {  	_ =	swait.ge [sflag:s22], $0x3200  }
0x5ca: {  	[sflag:s22] =	ssyncset.done $0x0  }
0x5cb: {  	s28 =	simm.s32 $0x15080;
	[sflag:s22] =	ssyncadd.s32 $0xFFFFCE00  }
0x5cc: {  	[spmem:s4] =	stream.indirect.scatter.add.f32 [tilespmem:s17], [sflag:$0x4], $0x80, s28, s14, $0xb8;
	[tilespmem:$0x1F480] =	vst v63  }
0x5cd: {  	_ =	swait.ge [sflag:s11], $0x3200  }
0x5ce: {  	[sflag:s11] =	ssyncset.done $0x0  }
0x5cf: {  	s28 =	simm.s32 $0x14200;
	[sflag:s11] =	ssyncadd.s32 $0xFFFFCE00  }
0x5d0: {  	[tilespmem:s17], [sflag:$0x2] =	stream.indirect.gather [hbm4b:s2+s14], $0x80, s28, s14, $0xb8;
	[tilespmem:$0x1F480] =	vst v63  }
0x5d1: {  	_ =	swait.ge [sflag:s25], $0x3200  }
0x5d2: {  	[sflag:s25] =	ssyncset.done $0x0  }
0x5d3: {  	s28 =	simm.s32 $0x15100;
	[sflag:s25] =	ssyncadd.s32 $0xFFFFCE00  }
0x5d4: {  	[spmem:s4] =	stream.indirect.scatter.add.f32 [tilespmem:s19], [sflag:$0x4], $0x80, s28, s14, $0xb8;
	[tilespmem:$0x1F480] =	vst v63  }
0x5d5: {  	_ =	swait.ge [sflag:s11], $0x3200  }
0x5d6: {  	[sflag:s11] =	ssyncset.done $0x0  }
0x5d7: {  	s28 =	simm.s32 $0x14280;
	[sflag:s11] =	ssyncadd.s32 $0xFFFFCE00  }
0x5d8: {  	[tilespmem:s19], [sflag:$0x3] =	stream.indirect.gather [hbm4b:s2+s14], $0x80, s28, s14, $0xb8;
	[tilespmem:$0x1F480] =	vst v63  }
0x5d9: {  	_ =	swait.ge [sflag:s20], $0x3200  }
0x5da: {  	[sflag:s20] =	ssyncset.done $0x0  }
0x5db: {  	s28 =	simm.s32 $0x15180;
	[sflag:s20] =	ssyncadd.s32 $0xFFFFCE00  }
0x5dc: {  	[spmem:s4] =	stream.indirect.scatter.add.f32 [tilespmem:s15], [sflag:$0x4], $0x80, s28, s14, $0xb8;
	[tilespmem:$0x1F480] =	vst v63  }
0x5dd: {  	_ =	swait.ge [sflag:s11], $0x3200  }
0x5de: {  	[sflag:s11] =	ssyncset.done $0x0  }
0x5df: {  	s28 =	simm.s32 $0x14300;
	[sflag:s11] =	ssyncadd.s32 $0xFFFFCE00  }
0x5e0: {  	[tilespmem:s15], [sflag:$0x1] =	stream.indirect.gather [hbm4b:s2+s14], $0x80, s28, s14, $0xb8;
	[tilespmem:$0x1F480] =	vst v63  }
0x5e1: {  	_ =	swait.ge [sflag:s22], $0x3200  }
0x5e2: {  	[sflag:s22] =	ssyncset.done $0x0  }
0x5e3: {  	s28 =	simm.s32 $0x15200;
	[sflag:s22] =	ssyncadd.s32 $0xFFFFCE00  }
0x5e4: {  	[spmem:s4] =	stream.indirect.scatter.add.f32 [tilespmem:s17], [sflag:$0x4], $0x80, s28, s14, $0xb8;
	[tilespmem:$0x1F480] =	vst v63  }
0x5e5: {  	_ =	swait.ge [sflag:s11], $0x3200  }
0x5e6: {  	[sflag:s11] =	ssyncset.done $0x0  }
0x5e7: {  	s28 =	simm.s32 $0x14380;
	[sflag:s11] =	ssyncadd.s32 $0xFFFFCE00  }
0x5e8: {  	[tilespmem:s17], [sflag:$0x2] =	stream.indirect.gather [hbm4b:s2+s14], $0x80, s28, s14, $0xb8;
	[tilespmem:$0x1F480] =	vst v63  }
0x5e9: {  	_ =	swait.ge [sflag:s25], $0x3200  }
0x5ea: {  	[sflag:s25] =	ssyncset.done $0x0  }
0x5eb: {  	s28 =	simm.s32 $0x15280;
	[sflag:s25] =	ssyncadd.s32 $0xFFFFCE00  }
0x5ec: {  	[spmem:s4] =	stream.indirect.scatter.add.f32 [tilespmem:s19], [sflag:$0x4], $0x80, s28, s14, $0xb8;
	[tilespmem:$0x1F480] =	vst v63  }
0x5ed: {  	_ =	swait.ge [sflag:s11], $0x3200  }
0x5ee: {  	[sflag:s11] =	ssyncset.done $0x0  }
0x5ef: {  	s28 =	simm.s32 $0x14400;
	[sflag:s11] =	ssyncadd.s32 $0xFFFFCE00  }
0x5f0: {  	[tilespmem:s19], [sflag:$0x3] =	stream.indirect.gather [hbm4b:s2+s14], $0x80, s28, s14, $0xb8;
	[tilespmem:$0x1F480] =	vst v63  }
0x5f1: {  	_ =	swait.ge [sflag:s20], $0x3200  }
0x5f2: {  	[sflag:s20] =	ssyncset.done $0x0  }
0x5f3: {  	s28 =	simm.s32 $0x15300;
	[sflag:s20] =	ssyncadd.s32 $0xFFFFCE00  }
0x5f4: {  	[spmem:s4] =	stream.indirect.scatter.add.f32 [tilespmem:s15], [sflag:$0x4], $0x80, s28, s14, $0xb8;
	[tilespmem:$0x1F480] =	vst v63  }
0x5f5: {  	_ =	swait.ge [sflag:s11], $0x3200  }
0x5f6: {  	[sflag:s11] =	ssyncset.done $0x0  }
0x5f7: {  	s28 =	simm.s32 $0x14480;
	[sflag:s11] =	ssyncadd.s32 $0xFFFFCE00  }
0x5f8: {  	[tilespmem:s15], [sflag:$0x1] =	stream.indirect.gather [hbm4b:s2+s14], $0x80, s28, s14, $0xb8;
	[tilespmem:$0x1F480] =	vst v63  }
0x5f9: {  	_ =	swait.ge [sflag:s22], $0x3200  }
0x5fa: {  	[sflag:s22] =	ssyncset.done $0x0  }
0x5fb: {  	s28 =	simm.s32 $0x15380;
	[sflag:s22] =	ssyncadd.s32 $0xFFFFCE00  }
0x5fc: {  	[spmem:s4] =	stream.indirect.scatter.add.f32 [tilespmem:s17], [sflag:$0x4], $0x80, s28, s14, $0xb8;
	[tilespmem:$0x1F480] =	vst v63  }
0x5fd: {  	_ =	swait.ge [sflag:s11], $0x3200  }
0x5fe: {  	[sflag:s11] =	ssyncset.done $0x0  }
0x5ff: {  	[sflag:s11] =	ssyncadd.s32 $0xFFFFCE00  }
0x600: {  	_ =	swait.ge [sflag:s25], $0x3200  }
0x601: {  	[sflag:s25] =	ssyncset.done $0x0  }
0x602: {  	s28 =	simm.s32 $0x15400;
	[sflag:s25] =	ssyncadd.s32 $0xFFFFCE00  }
0x603: {  	[spmem:s4] =	stream.indirect.scatter.add.f32 [tilespmem:s19], [sflag:$0x4], $0x80, s28, s14, $0xb8;
	[tilespmem:$0x1F480] =	vst v63  }
0x604: {  	_ =	swait.ge [sflag:s11], $0x3200  }
0x605: {  	[sflag:s11] =	ssyncset.done $0x0  }
0x606: {  	[sflag:s11] =	ssyncadd.s32 $0xFFFFCE00  }
0x607: {  	_ =	swait.ge [sflag:s20], $0x3200  }
0x608: {  	[sflag:s20] =	ssyncset.done $0x0  }
0x609: {  	s28 =	simm.s32 $0x15480;
	[sflag:s20] =	ssyncadd.s32 $0xFFFFCE00  }
0x60a: {  	[spmem:s4] =	stream.indirect.scatter.add.f32 [tilespmem:s15], [sflag:$0x4], $0x80, s28, s14, $0xb8;
	[tilespmem:$0x1F480] =	vst v63  }
0x60b: {  	_ =	swait.ge [sflag:s11], $0x3200  }
0x60c: {  	s1 =	simm.s32 $0x13880;
	[sflag:s11] =	ssyncset.done $0x0  }
0x60d: {  	s3 =	simm.s32 $0x0;
	s28 =	rddreg [dreg:$0x17];
	[sflag:s11] =	ssyncadd.s32 $0xFFFFCE00  }
0x60e: {  	[tilespmem:s1], [sflag:$0x4] =	stream.linear.gather [hbm4b:s28+s3], $0xC80, $0x38;
	[tilespmem:$0x1F480] =	vst v63  }
0x60f: {  	_ =	swait.ge [sflag:s11], $0xC80  }
0x610: {  	[sflag:s11] =	ssyncset.done $0x0  }
0x611: {  	s0 =	simm.s32 $0x14880;
	s28 =	rddreg [dreg:$0x18];
	[sflag:s11] =	ssyncadd.s32 $0xFFFFF380  }
0x612: {  	[tilespmem:s0], [sflag:$0x4] =	stream.linear.gather [hbm4b:s28+s3], $0xC80, $0x38;
	[tilespmem:$0x1F480] =	vst v63  }
0x613: {  	_ =	swait.ge [sflag:s11], $0xC80  }
0x614: {  	[sflag:s11] =	ssyncset.done $0x0  }
0x615: {  	[sflag:s11] =	ssyncadd.s32 $0xFFFFF380  }
0x616: {  	[tilespmem:s15], [sflag:$0x1] =	stream.indirect.gather [hbm4b:s2+s14], $0x80, s1, s14, $0xb8;
	[tilespmem:$0x1F480] =	vst v63  }
0x617: {  	s28 =	simm.s32 $0x13900  }
0x618: {  	[tilespmem:s17], [sflag:$0x2] =	stream.indirect.gather [hbm4b:s2+s14], $0x80, s28, s14, $0xb8;
	[tilespmem:$0x1F480] =	vst v63  }
0x619: {  	s3 =	simm.s32 $0x13980  }
0x61a: {  	[tilespmem:s19], [sflag:$0x3] =	stream.indirect.gather [hbm4b:s2+s14], $0x80, s3, s14, $0xb8;
	[tilespmem:$0x1F480] =	vst v63  }
0x61b: {  	_ =	swait.ge [sflag:s20], $0x3200  }
0x61c: {  	[sflag:s20] =	ssyncset.done $0x0  }
0x61d: {  	[sflag:s20] =	ssyncadd.s32 $0xFFFFCE00  }
0x61e: {  	[spmem:s4] =	stream.indirect.scatter.add.f32 [tilespmem:s15], [sflag:$0x4], $0x80, s0, s14, $0xb8;
	[tilespmem:$0x1F480] =	vst v63  }
0x61f: {  	_ =	swait.ge [sflag:s11], $0x3200  }
0x620: {  	[sflag:s11] =	ssyncset.done $0x0  }
0x621: {  	s8 =	simm.s32 $0x13A00;
	[sflag:s11] =	ssyncadd.s32 $0xFFFFCE00  }
0x622: {  	[tilespmem:s15], [sflag:$0x1] =	stream.indirect.gather [hbm4b:s2+s14], $0x80, s8, s14, $0xb8;
	[tilespmem:$0x1F480] =	vst v63  }
0x623: {  	_ =	swait.ge [sflag:s22], $0x3200  }
0x624: {  	[sflag:s22] =	ssyncset.done $0x0  }
0x625: {  	[sflag:s22] =	ssyncadd.s32 $0xFFFFCE00  }
0x626: {  	[spmem:s4] =	stream.indirect.scatter.add.f32 [tilespmem:s17], [sflag:$0x4], $0x80, s7, s14, $0xb8;
	[tilespmem:$0x1F480] =	vst v63  }
0x627: {  	_ =	swait.ge [sflag:s11], $0x3200  }
0x628: {  	[sflag:s11] =	ssyncset.done $0x0  }
0x629: {  	s28 =	simm.s32 $0x13A80;
	[sflag:s11] =	ssyncadd.s32 $0xFFFFCE00  }
0x62a: {  	[tilespmem:s17], [sflag:$0x2] =	stream.indirect.gather [hbm4b:s2+s14], $0x80, s28, s14, $0xb8;
	[tilespmem:$0x1F480] =	vst v63  }
0x62b: {  	_ =	swait.ge [sflag:s25], $0x3200  }
0x62c: {  	[sflag:s25] =	ssyncset.done $0x0  }
0x62d: {  	s1 =	simm.s32 $0x14980;
	[sflag:s25] =	ssyncadd.s32 $0xFFFFCE00  }
0x62e: {  	[spmem:s4] =	stream.indirect.scatter.add.f32 [tilespmem:s19], [sflag:$0x4], $0x80, s1, s14, $0xb8;
	[tilespmem:$0x1F480] =	vst v63  }
0x62f: {  	_ =	swait.ge [sflag:s11], $0x3200  }
0x630: {  	[sflag:s11] =	ssyncset.done $0x0  }
0x631: {  	s3 =	simm.s32 $0x13B00;
	[sflag:s11] =	ssyncadd.s32 $0xFFFFCE00  }
0x632: {  	[tilespmem:s19], [sflag:$0x3] =	stream.indirect.gather [hbm4b:s2+s14], $0x80, s3, s14, $0xb8;
	[tilespmem:$0x1F480] =	vst v63  }
0x633: {  	_ =	swait.ge [sflag:s20], $0x3200  }
0x634: {  	[sflag:s20] =	ssyncset.done $0x0  }
0x635: {  	s7 =	simm.s32 $0x14A00;
	[sflag:s20] =	ssyncadd.s32 $0xFFFFCE00  }
0x636: {  	[spmem:s4] =	stream.indirect.scatter.add.f32 [tilespmem:s15], [sflag:$0x4], $0x80, s7, s14, $0xb8;
	[tilespmem:$0x1F480] =	vst v63  }
0x637: {  	_ =	swait.ge [sflag:s11], $0x3200  }
0x638: {  	[sflag:s11] =	ssyncset.done $0x0  }
0x639: {  	s8 =	simm.s32 $0x13B80;
	[sflag:s11] =	ssyncadd.s32 $0xFFFFCE00  }
0x63a: {  	[tilespmem:s15], [sflag:$0x1] =	stream.indirect.gather [hbm4b:s2+s14], $0x80, s8, s14, $0xb8;
	[tilespmem:$0x1F480] =	vst v63  }
0x63b: {  	_ =	swait.ge [sflag:s22], $0x3200  }
0x63c: {  	[sflag:s22] =	ssyncset.done $0x0  }
0x63d: {  	[sflag:s22] =	ssyncadd.s32 $0xFFFFCE00  }
0x63e: {  	[spmem:s4] =	stream.indirect.scatter.add.f32 [tilespmem:s17], [sflag:$0x4], $0x80, s6, s14, $0xb8;
	[tilespmem:$0x1F480] =	vst v63  }
0x63f: {  	_ =	swait.ge [sflag:s11], $0x3200  }
0x640: {  	[sflag:s11] =	ssyncset.done $0x0  }
0x641: {  	s10 =	simm.s32 $0x13C00;
	[sflag:s11] =	ssyncadd.s32 $0xFFFFCE00  }
0x642: {  	[tilespmem:s17], [sflag:$0x2] =	stream.indirect.gather [hbm4b:s2+s14], $0x80, s10, s14, $0xb8;
	[tilespmem:$0x1F480] =	vst v63  }
0x643: {  	_ =	swait.ge [sflag:s25], $0x3200  }
0x644: {  	[sflag:s25] =	ssyncset.done $0x0  }
0x645: {  	s18 =	simm.s32 $0x14B00;
	[sflag:s25] =	ssyncadd.s32 $0xFFFFCE00  }
0x646: {  	[spmem:s4] =	stream.indirect.scatter.add.f32 [tilespmem:s19], [sflag:$0x4], $0x80, s18, s14, $0xb8;
	[tilespmem:$0x1F480] =	vst v63  }
0x647: {  	_ =	swait.ge [sflag:s11], $0x3200  }
0x648: {  	[sflag:s11] =	ssyncset.done $0x0  }
0x649: {  	s21 =	simm.s32 $0x13C80;
	[sflag:s11] =	ssyncadd.s32 $0xFFFFCE00  }
0x64a: {  	[tilespmem:s19], [sflag:$0x3] =	stream.indirect.gather [hbm4b:s2+s14], $0x80, s21, s14, $0xb8;
	[tilespmem:$0x1F480] =	vst v63  }
0x64b: {  	_ =	swait.ge [sflag:s20], $0x3200  }
0x64c: {  	[sflag:s20] =	ssyncset.done $0x0  }
0x64d: {  	s23 =	simm.s32 $0x14B80;
	[sflag:s20] =	ssyncadd.s32 $0xFFFFCE00  }
0x64e: {  	[spmem:s4] =	stream.indirect.scatter.add.f32 [tilespmem:s15], [sflag:$0x4], $0x80, s23, s14, $0xb8;
	[tilespmem:$0x1F480] =	vst v63  }
0x64f: {  	_ =	swait.ge [sflag:s11], $0x3200  }
0x650: {  	[sflag:s11] =	ssyncset.done $0x0  }
0x651: {  	s26 =	simm.s32 $0x13D00;
	[sflag:s11] =	ssyncadd.s32 $0xFFFFCE00  }
0x652: {  	[tilespmem:s15], [sflag:$0x1] =	stream.indirect.gather [hbm4b:s2+s14], $0x80, s26, s14, $0xb8;
	[tilespmem:$0x1F480] =	vst v63  }
0x653: {  	_ =	swait.ge [sflag:s22], $0x3200  }
0x654: {  	[sflag:s22] =	ssyncset.done $0x0  }
0x655: {  	s29 =	simm.s32 $0x14C00;
	[sflag:s22] =	ssyncadd.s32 $0xFFFFCE00  }
0x656: {  	[spmem:s4] =	stream.indirect.scatter.add.f32 [tilespmem:s17], [sflag:$0x4], $0x80, s29, s14, $0xb8;
	[tilespmem:$0x1F480] =	vst v63  }
0x657: {  	_ =	swait.ge [sflag:s11], $0x3200  }
0x658: {  	[sflag:s11] =	ssyncset.done $0x0  }
0x659: {  	s30 =	simm.s32 $0x13D80;
	[sflag:s11] =	ssyncadd.s32 $0xFFFFCE00  }
0x65a: {  	[tilespmem:s17], [sflag:$0x2] =	stream.indirect.gather [hbm4b:s2+s14], $0x80, s30, s14, $0xb8;
	[tilespmem:$0x1F480] =	vst v63  }
0x65b: {  	_ =	swait.ge [sflag:s25], $0x3200  }
0x65c: {  	[sflag:s25] =	ssyncset.done $0x0  }
0x65d: {  	s18 =	simm.s32 $0x14C80;
	[sflag:s25] =	ssyncadd.s32 $0xFFFFCE00  }
0x65e: {  	[spmem:s4] =	stream.indirect.scatter.add.f32 [tilespmem:s19], [sflag:$0x4], $0x80, s18, s14, $0xb8;
	[tilespmem:$0x1F480] =	vst v63  }
0x65f: {  	_ =	swait.ge [sflag:s11], $0x3200  }
0x660: {  	[sflag:s11] =	ssyncset.done $0x0  }
0x661: {  	s31 =	simm.s32 $0x13E00;
	[sflag:s11] =	ssyncadd.s32 $0xFFFFCE00  }
0x662: {  	[tilespmem:s19], [sflag:$0x3] =	stream.indirect.gather [hbm4b:s2+s14], $0x80, s31, s14, $0xb8;
	[tilespmem:$0x1F480] =	vst v63  }
0x663: {  	_ =	swait.ge [sflag:s20], $0x3200  }
0x664: {  	[sflag:s20] =	ssyncset.done $0x0  }
0x665: {  	s21 =	simm.s32 $0x14D00;
	[sflag:s20] =	ssyncadd.s32 $0xFFFFCE00  }
0x666: {  	[spmem:s4] =	stream.indirect.scatter.add.f32 [tilespmem:s15], [sflag:$0x4], $0x80, s21, s14, $0xb8;
	[tilespmem:$0x1F480] =	vst v63  }
0x667: {  	_ =	swait.ge [sflag:s11], $0x3200  }
0x668: {  	[sflag:s11] =	ssyncset.done $0x0  }
0x669: {  	s9 =	simm.s32 $0x13E80;
	[sflag:s11] =	ssyncadd.s32 $0xFFFFCE00  }
0x66a: {  	[tilespmem:s15], [sflag:$0x1] =	stream.indirect.gather [hbm4b:s2+s14], $0x80, s9, s14, $0xb8;
	[tilespmem:$0x1F480] =	vst v63  }
0x66b: {  	s0 =	rddreg [dreg:$0x1e];
	_ =	swait.ge [sflag:s22], $0x3200  }
0x66c: {  	[sflag:s22] =	ssyncset.done $0x0  }
0x66d: {  	s13 =	simm.s32 $0x14D80;
	[sflag:s22] =	ssyncadd.s32 $0xFFFFCE00  }
0x66e: {  	[spmem:s4] =	stream.indirect.scatter.add.f32 [tilespmem:s17], [sflag:$0x4], $0x80, s13, s14, $0xb8;
	[tilespmem:$0x1F480] =	vst v63  }
0x66f: {  	_ =	swait.ge [sflag:s11], $0x3200  }
0x670: {  	[sflag:s11] =	ssyncset.done $0x0  }
0x671: {  	s23 =	simm.s32 $0x13F00;
	[sflag:s11] =	ssyncadd.s32 $0xFFFFCE00  }
0x672: {  	[tilespmem:s17], [sflag:$0x2] =	stream.indirect.gather [hbm4b:s2+s14], $0x80, s23, s14, $0xb8;
	[tilespmem:$0x1F480] =	vst v63  }
0x673: {  	_ =	swait.ge [sflag:s25], $0x3200  }
0x674: {  	[sflag:s25] =	ssyncset.done $0x0  }
0x675: {  	s16 =	simm.s32 $0x14E00;
	[sflag:s25] =	ssyncadd.s32 $0xFFFFCE00  }
0x676: {  	[spmem:s4] =	stream.indirect.scatter.add.f32 [tilespmem:s19], [sflag:$0x4], $0x80, s16, s14, $0xb8;
	[tilespmem:$0x1F480] =	vst v63  }
0x677: {  	_ =	swait.ge [sflag:s11], $0x3200  }
0x678: {  	[sflag:s11] =	ssyncset.done $0x0  }
0x679: {  	s5 =	simm.s32 $0x13F80;
	[sflag:s11] =	ssyncadd.s32 $0xFFFFCE00  }
0x67a: {  	[tilespmem:s19], [sflag:$0x3] =	stream.indirect.gather [hbm4b:s2+s14], $0x80, s5, s14, $0xb8;
	[tilespmem:$0x1F480] =	vst v63  }
0x67b: {  	_ =	swait.ge [sflag:s20], $0x3200  }
0x67c: {  	[sflag:s20] =	ssyncset.done $0x0  }
0x67d: {  	s24 =	simm.s32 $0x14E80;
	[sflag:s20] =	ssyncadd.s32 $0xFFFFCE00  }
0x67e: {  	[spmem:s4] =	stream.indirect.scatter.add.f32 [tilespmem:s15], [sflag:$0x4], $0x80, s24, s14, $0xb8;
	[tilespmem:$0x1F480] =	vst v63  }
0x67f: {  	_ =	swait.ge [sflag:s11], $0x3200  }
0x680: {  	[sflag:s11] =	ssyncset.done $0x0  }
0x681: {  	s24 =	simm.s32 $0x14000;
	[sflag:s11] =	ssyncadd.s32 $0xFFFFCE00  }
0x682: {  	[tilespmem:s15], [sflag:$0x1] =	stream.indirect.gather [hbm4b:s2+s14], $0x80, s24, s14, $0xb8;
	[tilespmem:$0x1F480] =	vst v63  }
0x683: {  	_ =	swait.ge [sflag:s22], $0x3200  }
0x684: {  	[sflag:s22] =	ssyncset.done $0x0  }
0x685: {  	s26 =	simm.s32 $0x14F00;
	[sflag:s22] =	ssyncadd.s32 $0xFFFFCE00  }
0x686: {  	[spmem:s4] =	stream.indirect.scatter.add.f32 [tilespmem:s17], [sflag:$0x4], $0x80, s26, s14, $0xb8;
	[tilespmem:$0x1F480] =	vst v63  }
0x687: {  	_ =	swait.ge [sflag:s11], $0x3200  }
0x688: {  	[sflag:s11] =	ssyncset.done $0x0  }
0x689: {  	s28 =	simm.s32 $0x14080;
	[sflag:s11] =	ssyncadd.s32 $0xFFFFCE00  }
0x68a: {  	[tilespmem:s17], [sflag:$0x2] =	stream.indirect.gather [hbm4b:s2+s14], $0x80, s28, s14, $0xb8;
	[tilespmem:$0x1F480] =	vst v63  }
0x68b: {  	_ =	swait.ge [sflag:s25], $0x3200  }
0x68c: {  	[sflag:s25] =	ssyncset.done $0x0  }
0x68d: {  	s29 =	simm.s32 $0x14F80;
	[sflag:s25] =	ssyncadd.s32 $0xFFFFCE00  }
0x68e: {  	[spmem:s4] =	stream.indirect.scatter.add.f32 [tilespmem:s19], [sflag:$0x4], $0x80, s29, s14, $0xb8;
	[tilespmem:$0x1F480] =	vst v63  }
0x68f: {  	_ =	swait.ge [sflag:s11], $0x3200  }
0x690: {  	[sflag:s11] =	ssyncset.done $0x0  }
0x691: {  	s30 =	simm.s32 $0x14100;
	[sflag:s11] =	ssyncadd.s32 $0xFFFFCE00  }
0x692: {  	[tilespmem:s19], [sflag:$0x3] =	stream.indirect.gather [hbm4b:s2+s14], $0x80, s30, s14, $0xb8;
	[tilespmem:$0x1F480] =	vst v63  }
0x693: {  	_ =	swait.ge [sflag:s20], $0x3200  }
0x694: {  	[sflag:s20] =	ssyncset.done $0x0  }
0x695: {  	s31 =	simm.s32 $0x15000;
	[sflag:s20] =	ssyncadd.s32 $0xFFFFCE00  }
0x696: {  	[spmem:s4] =	stream.indirect.scatter.add.f32 [tilespmem:s15], [sflag:$0x4], $0x80, s31, s14, $0xb8;
	[tilespmem:$0x1F480] =	vst v63  }
0x697: {  	_ =	swait.ge [sflag:s11], $0x3200  }
0x698: {  	[sflag:s11] =	ssyncset.done $0x0  }
0x699: {  	s3 =	simm.s32 $0x14180;
	[sflag:s11] =	ssyncadd.s32 $0xFFFFCE00  }
0x69a: {  	[tilespmem:s15], [sflag:$0x1] =	stream.indirect.gather [hbm4b:s2+s14], $0x80, s3, s14, $0xb8;
	[tilespmem:$0x1F480] =	vst v63  }
0x69b: {  	_ =	swait.ge [sflag:s22], $0x3200  }
0x69c: {  	[sflag:s22] =	ssyncset.done $0x0  }
0x69d: {  	s5 =	simm.s32 $0x15080;
	[sflag:s22] =	ssyncadd.s32 $0xFFFFCE00  }
0x69e: {  	[spmem:s4] =	stream.indirect.scatter.add.f32 [tilespmem:s17], [sflag:$0x4], $0x80, s5, s14, $0xb8;
	[tilespmem:$0x1F480] =	vst v63  }
0x69f: {  	_ =	swait.ge [sflag:s11], $0x3200  }
0x6a0: {  	[sflag:s11] =	ssyncset.done $0x0  }
0x6a1: {  	s6 =	simm.s32 $0x14200;
	[sflag:s11] =	ssyncadd.s32 $0xFFFFCE00  }
0x6a2: {  	[tilespmem:s17], [sflag:$0x2] =	stream.indirect.gather [hbm4b:s2+s14], $0x80, s6, s14, $0xb8;
	[tilespmem:$0x1F480] =	vst v63  }
0x6a3: {  	_ =	swait.ge [sflag:s25], $0x3200  }
0x6a4: {  	[sflag:s25] =	ssyncset.done $0x0  }
0x6a5: {  	s7 =	simm.s32 $0x15100;
	[sflag:s25] =	ssyncadd.s32 $0xFFFFCE00  }
0x6a6: {  	[spmem:s4] =	stream.indirect.scatter.add.f32 [tilespmem:s19], [sflag:$0x4], $0x80, s7, s14, $0xb8;
	[tilespmem:$0x1F480] =	vst v63  }
0x6a7: {  	_ =	swait.ge [sflag:s11], $0x3200  }
0x6a8: {  	[sflag:s11] =	ssyncset.done $0x0  }
0x6a9: {  	s8 =	simm.s32 $0x14280;
	[sflag:s11] =	ssyncadd.s32 $0xFFFFCE00  }
0x6aa: {  	[tilespmem:s19], [sflag:$0x3] =	stream.indirect.gather [hbm4b:s2+s14], $0x80, s8, s14, $0xb8;
	[tilespmem:$0x1F480] =	vst v63  }
0x6ab: {  	_ =	swait.ge [sflag:s20], $0x3200  }
0x6ac: {  	[sflag:s20] =	ssyncset.done $0x0  }
0x6ad: {  	s9 =	simm.s32 $0x15180;
	[sflag:s20] =	ssyncadd.s32 $0xFFFFCE00  }
0x6ae: {  	[spmem:s4] =	stream.indirect.scatter.add.f32 [tilespmem:s15], [sflag:$0x4], $0x80, s9, s14, $0xb8;
	[tilespmem:$0x1F480] =	vst v63  }
0x6af: {  	_ =	swait.ge [sflag:s11], $0x3200  }
0x6b0: {  	[sflag:s11] =	ssyncset.done $0x0  }
0x6b1: {  	s10 =	simm.s32 $0x14300;
	[sflag:s11] =	ssyncadd.s32 $0xFFFFCE00  }
0x6b2: {  	[tilespmem:s15], [sflag:$0x1] =	stream.indirect.gather [hbm4b:s2+s14], $0x80, s10, s14, $0xb8;
	[tilespmem:$0x1F480] =	vst v63  }
0x6b3: {  	_ =	swait.ge [sflag:s22], $0x3200  }
0x6b4: {  	[sflag:s22] =	ssyncset.done $0x0  }
0x6b5: {  	s13 =	simm.s32 $0x15200;
	[sflag:s22] =	ssyncadd.s32 $0xFFFFCE00  }
0x6b6: {  	[spmem:s4] =	stream.indirect.scatter.add.f32 [tilespmem:s17], [sflag:$0x4], $0x80, s13, s14, $0xb8;
	[tilespmem:$0x1F480] =	vst v63  }
0x6b7: {  	_ =	swait.ge [sflag:s11], $0x3200  }
0x6b8: {  	[sflag:s11] =	ssyncset.done $0x0  }
0x6b9: {  	s16 =	simm.s32 $0x14380;
	[sflag:s11] =	ssyncadd.s32 $0xFFFFCE00  }
0x6ba: {  	[tilespmem:s17], [sflag:$0x2] =	stream.indirect.gather [hbm4b:s2+s14], $0x80, s16, s14, $0xb8;
	[tilespmem:$0x1F480] =	vst v63  }
0x6bb: {  	_ =	swait.ge [sflag:s25], $0x3200  }
0x6bc: {  	[sflag:s25] =	ssyncset.done $0x0  }
0x6bd: {  	s18 =	simm.s32 $0x15280;
	[sflag:s25] =	ssyncadd.s32 $0xFFFFCE00  }
0x6be: {  	[spmem:s4] =	stream.indirect.scatter.add.f32 [tilespmem:s19], [sflag:$0x4], $0x80, s18, s14, $0xb8;
	[tilespmem:$0x1F480] =	vst v63  }
0x6bf: {  	_ =	swait.ge [sflag:s11], $0x3200  }
0x6c0: {  	[sflag:s11] =	ssyncset.done $0x0  }
0x6c1: {  	s21 =	simm.s32 $0x14400;
	[sflag:s11] =	ssyncadd.s32 $0xFFFFCE00  }
0x6c2: {  	[tilespmem:s19], [sflag:$0x3] =	stream.indirect.gather [hbm4b:s2+s14], $0x80, s21, s14, $0xb8;
	[tilespmem:$0x1F480] =	vst v63  }
0x6c3: {  	_ =	swait.ge [sflag:s20], $0x3200  }
0x6c4: {  	[sflag:s20] =	ssyncset.done $0x0  }
0x6c5: {  	s23 =	simm.s32 $0x15300;
	[sflag:s20] =	ssyncadd.s32 $0xFFFFCE00  }
0x6c6: {  	[spmem:s4] =	stream.indirect.scatter.add.f32 [tilespmem:s15], [sflag:$0x4], $0x80, s23, s14, $0xb8;
	[tilespmem:$0x1F480] =	vst v63  }
0x6c7: {  	_ =	swait.ge [sflag:s11], $0x3200  }
0x6c8: {  	[sflag:s11] =	ssyncset.done $0x0  }
0x6c9: {  	s24 =	simm.s32 $0x14480;
	[sflag:s11] =	ssyncadd.s32 $0xFFFFCE00  }
0x6ca: {  	[tilespmem:s15], [sflag:$0x1] =	stream.indirect.gather [hbm4b:s2+s14], $0x80, s24, s14, $0xb8;
	[tilespmem:$0x1F480] =	vst v63  }
0x6cb: {  	_ =	swait.ge [sflag:s22], $0x3200  }
0x6cc: {  	[sflag:s22] =	ssyncset.done $0x0  }
0x6cd: {  	s26 =	simm.s32 $0x15380;
	[sflag:s22] =	ssyncadd.s32 $0xFFFFCE00  }
0x6ce: {  	[spmem:s4] =	stream.indirect.scatter.add.f32 [tilespmem:s17], [sflag:$0x4], $0x80, s26, s14, $0xb8;
	[tilespmem:$0x1F480] =	vst v63  }
0x6cf: {  	_ =	swait.ge [sflag:s11], $0x3200  }
0x6d0: {  	[sflag:s11] =	ssyncset.done $0x0  }
0x6d1: {  	[sflag:s11] =	ssyncadd.s32 $0xFFFFCE00  }
0x6d2: {  	_ =	swait.ge [sflag:s25], $0x3200  }
0x6d3: {  	[sflag:s25] =	ssyncset.done $0x0  }
0x6d4: {  	s28 =	simm.s32 $0x15400;
	[sflag:s25] =	ssyncadd.s32 $0xFFFFCE00  }
0x6d5: {  	[spmem:s4] =	stream.indirect.scatter.add.f32 [tilespmem:s19], [sflag:$0x4], $0x80, s28, s14, $0xb8;
	[tilespmem:$0x1F480] =	vst v63  }
0x6d6: {  	_ =	swait.ge [sflag:s11], $0x3200  }
0x6d7: {  	[sflag:s11] =	ssyncset.done $0x0  }
0x6d8: {  	[sflag:s11] =	ssyncadd.s32 $0xFFFFCE00  }
0x6d9: {  	_ =	swait.ge [sflag:s20], $0x3200  }
0x6da: {  	[sflag:s20] =	ssyncset.done $0x0  }
0x6db: {  	s29 =	simm.s32 $0x15480;
	[sflag:s20] =	ssyncadd.s32 $0xFFFFCE00  }
0x6dc: {  	[spmem:s4] =	stream.indirect.scatter.add.f32 [tilespmem:s15], [sflag:$0x4], $0x80, s29, s14, $0xb8;
	[tilespmem:$0x1F480] =	vst v63  }
0x6dd: {  	_ =	swait.ge [sflag:s11], $0x3200  }
0x6de: {  	[sflag:s11] =	ssyncset.done $0x0  }
0x6df: {  	[sflag:s11] =	ssyncadd.s32 $0xFFFFCE00  }
0x6e0: {  	[bflag:$0x0] =	sbarrier.arrive $0xFFFF  }
0x6e1: {  	s31 =	sld [smem:$0x7FC]  }
0x6e2: {  	s30 =	rddreg [dreg:$0x19]  }
0x6e3: {  	s5 =	rddreg [dreg:$0x1f]  }
0x6e4: {  	[hbm:s30], [sflag:s5] =	dma.local [spmem:s31], $0x2700  }
0x6e5: {  	_ =	swait.ge [sflag:s11], $0x2700  }
0x6e6: {  	s3 =	sld [smem:$0x7FD]  }
0x6e7: {  	s0 =	sadd.s32 $0xFFFFFFFF, s0;
	[sflag:s11] =	ssyncset.done $0x0  }
0x6e8: {  	p1 =	sne.s32 s0, $0x0;
	s24 =	rddreg [dreg:$0x1a];
	[sflag:s11] =	ssyncadd.s32 $0xFFFFD900  }
0x6e9: {  	[hbm:s24], [sflag:s5] =	dma.local @!p0 [spmem:s3], $0x100  }
.Ltmp0:
0x6ea: {  	_ = 	snop;
	(pc) =	sbr.rel @p1 .LBB2_1-.Ltmp0, $4  }
0x6eb: {  	s3 =	simm.s32 @!p0 $0x4  }
0x6ec: {  	_ =	swait.ge @!p0 [sflag:s3], $0x100  }
0x6ed: {  	[sflag:s3] =	ssyncset.done @!p0 $0x0;
	s3 =	simm.s32 @!p0 $0x4  }
0x6ee: {  	[sflag:s3] =	ssyncadd.s32 @!p0 $0xFFFFFF00  }
0x6ef: {  	_ =	sfence.sel $0x180000  }
0x6f0: {  	[bflag:$0x0] =	sbarrier.arrive $0xFFFF  }
0x6f1: {  	_ =	strace $0x9000004A  }
0x6f2: {  	s0 =	stileid.u32;
	[bflag:$0x2] =	sbarrier.arrive $0xFFFF  }
0x6f3: {  	p0 =	sne.s32 s0, $0x0;
	s0 =	rddreg [dreg:$0x5]  }
0x6f4: {  	s0 =	sadd.s32 @!p0 $0x100000, s0  }
0x6f5: {  	[sflag:s0] =	ssyncadd.tile.s32 @!p0 $0x1;
	_ =	shalt  }
.Lfunc_end2:
_tile_overlayer_lowered:
.L_overlay_start_2:
0x6f6: {  	(tag) =	ssettag $0x2  }
0x6f7: {  	s0 =	rddreg [dreg:$0x0];
	s2 =	stileid.u32  }
0x6f8: {  	s1 =	rddreg [dreg:$0x1];
	p0 =	sne.s32 s2, $0x0  }
0x6f9: {  	s3 =	rddreg [dreg:$0x2];
	[bflag:$0x3] =	sbarrier.arrive $0xFFFF;
	s2 =	simm.s32 @!p0 $0x1C04  }
0x6fa: {  	[timem:s3], [sflag:s2] =	dma.local @!p0 [hbm:s0], s1  }
0x6fb: {  	s0 =	simm.s32 @!p0 $0x4  }
0x6fc: {  	_ =	swait.ge @!p0 [sflag:s0], s1  }
0x6fd: {  	s1 =	ssub.s32 @!p0 $0x0, s1;
	[sflag:s0] =	ssyncset.done @!p0 $0x0  }
0x6fe: {  	[sflag:s0] =	ssyncadd.s32 @!p0 s1  }
0x6ff: {  	[bflag:$0x3] =	sbarrier.arrive $0xFFFF  }
0x700: {  	_ =	shalt  }

</sc_bundles>
